<compile_context>
chip_gen: v7x
topology: tpu7x:2x2x1
jax: 0.10.2.dev20260603
libtpu: 0.0.44.dev20260713+nightly
codegen_flags: <defaults>
</compile_context>

<pallas_src>
import functools

import jax
import jax.numpy as jnp
from jax import lax
from jax.experimental import pallas as pl
from jax.experimental.pallas import tpu as pltpu
from jax.experimental.pallas import tpu_sc as plsc

TOP_K = 8
NUM_EXPERTS = 64
ROUTED_SCALING_FACTOR = 2.5
LANES = 16

M_TILE = 512


def _logits_body(x_ref, w_ref, out_ref):
    out_ref[...] = lax.dot_general(
        x_ref[...], w_ref[...],
        (((1,), (1,)), ((), ())),
        preferred_element_type=jnp.float32,
    )


def _router_logits(x, weight, row0, rows):
    m, k = x.shape
    e = weight.shape[0]
    tile0 = row0 // M_TILE
    return pl.pallas_call(
        _logits_body,
        grid=(rows // M_TILE,),
        in_specs=[
            pl.BlockSpec((M_TILE, k), lambda i: (tile0 + i, 0)),
            pl.BlockSpec((e, k), lambda i: (0, 0)),
        ],
        out_specs=pl.BlockSpec((M_TILE, e), lambda i: (i, 0)),
        out_shape=jax.ShapeDtypeStruct((rows, e), jnp.float32),
    )(x, weight)


SUBCHUNKS = 4


def _topk_sc(logits2d):
    m = logits2d.shape[0]
    info = plsc.get_sparse_core_info()
    nw = info.num_cores * info.num_subcores
    rows_per_w = m // nw
    sub = rows_per_w // SUBCHUNKS
    mesh = plsc.VectorSubcoreMesh(core_axis_name="c", subcore_axis_name="s")

    @functools.partial(
        pl.kernel,
        mesh=mesh,
        out_type=[
            jax.ShapeDtypeStruct((m, LANES), jnp.int32),
            jax.ShapeDtypeStruct((m, LANES), jnp.float32),
        ],
        scratch_types=[
            pltpu.VMEM((sub, NUM_EXPERTS), jnp.float32),
            pltpu.VMEM((sub, NUM_EXPERTS), jnp.float32),
            pltpu.VMEM((sub, LANES), jnp.int32),
            pltpu.VMEM((sub, LANES), jnp.float32),
            pltpu.SemaphoreType.DMA,
            pltpu.SemaphoreType.DMA,
        ],
        compiler_params=pltpu.CompilerParams(needs_layout_passes=False),
    )
    def topk_kernel(logits_hbm, idx_hbm, wgt_hbm, lg0, lg1, idx_v, wgt_v,
                    sem0, sem1):
        wid = lax.axis_index("s") * info.num_cores + lax.axis_index("c")
        base = wid * rows_per_w
        bufs = (lg0, lg1)
        sems = (sem0, sem1)

        iota = lax.iota(jnp.int32, LANES)
        mask8 = iota < TOP_K

        def merge(ka, va, kb, vb, descending=True):
            take_a = ka >= kb
            km = jnp.maximum(ka, kb)
            vm = jnp.where(take_a, va, vb)
            return plsc.sort_key_val(km, vm, descending=descending)

        copies = [
            pltpu.async_copy(
                logits_hbm.at[pl.ds(base + h * sub, sub)],
                bufs[h % 2],
                sems[h % 2],
            )
            for h in range(1)
        ]
        for h in range(SUBCHUNKS):
            if h + 1 < SUBCHUNKS:
                copies.append(
                    pltpu.async_copy(
                        logits_hbm.at[pl.ds(base + (h + 1) * sub, sub)],
                        bufs[(h + 1) % 2],
                        sems[(h + 1) % 2],
                    )
                )
            copies[h].wait()
            lg_v = bufs[h % 2]

            @plsc.parallel_loop(0, sub, 1, unroll=8)
            def body(r):
                k0 = lg_v[r, pl.ds(0, LANES)]
                k1 = lg_v[r, pl.ds(LANES, LANES)]
                k2 = lg_v[r, pl.ds(2 * LANES, LANES)]
                k3 = lg_v[r, pl.ds(3 * LANES, LANES)]
                s0k, s0v = plsc.sort_key_val(k0, iota, descending=True)
                s1k, s1v = plsc.sort_key_val(k1, iota + LANES)
                s2k, s2v = plsc.sort_key_val(
                    k2, iota + 2 * LANES, descending=True)
                s3k, s3v = plsc.sort_key_val(k3, iota + 3 * LANES)
                ak, av = merge(s0k, s0v, s1k, s1v, descending=True)
                bk, bv = merge(s2k, s2v, s3k, s3v, descending=False)
                mk, mv = merge(ak, av, bk, bv, descending=True)
                mx = jnp.max(mk)
                ex = jnp.exp(mk - mx)
                s = jnp.sum(jnp.where(mask8, ex, 0.0))
                w = (ex * ROUTED_SCALING_FACTOR) / (s + 1e-20)
                idx_v[r, :] = mv
                wgt_v[r, :] = w

            pltpu.sync_copy(idx_v, idx_hbm.at[pl.ds(base + h * sub, sub)])
            pltpu.sync_copy(wgt_v, wgt_hbm.at[pl.ds(base + h * sub, sub)])

    return topk_kernel(logits2d)


@jax.jit
def kernel(hidden_states, weight, e_score_correction_bias):
    del e_score_correction_bias
    bsz, seq_len, h = hidden_states.shape
    x = hidden_states.reshape(-1, h)
    m = x.shape[0]
    router_logits = _router_logits(x, weight, 0, m)
    idx16, wgt16 = _topk_sc(router_logits)
    return (router_logits, idx16[:, :TOP_K], wgt16[:, :TOP_K])

# --- scband reference (transcript-rebuilt; emitter-appended) ---
"""Pipeline reference for scband-kimi-mo-egate-74371653698288 (READ-ONLY COPY).

The authoritative reference and input builder live on the scoring server;
editing this copy changes nothing except your own understanding.
"""

import jax, jax.numpy as jnp
import numpy as np

TOP_K = 8
NUM_EXPERTS = 64
D_MODEL = 4096
ROUTED_SCALING_FACTOR = 2.5


def setup_inputs(seed: int = 0) -> dict:
    key = jax.random.key(seed)
    k1, k2, k3 = jax.random.split(key, 3)
    hidden_states = jax.random.normal(k1, (4, 4096, D_MODEL), dtype=jnp.float32)
    # kaiming_uniform_(a=sqrt(5)) on (num_experts, gating_dim): bound = 1/sqrt(fan_in)
    bound = 1.0 / np.sqrt(D_MODEL)
    weight = jax.random.uniform(k2, (NUM_EXPERTS, D_MODEL), minval=-bound, maxval=bound, dtype=jnp.float32)
    e_score_correction_bias = jax.random.normal(k3, (NUM_EXPERTS,), dtype=jnp.float32) * 0.01
    return {
        "hidden_states": hidden_states,
        "weight": weight,
        "e_score_correction_bias": e_score_correction_bias,
    }


def reference(hidden_states, weight, e_score_correction_bias):
    # Training path of KimiMoEGate.forward (module default mode is train).
    bsz, seq_len, h = hidden_states.shape
    x = hidden_states.reshape(-1, h).astype(jnp.float32)
    # router_logits = F.linear(x, weight) -> x @ weight.T
    router_logits = x @ weight.astype(jnp.float32).T
    gating_scores = jax.nn.softmax(router_logits, axis=-1)
    topk_weight, topk_idx = jax.lax.top_k(gating_scores, TOP_K)
    # top_k > 1 and moe_renormalize
    denominator = jnp.sum(topk_weight, axis=-1, keepdims=True) + 1e-20
    topk_weight = topk_weight / denominator
    topk_weight = topk_weight * ROUTED_SCALING_FACTOR
    return (router_logits, topk_idx, topk_weight)

if __name__ == "__main__":
    import jax
    _d = setup_inputs()
    print(jax.jit(kernel)(*tuple(_d.values())))

</pallas_src>

<mosaic_0001>
#map = affine_map<(d0, d1) -> (0, 0)>
module attributes {stable_mosaic.version = 14 : i64} {
  func.func @topk_kernel(%arg0: i32, %arg1: i32, %arg2: memref<16384x64xf32, #tpu.memory_space<hbm>>, %arg3: memref<16384x16xi32, #tpu.memory_space<hbm>>, %arg4: memref<16384x16xf32, #tpu.memory_space<hbm>>, %arg5: memref<128x64xf32, #tpu.memory_space<vmem>>, %arg6: memref<128x64xf32, #tpu.memory_space<vmem>>, %arg7: memref<128x16xi32, #tpu.memory_space<vmem>>, %arg8: memref<128x16xf32, #tpu.memory_space<vmem>>, %arg9: memref<!tpu.dma_semaphore, #tpu.memory_space<semaphore_mem>>, %arg10: memref<!tpu.dma_semaphore, #tpu.memory_space<semaphore_mem>>) attributes {dimension_semantics = [#tpu.dimension_semantics<core_parallel>, #tpu.dimension_semantics<subcore_parallel>], iteration_bounds = array<i64: 2, 16>, scalar_prefetch = 0 : i64, scratch_operands = 6 : i64, tpu.core_type = #tpu.core_type<sc_vector_subcore>, window_params = [{transform_indices = #map}, {transform_indices = #map}, {transform_indices = #map}]} {
    %mul3A = arith.constant 2 : i32
    %mul3A_0 = arith.muli %arg1, %mul3A : i32
    %add3A = arith.addi %mul3A_0, %arg0 : i32
    %mul3A_1 = arith.constant 512 : i32
    %mul3A_2 = arith.muli %add3A, %mul3A_1 : i32
    %iota3A = tpu.iota {dimensions = array<i32: 0>} : vector<16xi32>
    %lt3A = arith.constant 8 : i32
    %lt3A_3 = vector.broadcast %lt3A : i32 to vector<16xi32>
    %lt3A_4 = arith.cmpi slt, %iota3A, %lt3A_3 : vector<16xi32>
    %add3A_5 = arith.constant 0 : i32
    %add3A_6 = arith.addi %mul3A_2, %add3A_5 : i32
    %dma_start3A = arith.constant 0 : i32
    %dma_start3A_7 = tpu.memref_slice %arg2[%add3A_6, %dma_start3A] : memref<16384x64xf32, #tpu.memory_space<hbm>> -> memref<128x64xf32, #tpu.memory_space<hbm>>
    %dma_start3A_8 = arith.constant 0 : i32
    %dma_start3A_9 = tpu.memref_slice %arg2[%add3A_6, %dma_start3A_8] : memref<16384x64xf32, #tpu.memory_space<hbm>> -> memref<128x64xf32, #tpu.memory_space<hbm>>
    tpu.enqueue_dma source(%dma_start3A_9 : memref<128x64xf32, #tpu.memory_space<hbm>>) target(%arg5 : memref<128x64xf32, #tpu.memory_space<vmem>>) target_semaphore(%arg9 : memref<!tpu.dma_semaphore, #tpu.memory_space<semaphore_mem>>)
    %add3A_10 = arith.constant 128 : i32
    %add3A_11 = arith.addi %mul3A_2, %add3A_10 : i32
    %dma_start3A_12 = arith.constant 0 : i32
    %dma_start3A_13 = tpu.memref_slice %arg2[%add3A_11, %dma_start3A_12] : memref<16384x64xf32, #tpu.memory_space<hbm>> -> memref<128x64xf32, #tpu.memory_space<hbm>>
    %dma_start3A_14 = arith.constant 0 : i32
    %dma_start3A_15 = tpu.memref_slice %arg2[%add3A_11, %dma_start3A_14] : memref<16384x64xf32, #tpu.memory_space<hbm>> -> memref<128x64xf32, #tpu.memory_space<hbm>>
    tpu.enqueue_dma source(%dma_start3A_15 : memref<128x64xf32, #tpu.memory_space<hbm>>) target(%arg6 : memref<128x64xf32, #tpu.memory_space<vmem>>) target_semaphore(%arg10 : memref<!tpu.dma_semaphore, #tpu.memory_space<semaphore_mem>>)
    %dma_wait3A = arith.constant 0 : i32
    %dma_wait3A_16 = tpu.memref_slice %arg2[%add3A_6, %dma_wait3A] : memref<16384x64xf32, #tpu.memory_space<hbm>> -> memref<128x64xf32, #tpu.memory_space<hbm>>
    %dma_wait3A_17 = arith.constant 0 : i32
    %dma_wait3A_18 = tpu.memref_slice %arg2[%add3A_6, %dma_wait3A_17] : memref<16384x64xf32, #tpu.memory_space<hbm>> -> memref<128x64xf32, #tpu.memory_space<hbm>>
    tpu.wait_dma2 semaphore(%arg9 : memref<!tpu.dma_semaphore, #tpu.memory_space<semaphore_mem>>) src(%dma_wait3A_18 : memref<128x64xf32, #tpu.memory_space<hbm>>) dst(%arg5 : memref<128x64xf32, #tpu.memory_space<vmem>>)
    %parallel_loop3A = arith.constant 0 : i32
    %parallel_loop3A_19 = arith.constant 128 : i32
    %parallel_loop3A_20 = arith.constant 1 : i32
    scf.for %parallel_loop3A_70 = %parallel_loop3A to %parallel_loop3A_19 step %parallel_loop3A_20  : i32 {
      %parallel_loop3A_71 = arith.index_cast %parallel_loop3A_70 : i32 to index
      %parallel_loop3A_72 = arith.constant 0 : index
      %parallel_loop3A_73 = tpu.vector_load %arg5[%parallel_loop3A_71, %parallel_loop3A_72] {strides = array<i32>} : memref<128x64xf32, #tpu.memory_space<vmem>>, vector<16xf32>,
      %parallel_loop3A_74 = arith.index_cast %parallel_loop3A_70 : i32 to index
      %parallel_loop3A_75 = arith.constant 16 : index
      %parallel_loop3A_76 = tpu.vector_load %arg5[%parallel_loop3A_74, %parallel_loop3A_75] {strides = array<i32>} : memref<128x64xf32, #tpu.memory_space<vmem>>, vector<16xf32>,
      %parallel_loop3A_77 = arith.index_cast %parallel_loop3A_70 : i32 to index
      %parallel_loop3A_78 = arith.constant 32 : index
      %parallel_loop3A_79 = tpu.vector_load %arg5[%parallel_loop3A_77, %parallel_loop3A_78] {strides = array<i32>} : memref<128x64xf32, #tpu.memory_space<vmem>>, vector<16xf32>,
      %parallel_loop3A_80 = arith.index_cast %parallel_loop3A_70 : i32 to index
      %parallel_loop3A_81 = arith.constant 48 : index
      %parallel_loop3A_82 = tpu.vector_load %arg5[%parallel_loop3A_80, %parallel_loop3A_81] {strides = array<i32>} : memref<128x64xf32, #tpu.memory_space<vmem>>, vector<16xf32>,
      %parallel_loop3A_83 = arith.constant dense<true> : vector<16xi1>
      %parallel_loop3A_84, %parallel_loop3A_85, %parallel_loop3A_86 = tpu.sort %parallel_loop3A_73, %iota3A masked %parallel_loop3A_83 {descending = true} : (vector<16xf32>, vector<16xi32>, vector<16xi1>) -> (vector<16xi1>, vector<16xf32>, vector<16xi32>)
      %parallel_loop3A_87 = arith.constant 16 : i32
      %parallel_loop3A_88 = vector.broadcast %parallel_loop3A_87 : i32 to vector<16xi32>
      %parallel_loop3A_89 = arith.addi %iota3A, %parallel_loop3A_88 : vector<16xi32>
      %parallel_loop3A_90 = arith.constant dense<true> : vector<16xi1>
      %parallel_loop3A_91, %parallel_loop3A_92, %parallel_loop3A_93 = tpu.sort %parallel_loop3A_76, %parallel_loop3A_89 masked %parallel_loop3A_90 : (vector<16xf32>, vector<16xi32>, vector<16xi1>) -> (vector<16xi1>, vector<16xf32>, vector<16xi32>)
      %parallel_loop3A_94 = arith.constant 32 : i32
      %parallel_loop3A_95 = vector.broadcast %parallel_loop3A_94 : i32 to vector<16xi32>
      %parallel_loop3A_96 = arith.addi %iota3A, %parallel_loop3A_95 : vector<16xi32>
      %parallel_loop3A_97 = arith.constant dense<true> : vector<16xi1>
      %parallel_loop3A_98, %parallel_loop3A_99, %parallel_loop3A_100 = tpu.sort %parallel_loop3A_79, %parallel_loop3A_96 masked %parallel_loop3A_97 {descending = true} : (vector<16xf32>, vector<16xi32>, vector<16xi1>) -> (vector<16xi1>, vector<16xf32>, vector<16xi32>)
      %parallel_loop3A_101 = arith.constant 48 : i32
      %parallel_loop3A_102 = vector.broadcast %parallel_loop3A_101 : i32 to vector<16xi32>
      %parallel_loop3A_103 = arith.addi %iota3A, %parallel_loop3A_102 : vector<16xi32>
      %parallel_loop3A_104 = arith.constant dense<true> : vector<16xi1>
      %parallel_loop3A_105, %parallel_loop3A_106, %parallel_loop3A_107 = tpu.sort %parallel_loop3A_82, %parallel_loop3A_103 masked %parallel_loop3A_104 : (vector<16xf32>, vector<16xi32>, vector<16xi1>) -> (vector<16xi1>, vector<16xf32>, vector<16xi32>)
      %parallel_loop3A_108 = arith.cmpf oge, %parallel_loop3A_85, %parallel_loop3A_92 : vector<16xf32>
      %parallel_loop3A_109 = arith.maximumf %parallel_loop3A_85, %parallel_loop3A_92 : vector<16xf32>
      %parallel_loop3A_110 = arith.select %parallel_loop3A_108, %parallel_loop3A_86, %parallel_loop3A_93 : vector<16xi1>, vector<16xi32>
      %parallel_loop3A_111 = arith.constant dense<true> : vector<16xi1>
      %parallel_loop3A_112, %parallel_loop3A_113, %parallel_loop3A_114 = tpu.sort %parallel_loop3A_109, %parallel_loop3A_110 masked %parallel_loop3A_111 {descending = true} : (vector<16xf32>, vector<16xi32>, vector<16xi1>) -> (vector<16xi1>, vector<16xf32>, vector<16xi32>)
      %parallel_loop3A_115 = arith.cmpf oge, %parallel_loop3A_99, %parallel_loop3A_106 : vector<16xf32>
      %parallel_loop3A_116 = arith.maximumf %parallel_loop3A_99, %parallel_loop3A_106 : vector<16xf32>
      %parallel_loop3A_117 = arith.select %parallel_loop3A_115, %parallel_loop3A_100, %parallel_loop3A_107 : vector<16xi1>, vector<16xi32>
      %parallel_loop3A_118 = arith.constant dense<true> : vector<16xi1>
      %parallel_loop3A_119, %parallel_loop3A_120, %parallel_loop3A_121 = tpu.sort %parallel_loop3A_116, %parallel_loop3A_117 masked %parallel_loop3A_118 : (vector<16xf32>, vector<16xi32>, vector<16xi1>) -> (vector<16xi1>, vector<16xf32>, vector<16xi32>)
      %parallel_loop3A_122 = arith.cmpf oge, %parallel_loop3A_113, %parallel_loop3A_120 : vector<16xf32>
      %parallel_loop3A_123 = arith.maximumf %parallel_loop3A_113, %parallel_loop3A_120 : vector<16xf32>
      %parallel_loop3A_124 = arith.select %parallel_loop3A_122, %parallel_loop3A_114, %parallel_loop3A_121 : vector<16xi1>, vector<16xi32>
      %parallel_loop3A_125 = arith.constant dense<true> : vector<16xi1>
      %parallel_loop3A_126, %parallel_loop3A_127, %parallel_loop3A_128 = tpu.sort %parallel_loop3A_123, %parallel_loop3A_124 masked %parallel_loop3A_125 {descending = true} : (vector<16xf32>, vector<16xi32>, vector<16xi1>) -> (vector<16xi1>, vector<16xf32>, vector<16xi32>)
      %parallel_loop3A_129 = arith.constant true
      %parallel_loop3A_130 = vector.broadcast %parallel_loop3A_129 : i1 to vector<16xi1>
      %parallel_loop3A_131 = tpu.scan <max>, %parallel_loop3A_127 masked %parallel_loop3A_130 : vector<16xf32>, vector<16xi1> -> vector<16xf32>
      %parallel_loop3A_132 = vector.extract %parallel_loop3A_131[15] : f32 from vector<16xf32>
      %parallel_loop3A_133 = vector.broadcast %parallel_loop3A_132 : f32 to vector<16xf32>
      %parallel_loop3A_134 = arith.subf %parallel_loop3A_127, %parallel_loop3A_133 : vector<16xf32>
      %parallel_loop3A_135 = math.exp %parallel_loop3A_134 : vector<16xf32>
      %parallel_loop3A_136 = arith.constant 0.000000e+00 : f32
      %parallel_loop3A_137 = vector.broadcast %parallel_loop3A_136 : f32 to vector<16xf32>
      %parallel_loop3A_138 = arith.select %lt3A_4, %parallel_loop3A_135, %parallel_loop3A_137 : vector<16xi1>, vector<16xf32>
      %parallel_loop3A_139 = arith.constant true
      %parallel_loop3A_140 = vector.broadcast %parallel_loop3A_139 : i1 to vector<16xi1>
      %parallel_loop3A_141 = tpu.scan <sum>, %parallel_loop3A_138 masked %parallel_loop3A_140 : vector<16xf32>, vector<16xi1> -> vector<16xf32>
      %parallel_loop3A_142 = vector.extract %parallel_loop3A_141[15] : f32 from vector<16xf32>
      %parallel_loop3A_143 = arith.constant 2.500000e+00 : f32
      %parallel_loop3A_144 = vector.broadcast %parallel_loop3A_143 : f32 to vector<16xf32>
      %parallel_loop3A_145 = arith.mulf %parallel_loop3A_135, %parallel_loop3A_144 : vector<16xf32>
      %parallel_loop3A_146 = arith.constant 9.99999968E-21 : f32
      %parallel_loop3A_147 = arith.addf %parallel_loop3A_142, %parallel_loop3A_146 : f32
      %parallel_loop3A_148 = vector.broadcast %parallel_loop3A_147 : f32 to vector<16xf32>
      %parallel_loop3A_149 = arith.divf %parallel_loop3A_145, %parallel_loop3A_148 : vector<16xf32>
      %parallel_loop3A_150 = arith.index_cast %parallel_loop3A_70 : i32 to index
      %parallel_loop3A_151 = arith.constant 0 : index
      %parallel_loop3A_152 = tpu.vector_load %arg7[%parallel_loop3A_150, %parallel_loop3A_151] {strides = array<i32>} : memref<128x16xi32, #tpu.memory_space<vmem>>, vector<16xi32>,
      tpu.vector_store %arg7[%parallel_loop3A_150, %parallel_loop3A_151], %parallel_loop3A_128 {strides = array<i32>} : memref<128x16xi32, #tpu.memory_space<vmem>>, vector<16xi32>,
      %parallel_loop3A_153 = arith.index_cast %parallel_loop3A_70 : i32 to index
      %parallel_loop3A_154 = arith.constant 0 : index
      %parallel_loop3A_155 = tpu.vector_load %arg8[%parallel_loop3A_153, %parallel_loop3A_154] {strides = array<i32>} : memref<128x16xf32, #tpu.memory_space<vmem>>, vector<16xf32>,
      tpu.vector_store %arg8[%parallel_loop3A_153, %parallel_loop3A_154], %parallel_loop3A_149 {strides = array<i32>} : memref<128x16xf32, #tpu.memory_space<vmem>>, vector<16xf32>,
    } {sc.loop_unroll_factor = 8 : i64, sc.parallel_access}
    %add3A_21 = arith.constant 0 : i32
    %add3A_22 = arith.addi %mul3A_2, %add3A_21 : i32
    "tpu.region"() ({
      %run_scoped3A = tpu.sem_alloc : memref<!tpu.dma_semaphore, #tpu.memory_space<semaphore_mem>>
      %dma_start3A_70 = arith.constant 0 : i32
      %dma_start3A_71 = tpu.memref_slice %arg3[%add3A_22, %dma_start3A_70] : memref<16384x16xi32, #tpu.memory_space<hbm>> -> memref<128x16xi32, #tpu.memory_space<hbm>>
      %dma_start3A_72 = arith.constant 0 : i32
      %dma_start3A_73 = tpu.memref_slice %arg3[%add3A_22, %dma_start3A_72] : memref<16384x16xi32, #tpu.memory_space<hbm>> -> memref<128x16xi32, #tpu.memory_space<hbm>>
      tpu.enqueue_dma source(%arg7 : memref<128x16xi32, #tpu.memory_space<vmem>>) target(%dma_start3A_73 : memref<128x16xi32, #tpu.memory_space<hbm>>) target_semaphore(%run_scoped3A : memref<!tpu.dma_semaphore, #tpu.memory_space<semaphore_mem>>)
      %dma_wait3A_74 = arith.constant 0 : i32
      %dma_wait3A_75 = tpu.memref_slice %arg3[%add3A_22, %dma_wait3A_74] : memref<16384x16xi32, #tpu.memory_space<hbm>> -> memref<128x16xi32, #tpu.memory_space<hbm>>
      %dma_wait3A_76 = arith.constant 0 : i32
      %dma_wait3A_77 = tpu.memref_slice %arg3[%add3A_22, %dma_wait3A_76] : memref<16384x16xi32, #tpu.memory_space<hbm>> -> memref<128x16xi32, #tpu.memory_space<hbm>>
      tpu.wait_dma2 semaphore(%run_scoped3A : memref<!tpu.dma_semaphore, #tpu.memory_space<semaphore_mem>>) src(%arg7 : memref<128x16xi32, #tpu.memory_space<vmem>>) dst(%dma_wait3A_77 : memref<128x16xi32, #tpu.memory_space<hbm>>)
      tpu.yield
    }) : () -> ()
    %add3A_23 = arith.constant 0 : i32
    %add3A_24 = arith.addi %mul3A_2, %add3A_23 : i32
    "tpu.region"() ({
      %run_scoped3A = tpu.sem_alloc : memref<!tpu.dma_semaphore, #tpu.memory_space<semaphore_mem>>
      %dma_start3A_70 = arith.constant 0 : i32
      %dma_start3A_71 = tpu.memref_slice %arg4[%add3A_24, %dma_start3A_70] : memref<16384x16xf32, #tpu.memory_space<hbm>> -> memref<128x16xf32, #tpu.memory_space<hbm>>
      %dma_start3A_72 = arith.constant 0 : i32
      %dma_start3A_73 = tpu.memref_slice %arg4[%add3A_24, %dma_start3A_72] : memref<16384x16xf32, #tpu.memory_space<hbm>> -> memref<128x16xf32, #tpu.memory_space<hbm>>
      tpu.enqueue_dma source(%arg8 : memref<128x16xf32, #tpu.memory_space<vmem>>) target(%dma_start3A_73 : memref<128x16xf32, #tpu.memory_space<hbm>>) target_semaphore(%run_scoped3A : memref<!tpu.dma_semaphore, #tpu.memory_space<semaphore_mem>>)
      %dma_wait3A_74 = arith.constant 0 : i32
      %dma_wait3A_75 = tpu.memref_slice %arg4[%add3A_24, %dma_wait3A_74] : memref<16384x16xf32, #tpu.memory_space<hbm>> -> memref<128x16xf32, #tpu.memory_space<hbm>>
      %dma_wait3A_76 = arith.constant 0 : i32
      %dma_wait3A_77 = tpu.memref_slice %arg4[%add3A_24, %dma_wait3A_76] : memref<16384x16xf32, #tpu.memory_space<hbm>> -> memref<128x16xf32, #tpu.memory_space<hbm>>
      tpu.wait_dma2 semaphore(%run_scoped3A : memref<!tpu.dma_semaphore, #tpu.memory_space<semaphore_mem>>) src(%arg8 : memref<128x16xf32, #tpu.memory_space<vmem>>) dst(%dma_wait3A_77 : memref<128x16xf32, #tpu.memory_space<hbm>>)
      tpu.yield
    }) : () -> ()
    %add3A_25 = arith.constant 256 : i32
    %add3A_26 = arith.addi %mul3A_2, %add3A_25 : i32
    %dma_start3A_27 = arith.constant 0 : i32
    %dma_start3A_28 = tpu.memref_slice %arg2[%add3A_26, %dma_start3A_27] : memref<16384x64xf32, #tpu.memory_space<hbm>> -> memref<128x64xf32, #tpu.memory_space<hbm>>
    %dma_start3A_29 = arith.constant 0 : i32
    %dma_start3A_30 = tpu.memref_slice %arg2[%add3A_26, %dma_start3A_29] : memref<16384x64xf32, #tpu.memory_space<hbm>> -> memref<128x64xf32, #tpu.memory_space<hbm>>
    tpu.enqueue_dma source(%dma_start3A_30 : memref<128x64xf32, #tpu.memory_space<hbm>>) target(%arg5 : memref<128x64xf32, #tpu.memory_space<vmem>>) target_semaphore(%arg9 : memref<!tpu.dma_semaphore, #tpu.memory_space<semaphore_mem>>)
    %dma_wait3A_31 = arith.constant 0 : i32
    %dma_wait3A_32 = tpu.memref_slice %arg2[%add3A_11, %dma_wait3A_31] : memref<16384x64xf32, #tpu.memory_space<hbm>> -> memref<128x64xf32, #tpu.memory_space<hbm>>
    %dma_wait3A_33 = arith.constant 0 : i32
    %dma_wait3A_34 = tpu.memref_slice %arg2[%add3A_11, %dma_wait3A_33] : memref<16384x64xf32, #tpu.memory_space<hbm>> -> memref<128x64xf32, #tpu.memory_space<hbm>>
    tpu.wait_dma2 semaphore(%arg10 : memref<!tpu.dma_semaphore, #tpu.memory_space<semaphore_mem>>) src(%dma_wait3A_34 : memref<128x64xf32, #tpu.memory_space<hbm>>) dst(%arg6 : memref<128x64xf32, #tpu.memory_space<vmem>>)
    %parallel_loop3A_35 = arith.constant 0 : i32
    %parallel_loop3A_36 = arith.constant 128 : i32
    %parallel_loop3A_37 = arith.constant 1 : i32
    scf.for %parallel_loop3A_70 = %parallel_loop3A_35 to %parallel_loop3A_36 step %parallel_loop3A_37  : i32 {
      %parallel_loop3A_71 = arith.index_cast %parallel_loop3A_70 : i32 to index
      %parallel_loop3A_72 = arith.constant 0 : index
      %parallel_loop3A_73 = tpu.vector_load %arg6[%parallel_loop3A_71, %parallel_loop3A_72] {strides = array<i32>} : memref<128x64xf32, #tpu.memory_space<vmem>>, vector<16xf32>,
      %parallel_loop3A_74 = arith.index_cast %parallel_loop3A_70 : i32 to index
      %parallel_loop3A_75 = arith.constant 16 : index
      %parallel_loop3A_76 = tpu.vector_load %arg6[%parallel_loop3A_74, %parallel_loop3A_75] {strides = array<i32>} : memref<128x64xf32, #tpu.memory_space<vmem>>, vector<16xf32>,
      %parallel_loop3A_77 = arith.index_cast %parallel_loop3A_70 : i32 to index
      %parallel_loop3A_78 = arith.constant 32 : index
      %parallel_loop3A_79 = tpu.vector_load %arg6[%parallel_loop3A_77, %parallel_loop3A_78] {strides = array<i32>} : memref<128x64xf32, #tpu.memory_space<vmem>>, vector<16xf32>,
      %parallel_loop3A_80 = arith.index_cast %parallel_loop3A_70 : i32 to index
      %parallel_loop3A_81 = arith.constant 48 : index
      %parallel_loop3A_82 = tpu.vector_load %arg6[%parallel_loop3A_80, %parallel_loop3A_81] {strides = array<i32>} : memref<128x64xf32, #tpu.memory_space<vmem>>, vector<16xf32>,
      %parallel_loop3A_83 = arith.constant dense<true> : vector<16xi1>
      %parallel_loop3A_84, %parallel_loop3A_85, %parallel_loop3A_86 = tpu.sort %parallel_loop3A_73, %iota3A masked %parallel_loop3A_83 {descending = true} : (vector<16xf32>, vector<16xi32>, vector<16xi1>) -> (vector<16xi1>, vector<16xf32>, vector<16xi32>)
      %parallel_loop3A_87 = arith.constant 16 : i32
      %parallel_loop3A_88 = vector.broadcast %parallel_loop3A_87 : i32 to vector<16xi32>
      %parallel_loop3A_89 = arith.addi %iota3A, %parallel_loop3A_88 : vector<16xi32>
      %parallel_loop3A_90 = arith.constant dense<true> : vector<16xi1>
      %parallel_loop3A_91, %parallel_loop3A_92, %parallel_loop3A_93 = tpu.sort %parallel_loop3A_76, %parallel_loop3A_89 masked %parallel_loop3A_90 : (vector<16xf32>, vector<16xi32>, vector<16xi1>) -> (vector<16xi1>, vector<16xf32>, vector<16xi32>)
      %parallel_loop3A_94 = arith.constant 32 : i32
      %parallel_loop3A_95 = vector.broadcast %parallel_loop3A_94 : i32 to vector<16xi32>
      %parallel_loop3A_96 = arith.addi %iota3A, %parallel_loop3A_95 : vector<16xi32>
      %parallel_loop3A_97 = arith.constant dense<true> : vector<16xi1>
      %parallel_loop3A_98, %parallel_loop3A_99, %parallel_loop3A_100 = tpu.sort %parallel_loop3A_79, %parallel_loop3A_96 masked %parallel_loop3A_97 {descending = true} : (vector<16xf32>, vector<16xi32>, vector<16xi1>) -> (vector<16xi1>, vector<16xf32>, vector<16xi32>)
      %parallel_loop3A_101 = arith.constant 48 : i32
      %parallel_loop3A_102 = vector.broadcast %parallel_loop3A_101 : i32 to vector<16xi32>
      %parallel_loop3A_103 = arith.addi %iota3A, %parallel_loop3A_102 : vector<16xi32>
      %parallel_loop3A_104 = arith.constant dense<true> : vector<16xi1>
      %parallel_loop3A_105, %parallel_loop3A_106, %parallel_loop3A_107 = tpu.sort %parallel_loop3A_82, %parallel_loop3A_103 masked %parallel_loop3A_104 : (vector<16xf32>, vector<16xi32>, vector<16xi1>) -> (vector<16xi1>, vector<16xf32>, vector<16xi32>)
      %parallel_loop3A_108 = arith.cmpf oge, %parallel_loop3A_85, %parallel_loop3A_92 : vector<16xf32>
      %parallel_loop3A_109 = arith.maximumf %parallel_loop3A_85, %parallel_loop3A_92 : vector<16xf32>
      %parallel_loop3A_110 = arith.select %parallel_loop3A_108, %parallel_loop3A_86, %parallel_loop3A_93 : vector<16xi1>, vector<16xi32>
      %parallel_loop3A_111 = arith.constant dense<true> : vector<16xi1>
      %parallel_loop3A_112, %parallel_loop3A_113, %parallel_loop3A_114 = tpu.sort %parallel_loop3A_109, %parallel_loop3A_110 masked %parallel_loop3A_111 {descending = true} : (vector<16xf32>, vector<16xi32>, vector<16xi1>) -> (vector<16xi1>, vector<16xf32>, vector<16xi32>)
      %parallel_loop3A_115 = arith.cmpf oge, %parallel_loop3A_99, %parallel_loop3A_106 : vector<16xf32>
      %parallel_loop3A_116 = arith.maximumf %parallel_loop3A_99, %parallel_loop3A_106 : vector<16xf32>
      %parallel_loop3A_117 = arith.select %parallel_loop3A_115, %parallel_loop3A_100, %parallel_loop3A_107 : vector<16xi1>, vector<16xi32>
      %parallel_loop3A_118 = arith.constant dense<true> : vector<16xi1>
      %parallel_loop3A_119, %parallel_loop3A_120, %parallel_loop3A_121 = tpu.sort %parallel_loop3A_116, %parallel_loop3A_117 masked %parallel_loop3A_118 : (vector<16xf32>, vector<16xi32>, vector<16xi1>) -> (vector<16xi1>, vector<16xf32>, vector<16xi32>)
      %parallel_loop3A_122 = arith.cmpf oge, %parallel_loop3A_113, %parallel_loop3A_120 : vector<16xf32>
      %parallel_loop3A_123 = arith.maximumf %parallel_loop3A_113, %parallel_loop3A_120 : vector<16xf32>
      %parallel_loop3A_124 = arith.select %parallel_loop3A_122, %parallel_loop3A_114, %parallel_loop3A_121 : vector<16xi1>, vector<16xi32>
      %parallel_loop3A_125 = arith.constant dense<true> : vector<16xi1>
      %parallel_loop3A_126, %parallel_loop3A_127, %parallel_loop3A_128 = tpu.sort %parallel_loop3A_123, %parallel_loop3A_124 masked %parallel_loop3A_125 {descending = true} : (vector<16xf32>, vector<16xi32>, vector<16xi1>) -> (vector<16xi1>, vector<16xf32>, vector<16xi32>)
      %parallel_loop3A_129 = arith.constant true
      %parallel_loop3A_130 = vector.broadcast %parallel_loop3A_129 : i1 to vector<16xi1>
      %parallel_loop3A_131 = tpu.scan <max>, %parallel_loop3A_127 masked %parallel_loop3A_130 : vector<16xf32>, vector<16xi1> -> vector<16xf32>
      %parallel_loop3A_132 = vector.extract %parallel_loop3A_131[15] : f32 from vector<16xf32>
      %parallel_loop3A_133 = vector.broadcast %parallel_loop3A_132 : f32 to vector<16xf32>
      %parallel_loop3A_134 = arith.subf %parallel_loop3A_127, %parallel_loop3A_133 : vector<16xf32>
      %parallel_loop3A_135 = math.exp %parallel_loop3A_134 : vector<16xf32>
      %parallel_loop3A_136 = arith.constant 0.000000e+00 : f32
      %parallel_loop3A_137 = vector.broadcast %parallel_loop3A_136 : f32 to vector<16xf32>
      %parallel_loop3A_138 = arith.select %lt3A_4, %parallel_loop3A_135, %parallel_loop3A_137 : vector<16xi1>, vector<16xf32>
      %parallel_loop3A_139 = arith.constant true
      %parallel_loop3A_140 = vector.broadcast %parallel_loop3A_139 : i1 to vector<16xi1>
      %parallel_loop3A_141 = tpu.scan <sum>, %parallel_loop3A_138 masked %parallel_loop3A_140 : vector<16xf32>, vector<16xi1> -> vector<16xf32>
      %parallel_loop3A_142 = vector.extract %parallel_loop3A_141[15] : f32 from vector<16xf32>
      %parallel_loop3A_143 = arith.constant 2.500000e+00 : f32
      %parallel_loop3A_144 = vector.broadcast %parallel_loop3A_143 : f32 to vector<16xf32>
      %parallel_loop3A_145 = arith.mulf %parallel_loop3A_135, %parallel_loop3A_144 : vector<16xf32>
      %parallel_loop3A_146 = arith.constant 9.99999968E-21 : f32
      %parallel_loop3A_147 = arith.addf %parallel_loop3A_142, %parallel_loop3A_146 : f32
      %parallel_loop3A_148 = vector.broadcast %parallel_loop3A_147 : f32 to vector<16xf32>
      %parallel_loop3A_149 = arith.divf %parallel_loop3A_145, %parallel_loop3A_148 : vector<16xf32>
      %parallel_loop3A_150 = arith.index_cast %parallel_loop3A_70 : i32 to index
      %parallel_loop3A_151 = arith.constant 0 : index
      %parallel_loop3A_152 = tpu.vector_load %arg7[%parallel_loop3A_150, %parallel_loop3A_151] {strides = array<i32>} : memref<128x16xi32, #tpu.memory_space<vmem>>, vector<16xi32>,
      tpu.vector_store %arg7[%parallel_loop3A_150, %parallel_loop3A_151], %parallel_loop3A_128 {strides = array<i32>} : memref<128x16xi32, #tpu.memory_space<vmem>>, vector<16xi32>,
      %parallel_loop3A_153 = arith.index_cast %parallel_loop3A_70 : i32 to index
      %parallel_loop3A_154 = arith.constant 0 : index
      %parallel_loop3A_155 = tpu.vector_load %arg8[%parallel_loop3A_153, %parallel_loop3A_154] {strides = array<i32>} : memref<128x16xf32, #tpu.memory_space<vmem>>, vector<16xf32>,
      tpu.vector_store %arg8[%parallel_loop3A_153, %parallel_loop3A_154], %parallel_loop3A_149 {strides = array<i32>} : memref<128x16xf32, #tpu.memory_space<vmem>>, vector<16xf32>,
    } {sc.loop_unroll_factor = 8 : i64, sc.parallel_access}
    %add3A_38 = arith.constant 128 : i32
    %add3A_39 = arith.addi %mul3A_2, %add3A_38 : i32
    "tpu.region"() ({
      %run_scoped3A = tpu.sem_alloc : memref<!tpu.dma_semaphore, #tpu.memory_space<semaphore_mem>>
      %dma_start3A_70 = arith.constant 0 : i32
      %dma_start3A_71 = tpu.memref_slice %arg3[%add3A_39, %dma_start3A_70] : memref<16384x16xi32, #tpu.memory_space<hbm>> -> memref<128x16xi32, #tpu.memory_space<hbm>>
      %dma_start3A_72 = arith.constant 0 : i32
      %dma_start3A_73 = tpu.memref_slice %arg3[%add3A_39, %dma_start3A_72] : memref<16384x16xi32, #tpu.memory_space<hbm>> -> memref<128x16xi32, #tpu.memory_space<hbm>>
      tpu.enqueue_dma source(%arg7 : memref<128x16xi32, #tpu.memory_space<vmem>>) target(%dma_start3A_73 : memref<128x16xi32, #tpu.memory_space<hbm>>) target_semaphore(%run_scoped3A : memref<!tpu.dma_semaphore, #tpu.memory_space<semaphore_mem>>)
      %dma_wait3A_74 = arith.constant 0 : i32
      %dma_wait3A_75 = tpu.memref_slice %arg3[%add3A_39, %dma_wait3A_74] : memref<16384x16xi32, #tpu.memory_space<hbm>> -> memref<128x16xi32, #tpu.memory_space<hbm>>
      %dma_wait3A_76 = arith.constant 0 : i32
      %dma_wait3A_77 = tpu.memref_slice %arg3[%add3A_39, %dma_wait3A_76] : memref<16384x16xi32, #tpu.memory_space<hbm>> -> memref<128x16xi32, #tpu.memory_space<hbm>>
      tpu.wait_dma2 semaphore(%run_scoped3A : memref<!tpu.dma_semaphore, #tpu.memory_space<semaphore_mem>>) src(%arg7 : memref<128x16xi32, #tpu.memory_space<vmem>>) dst(%dma_wait3A_77 : memref<128x16xi32, #tpu.memory_space<hbm>>)
      tpu.yield
    }) : () -> ()
    %add3A_40 = arith.constant 128 : i32
    %add3A_41 = arith.addi %mul3A_2, %add3A_40 : i32
    "tpu.region"() ({
      %run_scoped3A = tpu.sem_alloc : memref<!tpu.dma_semaphore, #tpu.memory_space<semaphore_mem>>
      %dma_start3A_70 = arith.constant 0 : i32
      %dma_start3A_71 = tpu.memref_slice %arg4[%add3A_41, %dma_start3A_70] : memref<16384x16xf32, #tpu.memory_space<hbm>> -> memref<128x16xf32, #tpu.memory_space<hbm>>
      %dma_start3A_72 = arith.constant 0 : i32
      %dma_start3A_73 = tpu.memref_slice %arg4[%add3A_41, %dma_start3A_72] : memref<16384x16xf32, #tpu.memory_space<hbm>> -> memref<128x16xf32, #tpu.memory_space<hbm>>
      tpu.enqueue_dma source(%arg8 : memref<128x16xf32, #tpu.memory_space<vmem>>) target(%dma_start3A_73 : memref<128x16xf32, #tpu.memory_space<hbm>>) target_semaphore(%run_scoped3A : memref<!tpu.dma_semaphore, #tpu.memory_space<semaphore_mem>>)
      %dma_wait3A_74 = arith.constant 0 : i32
      %dma_wait3A_75 = tpu.memref_slice %arg4[%add3A_41, %dma_wait3A_74] : memref<16384x16xf32, #tpu.memory_space<hbm>> -> memref<128x16xf32, #tpu.memory_space<hbm>>
      %dma_wait3A_76 = arith.constant 0 : i32
      %dma_wait3A_77 = tpu.memref_slice %arg4[%add3A_41, %dma_wait3A_76] : memref<16384x16xf32, #tpu.memory_space<hbm>> -> memref<128x16xf32, #tpu.memory_space<hbm>>
      tpu.wait_dma2 semaphore(%run_scoped3A : memref<!tpu.dma_semaphore, #tpu.memory_space<semaphore_mem>>) src(%arg8 : memref<128x16xf32, #tpu.memory_space<vmem>>) dst(%dma_wait3A_77 : memref<128x16xf32, #tpu.memory_space<hbm>>)
      tpu.yield
    }) : () -> ()
    %add3A_42 = arith.constant 384 : i32
    %add3A_43 = arith.addi %mul3A_2, %add3A_42 : i32
    %dma_start3A_44 = arith.constant 0 : i32
    %dma_start3A_45 = tpu.memref_slice %arg2[%add3A_43, %dma_start3A_44] : memref<16384x64xf32, #tpu.memory_space<hbm>> -> memref<128x64xf32, #tpu.memory_space<hbm>>
    %dma_start3A_46 = arith.constant 0 : i32
    %dma_start3A_47 = tpu.memref_slice %arg2[%add3A_43, %dma_start3A_46] : memref<16384x64xf32, #tpu.memory_space<hbm>> -> memref<128x64xf32, #tpu.memory_space<hbm>>
    tpu.enqueue_dma source(%dma_start3A_47 : memref<128x64xf32, #tpu.memory_space<hbm>>) target(%arg6 : memref<128x64xf32, #tpu.memory_space<vmem>>) target_semaphore(%arg10 : memref<!tpu.dma_semaphore, #tpu.memory_space<semaphore_mem>>)
    %dma_wait3A_48 = arith.constant 0 : i32
    %dma_wait3A_49 = tpu.memref_slice %arg2[%add3A_26, %dma_wait3A_48] : memref<16384x64xf32, #tpu.memory_space<hbm>> -> memref<128x64xf32, #tpu.memory_space<hbm>>
    %dma_wait3A_50 = arith.constant 0 : i32
    %dma_wait3A_51 = tpu.memref_slice %arg2[%add3A_26, %dma_wait3A_50] : memref<16384x64xf32, #tpu.memory_space<hbm>> -> memref<128x64xf32, #tpu.memory_space<hbm>>
    tpu.wait_dma2 semaphore(%arg9 : memref<!tpu.dma_semaphore, #tpu.memory_space<semaphore_mem>>) src(%dma_wait3A_51 : memref<128x64xf32, #tpu.memory_space<hbm>>) dst(%arg5 : memref<128x64xf32, #tpu.memory_space<vmem>>)
    %parallel_loop3A_52 = arith.constant 0 : i32
    %parallel_loop3A_53 = arith.constant 128 : i32
    %parallel_loop3A_54 = arith.constant 1 : i32
    scf.for %parallel_loop3A_70 = %parallel_loop3A_52 to %parallel_loop3A_53 step %parallel_loop3A_54  : i32 {
      %parallel_loop3A_71 = arith.index_cast %parallel_loop3A_70 : i32 to index
      %parallel_loop3A_72 = arith.constant 0 : index
      %parallel_loop3A_73 = tpu.vector_load %arg5[%parallel_loop3A_71, %parallel_loop3A_72] {strides = array<i32>} : memref<128x64xf32, #tpu.memory_space<vmem>>, vector<16xf32>,
      %parallel_loop3A_74 = arith.index_cast %parallel_loop3A_70 : i32 to index
      %parallel_loop3A_75 = arith.constant 16 : index
      %parallel_loop3A_76 = tpu.vector_load %arg5[%parallel_loop3A_74, %parallel_loop3A_75] {strides = array<i32>} : memref<128x64xf32, #tpu.memory_space<vmem>>, vector<16xf32>,
      %parallel_loop3A_77 = arith.index_cast %parallel_loop3A_70 : i32 to index
      %parallel_loop3A_78 = arith.constant 32 : index
      %parallel_loop3A_79 = tpu.vector_load %arg5[%parallel_loop3A_77, %parallel_loop3A_78] {strides = array<i32>} : memref<128x64xf32, #tpu.memory_space<vmem>>, vector<16xf32>,
      %parallel_loop3A_80 = arith.index_cast %parallel_loop3A_70 : i32 to index
      %parallel_loop3A_81 = arith.constant 48 : index
      %parallel_loop3A_82 = tpu.vector_load %arg5[%parallel_loop3A_80, %parallel_loop3A_81] {strides = array<i32>} : memref<128x64xf32, #tpu.memory_space<vmem>>, vector<16xf32>,
      %parallel_loop3A_83 = arith.constant dense<true> : vector<16xi1>
      %parallel_loop3A_84, %parallel_loop3A_85, %parallel_loop3A_86 = tpu.sort %parallel_loop3A_73, %iota3A masked %parallel_loop3A_83 {descending = true} : (vector<16xf32>, vector<16xi32>, vector<16xi1>) -> (vector<16xi1>, vector<16xf32>, vector<16xi32>)
      %parallel_loop3A_87 = arith.constant 16 : i32
      %parallel_loop3A_88 = vector.broadcast %parallel_loop3A_87 : i32 to vector<16xi32>
      %parallel_loop3A_89 = arith.addi %iota3A, %parallel_loop3A_88 : vector<16xi32>
      %parallel_loop3A_90 = arith.constant dense<true> : vector<16xi1>
      %parallel_loop3A_91, %parallel_loop3A_92, %parallel_loop3A_93 = tpu.sort %parallel_loop3A_76, %parallel_loop3A_89 masked %parallel_loop3A_90 : (vector<16xf32>, vector<16xi32>, vector<16xi1>) -> (vector<16xi1>, vector<16xf32>, vector<16xi32>)
      %parallel_loop3A_94 = arith.constant 32 : i32
      %parallel_loop3A_95 = vector.broadcast %parallel_loop3A_94 : i32 to vector<16xi32>
      %parallel_loop3A_96 = arith.addi %iota3A, %parallel_loop3A_95 : vector<16xi32>
      %parallel_loop3A_97 = arith.constant dense<true> : vector<16xi1>
      %parallel_loop3A_98, %parallel_loop3A_99, %parallel_loop3A_100 = tpu.sort %parallel_loop3A_79, %parallel_loop3A_96 masked %parallel_loop3A_97 {descending = true} : (vector<16xf32>, vector<16xi32>, vector<16xi1>) -> (vector<16xi1>, vector<16xf32>, vector<16xi32>)
      %parallel_loop3A_101 = arith.constant 48 : i32
      %parallel_loop3A_102 = vector.broadcast %parallel_loop3A_101 : i32 to vector<16xi32>
      %parallel_loop3A_103 = arith.addi %iota3A, %parallel_loop3A_102 : vector<16xi32>
      %parallel_loop3A_104 = arith.constant dense<true> : vector<16xi1>
      %parallel_loop3A_105, %parallel_loop3A_106, %parallel_loop3A_107 = tpu.sort %parallel_loop3A_82, %parallel_loop3A_103 masked %parallel_loop3A_104 : (vector<16xf32>, vector<16xi32>, vector<16xi1>) -> (vector<16xi1>, vector<16xf32>, vector<16xi32>)
      %parallel_loop3A_108 = arith.cmpf oge, %parallel_loop3A_85, %parallel_loop3A_92 : vector<16xf32>
      %parallel_loop3A_109 = arith.maximumf %parallel_loop3A_85, %parallel_loop3A_92 : vector<16xf32>
      %parallel_loop3A_110 = arith.select %parallel_loop3A_108, %parallel_loop3A_86, %parallel_loop3A_93 : vector<16xi1>, vector<16xi32>
      %parallel_loop3A_111 = arith.constant dense<true> : vector<16xi1>
      %parallel_loop3A_112, %parallel_loop3A_113, %parallel_loop3A_114 = tpu.sort %parallel_loop3A_109, %parallel_loop3A_110 masked %parallel_loop3A_111 {descending = true} : (vector<16xf32>, vector<16xi32>, vector<16xi1>) -> (vector<16xi1>, vector<16xf32>, vector<16xi32>)
      %parallel_loop3A_115 = arith.cmpf oge, %parallel_loop3A_99, %parallel_loop3A_106 : vector<16xf32>
      %parallel_loop3A_116 = arith.maximumf %parallel_loop3A_99, %parallel_loop3A_106 : vector<16xf32>
      %parallel_loop3A_117 = arith.select %parallel_loop3A_115, %parallel_loop3A_100, %parallel_loop3A_107 : vector<16xi1>, vector<16xi32>
      %parallel_loop3A_118 = arith.constant dense<true> : vector<16xi1>
      %parallel_loop3A_119, %parallel_loop3A_120, %parallel_loop3A_121 = tpu.sort %parallel_loop3A_116, %parallel_loop3A_117 masked %parallel_loop3A_118 : (vector<16xf32>, vector<16xi32>, vector<16xi1>) -> (vector<16xi1>, vector<16xf32>, vector<16xi32>)
      %parallel_loop3A_122 = arith.cmpf oge, %parallel_loop3A_113, %parallel_loop3A_120 : vector<16xf32>
      %parallel_loop3A_123 = arith.maximumf %parallel_loop3A_113, %parallel_loop3A_120 : vector<16xf32>
      %parallel_loop3A_124 = arith.select %parallel_loop3A_122, %parallel_loop3A_114, %parallel_loop3A_121 : vector<16xi1>, vector<16xi32>
      %parallel_loop3A_125 = arith.constant dense<true> : vector<16xi1>
      %parallel_loop3A_126, %parallel_loop3A_127, %parallel_loop3A_128 = tpu.sort %parallel_loop3A_123, %parallel_loop3A_124 masked %parallel_loop3A_125 {descending = true} : (vector<16xf32>, vector<16xi32>, vector<16xi1>) -> (vector<16xi1>, vector<16xf32>, vector<16xi32>)
      %parallel_loop3A_129 = arith.constant true
      %parallel_loop3A_130 = vector.broadcast %parallel_loop3A_129 : i1 to vector<16xi1>
      %parallel_loop3A_131 = tpu.scan <max>, %parallel_loop3A_127 masked %parallel_loop3A_130 : vector<16xf32>, vector<16xi1> -> vector<16xf32>
      %parallel_loop3A_132 = vector.extract %parallel_loop3A_131[15] : f32 from vector<16xf32>
      %parallel_loop3A_133 = vector.broadcast %parallel_loop3A_132 : f32 to vector<16xf32>
      %parallel_loop3A_134 = arith.subf %parallel_loop3A_127, %parallel_loop3A_133 : vector<16xf32>
      %parallel_loop3A_135 = math.exp %parallel_loop3A_134 : vector<16xf32>
      %parallel_loop3A_136 = arith.constant 0.000000e+00 : f32
      %parallel_loop3A_137 = vector.broadcast %parallel_loop3A_136 : f32 to vector<16xf32>
      %parallel_loop3A_138 = arith.select %lt3A_4, %parallel_loop3A_135, %parallel_loop3A_137 : vector<16xi1>, vector<16xf32>
      %parallel_loop3A_139 = arith.constant true
      %parallel_loop3A_140 = vector.broadcast %parallel_loop3A_139 : i1 to vector<16xi1>
      %parallel_loop3A_141 = tpu.scan <sum>, %parallel_loop3A_138 masked %parallel_loop3A_140 : vector<16xf32>, vector<16xi1> -> vector<16xf32>
      %parallel_loop3A_142 = vector.extract %parallel_loop3A_141[15] : f32 from vector<16xf32>
      %parallel_loop3A_143 = arith.constant 2.500000e+00 : f32
      %parallel_loop3A_144 = vector.broadcast %parallel_loop3A_143 : f32 to vector<16xf32>
      %parallel_loop3A_145 = arith.mulf %parallel_loop3A_135, %parallel_loop3A_144 : vector<16xf32>
      %parallel_loop3A_146 = arith.constant 9.99999968E-21 : f32
      %parallel_loop3A_147 = arith.addf %parallel_loop3A_142, %parallel_loop3A_146 : f32
      %parallel_loop3A_148 = vector.broadcast %parallel_loop3A_147 : f32 to vector<16xf32>
      %parallel_loop3A_149 = arith.divf %parallel_loop3A_145, %parallel_loop3A_148 : vector<16xf32>
      %parallel_loop3A_150 = arith.index_cast %parallel_loop3A_70 : i32 to index
      %parallel_loop3A_151 = arith.constant 0 : index
      %parallel_loop3A_152 = tpu.vector_load %arg7[%parallel_loop3A_150, %parallel_loop3A_151] {strides = array<i32>} : memref<128x16xi32, #tpu.memory_space<vmem>>, vector<16xi32>,
      tpu.vector_store %arg7[%parallel_loop3A_150, %parallel_loop3A_151], %parallel_loop3A_128 {strides = array<i32>} : memref<128x16xi32, #tpu.memory_space<vmem>>, vector<16xi32>,
      %parallel_loop3A_153 = arith.index_cast %parallel_loop3A_70 : i32 to index
      %parallel_loop3A_154 = arith.constant 0 : index
      %parallel_loop3A_155 = tpu.vector_load %arg8[%parallel_loop3A_153, %parallel_loop3A_154] {strides = array<i32>} : memref<128x16xf32, #tpu.memory_space<vmem>>, vector<16xf32>,
      tpu.vector_store %arg8[%parallel_loop3A_153, %parallel_loop3A_154], %parallel_loop3A_149 {strides = array<i32>} : memref<128x16xf32, #tpu.memory_space<vmem>>, vector<16xf32>,
    } {sc.loop_unroll_factor = 8 : i64, sc.parallel_access}
    %add3A_55 = arith.constant 256 : i32
    %add3A_56 = arith.addi %mul3A_2, %add3A_55 : i32
    "tpu.region"() ({
      %run_scoped3A = tpu.sem_alloc : memref<!tpu.dma_semaphore, #tpu.memory_space<semaphore_mem>>
      %dma_start3A_70 = arith.constant 0 : i32
      %dma_start3A_71 = tpu.memref_slice %arg3[%add3A_56, %dma_start3A_70] : memref<16384x16xi32, #tpu.memory_space<hbm>> -> memref<128x16xi32, #tpu.memory_space<hbm>>
      %dma_start3A_72 = arith.constant 0 : i32
      %dma_start3A_73 = tpu.memref_slice %arg3[%add3A_56, %dma_start3A_72] : memref<16384x16xi32, #tpu.memory_space<hbm>> -> memref<128x16xi32, #tpu.memory_space<hbm>>
      tpu.enqueue_dma source(%arg7 : memref<128x16xi32, #tpu.memory_space<vmem>>) target(%dma_start3A_73 : memref<128x16xi32, #tpu.memory_space<hbm>>) target_semaphore(%run_scoped3A : memref<!tpu.dma_semaphore, #tpu.memory_space<semaphore_mem>>)
      %dma_wait3A_74 = arith.constant 0 : i32
      %dma_wait3A_75 = tpu.memref_slice %arg3[%add3A_56, %dma_wait3A_74] : memref<16384x16xi32, #tpu.memory_space<hbm>> -> memref<128x16xi32, #tpu.memory_space<hbm>>
      %dma_wait3A_76 = arith.constant 0 : i32
      %dma_wait3A_77 = tpu.memref_slice %arg3[%add3A_56, %dma_wait3A_76] : memref<16384x16xi32, #tpu.memory_space<hbm>> -> memref<128x16xi32, #tpu.memory_space<hbm>>
      tpu.wait_dma2 semaphore(%run_scoped3A : memref<!tpu.dma_semaphore, #tpu.memory_space<semaphore_mem>>) src(%arg7 : memref<128x16xi32, #tpu.memory_space<vmem>>) dst(%dma_wait3A_77 : memref<128x16xi32, #tpu.memory_space<hbm>>)
      tpu.yield
    }) : () -> ()
    %add3A_57 = arith.constant 256 : i32
    %add3A_58 = arith.addi %mul3A_2, %add3A_57 : i32
    "tpu.region"() ({
      %run_scoped3A = tpu.sem_alloc : memref<!tpu.dma_semaphore, #tpu.memory_space<semaphore_mem>>
      %dma_start3A_70 = arith.constant 0 : i32
      %dma_start3A_71 = tpu.memref_slice %arg4[%add3A_58, %dma_start3A_70] : memref<16384x16xf32, #tpu.memory_space<hbm>> -> memref<128x16xf32, #tpu.memory_space<hbm>>
      %dma_start3A_72 = arith.constant 0 : i32
      %dma_start3A_73 = tpu.memref_slice %arg4[%add3A_58, %dma_start3A_72] : memref<16384x16xf32, #tpu.memory_space<hbm>> -> memref<128x16xf32, #tpu.memory_space<hbm>>
      tpu.enqueue_dma source(%arg8 : memref<128x16xf32, #tpu.memory_space<vmem>>) target(%dma_start3A_73 : memref<128x16xf32, #tpu.memory_space<hbm>>) target_semaphore(%run_scoped3A : memref<!tpu.dma_semaphore, #tpu.memory_space<semaphore_mem>>)
      %dma_wait3A_74 = arith.constant 0 : i32
      %dma_wait3A_75 = tpu.memref_slice %arg4[%add3A_58, %dma_wait3A_74] : memref<16384x16xf32, #tpu.memory_space<hbm>> -> memref<128x16xf32, #tpu.memory_space<hbm>>
      %dma_wait3A_76 = arith.constant 0 : i32
      %dma_wait3A_77 = tpu.memref_slice %arg4[%add3A_58, %dma_wait3A_76] : memref<16384x16xf32, #tpu.memory_space<hbm>> -> memref<128x16xf32, #tpu.memory_space<hbm>>
      tpu.wait_dma2 semaphore(%run_scoped3A : memref<!tpu.dma_semaphore, #tpu.memory_space<semaphore_mem>>) src(%arg8 : memref<128x16xf32, #tpu.memory_space<vmem>>) dst(%dma_wait3A_77 : memref<128x16xf32, #tpu.memory_space<hbm>>)
      tpu.yield
    }) : () -> ()
    %dma_wait3A_59 = arith.constant 0 : i32
    %dma_wait3A_60 = tpu.memref_slice %arg2[%add3A_43, %dma_wait3A_59] : memref<16384x64xf32, #tpu.memory_space<hbm>> -> memref<128x64xf32, #tpu.memory_space<hbm>>
    %dma_wait3A_61 = arith.constant 0 : i32
    %dma_wait3A_62 = tpu.memref_slice %arg2[%add3A_43, %dma_wait3A_61] : memref<16384x64xf32, #tpu.memory_space<hbm>> -> memref<128x64xf32, #tpu.memory_space<hbm>>
    tpu.wait_dma2 semaphore(%arg10 : memref<!tpu.dma_semaphore, #tpu.memory_space<semaphore_mem>>) src(%dma_wait3A_62 : memref<128x64xf32, #tpu.memory_space<hbm>>) dst(%arg6 : memref<128x64xf32, #tpu.memory_space<vmem>>)
    %parallel_loop3A_63 = arith.constant 0 : i32
    %parallel_loop3A_64 = arith.constant 128 : i32
    %parallel_loop3A_65 = arith.constant 1 : i32
    scf.for %parallel_loop3A_70 = %parallel_loop3A_63 to %parallel_loop3A_64 step %parallel_loop3A_65  : i32 {
      %parallel_loop3A_71 = arith.index_cast %parallel_loop3A_70 : i32 to index
      %parallel_loop3A_72 = arith.constant 0 : index
      %parallel_loop3A_73 = tpu.vector_load %arg6[%parallel_loop3A_71, %parallel_loop3A_72] {strides = array<i32>} : memref<128x64xf32, #tpu.memory_space<vmem>>, vector<16xf32>,
      %parallel_loop3A_74 = arith.index_cast %parallel_loop3A_70 : i32 to index
      %parallel_loop3A_75 = arith.constant 16 : index
      %parallel_loop3A_76 = tpu.vector_load %arg6[%parallel_loop3A_74, %parallel_loop3A_75] {strides = array<i32>} : memref<128x64xf32, #tpu.memory_space<vmem>>, vector<16xf32>,
      %parallel_loop3A_77 = arith.index_cast %parallel_loop3A_70 : i32 to index
      %parallel_loop3A_78 = arith.constant 32 : index
      %parallel_loop3A_79 = tpu.vector_load %arg6[%parallel_loop3A_77, %parallel_loop3A_78] {strides = array<i32>} : memref<128x64xf32, #tpu.memory_space<vmem>>, vector<16xf32>,
      %parallel_loop3A_80 = arith.index_cast %parallel_loop3A_70 : i32 to index
      %parallel_loop3A_81 = arith.constant 48 : index
      %parallel_loop3A_82 = tpu.vector_load %arg6[%parallel_loop3A_80, %parallel_loop3A_81] {strides = array<i32>} : memref<128x64xf32, #tpu.memory_space<vmem>>, vector<16xf32>,
      %parallel_loop3A_83 = arith.constant dense<true> : vector<16xi1>
      %parallel_loop3A_84, %parallel_loop3A_85, %parallel_loop3A_86 = tpu.sort %parallel_loop3A_73, %iota3A masked %parallel_loop3A_83 {descending = true} : (vector<16xf32>, vector<16xi32>, vector<16xi1>) -> (vector<16xi1>, vector<16xf32>, vector<16xi32>)
      %parallel_loop3A_87 = arith.constant 16 : i32
      %parallel_loop3A_88 = vector.broadcast %parallel_loop3A_87 : i32 to vector<16xi32>
      %parallel_loop3A_89 = arith.addi %iota3A, %parallel_loop3A_88 : vector<16xi32>
      %parallel_loop3A_90 = arith.constant dense<true> : vector<16xi1>
      %parallel_loop3A_91, %parallel_loop3A_92, %parallel_loop3A_93 = tpu.sort %parallel_loop3A_76, %parallel_loop3A_89 masked %parallel_loop3A_90 : (vector<16xf32>, vector<16xi32>, vector<16xi1>) -> (vector<16xi1>, vector<16xf32>, vector<16xi32>)
      %parallel_loop3A_94 = arith.constant 32 : i32
      %parallel_loop3A_95 = vector.broadcast %parallel_loop3A_94 : i32 to vector<16xi32>
      %parallel_loop3A_96 = arith.addi %iota3A, %parallel_loop3A_95 : vector<16xi32>
      %parallel_loop3A_97 = arith.constant dense<true> : vector<16xi1>
      %parallel_loop3A_98, %parallel_loop3A_99, %parallel_loop3A_100 = tpu.sort %parallel_loop3A_79, %parallel_loop3A_96 masked %parallel_loop3A_97 {descending = true} : (vector<16xf32>, vector<16xi32>, vector<16xi1>) -> (vector<16xi1>, vector<16xf32>, vector<16xi32>)
      %parallel_loop3A_101 = arith.constant 48 : i32
      %parallel_loop3A_102 = vector.broadcast %parallel_loop3A_101 : i32 to vector<16xi32>
      %parallel_loop3A_103 = arith.addi %iota3A, %parallel_loop3A_102 : vector<16xi32>
      %parallel_loop3A_104 = arith.constant dense<true> : vector<16xi1>
      %parallel_loop3A_105, %parallel_loop3A_106, %parallel_loop3A_107 = tpu.sort %parallel_loop3A_82, %parallel_loop3A_103 masked %parallel_loop3A_104 : (vector<16xf32>, vector<16xi32>, vector<16xi1>) -> (vector<16xi1>, vector<16xf32>, vector<16xi32>)
      %parallel_loop3A_108 = arith.cmpf oge, %parallel_loop3A_85, %parallel_loop3A_92 : vector<16xf32>
      %parallel_loop3A_109 = arith.maximumf %parallel_loop3A_85, %parallel_loop3A_92 : vector<16xf32>
      %parallel_loop3A_110 = arith.select %parallel_loop3A_108, %parallel_loop3A_86, %parallel_loop3A_93 : vector<16xi1>, vector<16xi32>
      %parallel_loop3A_111 = arith.constant dense<true> : vector<16xi1>
      %parallel_loop3A_112, %parallel_loop3A_113, %parallel_loop3A_114 = tpu.sort %parallel_loop3A_109, %parallel_loop3A_110 masked %parallel_loop3A_111 {descending = true} : (vector<16xf32>, vector<16xi32>, vector<16xi1>) -> (vector<16xi1>, vector<16xf32>, vector<16xi32>)
      %parallel_loop3A_115 = arith.cmpf oge, %parallel_loop3A_99, %parallel_loop3A_106 : vector<16xf32>
      %parallel_loop3A_116 = arith.maximumf %parallel_loop3A_99, %parallel_loop3A_106 : vector<16xf32>
      %parallel_loop3A_117 = arith.select %parallel_loop3A_115, %parallel_loop3A_100, %parallel_loop3A_107 : vector<16xi1>, vector<16xi32>
      %parallel_loop3A_118 = arith.constant dense<true> : vector<16xi1>
      %parallel_loop3A_119, %parallel_loop3A_120, %parallel_loop3A_121 = tpu.sort %parallel_loop3A_116, %parallel_loop3A_117 masked %parallel_loop3A_118 : (vector<16xf32>, vector<16xi32>, vector<16xi1>) -> (vector<16xi1>, vector<16xf32>, vector<16xi32>)
      %parallel_loop3A_122 = arith.cmpf oge, %parallel_loop3A_113, %parallel_loop3A_120 : vector<16xf32>
      %parallel_loop3A_123 = arith.maximumf %parallel_loop3A_113, %parallel_loop3A_120 : vector<16xf32>
      %parallel_loop3A_124 = arith.select %parallel_loop3A_122, %parallel_loop3A_114, %parallel_loop3A_121 : vector<16xi1>, vector<16xi32>
      %parallel_loop3A_125 = arith.constant dense<true> : vector<16xi1>
      %parallel_loop3A_126, %parallel_loop3A_127, %parallel_loop3A_128 = tpu.sort %parallel_loop3A_123, %parallel_loop3A_124 masked %parallel_loop3A_125 {descending = true} : (vector<16xf32>, vector<16xi32>, vector<16xi1>) -> (vector<16xi1>, vector<16xf32>, vector<16xi32>)
      %parallel_loop3A_129 = arith.constant true
      %parallel_loop3A_130 = vector.broadcast %parallel_loop3A_129 : i1 to vector<16xi1>
      %parallel_loop3A_131 = tpu.scan <max>, %parallel_loop3A_127 masked %parallel_loop3A_130 : vector<16xf32>, vector<16xi1> -> vector<16xf32>
      %parallel_loop3A_132 = vector.extract %parallel_loop3A_131[15] : f32 from vector<16xf32>
      %parallel_loop3A_133 = vector.broadcast %parallel_loop3A_132 : f32 to vector<16xf32>
      %parallel_loop3A_134 = arith.subf %parallel_loop3A_127, %parallel_loop3A_133 : vector<16xf32>
      %parallel_loop3A_135 = math.exp %parallel_loop3A_134 : vector<16xf32>
      %parallel_loop3A_136 = arith.constant 0.000000e+00 : f32
      %parallel_loop3A_137 = vector.broadcast %parallel_loop3A_136 : f32 to vector<16xf32>
      %parallel_loop3A_138 = arith.select %lt3A_4, %parallel_loop3A_135, %parallel_loop3A_137 : vector<16xi1>, vector<16xf32>
      %parallel_loop3A_139 = arith.constant true
      %parallel_loop3A_140 = vector.broadcast %parallel_loop3A_139 : i1 to vector<16xi1>
      %parallel_loop3A_141 = tpu.scan <sum>, %parallel_loop3A_138 masked %parallel_loop3A_140 : vector<16xf32>, vector<16xi1> -> vector<16xf32>
      %parallel_loop3A_142 = vector.extract %parallel_loop3A_141[15] : f32 from vector<16xf32>
      %parallel_loop3A_143 = arith.constant 2.500000e+00 : f32
      %parallel_loop3A_144 = vector.broadcast %parallel_loop3A_143 : f32 to vector<16xf32>
      %parallel_loop3A_145 = arith.mulf %parallel_loop3A_135, %parallel_loop3A_144 : vector<16xf32>
      %parallel_loop3A_146 = arith.constant 9.99999968E-21 : f32
      %parallel_loop3A_147 = arith.addf %parallel_loop3A_142, %parallel_loop3A_146 : f32
      %parallel_loop3A_148 = vector.broadcast %parallel_loop3A_147 : f32 to vector<16xf32>
      %parallel_loop3A_149 = arith.divf %parallel_loop3A_145, %parallel_loop3A_148 : vector<16xf32>
      %parallel_loop3A_150 = arith.index_cast %parallel_loop3A_70 : i32 to index
      %parallel_loop3A_151 = arith.constant 0 : index
      %parallel_loop3A_152 = tpu.vector_load %arg7[%parallel_loop3A_150, %parallel_loop3A_151] {strides = array<i32>} : memref<128x16xi32, #tpu.memory_space<vmem>>, vector<16xi32>,
      tpu.vector_store %arg7[%parallel_loop3A_150, %parallel_loop3A_151], %parallel_loop3A_128 {strides = array<i32>} : memref<128x16xi32, #tpu.memory_space<vmem>>, vector<16xi32>,
      %parallel_loop3A_153 = arith.index_cast %parallel_loop3A_70 : i32 to index
      %parallel_loop3A_154 = arith.constant 0 : index
      %parallel_loop3A_155 = tpu.vector_load %arg8[%parallel_loop3A_153, %parallel_loop3A_154] {strides = array<i32>} : memref<128x16xf32, #tpu.memory_space<vmem>>, vector<16xf32>,
      tpu.vector_store %arg8[%parallel_loop3A_153, %parallel_loop3A_154], %parallel_loop3A_149 {strides = array<i32>} : memref<128x16xf32, #tpu.memory_space<vmem>>, vector<16xf32>,
    } {sc.loop_unroll_factor = 8 : i64, sc.parallel_access}
    %add3A_66 = arith.constant 384 : i32
    %add3A_67 = arith.addi %mul3A_2, %add3A_66 : i32
    "tpu.region"() ({
      %run_scoped3A = tpu.sem_alloc : memref<!tpu.dma_semaphore, #tpu.memory_space<semaphore_mem>>
      %dma_start3A_70 = arith.constant 0 : i32
      %dma_start3A_71 = tpu.memref_slice %arg3[%add3A_67, %dma_start3A_70] : memref<16384x16xi32, #tpu.memory_space<hbm>> -> memref<128x16xi32, #tpu.memory_space<hbm>>
      %dma_start3A_72 = arith.constant 0 : i32
      %dma_start3A_73 = tpu.memref_slice %arg3[%add3A_67, %dma_start3A_72] : memref<16384x16xi32, #tpu.memory_space<hbm>> -> memref<128x16xi32, #tpu.memory_space<hbm>>
      tpu.enqueue_dma source(%arg7 : memref<128x16xi32, #tpu.memory_space<vmem>>) target(%dma_start3A_73 : memref<128x16xi32, #tpu.memory_space<hbm>>) target_semaphore(%run_scoped3A : memref<!tpu.dma_semaphore, #tpu.memory_space<semaphore_mem>>)
      %dma_wait3A_74 = arith.constant 0 : i32
      %dma_wait3A_75 = tpu.memref_slice %arg3[%add3A_67, %dma_wait3A_74] : memref<16384x16xi32, #tpu.memory_space<hbm>> -> memref<128x16xi32, #tpu.memory_space<hbm>>
      %dma_wait3A_76 = arith.constant 0 : i32
      %dma_wait3A_77 = tpu.memref_slice %arg3[%add3A_67, %dma_wait3A_76] : memref<16384x16xi32, #tpu.memory_space<hbm>> -> memref<128x16xi32, #tpu.memory_space<hbm>>
      tpu.wait_dma2 semaphore(%run_scoped3A : memref<!tpu.dma_semaphore, #tpu.memory_space<semaphore_mem>>) src(%arg7 : memref<128x16xi32, #tpu.memory_space<vmem>>) dst(%dma_wait3A_77 : memref<128x16xi32, #tpu.memory_space<hbm>>)
      tpu.yield
    }) : () -> ()
    %add3A_68 = arith.constant 384 : i32
    %add3A_69 = arith.addi %mul3A_2, %add3A_68 : i32
    "tpu.region"() ({
      %run_scoped3A = tpu.sem_alloc : memref<!tpu.dma_semaphore, #tpu.memory_space<semaphore_mem>>
      %dma_start3A_70 = arith.constant 0 : i32
      %dma_start3A_71 = tpu.memref_slice %arg4[%add3A_69, %dma_start3A_70] : memref<16384x16xf32, #tpu.memory_space<hbm>> -> memref<128x16xf32, #tpu.memory_space<hbm>>
      %dma_start3A_72 = arith.constant 0 : i32
      %dma_start3A_73 = tpu.memref_slice %arg4[%add3A_69, %dma_start3A_72] : memref<16384x16xf32, #tpu.memory_space<hbm>> -> memref<128x16xf32, #tpu.memory_space<hbm>>
      tpu.enqueue_dma source(%arg8 : memref<128x16xf32, #tpu.memory_space<vmem>>) target(%dma_start3A_73 : memref<128x16xf32, #tpu.memory_space<hbm>>) target_semaphore(%run_scoped3A : memref<!tpu.dma_semaphore, #tpu.memory_space<semaphore_mem>>)
      %dma_wait3A_74 = arith.constant 0 : i32
      %dma_wait3A_75 = tpu.memref_slice %arg4[%add3A_69, %dma_wait3A_74] : memref<16384x16xf32, #tpu.memory_space<hbm>> -> memref<128x16xf32, #tpu.memory_space<hbm>>
      %dma_wait3A_76 = arith.constant 0 : i32
      %dma_wait3A_77 = tpu.memref_slice %arg4[%add3A_69, %dma_wait3A_76] : memref<16384x16xf32, #tpu.memory_space<hbm>> -> memref<128x16xf32, #tpu.memory_space<hbm>>
      tpu.wait_dma2 semaphore(%run_scoped3A : memref<!tpu.dma_semaphore, #tpu.memory_space<semaphore_mem>>) src(%arg8 : memref<128x16xf32, #tpu.memory_space<vmem>>) dst(%dma_wait3A_77 : memref<128x16xf32, #tpu.memory_space<hbm>>)
      tpu.yield
    }) : () -> ()
    return
  }
}

module attributes {stable_mosaic.version = 14 : i64} {
  func.func @_logits_body(%arg0: i32, %arg1: memref<512x4096xf32, #tpu.memory_space<vmem>>, %arg2: memref<64x4096xf32, #tpu.memory_space<vmem>>, %arg3: memref<512x64xf32, #tpu.memory_space<vmem>>) attributes {dimension_semantics = [#tpu.dimension_semantics<arbitrary>], iteration_bounds = array<i64: 32>, scalar_prefetch = 0 : i64, scratch_operands = 0 : i64, tpu.core_type = #tpu.core_type<tc>, window_params = [{transform_indices = @transform_0, window_bounds = array<i64: 512, 4096>}, {pipeline_mode = #tpu.pipeline_mode<synchronous>, transform_indices = @transform_1, window_bounds = array<i64: 64, 4096>}, {transform_indices = @transform_2, window_bounds = array<i64: 512, 64>}]} {
    %get3A = arith.constant 0 : index
    %get3A_0 = arith.constant 0 : index
    %get3A_1 = vector.load %arg1[%get3A, %get3A_0] : memref<512x4096xf32, #tpu.memory_space<vmem>>, vector<512x4096xf32>
    %get3A_2 = arith.constant 0 : index
    %get3A_3 = arith.constant 0 : index
    %get3A_4 = vector.load %arg2[%get3A_2, %get3A_3] : memref<64x4096xf32, #tpu.memory_space<vmem>>, vector<64x4096xf32>
    %dot_general3A = arith.constant dense<0.000000e+00> : vector<512x64xf32>
    %dot_general3A_5 = tpu.matmul %get3A_1, %get3A_4, %dot_general3A {dimension_numbers = #tpu.dot_dimension_numbers<[1], [1], [0], [0], [0, 0, 1, 0], [], []>, transpose_lhs_hint = false} : vector<512x4096xf32>, vector<64x4096xf32>, vector<512x64xf32> -> vector<512x64xf32>
    %swap3A = arith.constant 0 : index
    %swap3A_6 = arith.constant 0 : index
    %swap3A_7 = vector.load %arg3[%swap3A, %swap3A_6] : memref<512x64xf32, #tpu.memory_space<vmem>>, vector<512x64xf32>
    tpu.vector_store %arg3[%swap3A, %swap3A_6], %dot_general3A_5 {strides = array<i32>} : memref<512x64xf32, #tpu.memory_space<vmem>>, vector<512x64xf32>,
    return
  }
  func.func @transform_0(%arg0: i32) -> (i32, i32) {
    %add3A = arith.constant 0 : i32
    %add3A_0 = arith.addi %add3A, %arg0 : i32
    %c0_i32 = arith.constant 0 : i32
    %c0_i32_1 = arith.constant 0 : i32
    return %add3A_0, %c0_i32 : i32, i32
  }
  func.func @transform_1(%arg0: i32) -> (i32, i32) {
    %c0_i32 = arith.constant 0 : i32
    %c0_i32_0 = arith.constant 0 : i32
    %c0_i32_1 = arith.constant 0 : i32
    return %c0_i32, %c0_i32_0 : i32, i32
  }
  func.func @transform_2(%arg0: i32) -> (i32, i32) {
    %c0_i32 = arith.constant 0 : i32
    %c0_i32_0 = arith.constant 0 : i32
    return %arg0, %c0_i32 : i32, i32
  }
}

</mosaic_0001>

<sc_bundles>
// kernel: kernel.4.cloned.1.call-start
scs
__scs_entry_jumppad:
0x0: {  	(pc) =	sbr.rel $0x88, $3  }
0x1: {  	(tag) =	ssettag $0x0;
	lr =	simm.s32 $0x1  }
0x2: {  	[smem:$0x3F9F] =	sst lr;
	_ =	strace $0xD0000000  }
0x3: {  	_ = 	snop  }
0x4: {  	_ = 	snop  }
0x5: {  	_ = 	snop  }
0x6: {  	_ = 	snop  }
0x7: {  	_ = 	snop  }
__scs_overlays_trampoline_lowered:
0x8: {  	[smem:$0x3FAE] =	sst s0  }
0x9: {  	[smem:$0x3FAF] =	sst s1  }
0xa: {  	[smem:$0x3FB0] =	sst s2  }
0xb: {  	[smem:$0x3FB1] =	sst s3  }
0xc: {  	[smem:$0x3FB2] =	sst s4  }
0xd: {  	[smem:$0x3FB3] =	sst s5  }
0xe: {  	[smem:$0x3FB4] =	sst s6  }
0xf: {  	[smem:$0x3FB5] =	sst s7  }
0x10: {  	[smem:$0x3FB6] =	sst s8  }
0x11: {  	[smem:$0x3FB7] =	sst s9;
	s0 =	simm.s32 @!p0 $0x0  }
0x12: {  	s1 =	sld [smem:$0x3F9D];
	s0 =	simm.s32 @p0 $0x1  }
0x13: {  	[smem:$0x3FB8] =	sst s0;
	s0 =	simm.s32 @!p1 $0x0  }
0x14: {  	s2 =	sld [smem:$0x3F9C];
	s0 =	simm.s32 @p1 $0x1  }
0x15: {  	[smem:$0x3FB9] =	sst s0;
	s0 =	simm.s32 @!p2 $0x0  }
0x16: {  	s3 =	sld [smem:$0x3FDB];
	s0 =	simm.s32 @p2 $0x1  }
0x17: {  	s4 =	simm.s32 $0x1BF5;
	[smem:$0x3FBB] =	sst s0  }
0x18: {  	s0 =	sld [smem:$0x3F9E];
	_ =	swait.ge [sflag:s4], $0x0  }
0x19: {  	s7 =	sld [smem:$0x3F9F]  }
0x1a: {  	s8 =	sadd.s32 $0xFFFFE003, lr  }
0x1b: {  	s9 =	sadd.s32 $0xFFFFFEF7, lr;
	s5 =	simm.s32 $0xFFFFFFFF;
	p2 =	slt.u32 s8, $0xFFFFF086  }
0x1c: {  	p1 =	slt.u32 s9, $0xF7A;
	s5 =	simm.s32 @!p2 $0x0  }
0x1d: {  	s5 =	simm.s32 @p1 $0x1;
	p0 =	seq.s32 s7, s2  }
0x1e: {  	s7 =	smul.u32 @!p0 $0xF7A, s2;
	p2 =	seq.s32 @!p0 s5, $0x0  }
0x1f: {  	s9 =	smul.u32 $0xF7A, s1;
	s8 =	simm.s32 @!p0 $0x1BF5;
	p2 =	por !p2, p0  }
0x20: {  	[sflag:s8] =	ssyncset.s32 @!p0 $0xFFFFF086;
	s6 =	sadd.s32 @!p0 s3, s7;
	s7 =	simm.s32 @!p0 $0x108  }
0x21: {  	s3 =	sadd.s32 s3, s9;
	s6 =	sadd.s32 @!p0 $0x88, s6;
	s7 =	simm.s32 @p2 $0x1082  }
0x22: {  	[simem:s7], [sflag:s8] =	dma.local @!p0 [hbm:s6], $0xF7A  }
0x23: {  	s9 =	sor.u32 $0xD0000000, s2;
	s6 =	simm.s32 $0x108;
	_ =	swait.ge @!p0 [sflag:s8], $0x0  }
0x24: {  	s3 =	sadd.s32 $0x88, s3;
	s6 =	simm.s32 @!p1 $0x1082;
	[sflag:s4] =	ssyncset.s32 $0xFFFFF086  }
0x25: {  	[simem:s6], [sflag:s4] =	dma.local [hbm:s3], $0xF7A  }
0x26: {  	[smem:$0x3F9F] =	sst s1;
	(tag) =	ssettag s2;
	_ =	strace s9  }
0x27: {  	s1 =	sld [smem:$0x3FAF]  }
0x28: {  	s2 =	sld [smem:$0x3FB0]  }
0x29: {  	s4 =	sld [smem:$0x3FB2]  }
0x2a: {  	p0 =	seq.s32 s5, $0x0;
	s5 =	sld [smem:$0x3FB3]  }
0x2b: {  	s6 =	sld [smem:$0x3FB4]  }
0x2c: {  	s7 =	sld [smem:$0x3FB5]  }
0x2d: {  	s3 =	simm.s32 $0x108;
	s8 =	sld [smem:$0x3FB6]  }
0x2e: {  	s3 =	simm.s32 @!p0 $0x1082;
	s9 =	sld [smem:$0x3FB7]  }
0x2f: {  	lr =	sadd.s32 s0, s3;
	s0 =	sld [smem:$0x3FAE]  }
0x30: {  	s3 =	sld [smem:$0x3FB1]  }
0x31: {  	[smem:$0x3FBA] =	sst s10  }
0x32: {  	s10 =	sld [smem:$0x3FB8];
	_ =	sdelay $0x3  }
0x33: {  	p0 =	seq.s32 s10, $0x1;
	s10 =	sld [smem:$0x3FBA];
	_ =	sdelay $0x3  }
0x34: {  	[smem:$0x3FBA] =	sst s10  }
0x35: {  	s10 =	sld [smem:$0x3FB9];
	_ =	sdelay $0x3  }
0x36: {  	p1 =	seq.s32 s10, $0x1;
	s10 =	sld [smem:$0x3FBA];
	_ =	sdelay $0x3  }
0x37: {  	[smem:$0x3FBA] =	sst s10  }
0x38: {  	s10 =	sld [smem:$0x3FBB]  }
0x39: {  	_ = 	snop;
	(pc) =	sbr.ind lr, $3  }
0x3a: {  	_ = 	snop  }
0x3b: {  	_ = 	snop  }
0x3c: {  	p2 =	seq.s32 s10, $0x1;
	s10 =	sld [smem:$0x3FBA]  }
0x3d: {  	_ =	shalt  }
0x3e: {  	_ =	shalt  }
0x3f: {  	_ =	shalt  }
0x40: {  	_ =	shalt  }
0x41: {  	_ =	shalt  }
0x42: {  	_ =	shalt  }
0x43: {  	_ =	shalt  }
0x44: {  	_ =	shalt  }
0x45: {  	_ =	shalt  }
0x46: {  	_ =	shalt  }
0x47: {  	_ =	shalt  }
0x48: {  	_ =	shalt  }
0x49: {  	_ =	shalt  }
0x4a: {  	_ =	shalt  }
0x4b: {  	_ =	shalt  }
0x4c: {  	_ =	shalt  }
0x4d: {  	_ =	shalt  }
0x4e: {  	_ =	shalt  }
0x4f: {  	_ =	shalt  }
0x50: {  	_ =	shalt  }
0x51: {  	_ =	shalt  }
0x52: {  	_ =	shalt  }
0x53: {  	_ =	shalt  }
0x54: {  	_ =	shalt  }
0x55: {  	_ =	shalt  }
0x56: {  	_ =	shalt  }
0x57: {  	_ =	shalt  }
0x58: {  	_ =	shalt  }
0x59: {  	_ =	shalt  }
0x5a: {  	_ =	shalt  }
0x5b: {  	_ =	shalt  }
0x5c: {  	_ =	shalt  }
0x5d: {  	_ =	shalt  }
0x5e: {  	_ =	shalt  }
0x5f: {  	_ =	shalt  }
0x60: {  	_ =	shalt  }
0x61: {  	_ =	shalt  }
0x62: {  	_ =	shalt  }
0x63: {  	_ =	shalt  }
0x64: {  	_ =	shalt  }
0x65: {  	_ =	shalt  }
0x66: {  	_ =	shalt  }
0x67: {  	_ =	shalt  }
0x68: {  	_ =	shalt  }
0x69: {  	_ =	shalt  }
0x6a: {  	_ =	shalt  }
0x6b: {  	_ =	shalt  }
0x6c: {  	_ =	shalt  }
0x6d: {  	_ =	shalt  }
0x6e: {  	_ =	shalt  }
0x6f: {  	_ =	shalt  }
0x70: {  	_ =	shalt  }
0x71: {  	_ =	shalt  }
0x72: {  	_ =	shalt  }
0x73: {  	_ =	shalt  }
0x74: {  	_ =	shalt  }
0x75: {  	_ =	shalt  }
0x76: {  	_ =	shalt  }
0x77: {  	_ =	shalt  }
0x78: {  	_ =	shalt  }
0x79: {  	_ =	shalt  }
0x7a: {  	_ =	shalt  }
0x7b: {  	_ =	shalt  }
0x7c: {  	_ =	shalt  }
0x7d: {  	_ =	shalt  }
0x7e: {  	_ =	shalt  }
0x7f: {  	_ =	shalt  }
0x80: {  	_ =	shalt  }
0x81: {  	_ =	shalt  }
0x82: {  	_ =	shalt  }
0x83: {  	_ =	shalt  }
0x84: {  	_ =	shalt  }
0x85: {  	_ =	shalt  }
0x86: {  	_ =	shalt  }
0x87: {  	_ =	shalt  }
.Lfunc_end0:
.L_simem_size_0:
called_computation_lowered:
.L_overlay_start_0:
0x88: {  	s2 =	sld [smem:$0x3FD9]  }
0x89: {  	s3 =	sld [smem:$0x3FFE];
	_ =	sdelay $0x1  }
0x8a: {  	s1 =	srdreg.scid  }
0x8b: {  	s0 =	sand.u32 $0x1, s1  }
0x8c: {  	s16 =	sshll.u32 s0, $0xA;
	s2 =	sadd.s32 s3, s2  }
0x8d: {  	s2 =	sadd.s32 s2, s16  }
0x8e: {  	[smem:$0x3FC6] =	sst s2  }
0x8f: {  	_ = 	snop  }
0x90: {  	(tm) =	ssettm $0x1  }
0x91: {  	s17 =	sld [smem:$0x3FFB];
	_ =	sdelay $0x3  }
0x92: {  	_ =	strace s17  }
0x93: {  	s2 =	sld [smem:$0x3FFC];
	_ =	sdelay $0x3  }
0x94: {  	_ =	strace s2  }
0x95: {  	s2 =	sld [smem:$0x3FFD];
	_ =	sdelay $0x3  }
0x96: {  	_ =	strace s2  }
0x97: {  	_ =	strace $0x8FFFFFFF  }
0x98: {  	s18 =	sld [smem:$0x3FDB];
	_ =	sdelay $0x1  }
0x99: {  	s19 =	simm.s32 $_scs_section_size  }
0x9a: {  	s4 =	simm.s32 $_size__tile_overlayer_lowered;
	s5 =	simm.s32 $_tile_overlayer_lowered  }
0x9b: {  	s22 =	simm.s32 $0x1BFF;
	s21 =	sshll.u32 s5, $0x1;
	s2 =	sadd.s32 s19, s18  }
0x9c: {  	s6 =	simm.s32 $0x0;
	s20 =	sshll.u32 s4, $0x1;
	s4 =	sadd.s32 s21, s2  }
0x9d: {  	[timem:s6], [sflag:s22] =	dma.local [hbm:s4], s20  }
0x9e: {  	_ =	swait.ge [sflag:s22], s20  }
0x9f: {  	s3 =	ssub.s32 $0x0, s20;
	[sflag:s22] =	ssyncset.done $0x0  }
0xa0: {  	[sflag:s22] =	ssyncadd.s32 s3;
	_ =	sdelay $0x1  }
0xa1: {  	s23 =	simm.s32 $0x1B8B  }
0xa2: {  	_ =	swait.ge [sflag:s23], $0x1  }
0xa3: {  	[sflag:s23] =	ssyncset.done $0x0  }
0xa4: {  	s25 =	simm.s32 $0x1B8E;
	s24 =	sld [smem:$0x3FFE];
	[sflag:s23] =	ssyncadd.s32 $0xFFFFFFFF  }
0xa5: {  	s26 =	simm.s32 $execute0_lowered;
	[smem:$0x3FD2] =	sst s25  }
0xa6: {  	s4 =	sshll.u32 s26, $0x1;
	_ =	strace $0x80000046;
	[dreg:$0x1] =	wrdreg $0xFFFFFFFF  }
0xa7: {  	s28 =	simm.s32 $_size_execute0_lowered;
	s2 =	sadd.s32 s2, s4;
	[dreg:$0x0] =	wrdreg $0x0  }
0xa8: {  	s4 =	sshll.u32 s28, $0x1;
	[dreg:$0x2] =	wrdreg s2  }
0xa9: {  	[dreg:$0x3] =	wrdreg s4  }
0xaa: {  	[dreg:$0x4] =	wrdreg $0xC0  }
0xab: {  	_ =	task [dreg:s6], $0x5FFFF  }
0xac: {  	[dreg:$0x1] =	wrdreg $0xFFFFFFFF  }
0xad: {  	[dreg:$0x0] =	wrdreg $0x60  }
0xae: {  	[dreg:$0x2] =	wrdreg s24  }
0xaf: {  	[dreg:$0x3] =	wrdreg $0x9  }
0xb0: {  	_ =	task.clear_ibuf [dreg:s6], $0x4FFFF;
	_ =	strace $0x90000046  }
0xb1: {  	s29 =	simm.s32 $0x9;
	_ =	strace $0x80000048  }
0xb2: {  	_ =	swait.ge [sflag:s29], $0x1  }
0xb3: {  	[sflag:s29] =	ssyncadd.s32 $0xFFFFFFFF  }
0xb4: {  	_ =	strace $0x90000048  }
0xb5: {  	_ =	sfence  }
0xb6: {  	s30 =	sld [smem:$0x0];
	_ =	sdelay $0x2  }
0xb7: {  	s31 =	sshll.u32 s1, $0xD;
	s1 =	sshrl.u32 s1, $0x2  }
0xb8: {  	s3 =	sand.u32 $0x4000, s31;
	s1 =	sadd.s32 s1, s30  }
0xb9: {  	s0 =	sor.u32 s3, s0;
	s1 =	sshll.u32 s1, $0x11  }
0xba: {  	s0 =	sor.u32 s1, s0  }
0xbb: {  	s0 =	sadd.s32 $0x8F2B, s0  }
0xbc: {  	[sflag:s0] =	ssyncadd.remote.s32 $0x1  }
0xbd: {  	_ =	sfence.sel $0xFFFF  }
0xbe: {  	[dreg:$0x0] =	wrdreg $0xFFFFFFFF;
	(pc) =	sbr.abs _section_cstart, $3  }
0xbf: {  	[dreg:$0x1] =	wrdreg $0xFFFFFFFF  }
0xc0: {  	_ =	task.clear_ibuf [dreg:s6], $0x2FFFF;
	_ =	strace $0x9FFFFFFF  }
0xc1: {  	(tm) =	ssettm $0x7FFFFFFF  }
tec
execute0_lowered:
.L_overlay_start_1:
0x0: {  	(tag) =	ssettag $0x1  }
0x1: {  	s3 =	rddreg [dreg:$0x0]  }
0x2: {  	s0 =	rddreg [dreg:$0x1];
	s1 =	simm.s32 $0x0;
	s4 =	srdreg.scid  }
0x3: {  	s2 =	stileid.u32;
	s17 =	simm.s32 $0x1;
	s18 =	simm.s32 $0x8000  }
0x4: {  	s19 =	simm.s32 $0x3;
	s20 =	simm.s32 $0xC000;
	s21 =	simm.s32 $0x2  }
0x5: {  	s22 =	simm.s32 $0x0;
	[smem:$0x7FF] =	sst s1;
	s10 =	sadd.s32 $0x1000, s3  }
0x6: {  	s13 =	sadd.s32 $0x41000, s3;
	s4 =	sand.u32 $0x1, s4;
	s6 =	sshll.u32 s2, $0xE  }
0x7: {  	s14 =	sadd.s32 $0x81000, s3;
	s5 =	ssub.s32 $0x2, s4;
	s4 =	sshll.u32 s4, $0xD  }
0x8: {  	_ =	strace $0x80000047;
	s31 =	sshrl.u32 s5, $0x1;
	s8 =	sor.u32 s4, s6  }
0x9: {  	s15 =	ssub.s32 s5, s31;
	s3 =	sadd.s32 s10, s8;
	s9 =	sor.u32 $0x800, s8  }
0xa: {  	s5 =	sadd.s32 s13, s8;
	s12 =	sor.u32 $0x1000, s8;
	s6 =	sadd.s32 s14, s8  }
0xb: {  	s16 =	sor.u32 $0x1800, s8;
	s4 =	sadd.s32 s10, s9;
	s7 =	sadd.s32 s10, s12  }
0xc: {  	s8 =	sadd.s32 s13, s9;
	s9 =	sadd.s32 s14, s9;
	s10 =	sadd.s32 s10, s16  }
0xd: {  	v0 =	vlaneseq.u32;
	vm0 =	vmmov $0xff;
	s11 =	sadd.s32 s13, s12;
	s12 =	sadd.s32 s14, s12;
	s13 =	sadd.s32 s13, s16  }
0xe: {  	v1 =	vor.u32 $0x10, v0;
	v2 =	vor.u32 $0x20, v0;
	v3 =	vor.u32 $0x30, v0;
	s14 =	sadd.s32 s14, s16;
	s15 =	smax.u32 s15, $0x1;
	s16 =	simm.s32 $0x4000  }
.LBB2_1:
0xf: {  	[tilespmem:s1], [sflag:$0x1] =	stream.linear.gather [hbm4b:s3+s1], $0x4000, $0x38;
	[tilespmem:$0x10000] =	vst v63  }
0x10: {  	_ = 	snop  }
0x11: {  	[tilespmem:s16], [sflag:$0x2] =	stream.linear.gather [hbm4b:s4+s1], $0x4000, $0x38;
	[tilespmem:$0x10000] =	vst v63  }
0x12: {  	_ =	swait.ge [sflag:s17], $0x4000  }
0x13: {  	[sflag:s17] =	ssyncset.done $0x0  }
0x14: {  	s23 =	simm.s32 $0x200;
	[sflag:s17] =	ssyncadd.s32 $0xFFFFC000  }
0x15: {  	v4 =	vld [tilespmem:s23+$0x180]  }
0x16: {  	v5 =	vld [tilespmem:s23+$0x190]  }
0x17: {  	v6 =	vld [tilespmem:s23+$0x1A0]  }
0x18: {  	v7 =	vld [tilespmem:s23+$0x1B0];
	_ =	sdelay $0x1  }
0x19: {  	v8 =	vld [tilespmem:s23+$0xFFFFFE10];
	(xrf1) =	vsort.dscd.msk.f32 $0xffff, v4, v0  }
0x1a: {  	v4 =	vld [tilespmem:s23+$0xFFFFFE20];
	(xrf1) =	vsort.ascd.msk.f32 $0xffff, v5, v1  }
0x1b: {  	v5 =	vld [tilespmem:s23+$0xFFFFFE30];
	(xrf1) =	vsort.dscd.msk.f32 $0xffff, v6, v2  }
0x1c: {  	v6 =	vld [tilespmem:s23+$0xFFFFFE80];
	(xrf1) =	vsort.ascd.msk.f32 $0xffff, v7, v3  }
0x1d: {  	v7 =	vld [tilespmem:s23+$0xFFFFFE90]  }
0x1e: {  	v9 =	vld [tilespmem:s23+$0xFFFFFEA0];
	(xrf1) =	vsort.ascd.msk.f32 $0xffff, v8, v1  }
0x1f: {  	v8 =	vld [tilespmem:s23+$0xFFFFFEB0];
	(xrf1) =	vsort.dscd.msk.f32 $0xffff, v4, v2  }
0x20: {  	v4 =	vld [tilespmem:s23+$0xFFFFFF00];
	(xrf1) =	vsort.ascd.msk.f32 $0xffff, v5, v3  }
0x21: {  	v5 =	vld [tilespmem:s23+$0xFFFFFF10];
	(xrf1) =	vsort.dscd.msk.f32 $0xffff, v6, v0  }
0x22: {  	v6 =	vld [tilespmem:s23+$0xFFFFFF20];
	(xrf1) =	vsort.ascd.msk.f32 $0xffff, v7, v1  }
0x23: {  	v7 =	vld [tilespmem:s23+$0xFFFFFF30];
	(xrf1) =	vsort.dscd.msk.f32 $0xffff, v9, v2  }
0x24: {  	v9 =	vld [tilespmem:s23+$0xFFFFFF80];
	(xrf1) =	vsort.ascd.msk.f32 $0xffff, v8, v3  }
0x25: {  	v8 =	vld [tilespmem:s23+$0xFFFFFF90];
	(xrf1) =	vsort.dscd.msk.f32 $0xffff, v4, v0  }
0x26: {  	(xrf1) =	vsort.ascd.msk.f32 $0xffff, v5, v1  }
0x27: {  	(xrf1) =	vsort.dscd.msk.f32 $0xffff, v6, v2;
	v4, v5, _ =	vpop (xrf1)  }
0x28: {  	(xrf1) =	vsort.ascd.msk.f32 $0xffff, v7, v3;
	v6, v7, _ =	vpop (xrf1)  }
0x29: {  	(xrf1) =	vsort.dscd.msk.f32 $0xffff, v9, v0;
	v9, v11, _ =	vpop (xrf1)  }
0x2a: {  	v10 =	vld [tilespmem:s23+$0xFFFFFFA0];
	vm1 =	vge.f32 v4, v6;
	(xrf1) =	vsort.ascd.msk.f32 $0xffff, v8, v1;
	v8, v13, _ =	vpop (xrf1)  }
0x2b: {  	v12 =	vld [tilespmem:s23+$0xFFFFFFB0];
	v5 =	vsel vm1, v5, v7;
	vm1 =	vge.f32 v9, v8  }
0x2c: {  	v14 =	vld [tilespmem:s23+$0x0];
	v4 =	vmax.f32 v4, v6;
	v7 =	vmax.f32 v9, v8;
	v8 =	vsel vm1, v11, v13  }
0x2d: {  	v6 =	vld [tilespmem:s23+$0x10];
	(xrf1) =	vsort.dscd.msk.f32 $0xffff, v4, v5  }
0x2e: {  	v4 =	vld [tilespmem:s23+$0x20];
	v5, v9, _ =	vpop (xrf1);
	(xrf1) =	vsort.ascd.msk.f32 $0xffff, v7, v8  }
0x2f: {  	v7 =	vld [tilespmem:s23+$0x30];
	(xrf1) =	vsort.dscd.msk.f32 $0xffff, v10, v2;
	v8, v11, _ =	vpop (xrf1)  }
0x30: {  	v10 =	vld [tilespmem:s23+$0x80];
	v13, v15, _ =	vpop (xrf1);
	(xrf1) =	vsort.ascd.msk.f32 $0xffff, v12, v3  }
0x31: {  	v12 =	vld [tilespmem:s23+$0x90];
	v16, v17, _ =	vpop (xrf1);
	(xrf1) =	vsort.dscd.msk.f32 $0xffff, v14, v0  }
0x32: {  	v14 =	vld [tilespmem:s23+$0xA0];
	v18, v19, _ =	vpop (xrf1);
	(xrf1) =	vsort.ascd.msk.f32 $0xffff, v6, v1  }
0x33: {  	v6 =	vld [tilespmem:s23+$0xB0];
	v20, v21, _ =	vpop (xrf1);
	(xrf1) =	vsort.dscd.msk.f32 $0xffff, v4, v2  }
0x34: {  	v23 =	vld [tilespmem:s23+$0xFFFFFE00];
	v4, v22, _ =	vpop (xrf1);
	(xrf1) =	vsort.ascd.msk.f32 $0xffff, v7, v3  }
0x35: {  	v7 =	vld [tilespmem:s23+$0x100];
	v24, v25, _ =	vpop (xrf1);
	(xrf1) =	vsort.dscd.msk.f32 $0xffff, v10, v0  }
0x36: {  	v10 =	vld [tilespmem:s23+$0x110];
	v26, v27, _ =	vpop (xrf1);
	(xrf1) =	vsort.ascd.msk.f32 $0xffff, v12, v1  }
0x37: {  	v12 =	vld [tilespmem:s23+$0x120];
	v28, v29, _ =	vpop (xrf1);
	(xrf1) =	vsort.dscd.msk.f32 $0xffff, v14, v2  }
0x38: {  	v30, v31, _ =	vpop (xrf1);
	(xrf1) =	vsort.ascd.msk.f32 $0xffff, v6, v3  }
0x39: {  	v14 =	vld [tilespmem:s23+$0x130];
	v6, v32, _ =	vpop (xrf1);
	(xrf1) =	vsort.dscd.msk.f32 $0xffff, v23, v0  }
0x3a: {  	v23, v33, _ =	vpop (xrf1);
	(xrf1) =	vsort.dscd.msk.f32 $0xffff, v7, v0  }
0x3b: {  	(xrf1) =	vsort.ascd.msk.f32 $0xffff, v10, v1;
	v7, v10, _ =	vpop (xrf1)  }
0x3c: {  	vm1 =	vge.f32 v8, v13;
	v8 =	vmax.f32 v8, v13;
	(xrf1) =	vsort.dscd.msk.f32 $0xffff, v12, v2;
	v12, v13, _ =	vpop (xrf1)  }
0x3d: {  	v11 =	vsel vm1, v11, v15;
	vm2 =	vge.f32 v7, v12  }
0x3e: {  	vm1 =	vge.f32 v16, v18;
	(xrf1) =	vsort.ascd.msk.f32 $0xffff, v14, v3;
	v10 =	vsel vm2, v10, v13  }
0x3f: {  	v14, v15, _ =	vpop (xrf1);
	v7 =	vmax.f32 v7, v12;
	(xrf1) =	vsort.ascd.msk.f32 $0xffff, v8, v11;
	v11 =	vsel vm1, v17, v19  }
0x40: {  	v8 =	vmax.f32 v16, v18;
	vm1 =	vge.f32 v20, v4  }
0x41: {  	v12, v13, _ =	vpop (xrf1);
	v4 =	vmax.f32 v20, v4;
	vm2 =	vge.f32 v24, v26;
	v16 =	vsel vm1, v21, v22  }
0x42: {  	(xrf1) =	vsort.dscd.msk.f32 $0xffff, v7, v10;
	v18 =	vsel vm2, v25, v27;
	vm1 =	vge.f32 v28, v30;
	v7, v10, _ =	vpop (xrf1)  }
0x43: {  	v17 =	vmax.f32 v24, v26;
	v22 =	vsel vm1, v29, v31;
	(xrf1) =	vsort.dscd.msk.f32 $0xffff, v8, v11;
	v8, v11, _ =	vpop (xrf1)  }
0x44: {  	v21 =	vmax.f32 v28, v30;
	vm1 =	vge.f32 v6, v23;
	v19, v20, _ =	vpop (xrf1)  }
0x45: {  	v6 =	vmax.f32 v6, v23;
	v23 =	vsel vm1, v32, v33;
	(xrf1) =	vsort.ascd.msk.f32 $0xffff, v4, v16;
	v4, v16, _ =	vpop (xrf1)  }
0x46: {  	vm1 =	vge.f32 v14, v12;
	v12 =	vmax.f32 v14, v12;
	(xrf1) =	vsort.dscd.msk.f32 $0xffff, v17, v18;
	v17, v18, _ =	vpop (xrf1)  }
0x47: {  	(xrf1) =	vsort.ascd.msk.f32 $0xffff, v21, v22;
	v21, v22, _ =	vpop (xrf1)  }
0x48: {  	v13 =	vsel vm1, v15, v13;
	vm1 =	vge.f32 v7, v8;
	(xrf1) =	vsort.dscd.msk.f32 $0xffff, v6, v23;
	v6, v14, _ =	vpop (xrf1)  }
0x49: {  	v7 =	vmax.f32 v7, v8;
	v10 =	vsel vm1, v10, v11;
	v8, v15, _ =	vpop (xrf1)  }
0x4a: {  	vm1 =	vge.f32 v19, v4;
	(xrf1) =	vsort.ascd.msk.f32 $0xffff, v12, v13;
	v11, v12, _ =	vpop (xrf1)  }
0x4b: {  	v13 =	vsel vm1, v20, v16;
	vm2 =	vge.f32 v11, v5  }
0x4c: {  	(xrf1) =	vsort.dscd.msk.f32 $0xffff, v7, v10;
	v9 =	vsel vm2, v12, v9  }
0x4d: {  	v4 =	vmax.f32 v19, v4;
	v7, v10, _ =	vpop (xrf1);
	v5 =	vmax.f32 v11, v5  }
0x4e: {  	vm1 =	vge.f32 v17, v21;
	(xrf1) =	vsort.ascd.msk.f32 $0xffff, v4, v13;
	v13, v16, _ =	vpop (xrf1);
	v4 =	vmax.f32 v17, v21  }
0x4f: {  	v17 =	vsel vm1, v18, v22;
	vm1 =	vge.f32 v6, v8;
	v6 =	vmax.f32 v6, v8;
	v11, v12, _ =	vpop (xrf1)  }
0x50: {  	(xrf1) =	vsort.dscd.msk.f32 $0xffff, v5, v9;
	v8 =	vsel vm1, v14, v15;
	vm1 =	vge.f32 v7, v13;
	v5, v9, _ =	vpop (xrf1)  }
0x51: {  	v10 =	vsel vm1, v10, v16;
	(xrf1) =	vsort.dscd.msk.f32 $0xffff, v4, v17;
	v14, v15, _ =	vpop (xrf1);
	vm1 =	vge.f32 v11, v5  }
0x52: {  	v7 =	vmax.f32 v7, v13;
	(xrf1) =	vsort.ascd.msk.f32 $0xffff, v6, v8;
	v6, v4, _ =	vpop (xrf1);
	v9 =	vsel vm1, v12, v9  }
0x53: {  	v5 =	vmax.f32 v11, v5;
	(xrf0) =	vmax.scan.msk.f32 $0xffff, v6;
	v8, v17, _ =	vpop (xrf1)  }
0x54: {  	v13, v16, _ =	vpop (xrf1)  }
0x55: {  	(xrf1) =	vsort.dscd.msk.f32 $0xffff, v7, v10;
	v7, v10, _ =	vpop (xrf1)  }
0x56: {  	(xrf1) =	vsort.ascd.msk.f32 $0xffff, v5, v9;
	vm1 =	vge.f32 v8, v13;
	v8 =	vmax.f32 v8, v13;
	v5, v9, _ =	vpop (xrf1)  }
0x57: {  	v11 =	vsel vm1, v17, v16;
	vm1 =	vge.f32 v7, v5  }
0x58: {  	v12, v13, _ =	vpop (xrf1);
	v5 =	vmax.f32 v7, v5;
	v7 =	vsel vm1, v10, v9  }
0x59: {  	(xrf1) =	vsort.dscd.msk.f32 $0xffff, v8, v11;
	v8, _, _ =	vpop (xrf0)  }
0x5a: {  	v9, v10, _ =	vpop (xrf1);
	(xrf1) =	vsort.dscd.msk.f32 $0xffff, v5, v7;
	v5 =	vbroadcast v8, $0xF  }
0x5b: {  	v7, v8, _ =	vpop (xrf1)  }
0x5c: {  	vm1 =	vge.f32 v12, v9;
	v5 =	vsub.f32 v6, v5;
	v6, v11, _ =	vpop (xrf1)  }
0x5d: {  	v9 =	vmax.f32 v12, v9;
	v10 =	vsel vm1, v13, v10;
	vm1 =	vge.f32 v7, v6  }
0x5e: {  	v6 =	vmax.f32 v7, v6;
	v7 =	vsel vm1, v8, v11;
	_ =	sdelay $0x2  }
0x5f: {  	(xrf1) =	vsort.dscd.msk.f32 $0xffff, v9, v10;
	v5 =	vmul.f32 $1.442695020e+00, v5;
	v8, v9, _ =	vpop (xrf1)  }
0x60: {  	(xrf1) =	vsort.dscd.msk.f32 $0xffff, v6, v7;
	vm1 =	vge.f32 v8, v14;
	v6, v7, _ =	vpop (xrf1)  }
0x61: {  	(erf) = vpow2.f32 v5;
	v5 =	vmax.f32 v8, v14;
	v8 =	vsel vm1, v9, v15;
	v9, v10, _ =	vpop (xrf1)  }
0x62: {  	vm1 =	vge.f32 v6, v9  }
0x63: {  	(xrf1) =	vsort.dscd.msk.f32 $0xffff, v5, v8;
	v5 =	vmax.f32 v6, v9;
	v6 =	vsel vm1, v7, v10;
	_ =	sdelay $0x2  }
0x64: {  	v7, v8, _ =	vpop (xrf1)  }
0x65: {  	(xrf1) =	vsort.dscd.msk.f32 $0xffff, v5, v6;
	v5, v6, _ =	vpop (xrf1)  }
0x66: {  	vm1 =	vge.f32 v7, v5  }
0x67: {  	v5 =	vmax.f32 v7, v5;
	v6 =	vsel vm1, v8, v6  }
0x68: {  	(xrf1) =	vsort.dscd.msk.f32 $0xffff, v5, v6;
	_ =	sdelay $0x1  }
0x69: {  	[tilespmem:$0x1FF90] =	vst v4;
	v11, v4, _ =	vpop (xrf1)  }
0x6a: {  	v8 =	vpop (erf)  }
0x6b: {  	(xrf0) =	vmax.scan.msk.f32 $0xffff, v11;
	v6 =	vnsel vm0, $0x0, v8  }
0x6c: {  	[tilespmem:$0x1FFA0] =	vst v4;
	v5, v4, _ =	vpop (xrf1);
	(xrf2) =	vadd.scan.msk.f32 $0xffff, v6  }
0x6d: {  	[tilespmem:$0x1FFB0] =	vst v4;
	(xrf0) =	vmax.scan.msk.f32 $0xffff, v5;
	v13, v4, _ =	vpop (xrf1)  }
0x6e: {  	(xrf0) =	vmax.scan.msk.f32 $0xffff, v13  }
0x6f: {  	[tilespmem:$0x1FFC0] =	vst v4;
	v14, v4, _ =	vpop (xrf1)  }
0x70: {  	(xrf0) =	vmax.scan.msk.f32 $0xffff, v14;
	v17, v16, _ =	vpop (xrf1)  }
0x71: {  	v15, _, _ =	vpop (xrf0)  }
0x72: {  	[tilespmem:$0x1FFD0] =	vst v4;
	v19, v4, _ =	vpop (xrf1)  }
0x73: {  	s30 =	simm.s32 $0x600;
	v15 =	vbroadcast v15, $0xF;
	v18, _, _ =	vpop (xrf0);
	[tilespmem:$0x1FFE0] =	vst v4  }
0x74: {  	v20, _, _ =	vpop (xrf0);
	v21 =	vld [tilespmem:s30+$0x180]  }
0x75: {  	v11 =	vsub.f32 v11, v15;
	v22 =	vld [tilespmem:s30+$0x190];
	v15 =	vbroadcast v20, $0xF;
	v20, v4, _ =	vpop (xrf1)  }
0x76: {  	v18 =	vbroadcast v18, $0xF;
	v23, _, _ =	vpop (xrf0);
	v24 =	vld [tilespmem:s30+$0x1A0];
	[tilespmem:$0x1FFF0] =	vst v4  }
0x77: {  	v25, _, _ =	vpop (xrf2);
	v26 =	vld [tilespmem:s30+$0x1B0]  }
0x78: {  	v18 =	vsub.f32 v5, v18;
	v23 =	vbroadcast v23, $0xF;
	(v2sf) =	vpush v25, $0xF  }
0x79: {  	v11 =	vmul.f32 $1.442695020e+00, v11;
	v13 =	vsub.f32 v13, v15;
	(xrf1) =	vsort.dscd.msk.f32 $0xffff, v21, v0;
	v15 =	vld [tilespmem:s30+$0xFFFFFE10]  }
0x7a: {  	v18 =	vmul.f32 $1.442695020e+00, v18;
	v14 =	vsub.f32 v14, v23;
	v23 =	vld [tilespmem:s30+$0xFFFFFE20];
	(xrf1) =	vsort.ascd.msk.f32 $0xffff, v22, v1  }
0x7b: {  	(erf) = vpow2.f32 v11;
	v11 =	vmul.f32 $1.442695020e+00, v13;
	v13 =	vld [tilespmem:s30+$0xFFFFFE30];
	(xrf1) =	vsort.dscd.msk.f32 $0xffff, v24, v2  }
0x7c: {  	(erf) = vpow2.f32 v18;
	v18 =	vld [tilespmem:s30+$0xFFFFFE80];
	(xrf1) =	vsort.ascd.msk.f32 $0xffff, v26, v3  }
0x7d: {  	(xrf0) =	vmax.scan.msk.f32 $0xffff, v17;
	v14 =	vmul.f32 $1.442695020e+00, v14;
	(erf) = vpow2.f32 v11;
	v11 =	vld [tilespmem:s30+$0xFFFFFE90]  }
0x7e: {  	v24 =	vld [tilespmem:s30+$0xFFFFFEA0];
	(xrf1) =	vsort.ascd.msk.f32 $0xffff, v15, v1  }
0x7f: {  	(erf) = vpow2.f32 v14;
	v14 =	vld [tilespmem:s30+$0xFFFFFEB0];
	(xrf1) =	vsort.dscd.msk.f32 $0xffff, v23, v2  }
0x80: {  	v15 =	vld [tilespmem:s30+$0xFFFFFF00];
	(xrf1) =	vsort.ascd.msk.f32 $0xffff, v13, v3  }
0x81: {  	(xrf1) =	vsort.dscd.msk.f32 $0xffff, v18, v0;
	v18 =	vld [tilespmem:s30+$0xFFFFFF10]  }
0x82: {  	v25 =	vld [tilespmem:s30+$0xFFFFFF20];
	(xrf1) =	vsort.ascd.msk.f32 $0xffff, v11, v1  }
0x83: {  	(xrf1) =	vsort.dscd.msk.f32 $0xffff, v24, v2;
	v24 =	vld [tilespmem:s30+$0xFFFFFF30]  }
0x84: {  	v12 =	vpop (erf);
	v26 =	vld [tilespmem:s30+$0xFFFFFF80];
	(xrf1) =	vsort.ascd.msk.f32 $0xffff, v14, v3  }
0x85: {  	v27 =	vld [tilespmem:s30+$0xFFFFFF90];
	v23, _, _ =	vpop (xrf0);
	(xrf1) =	vsort.dscd.msk.f32 $0xffff, v15, v0  }
0x86: {  	v13 =	vpop (erf);
	(xrf1) =	vsort.ascd.msk.f32 $0xffff, v18, v1  }
0x87: {  	s24 =	spop (v2sf);
	(xrf1) =	vsort.dscd.msk.f32 $0xffff, v25, v2;
	v18, v25, _ =	vpop (xrf1)  }
0x88: {  	v23 =	vbroadcast v23, $0xF;
	s24 =	sadd.f32 $9.999999680e-21, s24;
	(xrf1) =	vsort.ascd.msk.f32 $0xffff, v24, v3;
	v24, v28, _ =	vpop (xrf1)  }
0x89: {  	(xrf1) =	vsort.dscd.msk.f32 $0xffff, v26, v0;
	v26, v30, _ =	vpop (xrf1)  }
0x8a: {  	v29 =	vld [tilespmem:s30+$0xFFFFFFA0];
	v17 =	vsub.f32 v17, v23;
	v31 =	vmov s24;
	vm1 =	vge.f32 v18, v24;
	(xrf1) =	vsort.ascd.msk.f32 $0xffff, v27, v1;
	v27, v55, _ =	vpop (xrf1)  }
0x8b: {  	v23 =	vld [tilespmem:s30+$0xFFFFFFB0];
	v14 =	vpop (erf);
	v18 =	vmax.f32 v18, v24;
	v24 =	vsel vm1, v25, v28;
	vm1 =	vge.f32 v26, v27  }
0x8c: {  	(erf) = vrcp.f32 v31;
	v31 =	vld [tilespmem:s30+$0x0];
	v25, v56, _ =	vpop (xrf1);
	v26 =	vmax.f32 v26, v27;
	v27 =	vsel vm1, v30, v55  }
0x8d: {  	v28 =	vld [tilespmem:s30+$0x10];
	(xrf1) =	vsort.dscd.msk.f32 $0xffff, v18, v24;
	v30, v32, _ =	vpop (xrf1)  }
0x8e: {  	v18 =	vld [tilespmem:s30+$0x20];
	v24, v34, _ =	vpop (xrf1);
	(xrf1) =	vsort.ascd.msk.f32 $0xffff, v26, v27  }
0x8f: {  	v26 =	vld [tilespmem:s30+$0x30];
	v27, v35, _ =	vpop (xrf1);
	(xrf1) =	vsort.dscd.msk.f32 $0xffff, v29, v2  }
0x90: {  	v17 =	vmul.f32 $1.442695020e+00, v17;
	v15 =	vpop (erf);
	v29 =	vld [tilespmem:s30+$0x80];
	(xrf1) =	vsort.ascd.msk.f32 $0xffff, v23, v3  }
0x91: {  	v36, v37, _ =	vpop (xrf1);
	v23 =	vld [tilespmem:s30+$0x90];
	(xrf1) =	vsort.dscd.msk.f32 $0xffff, v31, v0  }
0x92: {  	(erf) = vpow2.f32 v17;
	v17 =	vld [tilespmem:s30+$0xA0];
	v38, v39, _ =	vpop (xrf1);
	(xrf1) =	vsort.ascd.msk.f32 $0xffff, v28, v1  }
0x93: {  	v41 =	vld [tilespmem:s30+$0xB0];
	v31, v40, _ =	vpop (xrf1);
	(xrf1) =	vsort.dscd.msk.f32 $0xffff, v18, v2  }
0x94: {  	v42, v43, _ =	vpop (xrf1);
	v18 =	vld [tilespmem:s30+$0xFFFFFE00];
	(xrf1) =	vsort.ascd.msk.f32 $0xffff, v26, v3  }
0x95: {  	v26 =	vld [tilespmem:s30+$0x100];
	v44, v45, _ =	vpop (xrf1);
	(xrf1) =	vsort.dscd.msk.f32 $0xffff, v29, v0  }
0x96: {  	v29 =	vld [tilespmem:s30+$0x110];
	v46, v47, _ =	vpop (xrf1);
	(xrf1) =	vsort.ascd.msk.f32 $0xffff, v23, v1  }
0x97: {  	v23 =	vld [tilespmem:s30+$0x120];
	v48, v49, _ =	vpop (xrf1);
	(xrf1) =	vsort.dscd.msk.f32 $0xffff, v17, v2  }
0x98: {  	v50 =	vld [tilespmem:s30+$0x130];
	vm1 =	vge.f32 v30, v24;
	v24 =	vmax.f32 v30, v24;
	v51, v52, _ =	vpop (xrf1);
	(xrf1) =	vsort.ascd.msk.f32 $0xffff, v41, v3  }
0x99: {  	v32 =	vsel vm1, v32, v34;
	vm1 =	vge.f32 v27, v36;
	(xrf1) =	vsort.dscd.msk.f32 $0xffff, v18, v0  }
0x9a: {  	v62 =	vmax.f32 v42, v44;
	v18, v30, _ =	vpop (xrf1);
	(xrf1) =	vsort.dscd.msk.f32 $0xffff, v26, v0;
	v26 =	vmax.f32 v27, v36  }
0x9b: {  	v27 =	vsel vm1, v35, v37;
	vm1 =	vge.f32 v38, v31;
	(xrf1) =	vsort.ascd.msk.f32 $0xffff, v29, v1;
	v29, v57, _ =	vpop (xrf1)  }
0x9c: {  	v31 =	vmax.f32 v38, v31;
	v59 =	vsel vm1, v39, v40;
	(xrf1) =	vsort.dscd.msk.f32 $0xffff, v23, v2;
	v23, v58, _ =	vpop (xrf1)  }
0x9d: {  	vm1 =	vge.f32 v29, v23;
	(xrf1) =	vsort.ascd.msk.f32 $0xffff, v50, v3;
	v23 =	vmax.f32 v29, v23  }
0x9e: {  	v60, v61, _ =	vpop (xrf1);
	v29 =	vsel vm1, v57, v58;
	(xrf1) =	vsort.ascd.msk.f32 $0xffff, v24, v32;
	vm1 =	vge.f32 v42, v44  }
0x9f: {  	v24, v32, _ =	vpop (xrf1);
	(xrf1) =	vsort.dscd.msk.f32 $0xffff, v23, v29;
	v23 =	vsel vm1, v43, v45;
	vm1 =	vge.f32 v46, v48  }
0xa0: {  	(xrf0) =	vmax.scan.msk.f32 $0xffff, v19;
	v44, v63, _ =	vpop (xrf1);
	v29 =	vmax.f32 v46, v48;
	v49 =	vsel vm1, v47, v49;
	vm1 =	vge.f32 v51, v18  }
0xa1: {  	(xrf1) =	vsort.dscd.msk.f32 $0xffff, v26, v27;
	v26, v27, _ =	vpop (xrf1);
	v30 =	vsel vm1, v52, v30;
	vm1 =	vge.f32 v60, v24  }
0xa2: {  	v18 =	vmax.f32 v51, v18;
	(xrf1) =	vsort.ascd.msk.f32 $0xffff, v31, v59;
	v31, v36, _ =	vpop (xrf1);
	v32 =	vsel vm1, v61, v32  }
0xa3: {  	v24 =	vmax.f32 v60, v24;
	(xrf1) =	vsort.dscd.msk.f32 $0xffff, v62, v23;
	v23, v34, _ =	vpop (xrf1)  }
0xa4: {  	(xrf1) =	vsort.ascd.msk.f32 $0xffff, v29, v49;
	v29, v40, _ =	vpop (xrf1)  }
0xa5: {  	(xrf1) =	vsort.dscd.msk.f32 $0xffff, v18, v30;
	v18, v30, _ =	vpop (xrf1)  }
0xa6: {  	vm1 =	vge.f32 v44, v26;
	v26 =	vmax.f32 v44, v26;
	(xrf1) =	vsort.ascd.msk.f32 $0xffff, v24, v32;
	v24, v32, _ =	vpop (xrf1)  }
0xa7: {  	(xrf0) =	vmax.scan.msk.f32 $0xffff, v20;
	v27 =	vsel vm1, v63, v27;
	vm1 =	vge.f32 v31, v23;
	v23 =	vmax.f32 v31, v23;
	v31, v50, _ =	vpop (xrf1)  }
0xa8: {  	v34 =	vsel vm1, v36, v34;
	vm1 =	vge.f32 v29, v18;
	v18 =	vmax.f32 v29, v18;
	v29, v51, _ =	vpop (xrf1)  }
0xa9: {  	v30 =	vsel vm1, v40, v30;
	vm1 =	vge.f32 v29, v25  }
0xaa: {  	v21, _, _ =	vpop (xrf0);
	(xrf1) =	vsort.dscd.msk.f32 $0xffff, v26, v27;
	v25 =	vmax.f32 v29, v25;
	v29 =	vsel vm1, v51, v56  }
0xab: {  	v26, v27, _ =	vpop (xrf1);
	(xrf1) =	vsort.ascd.msk.f32 $0xffff, v23, v34;
	vm1 =	vge.f32 v24, v31  }
0xac: {  	v23, v52, _ =	vpop (xrf1);
	v24 =	vmax.f32 v24, v31;
	(xrf1) =	vsort.dscd.msk.f32 $0xffff, v25, v29;
	v31 =	vsel vm1, v32, v50  }
0xad: {  	v22, _, _ =	vpop (xrf0);
	vm1 =	vge.f32 v26, v23;
	(xrf1) =	vsort.dscd.msk.f32 $0xffff, v18, v30;
	v18 =	vmax.f32 v26, v23  }
0xae: {  	v23 =	vsel vm1, v27, v52;
	v25, v29, _ =	vpop (xrf1)  }
0xaf: {  	v30, v53, _ =	vpop (xrf1)  }
0xb0: {  	(xrf1) =	vsort.ascd.msk.f32 $0xffff, v24, v31;
	v26, v27, _ =	vpop (xrf1);
	vm1 =	vge.f32 v25, v30  }
0xb1: {  	(xrf1) =	vsort.dscd.msk.f32 $0xffff, v18, v23;
	v24 =	vmax.f32 v25, v30;
	v23, v18, _ =	vpop (xrf1);
	v25 =	vsel vm1, v29, v53  }
0xb2: {  	v21 =	vbroadcast v21, $0xF;
	v22 =	vbroadcast v22, $0xF;
	v29, v30, _ =	vpop (xrf1)  }
0xb3: {  	v31, v54, _ =	vpop (xrf1)  }
0xb4: {  	v19 =	vsub.f32 v19, v21;
	(xrf0) =	vmax.scan.msk.f32 $0xffff, v23;
	vm1 =	vge.f32 v29, v31;
	v21 =	vmax.f32 v29, v31  }
0xb5: {  	(xrf1) =	vsort.ascd.msk.f32 $0xffff, v24, v25;
	v24, v25, _ =	vpop (xrf1);
	v29 =	vsel vm1, v30, v54  }
0xb6: {  	v20 =	vsub.f32 v20, v22;
	v30, v31, _ =	vpop (xrf1)  }
0xb7: {  	v19 =	vmul.f32 $1.442695020e+00, v19;
	(xrf1) =	vsort.dscd.msk.f32 $0xffff, v21, v29;
	v21, v22, _ =	vpop (xrf1)  }
0xb8: {  	v20 =	vmul.f32 $1.442695020e+00, v20;
	vm1 =	vge.f32 v24, v30;
	v24 =	vmax.f32 v24, v30;
	v29, v30, _ =	vpop (xrf1)  }
0xb9: {  	(erf) = vpow2.f32 v19;
	v25 =	vsel vm1, v25, v31;
	vm1 =	vge.f32 v21, v29  }
0xba: {  	v28 =	vpop (erf);
	(erf) = vpow2.f32 v20;
	v20 =	vmax.f32 v21, v29;
	v21 =	vsel vm1, v22, v30  }
0xbb: {  	(xrf1) =	vsort.dscd.msk.f32 $0xffff, v24, v25;
	v24, _, _ =	vpop (xrf0);
	_ =	sdelay $0x1  }
0xbc: {  	v19 =	vbroadcast v24, $0xF;
	v22, v24, _ =	vpop (xrf1)  }
0xbd: {  	(xrf1) =	vsort.dscd.msk.f32 $0xffff, v20, v21;
	v20, v21, _ =	vpop (xrf1)  }
0xbe: {  	vm1 =	vge.f32 v22, v20  }
0xbf: {  	v17 =	vpop (erf);
	v21 =	vsel vm1, v24, v21  }
0xc0: {  	v31 =	vnsel vm0, $0x0, v17;
	v19 =	vsub.f32 v23, v19;
	v20 =	vmax.f32 v22, v20  }
0xc1: {  	(xrf2) =	vadd.scan.msk.f32 $0xffff, v31;
	v23 =	vnsel vm0, $0x0, v12;
	v22, v25, _ =	vpop (xrf1)  }
0xc2: {  	(xrf2) =	vadd.scan.msk.f32 $0xffff, v23;
	v19 =	vmul.f32 $1.442695020e+00, v19;
	vm2 =	vge.f32 v22, v26;
	v24, v29, _ =	vpop (xrf1)  }
0xc3: {  	v23 =	vsel vm2, v25, v27;
	(xrf1) =	vsort.dscd.msk.f32 $0xffff, v20, v21;
	v20, v21, _ =	vpop (xrf1)  }
0xc4: {  	(erf) = vpow2.f32 v19;
	vm1 =	vge.f32 v24, v20  }
0xc5: {  	v21 =	vsel vm1, v29, v21  }
0xc6: {  	v22 =	vmax.f32 v22, v26  }
0xc7: {  	(xrf1) =	vsort.dscd.msk.f32 $0xffff, v22, v23;
	v19 =	vmax.f32 v24, v20;
	v20, v23, _ =	vpop (xrf1)  }
0xc8: {  	v25 =	vnsel vm0, $0x0, v13;
	(xrf1) =	vsort.dscd.msk.f32 $0xffff, v19, v21;
	v21, v24, _ =	vpop (xrf1)  }
0xc9: {  	v22 =	vpop (erf);
	vm1 =	vge.f32 v20, v21  }
0xca: {  	(xrf2) =	vadd.scan.msk.f32 $0xffff, v25;
	v20 =	vmax.f32 v20, v21;
	v21 =	vsel vm1, v23, v24;
	v24, v23, _ =	vpop (xrf1)  }
0xcb: {  	v25, _, _ =	vpop (xrf2);
	(xrf0) =	vmax.scan.msk.f32 $0xffff, v24  }
0xcc: {  	v19 =	vpop (erf);
	(xrf1) =	vsort.dscd.msk.f32 $0xffff, v20, v21;
	v21 =	vnsel vm0, $0x0, v14  }
0xcd: {  	v29 =	vpop (erf)  }
0xce: {  	(v2sf) =	vpush v25, $0xF;
	v30, _, _ =	vpop (xrf2);
	v25 =	vnsel vm0, $0x0, v29  }
0xcf: {  	(xrf2) =	vadd.scan.msk.f32 $0xffff, v21;
	v26, v20, _ =	vpop (xrf1)  }
0xd0: {  	(xrf0) =	vmax.scan.msk.f32 $0xffff, v26;
	v31, v21, _ =	vpop (xrf1)  }
0xd1: {  	s31 =	simm.s32 $0xA00;
	(xrf2) =	vadd.scan.msk.f32 $0xffff, v25;
	v25, _, _ =	vpop (xrf0)  }
0xd2: {  	v62 =	vld [tilespmem:s31+$0x180];
	(xrf0) =	vmax.scan.msk.f32 $0xffff, v31  }
0xd3: {  	v46 =	vld [tilespmem:s31+$0x190];
	v56 =	vbroadcast v25, $0xF;
	v57, v25, _ =	vpop (xrf1)  }
0xd4: {  	v49 =	vld [tilespmem:s31+$0x1A0];
	(xrf0) =	vmax.scan.msk.f32 $0xffff, v57  }
0xd5: {  	v52 =	vld [tilespmem:s31+$0x1B0]  }
0xd6: {  	v53 =	vld [tilespmem:s31+$0xFFFFFE10];
	v58, _, _ =	vpop (xrf0)  }
0xd7: {  	v54 =	vld [tilespmem:s31+$0xFFFFFE20];
	(v2sf) =	vpush v30, $0xF;
	v55, _, _ =	vpop (xrf2);
	(xrf1) =	vsort.dscd.msk.f32 $0xffff, v62, v0;
	v34 =	vbroadcast v58, $0xF  }
0xd8: {  	(v2sf) =	vpush v55, $0xF;
	v55 =	vld [tilespmem:s31+$0xFFFFFE30];
	(xrf1) =	vsort.ascd.msk.f32 $0xffff, v46, v1;
	v33 =	vsub.f32 v24, v56;
	v61, _, _ =	vpop (xrf0)  }
0xd9: {  	(xrf1) =	vsort.dscd.msk.f32 $0xffff, v49, v2;
	v30 =	vsub.f32 v26, v34;
	v45 =	vbroadcast v61, $0xF  }
0xda: {  	(xrf1) =	vsort.ascd.msk.f32 $0xffff, v52, v3;
	v33 =	vmul.f32 $1.442695020e+00, v33;
	v47, _, _ =	vpop (xrf0)  }
0xdb: {  	(xrf1) =	vsort.ascd.msk.f32 $0xffff, v53, v1;
	v30 =	vmul.f32 $1.442695020e+00, v30;
	v31 =	vsub.f32 v31, v45;
	v51 =	vbroadcast v47, $0xF  }
0xdc: {  	(xrf1) =	vsort.dscd.msk.f32 $0xffff, v54, v2;
	v39, v27, _ =	vpop (xrf1);
	(erf) = vpow2.f32 v33  }
0xdd: {  	(xrf1) =	vsort.ascd.msk.f32 $0xffff, v55, v3;
	v60, _, _ =	vpop (xrf2);
	(erf) = vpow2.f32 v30;
	v30 =	vmul.f32 $1.442695020e+00, v31;
	v31 =	vsub.f32 v57, v51;
	v57 =	vld [tilespmem:s31+$0xFFFFFE80]  }
0xde: {  	v59 =	vnsel vm0, $0x0, v15;
	(xrf0) =	vmax.scan.msk.f32 $0xffff, v39;
	(v2sf) =	vpush v60, $0xF;
	v50, _, _ =	vpop (xrf2);
	v60 =	vld [tilespmem:s31+$0xFFFFFE90]  }
0xdf: {  	v41, v24, _ =	vpop (xrf1);
	(xrf2) =	vadd.scan.msk.f32 $0xffff, v59;
	(v2sf) =	vpush v50, $0xF  }
0xe0: {  	v63 =	vnsel vm0, $0x0, v22;
	(xrf0) =	vmax.scan.msk.f32 $0xffff, v41;
	v61 =	vld [tilespmem:s31+$0xFFFFFEA0]  }
0xe1: {  	v62 =	vld [tilespmem:s31+$0xFFFFFEB0];
	(xrf2) =	vadd.scan.msk.f32 $0xffff, v63  }
0xe2: {  	s26 =	spop (v2sf);
	v63 =	vld [tilespmem:s31+$0xFFFFFF00];
	(xrf1) =	vsort.dscd.msk.f32 $0xffff, v57, v0  }
0xe3: {  	v52 =	vld [tilespmem:s31+$0xFFFFFF10];
	s24 =	sadd.f32 $9.999999680e-21, s26;
	v34, v26, _ =	vpop (xrf1);
	(xrf1) =	vsort.ascd.msk.f32 $0xffff, v60, v1  }
0xe4: {  	v53 =	vld [tilespmem:s31+$0xFFFFFF20]  }
0xe5: {  	v54 =	vld [tilespmem:s31+$0xFFFFFF30];
	v56 =	vmov s24;
	(xrf1) =	vsort.dscd.msk.f32 $0xffff, v61, v2  }
0xe6: {  	v55 =	vld [tilespmem:s31+$0xFFFFFF80];
	(xrf1) =	vsort.ascd.msk.f32 $0xffff, v62, v3  }
0xe7: {  	v59 =	vld [tilespmem:s31+$0xFFFFFF90];
	v58, _, _ =	vpop (xrf0);
	(xrf1) =	vsort.dscd.msk.f32 $0xffff, v63, v0  }
0xe8: {  	v43, _, _ =	vpop (xrf0);
	(erf) = vpow2.f32 v30;
	(xrf1) =	vsort.ascd.msk.f32 $0xffff, v52, v1  }
0xe9: {  	(erf) = vrcp.f32 v56;
	v46, v56, _ =	vpop (xrf1);
	(xrf1) =	vsort.dscd.msk.f32 $0xffff, v53, v2  }
0xea: {  	v48 =	vnsel vm0, $0x0, v19;
	v42 =	vbroadcast v58, $0xF;
	v58, v57, _ =	vpop (xrf1);
	(xrf1) =	vsort.ascd.msk.f32 $0xffff, v54, v3  }
0xeb: {  	s25 =	spop (v2sf);
	v50 =	vld [tilespmem:s31+$0xFFFFFFA0];
	vm1 =	vge.f32 v46, v58;
	v61, v60, _ =	vpop (xrf1);
	(xrf1) =	vsort.dscd.msk.f32 $0xffff, v55, v0  }
0xec: {  	s29 =	spop (v2sf);
	v47 =	vsel vm1, v56, v57;
	v63 =	vld [tilespmem:s31+$0xFFFFFFB0];
	(xrf1) =	vsort.ascd.msk.f32 $0xffff, v59, v1;
	v59, v53, _ =	vpop (xrf1)  }
0xed: {  	(xrf2) =	vadd.scan.msk.f32 $0xffff, v48;
	v46 =	vmax.f32 v46, v58;
	s26 =	spop (v2sf);
	v52 =	vld [tilespmem:s31+$0x0];
	vm1 =	vge.f32 v61, v59;
	v48, v49, _ =	vpop (xrf1)  }
0xee: {  	s28 =	spop (v2sf);
	v54 =	vld [tilespmem:s31+$0x10];
	v44 =	vmax.f32 v61, v59;
	(xrf1) =	vsort.dscd.msk.f32 $0xffff, v46, v47;
	v60 =	vsel vm1, v60, v53;
	v51, v53, _ =	vpop (xrf1)  }
0xef: {  	v31 =	vmul.f32 $1.442695020e+00, v31;
	s28 =	sadd.f32 $9.999999680e-21, s28;
	v46 =	vld [tilespmem:s31+$0x20];
	v47, v55, _ =	vpop (xrf1);
	(xrf1) =	vsort.ascd.msk.f32 $0xffff, v44, v60  }
0xf0: {  	v44 =	vld [tilespmem:s31+$0x30];
	v45, v56, _ =	vpop (xrf1);
	(xrf1) =	vsort.dscd.msk.f32 $0xffff, v50, v2  }
0xf1: {  	v62 =	vmov s28;
	v50 =	vld [tilespmem:s31+$0x80];
	v57, v58, _ =	vpop (xrf1);
	(xrf1) =	vsort.ascd.msk.f32 $0xffff, v63, v3  }
0xf2: {  	v39 =	vsub.f32 v39, v42;
	v42 =	vld [tilespmem:s31+$0x90];
	v30 =	vpop (erf);
	(xrf1) =	vsort.dscd.msk.f32 $0xffff, v52, v0  }
0xf3: {  	(erf) = vpow2.f32 v31;
	v31 =	vpop (erf);
	v52 =	vld [tilespmem:s31+$0xA0];
	(xrf1) =	vsort.ascd.msk.f32 $0xffff, v54, v1  }
0xf4: {  	v59, v60, _ =	vpop (xrf1);
	v54 =	vld [tilespmem:s31+$0xB0];
	(xrf1) =	vsort.dscd.msk.f32 $0xffff, v46, v2  }
0xf5: {  	(erf) = vrcp.f32 v62;
	v61, v62, _ =	vpop (xrf1);
	v46 =	vld [tilespmem:s31+$0xFFFFFE00];
	(xrf1) =	vsort.ascd.msk.f32 $0xffff, v44, v3  }
0xf6: {  	v8 =	vmul.f32 $2.500000000e+00, v8;
	v43 =	vbroadcast v43, $0xF;
	v63, v10, _ =	vpop (xrf1);
	v44 =	vld [tilespmem:s31+$0x100];
	(xrf1) =	vsort.dscd.msk.f32 $0xffff, v50, v0  }
0xf7: {  	v5, v9, _ =	vpop (xrf1);
	v50 =	vld [tilespmem:s31+$0x110];
	(xrf1) =	vsort.ascd.msk.f32 $0xffff, v42, v1  }
0xf8: {  	v11 =	vmul.f32 v28, v8;
	v42, v7, _ =	vpop (xrf1);
	(xrf1) =	vsort.dscd.msk.f32 $0xffff, v52, v2  }
0xf9: {  	v8 =	vsub.f32 v41, v43;
	vm1 =	vge.f32 v51, v47;
	v52 =	vld [tilespmem:s31+$0x120];
	v4, v6, _ =	vpop (xrf1);
	(xrf1) =	vsort.ascd.msk.f32 $0xffff, v54, v3  }
0xfa: {  	v41 =	vld [tilespmem:s31+$0x130];
	v47 =	vmax.f32 v51, v47;
	v53 =	vsel vm1, v53, v55;
	v43, v54, _ =	vpop (xrf1);
	(xrf1) =	vsort.dscd.msk.f32 $0xffff, v46, v0  }
0xfb: {  	vm1 =	vge.f32 v45, v57;
	v46, v51, _ =	vpop (xrf1);
	(xrf1) =	vsort.dscd.msk.f32 $0xffff, v44, v0;
	v44 =	vmax.f32 v45, v57  }
0xfc: {  	v45 =	vsel vm1, v56, v58;
	vm1 =	vge.f32 v59, v61;
	(xrf1) =	vsort.ascd.msk.f32 $0xffff, v50, v1;
	v50, v55, _ =	vpop (xrf1)  }
0xfd: {  	v56 =	vmax.f32 v59, v61;
	v58 =	vsel vm1, v60, v62;
	v61, v57, _ =	vpop (xrf1)  }
0xfe: {  	(xrf1) =	vsort.dscd.msk.f32 $0xffff, v52, v2;
	vm1 =	vge.f32 v50, v61;
	v50 =	vmax.f32 v50, v61  }
0xff: {  	(xrf1) =	vsort.ascd.msk.f32 $0xffff, v41, v3;
	v60, v59, _ =	vpop (xrf1);
	v61 =	vsel vm1, v55, v57;
	vm1 =	vge.f32 v63, v5  }
0x100: {  	(xrf1) =	vsort.ascd.msk.f32 $0xffff, v47, v53;
	v47, v53, _ =	vpop (xrf1);
	v9 =	vsel vm1, v10, v9;
	vm1 =	vge.f32 v42, v4  }
0x101: {  	v5 =	vmax.f32 v63, v5;
	(xrf1) =	vsort.dscd.msk.f32 $0xffff, v50, v61;
	v50, v52, _ =	vpop (xrf1);
	v6 =	vsel vm1, v7, v6  }
0x102: {  	v4 =	vmax.f32 v42, v4;
	v41 =	vmax.f32 v60, v47;
	(xrf1) =	vsort.dscd.msk.f32 $0xffff, v44, v45;
	v10, v62, _ =	vpop (xrf1)  }
0x103: {  	vm1 =	vge.f32 v43, v46;
	v43 =	vmax.f32 v43, v46;
	(xrf1) =	vsort.ascd.msk.f32 $0xffff, v56, v58;
	v7, v63, _ =	vpop (xrf1)  }
0x104: {  	v54 =	vsel vm1, v54, v51;
	vm1 =	vge.f32 v60, v47;
	(xrf1) =	vsort.dscd.msk.f32 $0xffff, v5, v9;
	v5, v9, _ =	vpop (xrf1)  }
0x105: {  	v55 =	vsel vm1, v59, v53;
	(xrf1) =	vsort.ascd.msk.f32 $0xffff, v4, v6;
	v4, v6, _ =	vpop (xrf1)  }
0x106: {  	vm1 =	vge.f32 v50, v10;
	v10 =	vmax.f32 v50, v10;
	(xrf1) =	vsort.dscd.msk.f32 $0xffff, v43, v54;
	v43, v45, _ =	vpop (xrf1)  }
0x107: {  	v44 =	vsel vm1, v52, v62;
	vm1 =	vge.f32 v7, v5;
	(xrf1) =	vsort.ascd.msk.f32 $0xffff, v41, v55;
	v41, v46, _ =	vpop (xrf1)  }
0x108: {  	v5 =	vmax.f32 v7, v5;
	v9 =	vsel vm1, v63, v9;
	v7, v56, _ =	vpop (xrf1)  }
0x109: {  	vm1 =	vge.f32 v4, v43;
	(xrf1) =	vsort.dscd.msk.f32 $0xffff, v10, v44;
	v10, v57, _ =	vpop (xrf1)  }
0x10a: {  	v4 =	vmax.f32 v4, v43;
	v6 =	vsel vm1, v6, v45;
	vm1 =	vge.f32 v10, v48  }
0x10b: {  	v59, v58, _ =	vpop (xrf1);
	v10 =	vmax.f32 v10, v48;
	(xrf1) =	vsort.ascd.msk.f32 $0xffff, v5, v9;
	v42 =	vsel vm1, v57, v49  }
0x10c: {  	v5, v9, _ =	vpop (xrf1);
	vm1 =	vge.f32 v41, v7;
	v7 =	vmax.f32 v41, v7;
	(xrf1) =	vsort.dscd.msk.f32 $0xffff, v10, v42  }
0x10d: {  	v61 =	vmul.f32 $1.442695020e+00, v8;
	v8 =	vsel vm1, v46, v56;
	vm1 =	vge.f32 v59, v5;
	(xrf1) =	vsort.dscd.msk.f32 $0xffff, v4, v6  }
0x10e: {  	v5 =	vmax.f32 v59, v5;
	v9 =	vsel vm1, v58, v9;
	(xrf1) =	vsort.ascd.msk.f32 $0xffff, v7, v8  }
0x10f: {  	v10, v60, _ =	vpop (xrf1);
	(xrf1) =	vsort.dscd.msk.f32 $0xffff, v5, v9;
	v9 =	vld [tilespmem:$0x1FF90];
	_ =	sdelay $0x2  }
0x110: {  	s28 =	simm.s32 $0x8200  }
0x111: {  	[tilespmem:s28+$0xFFFFFE00] =	vst v16  }
0x112: {  	s23 =	simm.s32 $0xC200;
	[tilespmem:s28+$0x180] =	vst v9  }
0x113: {  	(xrf0) =	vmax.scan.msk.f32 $0xffff, v34;
	[tilespmem:s23+$0x180] =	vst v11  }
0x114: {  	v16 =	vld [tilespmem:$0x1FFA0];
	_ =	sdelay $0x4  }
0x115: {  	v40, _, _ =	vpop (xrf0);
	v39 =	vmul.f32 $1.442695020e+00, v39;
	[tilespmem:s28+$0xFFFFFE80] =	vst v16  }
0x116: {  	v32 =	vpop (erf);
	v7 =	vbroadcast v40, $0xF;
	v47 =	vld [tilespmem:$0x1FFB0]  }
0x117: {  	v35 =	vpop (erf)  }
0x118: {  	v33 =	vpop (erf);
	(erf) = vpow2.f32 v39;
	v7 =	vsub.f32 v34, v7  }
0x119: {  	v39 =	vpop (erf)  }
0x11a: {  	v4, v6, _ =	vpop (xrf1);
	v7 =	vmul.f32 $1.442695020e+00, v7  }
0x11b: {  	(erf) = vpow2.f32 v61;
	v62, v63, _ =	vpop (xrf1);
	[tilespmem:s28+$0xFFFFFF00] =	vst v47  }
0x11c: {  	v5, v8, _ =	vpop (xrf1);
	(erf) = vpow2.f32 v7;
	v7 =	vld [tilespmem:$0x1FFC0]  }
0x11d: {  	vm1 =	vge.f32 v10, v4;
	v4 =	vmax.f32 v10, v4;
	v9, v10, _ =	vpop (xrf1)  }
0x11e: {  	v6 =	vsel vm1, v60, v6;
	v11, v46, _ =	vpop (xrf1)  }
0x11f: {  	s25 =	sadd.f32 $9.999999680e-21, s25;
	v37, _, _ =	vpop (xrf2);
	vm1 =	vge.f32 v9, v11  }
0x120: {  	v38, _, _ =	vpop (xrf2);
	v10 =	vsel vm1, v10, v46  }
0x121: {  	v28 =	vpop (erf);
	(xrf0) =	vmax.scan.msk.f32 $0xffff, v5;
	v9 =	vmax.f32 v9, v11;
	[tilespmem:s28+$0xFFFFFF80] =	vst v7;
	v7 =	vmov s25  }
0x122: {  	v48 =	vnsel vm0, $0x0, v28;
	(xrf1) =	vsort.ascd.msk.f32 $0xffff, v4, v6;
	v4, v6, _ =	vpop (xrf1);
	(erf) = vrcp.f32 v7;
	v7 =	vld [tilespmem:$0x1FFD0]  }
0x123: {  	(xrf2) =	vadd.scan.msk.f32 $0xffff, v48;
	v11, v16, _ =	vpop (xrf1)  }
0x124: {  	(xrf1) =	vsort.dscd.msk.f32 $0xffff, v9, v10;
	vm1 =	vge.f32 v4, v11;
	v9, v10, _ =	vpop (xrf1);
	v4 =	vmax.f32 v4, v11  }
0x125: {  	v6 =	vsel vm1, v6, v16;
	v11, v16, _ =	vpop (xrf1)  }
0x126: {  	(v2sf) =	vpush v37, $0xF;
	vm1 =	vge.f32 v9, v11  }
0x127: {  	(xrf1) =	vsort.dscd.msk.f32 $0xffff, v4, v6;
	v9 =	vmax.f32 v9, v11;
	v4, _, _ =	vpop (xrf0);
	v10 =	vsel vm1, v10, v16;
	[tilespmem:s28+$0x0] =	vst v7  }
0x128: {  	(v2sf) =	vpush v38, $0xF;
	v4 =	vbroadcast v4, $0xF;
	v6, v49, _ =	vpop (xrf1);
	(xrf1) =	vsort.dscd.msk.f32 $0xffff, v9, v10;
	v10 =	vld [tilespmem:$0x1FFE0];
	_ =	sdelay $0x1  }
0x129: {  	s24 =	sadd.f32 $9.999999680e-21, s29;
	v36, _, _ =	vpop (xrf2);
	v4 =	vsub.f32 v5, v4  }
0x12a: {  	v17 =	vmul.f32 $2.500000000e+00, v17;
	(v2sf) =	vpush v36, $0xF;
	v5, v9, _ =	vpop (xrf1)  }
0x12b: {  	v11 =	vmov s24;
	vm1 =	vge.f32 v6, v5;
	v4 =	vmul.f32 $1.442695020e+00, v4  }
0x12c: {  	v50 =	vpop (erf);
	v9 =	vsel vm1, v49, v9;
	(erf) = vrcp.f32 v11;
	[tilespmem:s28+$0x80] =	vst v10  }
0x12d: {  	v56, _, _ =	vpop (xrf2);
	v5 =	vmax.f32 v6, v5;
	(erf) = vpow2.f32 v4;
	v4 =	vld [tilespmem:$0x1FFF0]  }
0x12e: {  	v29 =	vmul.f32 $2.500000000e+00, v29;
	v16 =	vmul.f32 v35, v17;
	(xrf1) =	vsort.dscd.msk.f32 $0xffff, v5, v9;
	v7 =	vnsel vm0, $0x0, v30;
	v6, v10, _ =	vpop (xrf1)  }
0x12f: {  	(xrf2) =	vadd.scan.msk.f32 $0xffff, v7;
	v7 =	vnsel vm0, $0x0, v31;
	v11, v17, _ =	vpop (xrf1)  }
0x130: {  	s25 =	simm.s32 $0x8600;
	(xrf2) =	vadd.scan.msk.f32 $0xffff, v7;
	vm2 =	vge.f32 v6, v62;
	[tilespmem:s23+$0xFFFFFE00] =	vst v16;
	v5, v9, _ =	vpop (xrf1)  }
0x131: {  	v53 =	vpop (erf);
	v6 =	vmax.f32 v6, v62;
	[tilespmem:s25+$0x180] =	vst v18;
	v10 =	vsel vm2, v10, v63;
	vm1 =	vge.f32 v11, v5  }
0x132: {  	(xrf1) =	vsort.dscd.msk.f32 $0xffff, v6, v10;
	v51, v52, _ =	vpop (xrf1);
	[tilespmem:s28+$0x100] =	vst v4;
	v4 =	vmax.f32 v11, v5;
	v5 =	vsel vm1, v17, v9  }
0x133: {  	[tilespmem:s25+$0xFFFFFE00] =	vst v27;
	v6 =	vmul.f32 v39, v29;
	v17, v29, _ =	vpop (xrf1);
	(xrf1) =	vsort.dscd.msk.f32 $0xffff, v4, v5  }
0x134: {  	v55 =	vmul.f32 $2.500000000e+00, v13;
	v7 =	vmul.f32 $2.500000000e+00, v33;
	[tilespmem:s25+$0xFFFFFF00] =	vst v20;
	v27, v13, _ =	vpop (xrf1);
	vm1 =	vge.f32 v51, v17  }
0x135: {  	v9 =	vmul.f32 $2.500000000e+00, v14;
	s28 =	spop (v2sf);
	v17 =	vmax.f32 v51, v17;
	(xrf0) =	vmax.scan.msk.f32 $0xffff, v27;
	v59, v14, _ =	vpop (xrf1);
	v20 =	vsel vm1, v52, v29  }
0x136: {  	v62 =	vnsel vm0, $0x0, v33;
	v4 =	vnsel vm0, $0x0, v32;
	s29 =	spop (v2sf);
	(v2sf) =	vpush v56, $0xF;
	v33, v16, _ =	vpop (xrf1);
	(xrf1) =	vsort.dscd.msk.f32 $0xffff, v17, v20  }
0x137: {  	v18 =	vpop (erf);
	[tilespmem:s25+$0xFFFFFE80] =	vst v23;
	(xrf2) =	vadd.scan.msk.f32 $0xffff, v4  }
0x138: {  	s26 =	sadd.f32 $9.999999680e-21, s26;
	v54 =	vmul.f32 $2.500000000e+00, v12;
	[tilespmem:s25+$0xFFFFFF80] =	vst v21;
	v57 =	vpop (erf);
	(xrf0) =	vmax.scan.msk.f32 $0xffff, v59  }
0x139: {  	v12 =	vmul.f32 $2.500000000e+00, v22;
	[tilespmem:s25+$0x0] =	vst v25;
	v61, _, _ =	vpop (xrf2)  }
0x13a: {  	v58 =	vmov s26;
	[tilespmem:s25+$0x80] =	vst v24;
	v18 =	vmul.f32 v18, v54;
	v21 =	vpop (erf);
	s31 =	spop (v2sf);
	(v2sf) =	vpush v61, $0xF  }
0x13b: {  	s24 =	simm.s32 $0xC600;
	(erf) = vrcp.f32 v58;
	[tilespmem:s25+$0x100] =	vst v26;
	v10 =	vmul.f32 $2.500000000e+00, v15;
	v24, _, _ =	vpop (xrf2);
	v20 =	vnsel vm0, $0x0, v21  }
0x13c: {  	v15 =	vmul.f32 $2.500000000e+00, v28;
	v28 =	vmul.f32 v57, v55;
	[tilespmem:s24+$0x180] =	vst v6;
	(xrf2) =	vadd.scan.msk.f32 $0xffff, v20;
	v22, _, _ =	vpop (xrf0)  }
0x13d: {  	v6 =	vmul.f32 $2.500000000e+00, v32;
	(v2sf) =	vpush v24, $0xF;
	v32, v17, _ =	vpop (xrf1);
	(xrf0) =	vmax.scan.msk.f32 $0xffff, v33;
	v26 =	vbroadcast v22, $0xF  }
0x13e: {  	[tilespmem:s23+$0xFFFFFE80] =	vst v18;
	v11 =	vmul.f32 $2.500000000e+00, v19;
	v19 =	vmul.f32 $2.500000000e+00, v50;
	s28 =	sadd.f32 $9.999999680e-21, s28;
	v18, _, _ =	vpop (xrf0)  }
0x13f: {  	[tilespmem:s23+$0xFFFFFF00] =	vst v28;
	v5 =	vmul.f32 $2.500000000e+00, v30;
	s30 =	sadd.f32 $9.999999680e-21, s29;
	(xrf0) =	vmax.scan.msk.f32 $0xffff, v32;
	v28 =	vbroadcast v18, $0xF  }
0x140: {  	v4 =	vmul.f32 $2.500000000e+00, v31;
	v60 =	vmov s28;
	s28 =	sadd.f32 $9.999999680e-21, s31;
	(xrf2) =	vadd.scan.msk.f32 $0xffff, v62;
	v30, v20, _ =	vpop (xrf1);
	v27 =	vsub.f32 v27, v26  }
0x141: {  	v31 =	vnsel vm0, $0x0, v50;
	v29 =	vnsel vm0, $0x0, v53;
	v25 =	vmov s30;
	(xrf0) =	vmax.scan.msk.f32 $0xffff, v30;
	v26, v18, _ =	vpop (xrf1)  }
0x142: {  	(erf) = vrcp.f32 v60;
	v23 =	vmov s28;
	v63, _, _ =	vpop (xrf2);
	v24 =	vmul.f32 $1.442695020e+00, v27;
	(xrf0) =	vmax.scan.msk.f32 $0xffff, v26  }
0x143: {  	s26 =	simm.s32 $0x10;
	s28 =	simm.s32 $0xE00;
	v22 =	vmul.f32 $2.500000000e+00, v53;
	v27 =	vsub.f32 v59, v28;
	(v2sf) =	vpush v63, $0xF;
	v28, _, _ =	vpop (xrf0)  }
.LBB2_2:
0x144: {  	v34 =	vld [tilespmem:s28+$0x180];
	v28 =	vbroadcast v28, $0xF;
	(erf) = vpow2.f32 v24;
	v35, v37, _ =	vpop (xrf1);
	(xrf2) =	vadd.scan.msk.f32 $0xffff, v31  }
0x145: {  	v24 =	vld [tilespmem:s28+$0x190];
	v27 =	vmul.f32 $1.442695020e+00, v27;
	v31, _, _ =	vpop (xrf0);
	(xrf0) =	vmax.scan.msk.f32 $0xffff, v35;
	s29 =	spop (v2sf)  }
0x146: {  	v36 =	vld [tilespmem:s28+$0x1A0];
	v28 =	vsub.f32 v33, v28;
	v31 =	vbroadcast v31, $0xF;
	v33, _, _ =	vpop (xrf2);
	s29 =	sadd.f32 $9.999999680e-21, s29;
	(erf) = vrcp.f32 v25  }
0x147: {  	s26 =	sadd.s32 $0x8, s26;
	v25 =	vld [tilespmem:s28+$0x1B0];
	v38, _, _ =	vpop (xrf0);
	(erf) = vpow2.f32 v27;
	(v2sf) =	vpush v33, $0xF;
	(xrf2) =	vadd.scan.msk.f32 $0xffff, v29  }
0x148: {  	p0 =	slt.u32 s26, $0x78;
	v27 =	vld [tilespmem:s28+$0xFFFFFE10];
	v41 =	vbroadcast v38, $0xF;
	v40 =	vmul.f32 $1.442695020e+00, v28;
	v31 =	vsub.f32 v32, v31;
	v32, _, _ =	vpop (xrf0)  }
0x149: {  	v33 =	vld [tilespmem:s28+$0xFFFFFE20];
	(xrf1) =	vsort.dscd.msk.f32 $0xffff, v34, v0;
	v42 =	vbroadcast v32, $0xF;
	v34 =	vmov s29;
	s29 =	spop (v2sf);
	v38 =	vpop (erf);
	(erf) = vrcp.f32 v23  }
0x14a: {  	v39 =	vld [tilespmem:s28+$0xFFFFFE30];
	(xrf1) =	vsort.ascd.msk.f32 $0xffff, v24, v1;
	v23 =	vsub.f32 v30, v41;
	v24 =	vmul.f32 $1.442695020e+00, v31;
	(erf) = vpow2.f32 v40;
	s29 =	sadd.f32 $9.999999680e-21, s29;
	v28, _, _ =	vpop (xrf2)  }
0x14b: {  	v30 =	vld [tilespmem:s28+$0xFFFFFE80];
	(xrf1) =	vsort.dscd.msk.f32 $0xffff, v36, v2;
	v40 =	vsub.f32 v26, v42;
	v29, _, _ =	vpop (xrf0);
	(erf) = vrcp.f32 v34;
	(v2sf) =	vpush v28, $0xF  }
0x14c: {  	v28 =	vld [tilespmem:s28+$0xFFFFFE90];
	(xrf1) =	vsort.ascd.msk.f32 $0xffff, v25, v3;
	v23 =	vmul.f32 $1.442695020e+00, v23;
	v25 =	vbroadcast v29, $0xF;
	v31 =	vmov s29;
	s29 =	spop (v2sf);
	v32 =	vpop (erf)  }
0x14d: {  	v34 =	vld [tilespmem:s28+$0xFFFFFEA0];
	(xrf1) =	vsort.ascd.msk.f32 $0xffff, v27, v1;
	v36 =	vmul.f32 $1.442695020e+00, v40;
	v26 =	vpop (erf);
	(erf) = vpow2.f32 v24;
	s29 =	sadd.f32 $9.999999680e-21, s29  }
0x14e: {  	v27 =	vld [tilespmem:s28+$0xFFFFFEB0];
	(xrf1) =	vsort.dscd.msk.f32 $0xffff, v33, v2;
	v29 =	vnsel vm0, $0x0, v26;
	v24 =	vmul.f32 $2.500000000e+00, v26;
	v42 =	vsub.f32 v35, v25;
	v26, _, _ =	vpop (xrf2)  }
0x14f: {  	v38 =	vmul.f32 v38, v9;
	v40 =	vld [tilespmem:s28+$0xFFFFFF00];
	(xrf1) =	vsort.ascd.msk.f32 $0xffff, v39, v3;
	v33 =	vmov s29;
	(v2sf) =	vpush v26, $0xF;
	v39 =	vpop (erf)  }
0x150: {  	v9 =	vmov v6;
	v41 =	vld [tilespmem:s28+$0xFFFFFF10];
	(xrf1) =	vsort.dscd.msk.f32 $0xffff, v30, v0;
	v35 =	vmul.f32 $1.442695020e+00, v42;
	v25 =	vpop (erf);
	v42 =	vmul.f32 v32, v10  }
0x151: {  	v43 =	vld [tilespmem:s28+$0xFFFFFF20];
	(xrf1) =	vsort.ascd.msk.f32 $0xffff, v28, v1;
	v32 =	vnsel vm0, $0x0, v25;
	v26 =	vmul.f32 $2.500000000e+00, v25;
	v6, _, _ =	vpop (xrf2);
	v28 =	vmul.f32 v39, v12  }
0x152: {  	v10 =	vmov v7;
	v25 =	vld [tilespmem:s28+$0xFFFFFF30];
	(xrf1) =	vsort.dscd.msk.f32 $0xffff, v34, v2;
	s29 =	spop (v2sf);
	(v2sf) =	vpush v6, $0xF;
	[tilespmem:s23+$0xFFFFFF80] =	vst v38;
	v6 =	vpop (erf)  }
0x153: {  	v12 =	vmov v19;
	v34 =	vld [tilespmem:s28+$0xFFFFFF80];
	(xrf1) =	vsort.ascd.msk.f32 $0xffff, v27, v3;
	v7 =	vpop (erf);
	s29 =	sadd.f32 $9.999999680e-21, s29;
	[tilespmem:s23+$0x80] =	vst v28;
	v28 =	vmul.f32 v6, v11  }
0x154: {  	v19 =	vld [tilespmem:s28+$0xFFFFFF90];
	(xrf1) =	vsort.dscd.msk.f32 $0xffff, v40, v0;
	v30 =	vnsel vm0, $0x0, v7;
	v6 =	vmul.f32 $2.500000000e+00, v7;
	v7 =	vpop (erf);
	[tilespmem:s23+$0x0] =	vst v42  }
0x155: {  	v11 =	vmov v22;
	v38 =	vld [tilespmem:s28+$0xFFFFFFA0];
	v15 =	vmul.f32 v7, v15;
	v27 =	vmov s29;
	[tilespmem:s23+$0x100] =	vst v28;
	s23 =	smov.u32 s24  }
0x156: {  	v39 =	vld [tilespmem:s28+$0xFFFFFFB0];
	(xrf1) =	vsort.ascd.msk.f32 $0xffff, v41, v1;
	v7 =	vpop (erf);
	s29 =	spop (v2sf)  }
0x157: {  	v40 =	vld [tilespmem:s28+$0x0];
	(xrf1) =	vsort.dscd.msk.f32 $0xffff, v43, v2;
	v22, v41, _ =	vpop (xrf1);
	v28 =	vnsel vm0, $0x0, v7;
	v7 =	vmul.f32 $2.500000000e+00, v7;
	s29 =	sadd.f32 $9.999999680e-21, s29;
	[tilespmem:s24+$0xFFFFFE00] =	vst v15  }
0x158: {  	v15 =	vld [tilespmem:s28+$0x10];
	(xrf1) =	vsort.ascd.msk.f32 $0xffff, v25, v3;
	v25, v42, _ =	vpop (xrf1)  }
0x159: {  	v43 =	vld [tilespmem:s28+$0x20];
	(xrf1) =	vsort.dscd.msk.f32 $0xffff, v34, v0;
	v34, v44, _ =	vpop (xrf1);
	v45 =	vmov s29  }
0x15a: {  	vm1 =	vge.f32 v22, v25;
	v46 =	vld [tilespmem:s28+$0x30];
	(xrf1) =	vsort.ascd.msk.f32 $0xffff, v19, v1;
	v47, v48, _ =	vpop (xrf1);
	(erf) = vrcp.f32 v45;
	s29 =	spop (v2sf)  }
0x15b: {  	v51 =	vmax.f32 v22, v25;
	v41 =	vsel vm1, v41, v42;
	v45 =	vld [tilespmem:s28+$0x80];
	vm1 =	vge.f32 v34, v47;
	v22, v19, _ =	vpop (xrf1);
	s29 =	sadd.f32 $9.999999680e-21, s29  }
0x15c: {  	v34 =	vmax.f32 v34, v47;
	v42 =	vld [tilespmem:s28+$0x90];
	v44 =	vsel vm1, v44, v48;
	v47, v48, _ =	vpop (xrf1);
	(xrf1) =	vsort.dscd.msk.f32 $0xffff, v51, v41  }
0x15d: {  	v41 =	vld [tilespmem:s28+$0xA0];
	v25, v49, _ =	vpop (xrf1);
	(xrf1) =	vsort.ascd.msk.f32 $0xffff, v34, v44;
	v34 =	vmov s29  }
0x15e: {  	vm1 =	vge.f32 v47, v25;
	v44 =	vmax.f32 v47, v25;
	v47 =	vld [tilespmem:s28+$0xB0];
	v25, v50, _ =	vpop (xrf1);
	(xrf1) =	vsort.dscd.msk.f32 $0xffff, v38, v2;
	s29 =	spop (v2sf)  }
0x15f: {  	v38 =	vsel vm1, v48, v49;
	v48 =	vld [tilespmem:s28+$0x100];
	v49, v51, _ =	vpop (xrf1);
	(xrf1) =	vsort.ascd.msk.f32 $0xffff, v39, v3;
	s29 =	sadd.f32 $9.999999680e-21, s29  }
0x160: {  	vm1 =	vge.f32 v25, v49;
	v39 =	vmax.f32 v25, v49;
	v49 =	vld [tilespmem:s28+$0x110];
	v52, v53, _ =	vpop (xrf1);
	(xrf1) =	vsort.dscd.msk.f32 $0xffff, v40, v0;
	(erf) = vpow2.f32 v23  }
0x161: {  	v40 =	vsel vm1, v50, v51;
	v50 =	vld [tilespmem:s28+$0x120];
	v23, v51, _ =	vpop (xrf1);
	(xrf1) =	vsort.ascd.msk.f32 $0xffff, v15, v1;
	v25 =	vmov s29;
	s29 =	spop (v2sf)  }
0x162: {  	v21 =	vmul.f32 $2.500000000e+00, v21;
	vm1 =	vge.f32 v52, v23;
	v52 =	vmax.f32 v52, v23;
	v54 =	vld [tilespmem:s28+$0x130];
	v15, v55, _ =	vpop (xrf1);
	(xrf1) =	vsort.dscd.msk.f32 $0xffff, v43, v2;
	s29 =	sadd.f32 $9.999999680e-21, s29  }
0x163: {  	v43 =	vld [tilespmem:s28+$0xFFFFFE00];
	v51 =	vsel vm1, v53, v51;
	(xrf1) =	vsort.ascd.msk.f32 $0xffff, v46, v3;
	v23 =	vpop (erf)  }
0x164: {  	s25 =	sadd.s32 $0x400, s25;
	v56, v53, _ =	vpop (xrf1);
	(xrf1) =	vsort.dscd.msk.f32 $0xffff, v45, v0;
	v21 =	vmul.f32 v23, v21;
	v23 =	vmov s29  }
0x165: {  	s24 =	sadd.s32 $0x400, s24;
	vm1 =	vge.f32 v15, v56;
	v45 =	vmax.f32 v15, v56;
	v15, v46, _ =	vpop (xrf1);
	(xrf1) =	vsort.ascd.msk.f32 $0xffff, v42, v1;
	[tilespmem:s25+$0x180] =	vst v8  }
0x166: {  	v8 =	vsel vm1, v55, v53;
	v42, v53, _ =	vpop (xrf1);
	(xrf1) =	vsort.dscd.msk.f32 $0xffff, v41, v2;
	[tilespmem:s24+$0x180] =	vst v21  }
0x167: {  	vm1 =	vge.f32 v15, v42;
	v21 =	vmax.f32 v15, v42;
	v15, v41, _ =	vpop (xrf1);
	(xrf1) =	vsort.ascd.msk.f32 $0xffff, v47, v3;
	[tilespmem:s25+$0xFFFFFE00] =	vst v20  }
0x168: {  	v20 =	vsel vm1, v46, v53;
	(xrf1) =	vsort.dscd.msk.f32 $0xffff, v43, v0;
	v42, v43, _ =	vpop (xrf1);
	[tilespmem:s25+$0xFFFFFE80] =	vst v13  }
0x169: {  	vm1 =	vge.f32 v15, v42;
	v13 =	vmax.f32 v15, v42;
	(xrf1) =	vsort.dscd.msk.f32 $0xffff, v48, v0;
	[tilespmem:s25+$0xFFFFFF00] =	vst v14;
	v14 =	vpop (erf)  }
0x16a: {  	v41 =	vsel vm1, v41, v43;
	(xrf1) =	vsort.ascd.msk.f32 $0xffff, v49, v1;
	v42, v43, _ =	vpop (xrf1);
	v46 =	vnsel vm0, $0x0, v14;
	v15 =	vmul.f32 $2.500000000e+00, v14  }
0x16b: {  	(xrf1) =	vsort.dscd.msk.f32 $0xffff, v50, v2;
	v14, v47, _ =	vpop (xrf1);
	[tilespmem:s25+$0xFFFFFF80] =	vst v16  }
0x16c: {  	vm1 =	vge.f32 v42, v14;
	v16, v48, _ =	vpop (xrf1);
	(xrf1) =	vsort.ascd.msk.f32 $0xffff, v54, v3;
	[tilespmem:s25+$0x0] =	vst v17  }
0x16d: {  	v14 =	vmax.f32 v42, v14;
	v47 =	vsel vm1, v43, v47;
	(xrf1) =	vsort.ascd.msk.f32 $0xffff, v44, v38;
	v43, v42, _ =	vpop (xrf1);
	[tilespmem:s25+$0x80] =	vst v18  }
0x16e: {  	vm1 =	vge.f32 v16, v43;
	v16 =	vmax.f32 v16, v43;
	v18, v38, _ =	vpop (xrf1);
	(xrf1) =	vsort.dscd.msk.f32 $0xffff, v14, v47;
	[tilespmem:s25+$0x100] =	vst v37  }
0x16f: {  	v14 =	vsel vm1, v48, v42;
	(xrf1) =	vsort.dscd.msk.f32 $0xffff, v39, v40;
	v17, v37, _ =	vpop (xrf1)  }
0x170: {  	vm1 =	vge.f32 v18, v17;
	v17 =	vmax.f32 v18, v17;
	(xrf1) =	vsort.ascd.msk.f32 $0xffff, v52, v51;
	v18, v39, _ =	vpop (xrf1)  }
0x171: {  	v37 =	vsel vm1, v38, v37;
	(xrf1) =	vsort.dscd.msk.f32 $0xffff, v45, v8;
	v8, v38, _ =	vpop (xrf1)  }
0x172: {  	vm1 =	vge.f32 v18, v8;
	v8 =	vmax.f32 v18, v8;
	(xrf1) =	vsort.ascd.msk.f32 $0xffff, v21, v20;
	v18, v20, _ =	vpop (xrf1)  }
0x173: {  	v21 =	vsel vm1, v39, v38;
	(xrf1) =	vsort.dscd.msk.f32 $0xffff, v13, v41;
	v13, v38, _ =	vpop (xrf1)  }
0x174: {  	vm1 =	vge.f32 v18, v13;
	v13 =	vmax.f32 v18, v13;
	(xrf1) =	vsort.ascd.msk.f32 $0xffff, v16, v14;
	v14, v16, _ =	vpop (xrf1)  }
0x175: {  	v18 =	vsel vm1, v20, v38;
	v20, v38, _ =	vpop (xrf1)  }
0x176: {  	vm1 =	vge.f32 v14, v20;
	v14 =	vmax.f32 v14, v20;
	v20, v39, _ =	vpop (xrf1);
	(xrf1) =	vsort.dscd.msk.f32 $0xffff, v17, v37  }
0x177: {  	vm2 =	vge.f32 v20, v22;
	v40 =	vmax.f32 v20, v22;
	v16 =	vsel vm1, v16, v38;
	v20, v22, _ =	vpop (xrf1)  }
0x178: {  	(xrf1) =	vsort.ascd.msk.f32 $0xffff, v8, v21;
	v8, v21, _ =	vpop (xrf1)  }
0x179: {  	v37 =	vsel vm2, v39, v19;
	vm1 =	vge.f32 v20, v8;
	v8 =	vmax.f32 v20, v8  }
0x17a: {  	(xrf1) =	vsort.dscd.msk.f32 $0xffff, v40, v37;
	v17, v19, _ =	vpop (xrf1)  }
0x17b: {  	v20 =	vsel vm1, v22, v21;
	(xrf1) =	vsort.dscd.msk.f32 $0xffff, v13, v18;
	v13, v18, _ =	vpop (xrf1)  }
0x17c: {  	vm1 =	vge.f32 v17, v13;
	v13 =	vmax.f32 v17, v13;
	v17, v21, _ =	vpop (xrf1);
	(xrf1) =	vsort.ascd.msk.f32 $0xffff, v14, v16  }
0x17d: {  	v14 =	vsel vm1, v19, v18;
	(xrf1) =	vsort.dscd.msk.f32 $0xffff, v8, v20;
	(erf) = vpow2.f32 v36;
	v16, v8, _ =	vpop (xrf1)  }
0x17e: {  	v18, v19, _ =	vpop (xrf1);
	(xrf0) =	vmax.scan.msk.f32 $0xffff, v16  }
0x17f: {  	v20, v22, _ =	vpop (xrf1);
	(xrf1) =	vsort.ascd.msk.f32 $0xffff, v13, v14  }
0x180: {  	vm1 =	vge.f32 v18, v20;
	v38 =	vmax.f32 v18, v20;
	v14, v18, _ =	vpop (xrf1)  }
0x181: {  	v36 =	vsel vm1, v19, v22;
	v20, v22, _ =	vpop (xrf1)  }
0x182: {  	vm1 =	vge.f32 v14, v20;
	v37 =	vmax.f32 v14, v20;
	(xrf1) =	vsort.dscd.msk.f32 $0xffff, v38, v36;
	v13, v19, _ =	vpop (xrf1)  }
0x183: {  	v18 =	vsel vm1, v18, v22;
	v20, v22, _ =	vpop (xrf1);
	(erf) = vpow2.f32 v35  }
0x184: {  	vm1 =	vge.f32 v13, v20;
	v13 =	vmax.f32 v13, v20;
	(xrf1) =	vsort.dscd.msk.f32 $0xffff, v37, v18;
	v14, _, _ =	vpop (xrf0)  }
0x185: {  	v18 =	vsel vm1, v19, v22;
	v14 =	vbroadcast v14, $0xF;
	v20, v22, _ =	vpop (xrf1);
	(xrf2) =	vadd.scan.msk.f32 $0xffff, v46;
	(erf) = vrcp.f32 v31  }
0x186: {  	v19 =	vpop (erf)  }
0x187: {  	v14 =	vsub.f32 v16, v14;
	(xrf1) =	vsort.dscd.msk.f32 $0xffff, v13, v18;
	v13, v16, _ =	vpop (xrf1);
	v31 =	vnsel vm0, $0x0, v19;
	v19 =	vmul.f32 $2.500000000e+00, v19  }
0x188: {  	vm1 =	vge.f32 v20, v13;
	v36 =	vmax.f32 v20, v13;
	v18, v20, _ =	vpop (xrf1);
	(erf) = vrcp.f32 v33  }
0x189: {  	vm2 =	vge.f32 v18, v17;
	v35 =	vsel vm1, v22, v16;
	v37 =	vmul.f32 $1.442695020e+00, v14;
	v22, v33, _ =	vpop (xrf1);
	(xrf2) =	vadd.scan.msk.f32 $0xffff, v29  }
0x18a: {  	v29 =	vmax.f32 v18, v17;
	v20 =	vsel vm2, v20, v21;
	(xrf1) =	vsort.dscd.msk.f32 $0xffff, v36, v35;
	v13, v16, _ =	vpop (xrf1)  }
0x18b: {  	vm1 =	vge.f32 v22, v13;
	v21 =	vmax.f32 v22, v13;
	(xrf1) =	vsort.dscd.msk.f32 $0xffff, v29, v20;
	v17, v18, _ =	vpop (xrf1);
	(erf) = vpow2.f32 v37  }
0x18c: {  	v20 =	vsel vm1, v33, v16;
	(xrf2) =	vadd.scan.msk.f32 $0xffff, v32;
	v16 =	vpop (erf)  }
0x18d: {  	(xrf1) =	vsort.dscd.msk.f32 $0xffff, v21, v20;
	v13, v14, _ =	vpop (xrf1);
	v29 =	vnsel vm0, $0x0, v16;
	v22 =	vmul.f32 $2.500000000e+00, v16  }
0x18e: {  	vm1 =	vge.f32 v17, v13;
	v16 =	vmax.f32 v17, v13;
	v13 =	vpop (erf)  }
0x18f: {  	v20 =	vsel vm1, v18, v14;
	v17, _, _ =	vpop (xrf2);
	v18 =	vmul.f32 v13, v5;
	v5 =	vmov v24  }
0x190: {  	v24, v13, _ =	vpop (xrf1);
	(xrf1) =	vsort.dscd.msk.f32 $0xffff, v16, v20;
	(v2sf) =	vpush v17, $0xF  }
0x191: {  	(xrf0) =	vmax.scan.msk.f32 $0xffff, v24;
	[tilespmem:s23+$0xFFFFFE80] =	vst v18;
	v16 =	vpop (erf)  }
0x192: {  	v35, v14, _ =	vpop (xrf1);
	(xrf2) =	vadd.scan.msk.f32 $0xffff, v30;
	v18 =	vmul.f32 v16, v4;
	v4 =	vmov v26  }
0x193: {  	v17, _, _ =	vpop (xrf2)  }
0x194: {  	v21 =	vpop (erf)  }
0x195: {  	(v2sf) =	vpush v17, $0xF;
	v17 =	vnsel vm0, $0x0, v21  }
0x196: {  	(xrf0) =	vmax.scan.msk.f32 $0xffff, v35;
	[tilespmem:s23+$0xFFFFFF00] =	vst v18  }
0x197: {  	v33, v16, _ =	vpop (xrf1)  }
0x198: {  	(xrf2) =	vadd.scan.msk.f32 $0xffff, v17;
	v17, _, _ =	vpop (xrf2)  }
0x199: {  	v18, _, _ =	vpop (xrf0);
	(xrf0) =	vmax.scan.msk.f32 $0xffff, v33;
	(v2sf) =	vpush v17, $0xF  }
0x19a: {  	v37 =	vbroadcast v18, $0xF;
	v32, v17, _ =	vpop (xrf1)  }
.Ltmp0:
0x19b: {  	v30, v20, _ =	vpop (xrf1);
	(xrf0) =	vmax.scan.msk.f32 $0xffff, v32;
	(pc) =	sbr.rel @p0 .LBB2_2-.Ltmp0, $4  }
0x19c: {  	v24 =	vsub.f32 v24, v37;
	v36, _, _ =	vpop (xrf0);
	(xrf2) =	vadd.scan.msk.f32 $0xffff, v28;
	(erf) = vrcp.f32 v27  }
0x19d: {  	v27 =	vbroadcast v36, $0xF;
	(xrf0) =	vmax.scan.msk.f32 $0xffff, v30;
	v26, v18, _ =	vpop (xrf1)  }
0x19e: {  	v24 =	vmul.f32 $1.442695020e+00, v24;
	(xrf0) =	vmax.scan.msk.f32 $0xffff, v26;
	v36, _, _ =	vpop (xrf2)  }
0x19f: {  	s28 =	sadd.s32 $0x400, s28;
	v27 =	vsub.f32 v35, v27;
	v28, _, _ =	vpop (xrf0);
	(v2sf) =	vpush v36, $0xF;
	(erf) = vrcp.f32 v34  }
0x1a0: {  	_ =	sdelay $0x1  }
0x1a1: {  	v34, _, _ =	vpop (xrf2)  }
0x1a2: {  	(v2sf) =	vpush v34, $0xF;
	_ =	sdelay $0x8  }
0x1a3: {  	v28 =	vbroadcast v28, $0xF  }
0x1a4: {  	(erf) = vpow2.f32 v24;
	v35, v24, _ =	vpop (xrf1);
	v27 =	vmul.f32 $1.442695020e+00, v27  }
0x1a5: {  	s28 =	spop (v2sf);
	v48, _, _ =	vpop (xrf0);
	(erf) = vrcp.f32 v25;
	v28 =	vsub.f32 v33, v28  }
0x1a6: {  	v49 =	vbroadcast v48, $0xF;
	v25, _, _ =	vpop (xrf0);
	(erf) = vpow2.f32 v27;
	s26 =	spop (v2sf)  }
0x1a7: {  	(xrf0) =	vmax.scan.msk.f32 $0xffff, v35;
	v25 =	vbroadcast v25, $0xF;
	v27 =	vmul.f32 $1.442695020e+00, v28;
	s29 =	spop (v2sf)  }
0x1a8: {  	s30 =	sadd.f32 $9.999999680e-21, s28;
	v28 =	vsub.f32 v32, v49;
	s28 =	spop (v2sf)  }
0x1a9: {  	(erf) = vrcp.f32 v23;
	v23 =	vsub.f32 v30, v25;
	s31 =	spop (v2sf)  }
0x1aa: {  	v50 =	vmov s30;
	v25 =	vmul.f32 $1.442695020e+00, v28;
	(erf) = vpow2.f32 v27;
	s30 =	sadd.f32 $9.999999680e-21, s31  }
0x1ab: {  	(erf) = vrcp.f32 v50;
	v27, _, _ =	vpop (xrf0);
	v23 =	vmul.f32 $1.442695020e+00, v23  }
0x1ac: {  	v30 =	vpop (erf);
	(erf) = vpow2.f32 v25;
	v25 =	vbroadcast v27, $0xF;
	v28 =	vmov s30  }
0x1ad: {  	v27, _, _ =	vpop (xrf0);
	(erf) = vrcp.f32 v28  }
0x1ae: {  	v51 =	vpop (erf);
	(erf) = vpow2.f32 v23;
	v23 =	vsub.f32 v26, v25;
	v25 =	vbroadcast v27, $0xF;
	_ =	sdelay $0x1  }
0x1af: {  	v26 =	vpop (erf);
	v25 =	vsub.f32 v35, v25  }
0x1b0: {  	v52 =	vpop (erf)  }
0x1b1: {  	v23 =	vmul.f32 $1.442695020e+00, v23;
	v27 =	vpop (erf)  }
0x1b2: {  	v53 =	vpop (erf)  }
0x1b3: {  	v28 =	vmul.f32 $1.442695020e+00, v25;
	v25 =	vpop (erf)  }
0x1b4: {  	(erf) = vpow2.f32 v23;
	v54 =	vpop (erf)  }
0x1b5: {  	(erf) = vpow2.f32 v28;
	v23 =	vpop (erf)  }
0x1b6: {  	v36 =	vpop (erf)  }
0x1b7: {  	(xrf2) =	vadd.scan.msk.f32 $0xffff, v31;
	v31 =	vpop (erf)  }
0x1b8: {  	(xrf2) =	vadd.scan.msk.f32 $0xffff, v29;
	v28 =	vnsel vm0, $0x0, v31  }
0x1b9: {  	v29 =	vnsel vm0, $0x0, v26;
	(xrf2) =	vadd.scan.msk.f32 $0xffff, v28  }
0x1ba: {  	v28 =	vnsel vm0, $0x0, v27;
	(xrf2) =	vadd.scan.msk.f32 $0xffff, v29  }
0x1bb: {  	(xrf2) =	vadd.scan.msk.f32 $0xffff, v28;
	v28 =	vnsel vm0, $0x0, v23  }
0x1bc: {  	v29 =	vnsel vm0, $0x0, v25  }
0x1bd: {  	v37 =	vpop (erf);
	(xrf2) =	vadd.scan.msk.f32 $0xffff, v29  }
0x1be: {  	v29 =	vnsel vm0, $0x0, v37;
	(xrf2) =	vadd.scan.msk.f32 $0xffff, v28;
	v28 =	vpop (erf)  }
0x1bf: {  	(xrf2) =	vadd.scan.msk.f32 $0xffff, v29;
	v29 =	vnsel vm0, $0x0, v28;
	_ =	sdelay $0x1  }
0x1c0: {  	v38, _, _ =	vpop (xrf2)  }
0x1c1: {  	(v2sf) =	vpush v38, $0xF;
	(xrf2) =	vadd.scan.msk.f32 $0xffff, v29;
	v29, _, _ =	vpop (xrf2)  }
0x1c2: {  	v55, _, _ =	vpop (xrf2);
	(v2sf) =	vpush v29, $0xF  }
0x1c3: {  	v29, _, _ =	vpop (xrf2);
	(v2sf) =	vpush v55, $0xF  }
0x1c4: {  	v56, _, _ =	vpop (xrf2);
	(v2sf) =	vpush v29, $0xF  }
0x1c5: {  	v29, _, _ =	vpop (xrf2);
	(v2sf) =	vpush v56, $0xF  }
0x1c6: {  	v57, _, _ =	vpop (xrf2);
	(v2sf) =	vpush v29, $0xF  }
0x1c7: {  	(v2sf) =	vpush v57, $0xF  }
0x1c8: {  	v29, _, _ =	vpop (xrf2)  }
0x1c9: {  	(v2sf) =	vpush v29, $0xF  }
0x1ca: {  	v29, _, _ =	vpop (xrf2)  }
0x1cb: {  	(v2sf) =	vpush v29, $0xF;
	v29, _, _ =	vpop (xrf2)  }
0x1cc: {  	(v2sf) =	vpush v29, $0xF;
	_ =	sdelay $0x1  }
0x1cd: {  	s26 =	sadd.f32 $9.999999680e-21, s26  }
0x1ce: {  	v9 =	vmul.f32 v30, v9;
	s29 =	sadd.f32 $9.999999680e-21, s29  }
0x1cf: {  	s28 =	sadd.f32 $9.999999680e-21, s28;
	v12 =	vmul.f32 v52, v12;
	s31 =	spop (v2sf)  }
0x1d0: {  	[tilespmem:s23+$0xFFFFFF80] =	vst v9;
	v9 =	vmul.f32 v53, v11;
	v11 =	vmov s29;
	v29 =	vmov s26;
	s26 =	sadd.f32 $9.999999680e-21, s31;
	s30 =	spop (v2sf)  }
0x1d1: {  	[tilespmem:s23+$0x80] =	vst v12;
	v12 =	vmul.f32 v54, v15;
	v15 =	vmov s28;
	(erf) = vrcp.f32 v29;
	s28 =	spop (v2sf);
	s29 =	sadd.f32 $9.999999680e-21, s30  }
0x1d2: {  	(erf) = vrcp.f32 v11;
	s31 =	spop (v2sf);
	s30 =	sadd.f32 $9.999999680e-21, s28  }
0x1d3: {  	v10 =	vmul.f32 v51, v10;
	[tilespmem:s23+$0x100] =	vst v9;
	v9 =	vmov s26;
	(erf) = vrcp.f32 v15;
	s28 =	spop (v2sf);
	s31 =	sadd.f32 $9.999999680e-21, s31  }
0x1d4: {  	s25 =	sadd.s32 $0x400, s25;
	(erf) = vrcp.f32 v9;
	v11 =	vmov s29;
	v9 =	vmov s30;
	s30 =	sadd.f32 $9.999999680e-21, s28;
	s28 =	spop (v2sf)  }
0x1d5: {  	[tilespmem:s25+$0x180] =	vst v8;
	(erf) = vrcp.f32 v11;
	v8 =	vmov s31;
	s28 =	sadd.f32 $9.999999680e-21, s28;
	s31 =	spop (v2sf)  }
0x1d6: {  	[tilespmem:s23+$0x0] =	vst v10;
	v10 =	vmul.f32 $2.500000000e+00, v21;
	(erf) = vrcp.f32 v9;
	s26 =	sadd.f32 $9.999999680e-21, s31  }
0x1d7: {  	[tilespmem:s25+$0xFFFFFE00] =	vst v20;
	(erf) = vrcp.f32 v8;
	v8 =	vmov s30;
	s30 =	spop (v2sf);
	v9 =	vmov s28  }
0x1d8: {  	[tilespmem:s25+$0xFFFFFE80] =	vst v13;
	v10 =	vmul.f32 v36, v10;
	s28 =	sadd.f32 $9.999999680e-21, s30;
	(erf) = vrcp.f32 v8;
	v8 =	vmov s26  }
0x1d9: {  	[tilespmem:s25+$0xFFFFFF00] =	vst v14;
	s23 =	sadd.s32 $0x400, s24;
	s31 =	spop (v2sf)  }
0x1da: {  	[tilespmem:s23+$0x180] =	vst v10;
	s30 =	sadd.f32 $9.999999680e-21, s31;
	(erf) = vrcp.f32 v9;
	v10 =	vmov s28;
	s28 =	spop (v2sf);
	v9 =	vpop (erf)  }
0x1db: {  	[tilespmem:s25+$0xFFFFFF80] =	vst v16;
	(erf) = vrcp.f32 v8;
	s31 =	sadd.f32 $9.999999680e-21, s28;
	v8 =	vpop (erf);
	v5 =	vmul.f32 v9, v5  }
0x1dc: {  	[tilespmem:s25+$0x0] =	vst v17;
	v11 =	vmov s30;
	(erf) = vrcp.f32 v10;
	v9 =	vpop (erf)  }
0x1dd: {  	v4 =	vmul.f32 v8, v4;
	v8 =	vmov s31;
	v10 =	vpop (erf);
	[tilespmem:s24+$0xFFFFFE80] =	vst v5;
	v5 =	vmul.f32 v9, v6  }
0x1de: {  	[tilespmem:s25+$0x80] =	vst v18;
	(erf) = vrcp.f32 v11;
	v6 =	vpop (erf)  }
0x1df: {  	[tilespmem:s24+$0xFFFFFF00] =	vst v4;
	v4 =	vmul.f32 v6, v19;
	v6 =	vmul.f32 $2.500000000e+00, v31  }
0x1e0: {  	(erf) = vrcp.f32 v8;
	v7 =	vmul.f32 v10, v7;
	v8 =	vpop (erf);
	[tilespmem:s24+$0xFFFFFF80] =	vst v5  }
0x1e1: {  	v9 =	vmul.f32 $2.500000000e+00, v26;
	v5 =	vpop (erf);
	[tilespmem:s24+$0x80] =	vst v4;
	v4 =	vmul.f32 v8, v22  }
0x1e2: {  	[tilespmem:s24+$0x0] =	vst v7;
	v7 =	vmul.f32 $2.500000000e+00, v25;
	v8 =	vpop (erf)  }
0x1e3: {  	v5 =	vmul.f32 v5, v6;
	v6 =	vpop (erf);
	[tilespmem:s24+$0x100] =	vst v4;
	v4 =	vmul.f32 v8, v9  }
0x1e4: {  	[tilespmem:s25+$0x100] =	vst v24;
	v10 =	vmul.f32 $2.500000000e+00, v27;
	v8 =	vpop (erf)  }
0x1e5: {  	[tilespmem:s23+$0xFFFFFE80] =	vst v4;
	v4 =	vmul.f32 v8, v7  }
0x1e6: {  	[tilespmem:s23+$0xFFFFFE00] =	vst v5;
	v5 =	vmul.f32 v6, v10;
	v10 =	vmul.f32 $2.500000000e+00, v23  }
0x1e7: {  	[tilespmem:s24+$0xFFFFFE00] =	vst v12;
	v9 =	vmul.f32 $2.500000000e+00, v37;
	v6 =	vpop (erf)  }
0x1e8: {  	v8 =	vmul.f32 $2.500000000e+00, v28;
	v7 =	vpop (erf);
	[tilespmem:s23+$0xFFFFFF00] =	vst v5;
	v6 =	vmul.f32 v6, v10  }
0x1e9: {  	v5 =	vmul.f32 v7, v9;
	[tilespmem:s23+$0xFFFFFF80] =	vst v4;
	v4 =	vpop (erf)  }
0x1ea: {  	[tilespmem:s23+$0x0] =	vst v6;
	v4 =	vmul.f32 v4, v8  }
0x1eb: {  	[tilespmem:s23+$0x80] =	vst v5  }
0x1ec: {  	[tilespmem:s23+$0x100] =	vst v4  }
0x1ed: {  	[hbm4b:s5+s1] =	stream.linear.scatter [tilespmem:s18], [sflag:$0x3], $0x4000, $0x38;
	[tilespmem:$0x10000] =	vst v63  }
0x1ee: {  	_ =	swait.ge [sflag:s19], $0x4000  }
0x1ef: {  	[sflag:s19] =	ssyncset.done $0x0  }
0x1f0: {  	[sflag:s19] =	ssyncadd.s32 $0xFFFFC000  }
0x1f1: {  	[hbm4b:s6+s1] =	stream.linear.scatter [tilespmem:s20], [sflag:$0x3], $0x4000, $0x38;
	[tilespmem:$0x10000] =	vst v63  }
0x1f2: {  	_ =	swait.ge [sflag:s19], $0x4000  }
0x1f3: {  	[sflag:s19] =	ssyncset.done $0x0  }
0x1f4: {  	[sflag:s19] =	ssyncadd.s32 $0xFFFFC000  }
0x1f5: {  	[tilespmem:s1], [sflag:$0x1] =	stream.linear.gather [hbm4b:s7+s1], $0x4000, $0x38;
	[tilespmem:$0x10000] =	vst v63  }
0x1f6: {  	_ =	swait.ge [sflag:s21], $0x4000  }
0x1f7: {  	[sflag:s21] =	ssyncset.done $0x0  }
0x1f8: {  	s26 =	simm.s32 $0x4200;
	[sflag:s21] =	ssyncadd.s32 $0xFFFFC000  }
0x1f9: {  	v4 =	vld [tilespmem:s26+$0x180]  }
0x1fa: {  	v5 =	vld [tilespmem:s26+$0x190]  }
0x1fb: {  	v6 =	vld [tilespmem:s26+$0x1A0]  }
0x1fc: {  	v7 =	vld [tilespmem:s26+$0x1B0];
	_ =	sdelay $0x1  }
0x1fd: {  	v8 =	vld [tilespmem:s26+$0xFFFFFE10];
	(xrf1) =	vsort.dscd.msk.f32 $0xffff, v4, v0  }
0x1fe: {  	v4 =	vld [tilespmem:s26+$0xFFFFFE20];
	(xrf1) =	vsort.ascd.msk.f32 $0xffff, v5, v1  }
0x1ff: {  	v5 =	vld [tilespmem:s26+$0xFFFFFE30];
	(xrf1) =	vsort.dscd.msk.f32 $0xffff, v6, v2  }
0x200: {  	v6 =	vld [tilespmem:s26+$0xFFFFFE80];
	(xrf1) =	vsort.ascd.msk.f32 $0xffff, v7, v3  }
0x201: {  	v7 =	vld [tilespmem:s26+$0xFFFFFE90]  }
0x202: {  	v9 =	vld [tilespmem:s26+$0xFFFFFEA0];
	(xrf1) =	vsort.ascd.msk.f32 $0xffff, v8, v1  }
0x203: {  	v8 =	vld [tilespmem:s26+$0xFFFFFEB0];
	(xrf1) =	vsort.dscd.msk.f32 $0xffff, v4, v2  }
0x204: {  	v4 =	vld [tilespmem:s26+$0xFFFFFF00];
	(xrf1) =	vsort.ascd.msk.f32 $0xffff, v5, v3  }
0x205: {  	v5 =	vld [tilespmem:s26+$0xFFFFFF10];
	(xrf1) =	vsort.dscd.msk.f32 $0xffff, v6, v0  }
0x206: {  	v6 =	vld [tilespmem:s26+$0xFFFFFF20];
	(xrf1) =	vsort.ascd.msk.f32 $0xffff, v7, v1  }
0x207: {  	v7 =	vld [tilespmem:s26+$0xFFFFFF30];
	(xrf1) =	vsort.dscd.msk.f32 $0xffff, v9, v2  }
0x208: {  	v9 =	vld [tilespmem:s26+$0xFFFFFF80];
	(xrf1) =	vsort.ascd.msk.f32 $0xffff, v8, v3  }
0x209: {  	v8 =	vld [tilespmem:s26+$0xFFFFFF90];
	(xrf1) =	vsort.dscd.msk.f32 $0xffff, v4, v0  }
0x20a: {  	(xrf1) =	vsort.ascd.msk.f32 $0xffff, v5, v1  }
0x20b: {  	(xrf1) =	vsort.dscd.msk.f32 $0xffff, v6, v2;
	v4, v5, _ =	vpop (xrf1)  }
0x20c: {  	(xrf1) =	vsort.ascd.msk.f32 $0xffff, v7, v3;
	v6, v7, _ =	vpop (xrf1)  }
0x20d: {  	(xrf1) =	vsort.dscd.msk.f32 $0xffff, v9, v0;
	v9, v11, _ =	vpop (xrf1)  }
0x20e: {  	v10 =	vld [tilespmem:s26+$0xFFFFFFA0];
	vm1 =	vge.f32 v4, v6;
	(xrf1) =	vsort.ascd.msk.f32 $0xffff, v8, v1;
	v8, v13, _ =	vpop (xrf1)  }
0x20f: {  	v12 =	vld [tilespmem:s26+$0xFFFFFFB0];
	v5 =	vsel vm1, v5, v7;
	vm1 =	vge.f32 v9, v8  }
0x210: {  	v14 =	vld [tilespmem:s26+$0x0];
	v4 =	vmax.f32 v4, v6;
	v7 =	vmax.f32 v9, v8;
	v8 =	vsel vm1, v11, v13  }
0x211: {  	v6 =	vld [tilespmem:s26+$0x10];
	(xrf1) =	vsort.dscd.msk.f32 $0xffff, v4, v5  }
0x212: {  	v4 =	vld [tilespmem:s26+$0x20];
	v5, v9, _ =	vpop (xrf1);
	(xrf1) =	vsort.ascd.msk.f32 $0xffff, v7, v8  }
0x213: {  	v7 =	vld [tilespmem:s26+$0x30];
	(xrf1) =	vsort.dscd.msk.f32 $0xffff, v10, v2;
	v8, v11, _ =	vpop (xrf1)  }
0x214: {  	v10 =	vld [tilespmem:s26+$0x80];
	v13, v15, _ =	vpop (xrf1);
	(xrf1) =	vsort.ascd.msk.f32 $0xffff, v12, v3  }
0x215: {  	v12 =	vld [tilespmem:s26+$0x90];
	v16, v17, _ =	vpop (xrf1);
	(xrf1) =	vsort.dscd.msk.f32 $0xffff, v14, v0  }
0x216: {  	v14 =	vld [tilespmem:s26+$0xA0];
	v18, v19, _ =	vpop (xrf1);
	(xrf1) =	vsort.ascd.msk.f32 $0xffff, v6, v1  }
0x217: {  	v6 =	vld [tilespmem:s26+$0xB0];
	v20, v21, _ =	vpop (xrf1);
	(xrf1) =	vsort.dscd.msk.f32 $0xffff, v4, v2  }
0x218: {  	v23 =	vld [tilespmem:s26+$0xFFFFFE00];
	v4, v22, _ =	vpop (xrf1);
	(xrf1) =	vsort.ascd.msk.f32 $0xffff, v7, v3  }
0x219: {  	v7 =	vld [tilespmem:s26+$0x100];
	v24, v25, _ =	vpop (xrf1);
	(xrf1) =	vsort.dscd.msk.f32 $0xffff, v10, v0  }
0x21a: {  	v10 =	vld [tilespmem:s26+$0x110];
	v26, v27, _ =	vpop (xrf1);
	(xrf1) =	vsort.ascd.msk.f32 $0xffff, v12, v1  }
0x21b: {  	v12 =	vld [tilespmem:s26+$0x120];
	v28, v29, _ =	vpop (xrf1);
	(xrf1) =	vsort.dscd.msk.f32 $0xffff, v14, v2  }
0x21c: {  	v30, v31, _ =	vpop (xrf1);
	(xrf1) =	vsort.ascd.msk.f32 $0xffff, v6, v3  }
0x21d: {  	v14 =	vld [tilespmem:s26+$0x130];
	v6, v58, _ =	vpop (xrf1);
	(xrf1) =	vsort.dscd.msk.f32 $0xffff, v23, v0  }
0x21e: {  	v23, v59, _ =	vpop (xrf1);
	(xrf1) =	vsort.dscd.msk.f32 $0xffff, v7, v0  }
0x21f: {  	(xrf1) =	vsort.ascd.msk.f32 $0xffff, v10, v1;
	v7, v10, _ =	vpop (xrf1)  }
0x220: {  	vm1 =	vge.f32 v8, v13;
	v8 =	vmax.f32 v8, v13;
	(xrf1) =	vsort.dscd.msk.f32 $0xffff, v12, v2;
	v12, v13, _ =	vpop (xrf1)  }
0x221: {  	v11 =	vsel vm1, v11, v15;
	vm2 =	vge.f32 v7, v12  }
0x222: {  	vm1 =	vge.f32 v16, v18;
	(xrf1) =	vsort.ascd.msk.f32 $0xffff, v14, v3;
	v10 =	vsel vm2, v10, v13  }
0x223: {  	v14, v15, _ =	vpop (xrf1);
	v7 =	vmax.f32 v7, v12;
	(xrf1) =	vsort.ascd.msk.f32 $0xffff, v8, v11;
	v11 =	vsel vm1, v17, v19  }
0x224: {  	v8 =	vmax.f32 v16, v18;
	vm1 =	vge.f32 v20, v4  }
0x225: {  	v12, v13, _ =	vpop (xrf1);
	v4 =	vmax.f32 v20, v4;
	vm2 =	vge.f32 v24, v26;
	v16 =	vsel vm1, v21, v22  }
0x226: {  	(xrf1) =	vsort.dscd.msk.f32 $0xffff, v7, v10;
	v18 =	vsel vm2, v25, v27;
	vm1 =	vge.f32 v28, v30;
	v7, v10, _ =	vpop (xrf1)  }
0x227: {  	v17 =	vmax.f32 v24, v26;
	v22 =	vsel vm1, v29, v31;
	(xrf1) =	vsort.dscd.msk.f32 $0xffff, v8, v11;
	v8, v11, _ =	vpop (xrf1)  }
0x228: {  	v21 =	vmax.f32 v28, v30;
	vm1 =	vge.f32 v6, v23;
	v19, v20, _ =	vpop (xrf1)  }
0x229: {  	v6 =	vmax.f32 v6, v23;
	v23 =	vsel vm1, v58, v59;
	(xrf1) =	vsort.ascd.msk.f32 $0xffff, v4, v16;
	v4, v16, _ =	vpop (xrf1)  }
0x22a: {  	vm1 =	vge.f32 v14, v12;
	v12 =	vmax.f32 v14, v12;
	(xrf1) =	vsort.dscd.msk.f32 $0xffff, v17, v18;
	v17, v18, _ =	vpop (xrf1)  }
0x22b: {  	(xrf1) =	vsort.ascd.msk.f32 $0xffff, v21, v22;
	v21, v22, _ =	vpop (xrf1)  }
0x22c: {  	v13 =	vsel vm1, v15, v13;
	vm1 =	vge.f32 v7, v8;
	(xrf1) =	vsort.dscd.msk.f32 $0xffff, v6, v23;
	v6, v14, _ =	vpop (xrf1)  }
0x22d: {  	v7 =	vmax.f32 v7, v8;
	v10 =	vsel vm1, v10, v11;
	v8, v15, _ =	vpop (xrf1)  }
0x22e: {  	vm1 =	vge.f32 v19, v4;
	(xrf1) =	vsort.ascd.msk.f32 $0xffff, v12, v13;
	v11, v12, _ =	vpop (xrf1)  }
0x22f: {  	v13 =	vsel vm1, v20, v16;
	vm2 =	vge.f32 v11, v5  }
0x230: {  	(xrf1) =	vsort.dscd.msk.f32 $0xffff, v7, v10;
	v9 =	vsel vm2, v12, v9  }
0x231: {  	v4 =	vmax.f32 v19, v4;
	v7, v10, _ =	vpop (xrf1);
	v5 =	vmax.f32 v11, v5  }
0x232: {  	vm1 =	vge.f32 v17, v21;
	(xrf1) =	vsort.ascd.msk.f32 $0xffff, v4, v13;
	v13, v16, _ =	vpop (xrf1);
	v4 =	vmax.f32 v17, v21  }
0x233: {  	v17 =	vsel vm1, v18, v22;
	vm1 =	vge.f32 v6, v8;
	v6 =	vmax.f32 v6, v8;
	v11, v12, _ =	vpop (xrf1)  }
0x234: {  	(xrf1) =	vsort.dscd.msk.f32 $0xffff, v5, v9;
	v8 =	vsel vm1, v14, v15;
	vm1 =	vge.f32 v7, v13;
	v5, v9, _ =	vpop (xrf1)  }
0x235: {  	v10 =	vsel vm1, v10, v16;
	(xrf1) =	vsort.dscd.msk.f32 $0xffff, v4, v17;
	v14, v15, _ =	vpop (xrf1);
	vm1 =	vge.f32 v11, v5  }
0x236: {  	v7 =	vmax.f32 v7, v13;
	(xrf1) =	vsort.ascd.msk.f32 $0xffff, v6, v8;
	v6, v4, _ =	vpop (xrf1);
	v9 =	vsel vm1, v12, v9  }
0x237: {  	v5 =	vmax.f32 v11, v5;
	(xrf0) =	vmax.scan.msk.f32 $0xffff, v6;
	v8, v17, _ =	vpop (xrf1)  }
0x238: {  	v13, v16, _ =	vpop (xrf1)  }
0x239: {  	(xrf1) =	vsort.dscd.msk.f32 $0xffff, v7, v10;
	v7, v10, _ =	vpop (xrf1)  }
0x23a: {  	(xrf1) =	vsort.ascd.msk.f32 $0xffff, v5, v9;
	vm1 =	vge.f32 v8, v13;
	v8 =	vmax.f32 v8, v13;
	v5, v9, _ =	vpop (xrf1)  }
0x23b: {  	v11 =	vsel vm1, v17, v16;
	vm1 =	vge.f32 v7, v5  }
0x23c: {  	v12, v13, _ =	vpop (xrf1);
	v5 =	vmax.f32 v7, v5;
	v7 =	vsel vm1, v10, v9  }
0x23d: {  	(xrf1) =	vsort.dscd.msk.f32 $0xffff, v8, v11;
	v8, _, _ =	vpop (xrf0)  }
0x23e: {  	v9, v10, _ =	vpop (xrf1);
	(xrf1) =	vsort.dscd.msk.f32 $0xffff, v5, v7;
	v5 =	vbroadcast v8, $0xF  }
0x23f: {  	v7, v8, _ =	vpop (xrf1)  }
0x240: {  	vm1 =	vge.f32 v12, v9;
	v5 =	vsub.f32 v6, v5;
	v6, v11, _ =	vpop (xrf1)  }
0x241: {  	v9 =	vmax.f32 v12, v9;
	v10 =	vsel vm1, v13, v10;
	vm1 =	vge.f32 v7, v6  }
0x242: {  	v6 =	vmax.f32 v7, v6;
	v7 =	vsel vm1, v8, v11;
	_ =	sdelay $0x2  }
0x243: {  	(xrf1) =	vsort.dscd.msk.f32 $0xffff, v9, v10;
	v5 =	vmul.f32 $1.442695020e+00, v5;
	v8, v9, _ =	vpop (xrf1)  }
0x244: {  	(xrf1) =	vsort.dscd.msk.f32 $0xffff, v6, v7;
	vm1 =	vge.f32 v8, v14;
	v6, v7, _ =	vpop (xrf1)  }
0x245: {  	(erf) = vpow2.f32 v5;
	v5 =	vmax.f32 v8, v14;
	v8 =	vsel vm1, v9, v15;
	v9, v10, _ =	vpop (xrf1)  }
0x246: {  	vm1 =	vge.f32 v6, v9  }
0x247: {  	(xrf1) =	vsort.dscd.msk.f32 $0xffff, v5, v8;
	v5 =	vmax.f32 v6, v9;
	v6 =	vsel vm1, v7, v10;
	_ =	sdelay $0x2  }
0x248: {  	v7, v8, _ =	vpop (xrf1)  }
0x249: {  	(xrf1) =	vsort.dscd.msk.f32 $0xffff, v5, v6;
	v5, v6, _ =	vpop (xrf1)  }
0x24a: {  	vm1 =	vge.f32 v7, v5  }
0x24b: {  	v5 =	vmax.f32 v7, v5;
	v6 =	vsel vm1, v8, v6  }
0x24c: {  	(xrf1) =	vsort.dscd.msk.f32 $0xffff, v5, v6;
	_ =	sdelay $0x1  }
0x24d: {  	[tilespmem:$0x1FF20] =	vst v4;
	v11, v4, _ =	vpop (xrf1)  }
0x24e: {  	v8 =	vpop (erf)  }
0x24f: {  	(xrf0) =	vmax.scan.msk.f32 $0xffff, v11;
	v6 =	vnsel vm0, $0x0, v8  }
0x250: {  	[tilespmem:$0x1FF30] =	vst v4;
	v5, v4, _ =	vpop (xrf1);
	(xrf2) =	vadd.scan.msk.f32 $0xffff, v6  }
0x251: {  	[tilespmem:$0x1FF40] =	vst v4;
	(xrf0) =	vmax.scan.msk.f32 $0xffff, v5;
	v13, v4, _ =	vpop (xrf1)  }
0x252: {  	(xrf0) =	vmax.scan.msk.f32 $0xffff, v13  }
0x253: {  	[tilespmem:$0x1FF50] =	vst v4;
	v14, v4, _ =	vpop (xrf1)  }
0x254: {  	(xrf0) =	vmax.scan.msk.f32 $0xffff, v14;
	v17, v16, _ =	vpop (xrf1)  }
0x255: {  	v15, _, _ =	vpop (xrf0)  }
0x256: {  	[tilespmem:$0x1FF60] =	vst v4;
	v19, v4, _ =	vpop (xrf1)  }
0x257: {  	s29 =	simm.s32 $0x4600;
	v15 =	vbroadcast v15, $0xF;
	v18, _, _ =	vpop (xrf0);
	[tilespmem:$0x1FF70] =	vst v4  }
0x258: {  	v20, _, _ =	vpop (xrf0);
	v21 =	vld [tilespmem:s29+$0x180]  }
0x259: {  	v11 =	vsub.f32 v11, v15;
	v22 =	vld [tilespmem:s29+$0x190];
	v15 =	vbroadcast v20, $0xF;
	v20, v4, _ =	vpop (xrf1)  }
0x25a: {  	v18 =	vbroadcast v18, $0xF;
	v23, _, _ =	vpop (xrf0);
	v24 =	vld [tilespmem:s29+$0x1A0];
	[tilespmem:$0x1FF80] =	vst v4  }
0x25b: {  	v25, _, _ =	vpop (xrf2);
	v26 =	vld [tilespmem:s29+$0x1B0]  }
0x25c: {  	v18 =	vsub.f32 v5, v18;
	v23 =	vbroadcast v23, $0xF;
	(v2sf) =	vpush v25, $0xF  }
0x25d: {  	v11 =	vmul.f32 $1.442695020e+00, v11;
	v13 =	vsub.f32 v13, v15;
	(xrf1) =	vsort.dscd.msk.f32 $0xffff, v21, v0;
	v15 =	vld [tilespmem:s29+$0xFFFFFE10]  }
0x25e: {  	v18 =	vmul.f32 $1.442695020e+00, v18;
	v14 =	vsub.f32 v14, v23;
	v23 =	vld [tilespmem:s29+$0xFFFFFE20];
	(xrf1) =	vsort.ascd.msk.f32 $0xffff, v22, v1  }
0x25f: {  	(erf) = vpow2.f32 v11;
	v11 =	vmul.f32 $1.442695020e+00, v13;
	v13 =	vld [tilespmem:s29+$0xFFFFFE30];
	(xrf1) =	vsort.dscd.msk.f32 $0xffff, v24, v2  }
0x260: {  	(erf) = vpow2.f32 v18;
	v18 =	vld [tilespmem:s29+$0xFFFFFE80];
	(xrf1) =	vsort.ascd.msk.f32 $0xffff, v26, v3  }
0x261: {  	(xrf0) =	vmax.scan.msk.f32 $0xffff, v17;
	v14 =	vmul.f32 $1.442695020e+00, v14;
	(erf) = vpow2.f32 v11;
	v11 =	vld [tilespmem:s29+$0xFFFFFE90]  }
0x262: {  	v24 =	vld [tilespmem:s29+$0xFFFFFEA0];
	(xrf1) =	vsort.ascd.msk.f32 $0xffff, v15, v1  }
0x263: {  	(erf) = vpow2.f32 v14;
	v14 =	vld [tilespmem:s29+$0xFFFFFEB0];
	(xrf1) =	vsort.dscd.msk.f32 $0xffff, v23, v2  }
0x264: {  	v15 =	vld [tilespmem:s29+$0xFFFFFF00];
	(xrf1) =	vsort.ascd.msk.f32 $0xffff, v13, v3  }
0x265: {  	(xrf1) =	vsort.dscd.msk.f32 $0xffff, v18, v0;
	v18 =	vld [tilespmem:s29+$0xFFFFFF10]  }
0x266: {  	v25 =	vld [tilespmem:s29+$0xFFFFFF20];
	(xrf1) =	vsort.ascd.msk.f32 $0xffff, v11, v1  }
0x267: {  	(xrf1) =	vsort.dscd.msk.f32 $0xffff, v24, v2;
	v24 =	vld [tilespmem:s29+$0xFFFFFF30]  }
0x268: {  	v12 =	vpop (erf);
	v26 =	vld [tilespmem:s29+$0xFFFFFF80];
	(xrf1) =	vsort.ascd.msk.f32 $0xffff, v14, v3  }
0x269: {  	v27 =	vld [tilespmem:s29+$0xFFFFFF90];
	v23, _, _ =	vpop (xrf0);
	(xrf1) =	vsort.dscd.msk.f32 $0xffff, v15, v0  }
0x26a: {  	v13 =	vpop (erf);
	(xrf1) =	vsort.ascd.msk.f32 $0xffff, v18, v1  }
0x26b: {  	s30 =	spop (v2sf);
	(xrf1) =	vsort.dscd.msk.f32 $0xffff, v25, v2;
	v18, v25, _ =	vpop (xrf1)  }
0x26c: {  	v23 =	vbroadcast v23, $0xF;
	s24 =	sadd.f32 $9.999999680e-21, s30;
	(xrf1) =	vsort.ascd.msk.f32 $0xffff, v24, v3;
	v24, v28, _ =	vpop (xrf1)  }
0x26d: {  	(xrf1) =	vsort.dscd.msk.f32 $0xffff, v26, v0;
	v26, v30, _ =	vpop (xrf1)  }
0x26e: {  	v29 =	vld [tilespmem:s29+$0xFFFFFFA0];
	v17 =	vsub.f32 v17, v23;
	v31 =	vmov s24;
	vm1 =	vge.f32 v18, v24;
	(xrf1) =	vsort.ascd.msk.f32 $0xffff, v27, v1;
	v27, v60, _ =	vpop (xrf1)  }
0x26f: {  	v23 =	vld [tilespmem:s29+$0xFFFFFFB0];
	v14 =	vpop (erf);
	v18 =	vmax.f32 v18, v24;
	v24 =	vsel vm1, v25, v28;
	vm1 =	vge.f32 v26, v27  }
0x270: {  	(erf) = vrcp.f32 v31;
	v31 =	vld [tilespmem:s29+$0x0];
	v25, v33, _ =	vpop (xrf1);
	v26 =	vmax.f32 v26, v27;
	v27 =	vsel vm1, v30, v60  }
0x271: {  	v28 =	vld [tilespmem:s29+$0x10];
	(xrf1) =	vsort.dscd.msk.f32 $0xffff, v18, v24;
	v30, v32, _ =	vpop (xrf1)  }
0x272: {  	v18 =	vld [tilespmem:s29+$0x20];
	v24, v61, _ =	vpop (xrf1);
	(xrf1) =	vsort.ascd.msk.f32 $0xffff, v26, v27  }
0x273: {  	v26 =	vld [tilespmem:s29+$0x30];
	v27, v62, _ =	vpop (xrf1);
	(xrf1) =	vsort.dscd.msk.f32 $0xffff, v29, v2  }
0x274: {  	v17 =	vmul.f32 $1.442695020e+00, v17;
	v15 =	vpop (erf);
	v29 =	vld [tilespmem:s29+$0x80];
	(xrf1) =	vsort.ascd.msk.f32 $0xffff, v23, v3  }
0x275: {  	v63, v56, _ =	vpop (xrf1);
	v23 =	vld [tilespmem:s29+$0x90];
	(xrf1) =	vsort.dscd.msk.f32 $0xffff, v31, v0  }
0x276: {  	(erf) = vpow2.f32 v17;
	v17 =	vld [tilespmem:s29+$0xA0];
	v57, v39, _ =	vpop (xrf1);
	(xrf1) =	vsort.ascd.msk.f32 $0xffff, v28, v1  }
0x277: {  	v41 =	vld [tilespmem:s29+$0xB0];
	v31, v40, _ =	vpop (xrf1);
	(xrf1) =	vsort.dscd.msk.f32 $0xffff, v18, v2  }
0x278: {  	v42, v43, _ =	vpop (xrf1);
	v18 =	vld [tilespmem:s29+$0xFFFFFE00];
	(xrf1) =	vsort.ascd.msk.f32 $0xffff, v26, v3  }
0x279: {  	v26 =	vld [tilespmem:s29+$0x100];
	v44, v45, _ =	vpop (xrf1);
	(xrf1) =	vsort.dscd.msk.f32 $0xffff, v29, v0  }
0x27a: {  	v29 =	vld [tilespmem:s29+$0x110];
	v46, v47, _ =	vpop (xrf1);
	(xrf1) =	vsort.ascd.msk.f32 $0xffff, v23, v1  }
0x27b: {  	v23 =	vld [tilespmem:s29+$0x120];
	v48, v49, _ =	vpop (xrf1);
	(xrf1) =	vsort.dscd.msk.f32 $0xffff, v17, v2  }
0x27c: {  	v50 =	vld [tilespmem:s29+$0x130];
	vm1 =	vge.f32 v30, v24;
	v24 =	vmax.f32 v30, v24;
	v51, v52, _ =	vpop (xrf1);
	(xrf1) =	vsort.ascd.msk.f32 $0xffff, v41, v3  }
0x27d: {  	v32 =	vsel vm1, v32, v61;
	vm1 =	vge.f32 v27, v63;
	(xrf1) =	vsort.dscd.msk.f32 $0xffff, v18, v0  }
0x27e: {  	v18, v30, _ =	vpop (xrf1);
	(xrf1) =	vsort.dscd.msk.f32 $0xffff, v26, v0;
	v26 =	vmax.f32 v27, v63;
	v27 =	vsel vm1, v62, v56  }
0x27f: {  	vm1 =	vge.f32 v57, v31;
	v31 =	vmax.f32 v57, v31;
	(xrf1) =	vsort.ascd.msk.f32 $0xffff, v29, v1;
	v29, v58, _ =	vpop (xrf1)  }
0x280: {  	v63 =	vmax.f32 v42, v44;
	v60 =	vsel vm1, v39, v40;
	(xrf1) =	vsort.dscd.msk.f32 $0xffff, v23, v2;
	v23, v59, _ =	vpop (xrf1)  }
0x281: {  	vm1 =	vge.f32 v29, v23;
	(xrf1) =	vsort.ascd.msk.f32 $0xffff, v50, v3;
	v23 =	vmax.f32 v29, v23  }
0x282: {  	v61, v62, _ =	vpop (xrf1);
	v29 =	vsel vm1, v58, v59;
	(xrf1) =	vsort.ascd.msk.f32 $0xffff, v24, v32;
	vm1 =	vge.f32 v42, v44  }
0x283: {  	v24, v32, _ =	vpop (xrf1);
	(xrf1) =	vsort.dscd.msk.f32 $0xffff, v23, v29;
	v23 =	vsel vm1, v43, v45;
	vm1 =	vge.f32 v46, v48  }
0x284: {  	(xrf0) =	vmax.scan.msk.f32 $0xffff, v19;
	v50, v44, _ =	vpop (xrf1);
	v29 =	vmax.f32 v46, v48;
	v53 =	vsel vm1, v47, v49;
	vm1 =	vge.f32 v51, v18  }
0x285: {  	(xrf1) =	vsort.dscd.msk.f32 $0xffff, v26, v27;
	v26, v27, _ =	vpop (xrf1);
	v30 =	vsel vm1, v52, v30;
	vm1 =	vge.f32 v61, v24  }
0x286: {  	v18 =	vmax.f32 v51, v18;
	(xrf1) =	vsort.ascd.msk.f32 $0xffff, v31, v60;
	v31, v36, _ =	vpop (xrf1);
	v32 =	vsel vm1, v62, v32  }
0x287: {  	v24 =	vmax.f32 v61, v24;
	(xrf1) =	vsort.dscd.msk.f32 $0xffff, v63, v23;
	v23, v34, _ =	vpop (xrf1)  }
0x288: {  	(xrf1) =	vsort.ascd.msk.f32 $0xffff, v29, v53;
	v29, v40, _ =	vpop (xrf1)  }
0x289: {  	(xrf1) =	vsort.dscd.msk.f32 $0xffff, v18, v30;
	v18, v30, _ =	vpop (xrf1)  }
0x28a: {  	vm1 =	vge.f32 v50, v26;
	v26 =	vmax.f32 v50, v26;
	(xrf1) =	vsort.ascd.msk.f32 $0xffff, v24, v32;
	v24, v32, _ =	vpop (xrf1)  }
0x28b: {  	(xrf0) =	vmax.scan.msk.f32 $0xffff, v20;
	v27 =	vsel vm1, v44, v27;
	vm1 =	vge.f32 v31, v23;
	v23 =	vmax.f32 v31, v23;
	v31, v54, _ =	vpop (xrf1)  }
0x28c: {  	v34 =	vsel vm1, v36, v34;
	vm1 =	vge.f32 v29, v18;
	v18 =	vmax.f32 v29, v18;
	v29, v55, _ =	vpop (xrf1)  }
0x28d: {  	v30 =	vsel vm1, v40, v30;
	vm1 =	vge.f32 v29, v25  }
0x28e: {  	v21, _, _ =	vpop (xrf0);
	(xrf1) =	vsort.dscd.msk.f32 $0xffff, v26, v27;
	v25 =	vmax.f32 v29, v25;
	v29 =	vsel vm1, v55, v33  }
0x28f: {  	v26, v27, _ =	vpop (xrf1);
	(xrf1) =	vsort.ascd.msk.f32 $0xffff, v23, v34;
	vm1 =	vge.f32 v24, v31  }
0x290: {  	v23, v56, _ =	vpop (xrf1);
	v24 =	vmax.f32 v24, v31;
	(xrf1) =	vsort.dscd.msk.f32 $0xffff, v25, v29;
	v31 =	vsel vm1, v32, v54  }
0x291: {  	v22, _, _ =	vpop (xrf0);
	vm1 =	vge.f32 v26, v23;
	(xrf1) =	vsort.dscd.msk.f32 $0xffff, v18, v30;
	v18 =	vmax.f32 v26, v23  }
0x292: {  	v23 =	vsel vm1, v27, v56;
	v25, v29, _ =	vpop (xrf1)  }
0x293: {  	v30, v57, _ =	vpop (xrf1)  }
0x294: {  	(xrf1) =	vsort.ascd.msk.f32 $0xffff, v24, v31;
	v26, v27, _ =	vpop (xrf1);
	vm1 =	vge.f32 v25, v30  }
0x295: {  	(xrf1) =	vsort.dscd.msk.f32 $0xffff, v18, v23;
	v24 =	vmax.f32 v25, v30;
	v23, v18, _ =	vpop (xrf1);
	v25 =	vsel vm1, v29, v57  }
0x296: {  	v21 =	vbroadcast v21, $0xF;
	v22 =	vbroadcast v22, $0xF;
	v29, v30, _ =	vpop (xrf1)  }
0x297: {  	v31, v58, _ =	vpop (xrf1)  }
0x298: {  	v19 =	vsub.f32 v19, v21;
	(xrf0) =	vmax.scan.msk.f32 $0xffff, v23;
	vm1 =	vge.f32 v29, v31;
	v21 =	vmax.f32 v29, v31  }
0x299: {  	(xrf1) =	vsort.ascd.msk.f32 $0xffff, v24, v25;
	v24, v25, _ =	vpop (xrf1);
	v29 =	vsel vm1, v30, v58  }
0x29a: {  	v20 =	vsub.f32 v20, v22;
	v30, v31, _ =	vpop (xrf1)  }
0x29b: {  	v19 =	vmul.f32 $1.442695020e+00, v19;
	(xrf1) =	vsort.dscd.msk.f32 $0xffff, v21, v29;
	v21, v22, _ =	vpop (xrf1)  }
0x29c: {  	v20 =	vmul.f32 $1.442695020e+00, v20;
	vm1 =	vge.f32 v24, v30;
	v24 =	vmax.f32 v24, v30;
	v29, v30, _ =	vpop (xrf1)  }
0x29d: {  	(erf) = vpow2.f32 v19;
	v25 =	vsel vm1, v25, v31;
	vm1 =	vge.f32 v21, v29  }
0x29e: {  	v28 =	vpop (erf);
	(erf) = vpow2.f32 v20;
	v20 =	vmax.f32 v21, v29;
	v21 =	vsel vm1, v22, v30  }
0x29f: {  	(xrf1) =	vsort.dscd.msk.f32 $0xffff, v24, v25;
	v24, _, _ =	vpop (xrf0);
	_ =	sdelay $0x1  }
0x2a0: {  	v19 =	vbroadcast v24, $0xF;
	v22, v24, _ =	vpop (xrf1)  }
0x2a1: {  	(xrf1) =	vsort.dscd.msk.f32 $0xffff, v20, v21;
	v20, v21, _ =	vpop (xrf1)  }
0x2a2: {  	v19 =	vsub.f32 v23, v19;
	vm1 =	vge.f32 v22, v20  }
0x2a3: {  	v17 =	vpop (erf);
	v21 =	vsel vm1, v24, v21  }
0x2a4: {  	v31 =	vnsel vm0, $0x0, v17;
	v20 =	vmax.f32 v22, v20;
	v19 =	vmul.f32 $1.442695020e+00, v19  }
0x2a5: {  	(xrf2) =	vadd.scan.msk.f32 $0xffff, v31;
	v23 =	vnsel vm0, $0x0, v12;
	v22, v25, _ =	vpop (xrf1)  }
0x2a6: {  	(xrf2) =	vadd.scan.msk.f32 $0xffff, v23;
	vm2 =	vge.f32 v22, v26;
	v24, v29, _ =	vpop (xrf1);
	(erf) = vpow2.f32 v19  }
0x2a7: {  	v22 =	vmax.f32 v22, v26;
	v23 =	vsel vm2, v25, v27;
	(xrf1) =	vsort.dscd.msk.f32 $0xffff, v20, v21;
	v20, v21, _ =	vpop (xrf1)  }
0x2a8: {  	vm1 =	vge.f32 v24, v20  }
0x2a9: {  	v25 =	vnsel vm0, $0x0, v13;
	v21 =	vsel vm1, v29, v21  }
0x2aa: {  	(xrf1) =	vsort.dscd.msk.f32 $0xffff, v22, v23;
	v23 =	vpop (erf)  }
0x2ab: {  	v19 =	vmax.f32 v24, v20;
	v20, v22, _ =	vpop (xrf1)  }
0x2ac: {  	(xrf1) =	vsort.dscd.msk.f32 $0xffff, v19, v21;
	v21, v24, _ =	vpop (xrf1)  }
0x2ad: {  	(xrf2) =	vadd.scan.msk.f32 $0xffff, v25;
	vm1 =	vge.f32 v20, v21;
	v26, v25, _ =	vpop (xrf1)  }
0x2ae: {  	v19 =	vpop (erf);
	v20 =	vmax.f32 v20, v21;
	v21 =	vsel vm1, v22, v24;
	(xrf0) =	vmax.scan.msk.f32 $0xffff, v26  }
0x2af: {  	v29 =	vpop (erf);
	(xrf1) =	vsort.dscd.msk.f32 $0xffff, v20, v21;
	v21 =	vnsel vm0, $0x0, v14  }
0x2b0: {  	v22, _, _ =	vpop (xrf2)  }
0x2b1: {  	(v2sf) =	vpush v22, $0xF;
	v31, _, _ =	vpop (xrf2);
	v22 =	vnsel vm0, $0x0, v29  }
0x2b2: {  	s31 =	simm.s32 $0x4A00;
	(xrf2) =	vadd.scan.msk.f32 $0xffff, v21;
	v30, v20, _ =	vpop (xrf1)  }
0x2b3: {  	v49 =	vld [tilespmem:s31+$0x180];
	(xrf0) =	vmax.scan.msk.f32 $0xffff, v30;
	v59, v21, _ =	vpop (xrf1)  }
0x2b4: {  	v52 =	vld [tilespmem:s31+$0x190];
	(xrf2) =	vadd.scan.msk.f32 $0xffff, v22;
	v22, _, _ =	vpop (xrf0)  }
0x2b5: {  	(xrf0) =	vmax.scan.msk.f32 $0xffff, v59;
	v62 =	vbroadcast v22, $0xF;
	_ =	sdelay $0x1  }
0x2b6: {  	v61, v24, _ =	vpop (xrf1);
	v26 =	vsub.f32 v26, v62  }
0x2b7: {  	(xrf1) =	vsort.dscd.msk.f32 $0xffff, v49, v0;
	v39, v27, _ =	vpop (xrf1)  }
0x2b8: {  	(v2sf) =	vpush v31, $0xF;
	(xrf1) =	vsort.ascd.msk.f32 $0xffff, v52, v1;
	v63, _, _ =	vpop (xrf0);
	v31 =	vmul.f32 $1.442695020e+00, v26  }
0x2b9: {  	(xrf0) =	vmax.scan.msk.f32 $0xffff, v61;
	v41, v22, _ =	vpop (xrf1)  }
0x2ba: {  	(xrf0) =	vmax.scan.msk.f32 $0xffff, v39;
	v48, _, _ =	vpop (xrf0);
	(erf) = vpow2.f32 v31;
	v31 =	vld [tilespmem:s31+$0x1A0]  }
0x2bb: {  	v44 =	vnsel vm0, $0x0, v15;
	v56 =	vld [tilespmem:s31+$0x1B0];
	v60, _, _ =	vpop (xrf2);
	(xrf0) =	vmax.scan.msk.f32 $0xffff, v41;
	v51 =	vbroadcast v48, $0xF  }
0x2bc: {  	v57 =	vld [tilespmem:s31+$0xFFFFFE10];
	v47 =	vnsel vm0, $0x0, v23;
	v46, _, _ =	vpop (xrf2);
	(xrf2) =	vadd.scan.msk.f32 $0xffff, v44  }
0x2bd: {  	v50 =	vnsel vm0, $0x0, v19;
	(xrf2) =	vadd.scan.msk.f32 $0xffff, v47;
	v32 =	vsub.f32 v59, v51;
	v59 =	vld [tilespmem:s31+$0xFFFFFE20]  }
0x2be: {  	(v2sf) =	vpush v60, $0xF;
	v60 =	vld [tilespmem:s31+$0xFFFFFE30];
	v54, _, _ =	vpop (xrf2);
	(xrf2) =	vadd.scan.msk.f32 $0xffff, v50  }
0x2bf: {  	v62 =	vld [tilespmem:s31+$0xFFFFFE80];
	(xrf1) =	vsort.dscd.msk.f32 $0xffff, v31, v2  }
0x2c0: {  	(v2sf) =	vpush v46, $0xF;
	v31 =	vld [tilespmem:s31+$0xFFFFFE90];
	(xrf1) =	vsort.ascd.msk.f32 $0xffff, v56, v3  }
0x2c1: {  	(v2sf) =	vpush v54, $0xF;
	(xrf1) =	vsort.ascd.msk.f32 $0xffff, v57, v1  }
0x2c2: {  	v49 =	vld [tilespmem:s31+$0xFFFFFEA0];
	(xrf1) =	vsort.dscd.msk.f32 $0xffff, v59, v2  }
0x2c3: {  	v50 =	vld [tilespmem:s31+$0xFFFFFEB0];
	(xrf1) =	vsort.ascd.msk.f32 $0xffff, v60, v3  }
0x2c4: {  	v45 =	vbroadcast v63, $0xF;
	v53, _, _ =	vpop (xrf0);
	v51 =	vld [tilespmem:s31+$0xFFFFFF00];
	(xrf1) =	vsort.dscd.msk.f32 $0xffff, v62, v0  }
0x2c5: {  	v52 =	vld [tilespmem:s31+$0xFFFFFF10];
	v34, v26, _ =	vpop (xrf1);
	(xrf1) =	vsort.ascd.msk.f32 $0xffff, v31, v1  }
0x2c6: {  	v30 =	vsub.f32 v30, v45;
	v55 =	vbroadcast v53, $0xF;
	v53 =	vld [tilespmem:s31+$0xFFFFFF20]  }
0x2c7: {  	v54 =	vld [tilespmem:s31+$0xFFFFFF30];
	s25 =	spop (v2sf);
	(xrf1) =	vsort.dscd.msk.f32 $0xffff, v49, v2  }
0x2c8: {  	v30 =	vmul.f32 $1.442695020e+00, v30;
	v58 =	vsub.f32 v61, v55;
	v55 =	vld [tilespmem:s31+$0xFFFFFF80];
	s24 =	sadd.f32 $9.999999680e-21, s25;
	(xrf1) =	vsort.ascd.msk.f32 $0xffff, v50, v3  }
0x2c9: {  	v63, _, _ =	vpop (xrf0);
	v59 =	vld [tilespmem:s31+$0xFFFFFF90];
	(xrf1) =	vsort.dscd.msk.f32 $0xffff, v51, v0  }
0x2ca: {  	(erf) = vpow2.f32 v30;
	v30 =	vmul.f32 $1.442695020e+00, v32;
	v44, _, _ =	vpop (xrf0);
	v61 =	vmov s24;
	(xrf1) =	vsort.ascd.msk.f32 $0xffff, v52, v1  }
0x2cb: {  	v42, v56, _ =	vpop (xrf1);
	(xrf1) =	vsort.dscd.msk.f32 $0xffff, v53, v2  }
0x2cc: {  	v32 =	vmul.f32 $1.442695020e+00, v58;
	(erf) = vpow2.f32 v30;
	v58, v57, _ =	vpop (xrf1);
	(xrf1) =	vsort.ascd.msk.f32 $0xffff, v54, v3  }
0x2cd: {  	s26 =	spop (v2sf);
	(erf) = vrcp.f32 v61;
	vm1 =	vge.f32 v42, v58;
	v50 =	vld [tilespmem:s31+$0xFFFFFFA0];
	(xrf1) =	vsort.dscd.msk.f32 $0xffff, v55, v0;
	v61, v60, _ =	vpop (xrf1)  }
0x2ce: {  	v43 =	vbroadcast v63, $0xF;
	v63 =	vld [tilespmem:s31+$0xFFFFFFB0];
	s29 =	spop (v2sf);
	v45 =	vsel vm1, v56, v57;
	(xrf1) =	vsort.ascd.msk.f32 $0xffff, v59, v1;
	v59, v53, _ =	vpop (xrf1)  }
0x2cf: {  	v42 =	vmax.f32 v42, v58;
	s30 =	spop (v2sf);
	v52 =	vld [tilespmem:s31+$0x0];
	vm1 =	vge.f32 v61, v59;
	v46, v49, _ =	vpop (xrf1)  }
0x2d0: {  	s28 =	spop (v2sf);
	v54 =	vld [tilespmem:s31+$0x10];
	(xrf1) =	vsort.dscd.msk.f32 $0xffff, v42, v45;
	v47 =	vmax.f32 v61, v59;
	v60 =	vsel vm1, v60, v53;
	v51, v53, _ =	vpop (xrf1)  }
0x2d1: {  	s28 =	sadd.f32 $9.999999680e-21, s28;
	v42 =	vld [tilespmem:s31+$0x20];
	v45, v55, _ =	vpop (xrf1);
	(xrf1) =	vsort.ascd.msk.f32 $0xffff, v47, v60  }
0x2d2: {  	v47 =	vld [tilespmem:s31+$0x30];
	v48, v56, _ =	vpop (xrf1);
	(xrf1) =	vsort.dscd.msk.f32 $0xffff, v50, v2  }
0x2d3: {  	v62 =	vmov s28;
	v50 =	vld [tilespmem:s31+$0x80];
	v57, v58, _ =	vpop (xrf1);
	(xrf1) =	vsort.ascd.msk.f32 $0xffff, v63, v3  }
0x2d4: {  	v39 =	vsub.f32 v39, v43;
	v43 =	vld [tilespmem:s31+$0x90];
	v30 =	vpop (erf);
	(xrf1) =	vsort.dscd.msk.f32 $0xffff, v52, v0  }
0x2d5: {  	v31 =	vpop (erf);
	v52 =	vld [tilespmem:s31+$0xA0];
	(xrf1) =	vsort.ascd.msk.f32 $0xffff, v54, v1  }
0x2d6: {  	(erf) = vpow2.f32 v32;
	v59, v60, _ =	vpop (xrf1);
	v54 =	vld [tilespmem:s31+$0xB0];
	(xrf1) =	vsort.dscd.msk.f32 $0xffff, v42, v2  }
0x2d7: {  	(erf) = vrcp.f32 v62;
	v61, v62, _ =	vpop (xrf1);
	v42 =	vld [tilespmem:s31+$0xFFFFFE00];
	(xrf1) =	vsort.ascd.msk.f32 $0xffff, v47, v3  }
0x2d8: {  	v8 =	vmul.f32 $2.500000000e+00, v8;
	v44 =	vbroadcast v44, $0xF;
	v63, v10, _ =	vpop (xrf1);
	v47 =	vld [tilespmem:s31+$0x100];
	(xrf1) =	vsort.dscd.msk.f32 $0xffff, v50, v0  }
0x2d9: {  	v5, v9, _ =	vpop (xrf1);
	v50 =	vld [tilespmem:s31+$0x110];
	(xrf1) =	vsort.ascd.msk.f32 $0xffff, v43, v1  }
0x2da: {  	v11 =	vmul.f32 v28, v8;
	v43, v7, _ =	vpop (xrf1);
	(xrf1) =	vsort.dscd.msk.f32 $0xffff, v52, v2  }
0x2db: {  	v8 =	vsub.f32 v41, v44;
	vm1 =	vge.f32 v51, v45;
	v52 =	vld [tilespmem:s31+$0x120];
	v4, v6, _ =	vpop (xrf1);
	(xrf1) =	vsort.ascd.msk.f32 $0xffff, v54, v3  }
0x2dc: {  	v41 =	vld [tilespmem:s31+$0x130];
	v45 =	vmax.f32 v51, v45;
	v53 =	vsel vm1, v53, v55;
	v44, v54, _ =	vpop (xrf1);
	(xrf1) =	vsort.dscd.msk.f32 $0xffff, v42, v0  }
0x2dd: {  	vm1 =	vge.f32 v48, v57;
	v42, v51, _ =	vpop (xrf1);
	(xrf1) =	vsort.dscd.msk.f32 $0xffff, v47, v0;
	v47 =	vmax.f32 v48, v57  }
0x2de: {  	v48 =	vsel vm1, v56, v58;
	vm1 =	vge.f32 v59, v61;
	(xrf1) =	vsort.ascd.msk.f32 $0xffff, v50, v1;
	v50, v55, _ =	vpop (xrf1)  }
0x2df: {  	v56 =	vmax.f32 v59, v61;
	v58 =	vsel vm1, v60, v62;
	v61, v57, _ =	vpop (xrf1)  }
0x2e0: {  	(xrf1) =	vsort.dscd.msk.f32 $0xffff, v52, v2;
	vm1 =	vge.f32 v50, v61;
	v50 =	vmax.f32 v50, v61  }
0x2e1: {  	(xrf1) =	vsort.ascd.msk.f32 $0xffff, v41, v3;
	v60, v59, _ =	vpop (xrf1);
	v61 =	vsel vm1, v55, v57;
	vm1 =	vge.f32 v63, v5  }
0x2e2: {  	(xrf1) =	vsort.ascd.msk.f32 $0xffff, v45, v53;
	v45, v53, _ =	vpop (xrf1);
	v9 =	vsel vm1, v10, v9;
	vm1 =	vge.f32 v43, v4  }
0x2e3: {  	v5 =	vmax.f32 v63, v5;
	(xrf1) =	vsort.dscd.msk.f32 $0xffff, v50, v61;
	v50, v52, _ =	vpop (xrf1);
	v6 =	vsel vm1, v7, v6  }
0x2e4: {  	v4 =	vmax.f32 v43, v4;
	v41 =	vmax.f32 v60, v45;
	(xrf1) =	vsort.dscd.msk.f32 $0xffff, v47, v48;
	v10, v62, _ =	vpop (xrf1)  }
0x2e5: {  	vm1 =	vge.f32 v44, v42;
	v42 =	vmax.f32 v44, v42;
	(xrf1) =	vsort.ascd.msk.f32 $0xffff, v56, v58;
	v7, v63, _ =	vpop (xrf1)  }
0x2e6: {  	v54 =	vsel vm1, v54, v51;
	vm1 =	vge.f32 v60, v45;
	(xrf1) =	vsort.dscd.msk.f32 $0xffff, v5, v9;
	v5, v9, _ =	vpop (xrf1)  }
0x2e7: {  	v55 =	vsel vm1, v59, v53;
	(xrf1) =	vsort.ascd.msk.f32 $0xffff, v4, v6;
	v4, v6, _ =	vpop (xrf1)  }
0x2e8: {  	vm1 =	vge.f32 v50, v10;
	v10 =	vmax.f32 v50, v10;
	(xrf1) =	vsort.dscd.msk.f32 $0xffff, v42, v54;
	v42, v44, _ =	vpop (xrf1)  }
0x2e9: {  	v47 =	vsel vm1, v52, v62;
	vm1 =	vge.f32 v7, v5;
	(xrf1) =	vsort.ascd.msk.f32 $0xffff, v41, v55;
	v41, v45, _ =	vpop (xrf1)  }
0x2ea: {  	v5 =	vmax.f32 v7, v5;
	v9 =	vsel vm1, v63, v9;
	v7, v56, _ =	vpop (xrf1)  }
0x2eb: {  	vm1 =	vge.f32 v4, v42;
	(xrf1) =	vsort.dscd.msk.f32 $0xffff, v10, v47;
	v10, v57, _ =	vpop (xrf1)  }
0x2ec: {  	v4 =	vmax.f32 v4, v42;
	v6 =	vsel vm1, v6, v44;
	vm1 =	vge.f32 v10, v46  }
0x2ed: {  	v58, v59, _ =	vpop (xrf1);
	v10 =	vmax.f32 v10, v46;
	(xrf1) =	vsort.ascd.msk.f32 $0xffff, v5, v9;
	v43 =	vsel vm1, v57, v49  }
0x2ee: {  	v5, v9, _ =	vpop (xrf1);
	vm1 =	vge.f32 v41, v7;
	v7 =	vmax.f32 v41, v7;
	(xrf1) =	vsort.dscd.msk.f32 $0xffff, v10, v43  }
0x2ef: {  	v61 =	vmul.f32 $1.442695020e+00, v8;
	v8 =	vsel vm1, v45, v56;
	vm1 =	vge.f32 v58, v5;
	(xrf1) =	vsort.dscd.msk.f32 $0xffff, v4, v6  }
0x2f0: {  	v5 =	vmax.f32 v58, v5;
	v9 =	vsel vm1, v59, v9;
	(xrf1) =	vsort.ascd.msk.f32 $0xffff, v7, v8  }
0x2f1: {  	v10, v60, _ =	vpop (xrf1);
	(xrf1) =	vsort.dscd.msk.f32 $0xffff, v5, v9;
	v9 =	vld [tilespmem:$0x1FF20];
	_ =	sdelay $0x2  }
0x2f2: {  	s28 =	simm.s32 $0x8200  }
0x2f3: {  	[tilespmem:s28+$0xFFFFFE00] =	vst v16  }
0x2f4: {  	s23 =	simm.s32 $0xC200;
	[tilespmem:s28+$0x180] =	vst v9  }
0x2f5: {  	(xrf0) =	vmax.scan.msk.f32 $0xffff, v34;
	[tilespmem:s23+$0x180] =	vst v11  }
0x2f6: {  	v16 =	vld [tilespmem:$0x1FF30];
	_ =	sdelay $0x4  }
0x2f7: {  	v39 =	vmul.f32 $1.442695020e+00, v39;
	v40, _, _ =	vpop (xrf0);
	[tilespmem:s28+$0xFFFFFE80] =	vst v16  }
0x2f8: {  	v32 =	vpop (erf);
	v7 =	vbroadcast v40, $0xF;
	v47 =	vld [tilespmem:$0x1FF40]  }
0x2f9: {  	v35 =	vpop (erf)  }
0x2fa: {  	v33 =	vpop (erf);
	(erf) = vpow2.f32 v39;
	v7 =	vsub.f32 v34, v7  }
0x2fb: {  	v39 =	vpop (erf)  }
0x2fc: {  	v4, v6, _ =	vpop (xrf1);
	v7 =	vmul.f32 $1.442695020e+00, v7  }
0x2fd: {  	(erf) = vpow2.f32 v61;
	v62, v63, _ =	vpop (xrf1);
	[tilespmem:s28+$0xFFFFFF00] =	vst v47  }
0x2fe: {  	v5, v8, _ =	vpop (xrf1);
	(erf) = vpow2.f32 v7;
	v7 =	vld [tilespmem:$0x1FF50]  }
0x2ff: {  	vm1 =	vge.f32 v10, v4;
	v4 =	vmax.f32 v10, v4;
	v9, v10, _ =	vpop (xrf1)  }
0x300: {  	v6 =	vsel vm1, v60, v6;
	v11, v46, _ =	vpop (xrf1)  }
0x301: {  	s25 =	sadd.f32 $9.999999680e-21, s26;
	v36, _, _ =	vpop (xrf2);
	vm1 =	vge.f32 v9, v11  }
0x302: {  	v38, _, _ =	vpop (xrf2);
	v10 =	vsel vm1, v10, v46  }
0x303: {  	v28 =	vpop (erf);
	(xrf0) =	vmax.scan.msk.f32 $0xffff, v5;
	v9 =	vmax.f32 v9, v11;
	[tilespmem:s28+$0xFFFFFF80] =	vst v7;
	v7 =	vmov s25  }
0x304: {  	v48 =	vnsel vm0, $0x0, v28;
	(xrf1) =	vsort.ascd.msk.f32 $0xffff, v4, v6;
	v4, v6, _ =	vpop (xrf1);
	(erf) = vrcp.f32 v7;
	v7 =	vld [tilespmem:$0x1FF60]  }
0x305: {  	(xrf2) =	vadd.scan.msk.f32 $0xffff, v48;
	v11, v16, _ =	vpop (xrf1)  }
0x306: {  	(xrf1) =	vsort.dscd.msk.f32 $0xffff, v9, v10;
	vm1 =	vge.f32 v4, v11;
	v9, v10, _ =	vpop (xrf1);
	v4 =	vmax.f32 v4, v11  }
0x307: {  	v6 =	vsel vm1, v6, v16;
	v11, v16, _ =	vpop (xrf1)  }
0x308: {  	(v2sf) =	vpush v36, $0xF;
	vm1 =	vge.f32 v9, v11  }
0x309: {  	(xrf1) =	vsort.dscd.msk.f32 $0xffff, v4, v6;
	v9 =	vmax.f32 v9, v11;
	v4, _, _ =	vpop (xrf0);
	v10 =	vsel vm1, v10, v16;
	[tilespmem:s28+$0x0] =	vst v7  }
0x30a: {  	(v2sf) =	vpush v38, $0xF;
	v4 =	vbroadcast v4, $0xF;
	v6, v49, _ =	vpop (xrf1);
	(xrf1) =	vsort.dscd.msk.f32 $0xffff, v9, v10;
	v10 =	vld [tilespmem:$0x1FF70];
	_ =	sdelay $0x1  }
0x30b: {  	s24 =	sadd.f32 $9.999999680e-21, s29;
	v37, _, _ =	vpop (xrf2);
	v4 =	vsub.f32 v5, v4  }
0x30c: {  	v17 =	vmul.f32 $2.500000000e+00, v17;
	(v2sf) =	vpush v37, $0xF;
	v5, v9, _ =	vpop (xrf1)  }
0x30d: {  	v11 =	vmov s24;
	vm1 =	vge.f32 v6, v5;
	v4 =	vmul.f32 $1.442695020e+00, v4  }
0x30e: {  	v50 =	vpop (erf);
	v9 =	vsel vm1, v49, v9;
	(erf) = vrcp.f32 v11;
	[tilespmem:s28+$0x80] =	vst v10  }
0x30f: {  	v56, _, _ =	vpop (xrf2);
	v5 =	vmax.f32 v6, v5;
	(erf) = vpow2.f32 v4;
	v4 =	vld [tilespmem:$0x1FF80]  }
0x310: {  	v29 =	vmul.f32 $2.500000000e+00, v29;
	(xrf1) =	vsort.dscd.msk.f32 $0xffff, v5, v9;
	v7 =	vnsel vm0, $0x0, v30;
	v6, v10, _ =	vpop (xrf1)  }
0x311: {  	v16 =	vmul.f32 v35, v17;
	(xrf2) =	vadd.scan.msk.f32 $0xffff, v7;
	v7 =	vnsel vm0, $0x0, v31;
	v11, v17, _ =	vpop (xrf1)  }
0x312: {  	(xrf2) =	vadd.scan.msk.f32 $0xffff, v7;
	vm2 =	vge.f32 v6, v62;
	v5, v9, _ =	vpop (xrf1)  }
0x313: {  	v53 =	vpop (erf);
	v6 =	vmax.f32 v6, v62;
	[tilespmem:s23+$0xFFFFFE00] =	vst v16;
	v10 =	vsel vm2, v10, v63;
	vm1 =	vge.f32 v11, v5  }
0x314: {  	s25 =	simm.s32 $0x8600;
	(xrf1) =	vsort.dscd.msk.f32 $0xffff, v6, v10;
	v51, v52, _ =	vpop (xrf1);
	[tilespmem:s28+$0x100] =	vst v4;
	v4 =	vmax.f32 v11, v5;
	v5 =	vsel vm1, v17, v9  }
0x315: {  	[tilespmem:s25+$0xFFFFFE00] =	vst v27;
	v6 =	vmul.f32 v39, v29;
	v17, v29, _ =	vpop (xrf1);
	(xrf1) =	vsort.dscd.msk.f32 $0xffff, v4, v5  }
0x316: {  	v61 =	vnsel vm0, $0x0, v33;
	v55 =	vmul.f32 $2.500000000e+00, v13;
	[tilespmem:s25+$0xFFFFFF00] =	vst v20;
	v27, v13, _ =	vpop (xrf1);
	vm1 =	vge.f32 v51, v17  }
0x317: {  	v9 =	vmul.f32 $2.500000000e+00, v14;
	s28 =	spop (v2sf);
	v17 =	vmax.f32 v51, v17;
	(xrf0) =	vmax.scan.msk.f32 $0xffff, v27;
	v58, v14, _ =	vpop (xrf1);
	v20 =	vsel vm1, v52, v29  }
0x318: {  	v7 =	vmul.f32 $2.500000000e+00, v33;
	[tilespmem:s25+$0x180] =	vst v18;
	s31 =	spop (v2sf);
	(v2sf) =	vpush v56, $0xF;
	v33, v16, _ =	vpop (xrf1);
	(xrf1) =	vsort.dscd.msk.f32 $0xffff, v17, v20  }
0x319: {  	v18 =	vpop (erf);
	[tilespmem:s25+$0xFFFFFE80] =	vst v25;
	v4 =	vnsel vm0, $0x0, v32  }
0x31a: {  	s26 =	sadd.f32 $9.999999680e-21, s30;
	v54 =	vmul.f32 $2.500000000e+00, v12;
	[tilespmem:s25+$0xFFFFFF80] =	vst v21;
	v25 =	vpop (erf);
	(xrf2) =	vadd.scan.msk.f32 $0xffff, v4  }
0x31b: {  	v12 =	vmul.f32 $2.500000000e+00, v23;
	[tilespmem:s25+$0x0] =	vst v24;
	v60, _, _ =	vpop (xrf2);
	(xrf0) =	vmax.scan.msk.f32 $0xffff, v58  }
0x31c: {  	v57 =	vmov s26;
	[tilespmem:s25+$0x80] =	vst v22;
	v18 =	vmul.f32 v18, v54;
	v21 =	vpop (erf);
	s30 =	sadd.f32 $9.999999680e-21, s31;
	s31 =	spop (v2sf);
	(v2sf) =	vpush v60, $0xF  }
0x31d: {  	s24 =	simm.s32 $0xC600;
	[tilespmem:s25+$0x100] =	vst v26;
	v10 =	vmul.f32 $2.500000000e+00, v15;
	v15 =	vmul.f32 $2.500000000e+00, v28;
	v28, _, _ =	vpop (xrf2);
	v20 =	vnsel vm0, $0x0, v21  }
0x31e: {  	(erf) = vrcp.f32 v57;
	v25 =	vmul.f32 v25, v55;
	[tilespmem:s24+$0x180] =	vst v6;
	(xrf2) =	vadd.scan.msk.f32 $0xffff, v20;
	v22, _, _ =	vpop (xrf0)  }
0x31f: {  	v6 =	vmul.f32 $2.500000000e+00, v32;
	(v2sf) =	vpush v28, $0xF;
	(xrf0) =	vmax.scan.msk.f32 $0xffff, v33;
	v26 =	vbroadcast v22, $0xF  }
0x320: {  	[tilespmem:s23+$0xFFFFFE80] =	vst v18;
	v11 =	vmul.f32 $2.500000000e+00, v19;
	v19 =	vmul.f32 $2.500000000e+00, v50;
	s28 =	sadd.f32 $9.999999680e-21, s28;
	v32, v17, _ =	vpop (xrf1)  }
0x321: {  	[tilespmem:s23+$0xFFFFFF00] =	vst v25;
	v5 =	vmul.f32 $2.500000000e+00, v30;
	v4 =	vmul.f32 $2.500000000e+00, v31;
	(xrf0) =	vmax.scan.msk.f32 $0xffff, v32;
	v18, _, _ =	vpop (xrf0)  }
0x322: {  	v31 =	vnsel vm0, $0x0, v50;
	v59 =	vmov s28;
	s28 =	sadd.f32 $9.999999680e-21, s31;
	(xrf2) =	vadd.scan.msk.f32 $0xffff, v61;
	v30, v20, _ =	vpop (xrf1);
	v27 =	vsub.f32 v27, v26  }
0x323: {  	v29 =	vnsel vm0, $0x0, v53;
	v24 =	vmov s30;
	v62 =	vbroadcast v18, $0xF;
	(xrf0) =	vmax.scan.msk.f32 $0xffff, v30;
	v26, v18, _ =	vpop (xrf1)  }
0x324: {  	(erf) = vrcp.f32 v59;
	v23 =	vmov s28;
	v63, _, _ =	vpop (xrf2);
	v25 =	vmul.f32 $1.442695020e+00, v27;
	(xrf0) =	vmax.scan.msk.f32 $0xffff, v26  }
0x325: {  	s26 =	simm.s32 $0x10;
	s28 =	simm.s32 $0x4E00;
	v22 =	vmul.f32 $2.500000000e+00, v53;
	v27 =	vsub.f32 v58, v62;
	(v2sf) =	vpush v63, $0xF;
	v28, _, _ =	vpop (xrf0)  }
.LBB2_4:
0x326: {  	v34 =	vld [tilespmem:s28+$0x180];
	v28 =	vbroadcast v28, $0xF;
	(erf) = vpow2.f32 v25;
	v35, v37, _ =	vpop (xrf1);
	(xrf2) =	vadd.scan.msk.f32 $0xffff, v31  }
0x327: {  	v25 =	vld [tilespmem:s28+$0x190];
	v27 =	vmul.f32 $1.442695020e+00, v27;
	v31, _, _ =	vpop (xrf0);
	(xrf0) =	vmax.scan.msk.f32 $0xffff, v35;
	s29 =	spop (v2sf)  }
0x328: {  	v36 =	vld [tilespmem:s28+$0x1A0];
	v28 =	vsub.f32 v33, v28;
	v31 =	vbroadcast v31, $0xF;
	v33, _, _ =	vpop (xrf2);
	s29 =	sadd.f32 $9.999999680e-21, s29;
	(erf) = vrcp.f32 v24  }
0x329: {  	s26 =	sadd.s32 $0x8, s26;
	v24 =	vld [tilespmem:s28+$0x1B0];
	v38, _, _ =	vpop (xrf0);
	(erf) = vpow2.f32 v27;
	(v2sf) =	vpush v33, $0xF;
	(xrf2) =	vadd.scan.msk.f32 $0xffff, v29  }
0x32a: {  	p0 =	slt.u32 s26, $0x78;
	v27 =	vld [tilespmem:s28+$0xFFFFFE10];
	v41 =	vbroadcast v38, $0xF;
	v40 =	vmul.f32 $1.442695020e+00, v28;
	v31 =	vsub.f32 v32, v31;
	v32, _, _ =	vpop (xrf0)  }
0x32b: {  	v33 =	vld [tilespmem:s28+$0xFFFFFE20];
	(xrf1) =	vsort.dscd.msk.f32 $0xffff, v34, v0;
	v42 =	vbroadcast v32, $0xF;
	v34 =	vmov s29;
	s29 =	spop (v2sf);
	v38 =	vpop (erf);
	(erf) = vrcp.f32 v23  }
0x32c: {  	v39 =	vld [tilespmem:s28+$0xFFFFFE30];
	(xrf1) =	vsort.ascd.msk.f32 $0xffff, v25, v1;
	v23 =	vsub.f32 v30, v41;
	v25 =	vmul.f32 $1.442695020e+00, v31;
	(erf) = vpow2.f32 v40;
	s29 =	sadd.f32 $9.999999680e-21, s29;
	v28, _, _ =	vpop (xrf2)  }
0x32d: {  	v30 =	vld [tilespmem:s28+$0xFFFFFE80];
	(xrf1) =	vsort.dscd.msk.f32 $0xffff, v36, v2;
	v40 =	vsub.f32 v26, v42;
	v29, _, _ =	vpop (xrf0);
	(erf) = vrcp.f32 v34;
	(v2sf) =	vpush v28, $0xF  }
0x32e: {  	v28 =	vld [tilespmem:s28+$0xFFFFFE90];
	(xrf1) =	vsort.ascd.msk.f32 $0xffff, v24, v3;
	v23 =	vmul.f32 $1.442695020e+00, v23;
	v24 =	vbroadcast v29, $0xF;
	v31 =	vmov s29;
	s29 =	spop (v2sf);
	v32 =	vpop (erf)  }
0x32f: {  	v34 =	vld [tilespmem:s28+$0xFFFFFEA0];
	(xrf1) =	vsort.ascd.msk.f32 $0xffff, v27, v1;
	v36 =	vmul.f32 $1.442695020e+00, v40;
	v26 =	vpop (erf);
	(erf) = vpow2.f32 v25;
	s29 =	sadd.f32 $9.999999680e-21, s29  }
0x330: {  	v27 =	vld [tilespmem:s28+$0xFFFFFEB0];
	(xrf1) =	vsort.dscd.msk.f32 $0xffff, v33, v2;
	v29 =	vnsel vm0, $0x0, v26;
	v25 =	vmul.f32 $2.500000000e+00, v26;
	v42 =	vsub.f32 v35, v24;
	v26, _, _ =	vpop (xrf2)  }
0x331: {  	v38 =	vmul.f32 v38, v9;
	v40 =	vld [tilespmem:s28+$0xFFFFFF00];
	(xrf1) =	vsort.ascd.msk.f32 $0xffff, v39, v3;
	v33 =	vmov s29;
	(v2sf) =	vpush v26, $0xF;
	v39 =	vpop (erf)  }
0x332: {  	v9 =	vmov v6;
	v41 =	vld [tilespmem:s28+$0xFFFFFF10];
	(xrf1) =	vsort.dscd.msk.f32 $0xffff, v30, v0;
	v35 =	vmul.f32 $1.442695020e+00, v42;
	v24 =	vpop (erf);
	v42 =	vmul.f32 v32, v10  }
0x333: {  	v43 =	vld [tilespmem:s28+$0xFFFFFF20];
	(xrf1) =	vsort.ascd.msk.f32 $0xffff, v28, v1;
	v32 =	vnsel vm0, $0x0, v24;
	v26 =	vmul.f32 $2.500000000e+00, v24;
	v6, _, _ =	vpop (xrf2);
	v28 =	vmul.f32 v39, v12  }
0x334: {  	v10 =	vmov v7;
	v24 =	vld [tilespmem:s28+$0xFFFFFF30];
	(xrf1) =	vsort.dscd.msk.f32 $0xffff, v34, v2;
	s29 =	spop (v2sf);
	(v2sf) =	vpush v6, $0xF;
	[tilespmem:s23+$0xFFFFFF80] =	vst v38;
	v6 =	vpop (erf)  }
0x335: {  	v12 =	vmov v19;
	v34 =	vld [tilespmem:s28+$0xFFFFFF80];
	(xrf1) =	vsort.ascd.msk.f32 $0xffff, v27, v3;
	v7 =	vpop (erf);
	s29 =	sadd.f32 $9.999999680e-21, s29;
	[tilespmem:s23+$0x80] =	vst v28;
	v28 =	vmul.f32 v6, v11  }
0x336: {  	v19 =	vld [tilespmem:s28+$0xFFFFFF90];
	(xrf1) =	vsort.dscd.msk.f32 $0xffff, v40, v0;
	v30 =	vnsel vm0, $0x0, v7;
	v6 =	vmul.f32 $2.500000000e+00, v7;
	v7 =	vpop (erf);
	[tilespmem:s23+$0x0] =	vst v42  }
0x337: {  	v11 =	vmov v22;
	v38 =	vld [tilespmem:s28+$0xFFFFFFA0];
	v15 =	vmul.f32 v7, v15;
	v27 =	vmov s29;
	[tilespmem:s23+$0x100] =	vst v28;
	s23 =	smov.u32 s24  }
0x338: {  	v39 =	vld [tilespmem:s28+$0xFFFFFFB0];
	(xrf1) =	vsort.ascd.msk.f32 $0xffff, v41, v1;
	v7 =	vpop (erf);
	s29 =	spop (v2sf)  }
0x339: {  	v40 =	vld [tilespmem:s28+$0x0];
	(xrf1) =	vsort.dscd.msk.f32 $0xffff, v43, v2;
	v22, v41, _ =	vpop (xrf1);
	v28 =	vnsel vm0, $0x0, v7;
	v7 =	vmul.f32 $2.500000000e+00, v7;
	s29 =	sadd.f32 $9.999999680e-21, s29;
	[tilespmem:s24+$0xFFFFFE00] =	vst v15  }
0x33a: {  	v15 =	vld [tilespmem:s28+$0x10];
	(xrf1) =	vsort.ascd.msk.f32 $0xffff, v24, v3;
	v24, v42, _ =	vpop (xrf1)  }
0x33b: {  	v43 =	vld [tilespmem:s28+$0x20];
	(xrf1) =	vsort.dscd.msk.f32 $0xffff, v34, v0;
	v34, v44, _ =	vpop (xrf1);
	v45 =	vmov s29  }
0x33c: {  	vm1 =	vge.f32 v22, v24;
	v46 =	vld [tilespmem:s28+$0x30];
	(xrf1) =	vsort.ascd.msk.f32 $0xffff, v19, v1;
	v47, v48, _ =	vpop (xrf1);
	(erf) = vrcp.f32 v45;
	s29 =	spop (v2sf)  }
0x33d: {  	v51 =	vmax.f32 v22, v24;
	v41 =	vsel vm1, v41, v42;
	v45 =	vld [tilespmem:s28+$0x80];
	vm1 =	vge.f32 v34, v47;
	v22, v19, _ =	vpop (xrf1);
	s29 =	sadd.f32 $9.999999680e-21, s29  }
0x33e: {  	v34 =	vmax.f32 v34, v47;
	v42 =	vld [tilespmem:s28+$0x90];
	v44 =	vsel vm1, v44, v48;
	v47, v48, _ =	vpop (xrf1);
	(xrf1) =	vsort.dscd.msk.f32 $0xffff, v51, v41  }
0x33f: {  	v41 =	vld [tilespmem:s28+$0xA0];
	v24, v49, _ =	vpop (xrf1);
	(xrf1) =	vsort.ascd.msk.f32 $0xffff, v34, v44;
	v34 =	vmov s29  }
0x340: {  	vm1 =	vge.f32 v47, v24;
	v44 =	vmax.f32 v47, v24;
	v47 =	vld [tilespmem:s28+$0xB0];
	v24, v50, _ =	vpop (xrf1);
	(xrf1) =	vsort.dscd.msk.f32 $0xffff, v38, v2;
	s29 =	spop (v2sf)  }
0x341: {  	v38 =	vsel vm1, v48, v49;
	v48 =	vld [tilespmem:s28+$0x100];
	v49, v51, _ =	vpop (xrf1);
	(xrf1) =	vsort.ascd.msk.f32 $0xffff, v39, v3;
	s29 =	sadd.f32 $9.999999680e-21, s29  }
0x342: {  	vm1 =	vge.f32 v24, v49;
	v39 =	vmax.f32 v24, v49;
	v49 =	vld [tilespmem:s28+$0x110];
	v52, v53, _ =	vpop (xrf1);
	(xrf1) =	vsort.dscd.msk.f32 $0xffff, v40, v0;
	(erf) = vpow2.f32 v23  }
0x343: {  	v40 =	vsel vm1, v50, v51;
	v50 =	vld [tilespmem:s28+$0x120];
	v23, v51, _ =	vpop (xrf1);
	(xrf1) =	vsort.ascd.msk.f32 $0xffff, v15, v1;
	v24 =	vmov s29;
	s29 =	spop (v2sf)  }
0x344: {  	v21 =	vmul.f32 $2.500000000e+00, v21;
	vm1 =	vge.f32 v52, v23;
	v52 =	vmax.f32 v52, v23;
	v54 =	vld [tilespmem:s28+$0x130];
	v15, v55, _ =	vpop (xrf1);
	(xrf1) =	vsort.dscd.msk.f32 $0xffff, v43, v2;
	s29 =	sadd.f32 $9.999999680e-21, s29  }
0x345: {  	v43 =	vld [tilespmem:s28+$0xFFFFFE00];
	v51 =	vsel vm1, v53, v51;
	(xrf1) =	vsort.ascd.msk.f32 $0xffff, v46, v3;
	v23 =	vpop (erf)  }
0x346: {  	s25 =	sadd.s32 $0x400, s25;
	v56, v53, _ =	vpop (xrf1);
	(xrf1) =	vsort.dscd.msk.f32 $0xffff, v45, v0;
	v21 =	vmul.f32 v23, v21;
	v23 =	vmov s29  }
0x347: {  	s24 =	sadd.s32 $0x400, s24;
	vm1 =	vge.f32 v15, v56;
	v45 =	vmax.f32 v15, v56;
	v15, v46, _ =	vpop (xrf1);
	(xrf1) =	vsort.ascd.msk.f32 $0xffff, v42, v1;
	[tilespmem:s25+$0x180] =	vst v8  }
0x348: {  	v8 =	vsel vm1, v55, v53;
	v42, v53, _ =	vpop (xrf1);
	(xrf1) =	vsort.dscd.msk.f32 $0xffff, v41, v2;
	[tilespmem:s24+$0x180] =	vst v21  }
0x349: {  	vm1 =	vge.f32 v15, v42;
	v21 =	vmax.f32 v15, v42;
	v15, v41, _ =	vpop (xrf1);
	(xrf1) =	vsort.ascd.msk.f32 $0xffff, v47, v3;
	[tilespmem:s25+$0xFFFFFE00] =	vst v20  }
0x34a: {  	v20 =	vsel vm1, v46, v53;
	(xrf1) =	vsort.dscd.msk.f32 $0xffff, v43, v0;
	v42, v43, _ =	vpop (xrf1);
	[tilespmem:s25+$0xFFFFFE80] =	vst v13  }
0x34b: {  	vm1 =	vge.f32 v15, v42;
	v13 =	vmax.f32 v15, v42;
	(xrf1) =	vsort.dscd.msk.f32 $0xffff, v48, v0;
	[tilespmem:s25+$0xFFFFFF00] =	vst v14;
	v14 =	vpop (erf)  }
0x34c: {  	v41 =	vsel vm1, v41, v43;
	(xrf1) =	vsort.ascd.msk.f32 $0xffff, v49, v1;
	v42, v43, _ =	vpop (xrf1);
	v46 =	vnsel vm0, $0x0, v14;
	v15 =	vmul.f32 $2.500000000e+00, v14  }
0x34d: {  	(xrf1) =	vsort.dscd.msk.f32 $0xffff, v50, v2;
	v14, v47, _ =	vpop (xrf1);
	[tilespmem:s25+$0xFFFFFF80] =	vst v16  }
0x34e: {  	vm1 =	vge.f32 v42, v14;
	v16, v48, _ =	vpop (xrf1);
	(xrf1) =	vsort.ascd.msk.f32 $0xffff, v54, v3;
	[tilespmem:s25+$0x0] =	vst v17  }
0x34f: {  	v14 =	vmax.f32 v42, v14;
	v47 =	vsel vm1, v43, v47;
	(xrf1) =	vsort.ascd.msk.f32 $0xffff, v44, v38;
	v43, v42, _ =	vpop (xrf1);
	[tilespmem:s25+$0x80] =	vst v18  }
0x350: {  	vm1 =	vge.f32 v16, v43;
	v16 =	vmax.f32 v16, v43;
	v18, v38, _ =	vpop (xrf1);
	(xrf1) =	vsort.dscd.msk.f32 $0xffff, v14, v47;
	[tilespmem:s25+$0x100] =	vst v37  }
0x351: {  	v14 =	vsel vm1, v48, v42;
	(xrf1) =	vsort.dscd.msk.f32 $0xffff, v39, v40;
	v17, v37, _ =	vpop (xrf1)  }
0x352: {  	vm1 =	vge.f32 v18, v17;
	v17 =	vmax.f32 v18, v17;
	(xrf1) =	vsort.ascd.msk.f32 $0xffff, v52, v51;
	v18, v39, _ =	vpop (xrf1)  }
0x353: {  	v37 =	vsel vm1, v38, v37;
	(xrf1) =	vsort.dscd.msk.f32 $0xffff, v45, v8;
	v8, v38, _ =	vpop (xrf1)  }
0x354: {  	vm1 =	vge.f32 v18, v8;
	v8 =	vmax.f32 v18, v8;
	(xrf1) =	vsort.ascd.msk.f32 $0xffff, v21, v20;
	v18, v20, _ =	vpop (xrf1)  }
0x355: {  	v21 =	vsel vm1, v39, v38;
	(xrf1) =	vsort.dscd.msk.f32 $0xffff, v13, v41;
	v13, v38, _ =	vpop (xrf1)  }
0x356: {  	vm1 =	vge.f32 v18, v13;
	v13 =	vmax.f32 v18, v13;
	(xrf1) =	vsort.ascd.msk.f32 $0xffff, v16, v14;
	v14, v16, _ =	vpop (xrf1)  }
0x357: {  	v18 =	vsel vm1, v20, v38;
	v20, v38, _ =	vpop (xrf1)  }
0x358: {  	vm1 =	vge.f32 v14, v20;
	v14 =	vmax.f32 v14, v20;
	v20, v39, _ =	vpop (xrf1);
	(xrf1) =	vsort.dscd.msk.f32 $0xffff, v17, v37  }
0x359: {  	vm2 =	vge.f32 v20, v22;
	v40 =	vmax.f32 v20, v22;
	v16 =	vsel vm1, v16, v38;
	v20, v22, _ =	vpop (xrf1)  }
0x35a: {  	(xrf1) =	vsort.ascd.msk.f32 $0xffff, v8, v21;
	v8, v21, _ =	vpop (xrf1)  }
0x35b: {  	v37 =	vsel vm2, v39, v19;
	vm1 =	vge.f32 v20, v8;
	v8 =	vmax.f32 v20, v8  }
0x35c: {  	(xrf1) =	vsort.dscd.msk.f32 $0xffff, v40, v37;
	v17, v19, _ =	vpop (xrf1)  }
0x35d: {  	v20 =	vsel vm1, v22, v21;
	(xrf1) =	vsort.dscd.msk.f32 $0xffff, v13, v18;
	v13, v18, _ =	vpop (xrf1)  }
0x35e: {  	vm1 =	vge.f32 v17, v13;
	v13 =	vmax.f32 v17, v13;
	v17, v21, _ =	vpop (xrf1);
	(xrf1) =	vsort.ascd.msk.f32 $0xffff, v14, v16  }
0x35f: {  	v14 =	vsel vm1, v19, v18;
	(xrf1) =	vsort.dscd.msk.f32 $0xffff, v8, v20;
	(erf) = vpow2.f32 v36;
	v16, v8, _ =	vpop (xrf1)  }
0x360: {  	v18, v19, _ =	vpop (xrf1);
	(xrf0) =	vmax.scan.msk.f32 $0xffff, v16  }
0x361: {  	v20, v22, _ =	vpop (xrf1);
	(xrf1) =	vsort.ascd.msk.f32 $0xffff, v13, v14  }
0x362: {  	vm1 =	vge.f32 v18, v20;
	v38 =	vmax.f32 v18, v20;
	v14, v18, _ =	vpop (xrf1)  }
0x363: {  	v36 =	vsel vm1, v19, v22;
	v20, v22, _ =	vpop (xrf1)  }
0x364: {  	vm1 =	vge.f32 v14, v20;
	v37 =	vmax.f32 v14, v20;
	(xrf1) =	vsort.dscd.msk.f32 $0xffff, v38, v36;
	v13, v19, _ =	vpop (xrf1)  }
0x365: {  	v18 =	vsel vm1, v18, v22;
	v20, v22, _ =	vpop (xrf1);
	(erf) = vpow2.f32 v35  }
0x366: {  	vm1 =	vge.f32 v13, v20;
	v13 =	vmax.f32 v13, v20;
	(xrf1) =	vsort.dscd.msk.f32 $0xffff, v37, v18;
	v14, _, _ =	vpop (xrf0)  }
0x367: {  	v18 =	vsel vm1, v19, v22;
	v14 =	vbroadcast v14, $0xF;
	v20, v22, _ =	vpop (xrf1);
	(xrf2) =	vadd.scan.msk.f32 $0xffff, v46;
	(erf) = vrcp.f32 v31  }
0x368: {  	v19 =	vpop (erf)  }
0x369: {  	v14 =	vsub.f32 v16, v14;
	(xrf1) =	vsort.dscd.msk.f32 $0xffff, v13, v18;
	v13, v16, _ =	vpop (xrf1);
	v31 =	vnsel vm0, $0x0, v19;
	v19 =	vmul.f32 $2.500000000e+00, v19  }
0x36a: {  	vm1 =	vge.f32 v20, v13;
	v36 =	vmax.f32 v20, v13;
	v18, v20, _ =	vpop (xrf1);
	(erf) = vrcp.f32 v33  }
0x36b: {  	vm2 =	vge.f32 v18, v17;
	v35 =	vsel vm1, v22, v16;
	v37 =	vmul.f32 $1.442695020e+00, v14;
	v22, v33, _ =	vpop (xrf1);
	(xrf2) =	vadd.scan.msk.f32 $0xffff, v29  }
0x36c: {  	v29 =	vmax.f32 v18, v17;
	v20 =	vsel vm2, v20, v21;
	(xrf1) =	vsort.dscd.msk.f32 $0xffff, v36, v35;
	v13, v16, _ =	vpop (xrf1)  }
0x36d: {  	vm1 =	vge.f32 v22, v13;
	v21 =	vmax.f32 v22, v13;
	(xrf1) =	vsort.dscd.msk.f32 $0xffff, v29, v20;
	v17, v18, _ =	vpop (xrf1);
	(erf) = vpow2.f32 v37  }
0x36e: {  	v20 =	vsel vm1, v33, v16;
	(xrf2) =	vadd.scan.msk.f32 $0xffff, v32;
	v16 =	vpop (erf)  }
0x36f: {  	(xrf1) =	vsort.dscd.msk.f32 $0xffff, v21, v20;
	v13, v14, _ =	vpop (xrf1);
	v29 =	vnsel vm0, $0x0, v16;
	v22 =	vmul.f32 $2.500000000e+00, v16  }
0x370: {  	vm1 =	vge.f32 v17, v13;
	v16 =	vmax.f32 v17, v13;
	v13 =	vpop (erf)  }
0x371: {  	v20 =	vsel vm1, v18, v14;
	v17, _, _ =	vpop (xrf2);
	v18 =	vmul.f32 v13, v5;
	v5 =	vmov v25  }
0x372: {  	v25, v13, _ =	vpop (xrf1);
	(xrf1) =	vsort.dscd.msk.f32 $0xffff, v16, v20;
	(v2sf) =	vpush v17, $0xF  }
0x373: {  	(xrf0) =	vmax.scan.msk.f32 $0xffff, v25;
	[tilespmem:s23+$0xFFFFFE80] =	vst v18;
	v16 =	vpop (erf)  }
0x374: {  	v35, v14, _ =	vpop (xrf1);
	(xrf2) =	vadd.scan.msk.f32 $0xffff, v30;
	v18 =	vmul.f32 v16, v4;
	v4 =	vmov v26  }
0x375: {  	v17, _, _ =	vpop (xrf2)  }
0x376: {  	v21 =	vpop (erf)  }
0x377: {  	(v2sf) =	vpush v17, $0xF;
	v17 =	vnsel vm0, $0x0, v21  }
0x378: {  	(xrf0) =	vmax.scan.msk.f32 $0xffff, v35;
	[tilespmem:s23+$0xFFFFFF00] =	vst v18  }
0x379: {  	v33, v16, _ =	vpop (xrf1)  }
0x37a: {  	(xrf2) =	vadd.scan.msk.f32 $0xffff, v17;
	v17, _, _ =	vpop (xrf2)  }
0x37b: {  	v18, _, _ =	vpop (xrf0);
	(xrf0) =	vmax.scan.msk.f32 $0xffff, v33;
	(v2sf) =	vpush v17, $0xF  }
0x37c: {  	v37 =	vbroadcast v18, $0xF;
	v32, v17, _ =	vpop (xrf1)  }
.Ltmp1:
0x37d: {  	v30, v20, _ =	vpop (xrf1);
	(xrf0) =	vmax.scan.msk.f32 $0xffff, v32;
	(pc) =	sbr.rel @p0 .LBB2_4-.Ltmp1, $4  }
0x37e: {  	v25 =	vsub.f32 v25, v37;
	v36, _, _ =	vpop (xrf0);
	(xrf2) =	vadd.scan.msk.f32 $0xffff, v28;
	(erf) = vrcp.f32 v27  }
0x37f: {  	v27 =	vbroadcast v36, $0xF;
	(xrf0) =	vmax.scan.msk.f32 $0xffff, v30;
	v26, v18, _ =	vpop (xrf1)  }
0x380: {  	v25 =	vmul.f32 $1.442695020e+00, v25;
	(xrf0) =	vmax.scan.msk.f32 $0xffff, v26;
	v36, _, _ =	vpop (xrf2)  }
0x381: {  	s28 =	sadd.s32 $0x400, s28;
	v27 =	vsub.f32 v35, v27;
	v28, _, _ =	vpop (xrf0);
	(v2sf) =	vpush v36, $0xF;
	(erf) = vrcp.f32 v34  }
0x382: {  	_ =	sdelay $0x1  }
0x383: {  	v34, _, _ =	vpop (xrf2)  }
0x384: {  	(v2sf) =	vpush v34, $0xF;
	_ =	sdelay $0x8  }
0x385: {  	v28 =	vbroadcast v28, $0xF  }
0x386: {  	(erf) = vpow2.f32 v25;
	v35, v25, _ =	vpop (xrf1);
	v27 =	vmul.f32 $1.442695020e+00, v27  }
0x387: {  	s28 =	spop (v2sf);
	v48, _, _ =	vpop (xrf0);
	(erf) = vrcp.f32 v24;
	v28 =	vsub.f32 v33, v28  }
0x388: {  	v49 =	vbroadcast v48, $0xF;
	v24, _, _ =	vpop (xrf0);
	(erf) = vpow2.f32 v27;
	s26 =	spop (v2sf)  }
0x389: {  	(xrf0) =	vmax.scan.msk.f32 $0xffff, v35;
	v24 =	vbroadcast v24, $0xF;
	v27 =	vmul.f32 $1.442695020e+00, v28;
	s29 =	spop (v2sf)  }
0x38a: {  	s30 =	sadd.f32 $9.999999680e-21, s28;
	v28 =	vsub.f32 v32, v49;
	s28 =	spop (v2sf)  }
0x38b: {  	(erf) = vrcp.f32 v23;
	v23 =	vsub.f32 v30, v24;
	s31 =	spop (v2sf)  }
0x38c: {  	v50 =	vmov s30;
	v24 =	vmul.f32 $1.442695020e+00, v28;
	(erf) = vpow2.f32 v27;
	s30 =	sadd.f32 $9.999999680e-21, s31  }
0x38d: {  	(erf) = vrcp.f32 v50;
	v27, _, _ =	vpop (xrf0);
	v23 =	vmul.f32 $1.442695020e+00, v23  }
0x38e: {  	v30 =	vpop (erf);
	(erf) = vpow2.f32 v24;
	v24 =	vbroadcast v27, $0xF;
	v28 =	vmov s30  }
0x38f: {  	v27, _, _ =	vpop (xrf0);
	(erf) = vrcp.f32 v28  }
0x390: {  	v51 =	vpop (erf);
	(erf) = vpow2.f32 v23;
	v23 =	vsub.f32 v26, v24;
	v24 =	vbroadcast v27, $0xF;
	_ =	sdelay $0x1  }
0x391: {  	v26 =	vpop (erf);
	v24 =	vsub.f32 v35, v24  }
0x392: {  	v52 =	vpop (erf)  }
0x393: {  	v23 =	vmul.f32 $1.442695020e+00, v23;
	v27 =	vpop (erf)  }
0x394: {  	v53 =	vpop (erf)  }
0x395: {  	v28 =	vmul.f32 $1.442695020e+00, v24;
	v24 =	vpop (erf)  }
0x396: {  	(erf) = vpow2.f32 v23;
	v54 =	vpop (erf)  }
0x397: {  	(erf) = vpow2.f32 v28;
	v23 =	vpop (erf)  }
0x398: {  	v36 =	vpop (erf)  }
0x399: {  	(xrf2) =	vadd.scan.msk.f32 $0xffff, v31;
	v31 =	vpop (erf)  }
0x39a: {  	(xrf2) =	vadd.scan.msk.f32 $0xffff, v29;
	v28 =	vnsel vm0, $0x0, v31  }
0x39b: {  	v29 =	vnsel vm0, $0x0, v26;
	(xrf2) =	vadd.scan.msk.f32 $0xffff, v28  }
0x39c: {  	v28 =	vnsel vm0, $0x0, v27;
	(xrf2) =	vadd.scan.msk.f32 $0xffff, v29  }
0x39d: {  	(xrf2) =	vadd.scan.msk.f32 $0xffff, v28;
	v28 =	vnsel vm0, $0x0, v23  }
0x39e: {  	v29 =	vnsel vm0, $0x0, v24  }
0x39f: {  	v37 =	vpop (erf);
	(xrf2) =	vadd.scan.msk.f32 $0xffff, v29  }
0x3a0: {  	v29 =	vnsel vm0, $0x0, v37;
	(xrf2) =	vadd.scan.msk.f32 $0xffff, v28;
	v28 =	vpop (erf)  }
0x3a1: {  	(xrf2) =	vadd.scan.msk.f32 $0xffff, v29;
	v29 =	vnsel vm0, $0x0, v28;
	_ =	sdelay $0x1  }
0x3a2: {  	v38, _, _ =	vpop (xrf2)  }
0x3a3: {  	(v2sf) =	vpush v38, $0xF;
	(xrf2) =	vadd.scan.msk.f32 $0xffff, v29;
	v29, _, _ =	vpop (xrf2)  }
0x3a4: {  	v55, _, _ =	vpop (xrf2);
	(v2sf) =	vpush v29, $0xF  }
0x3a5: {  	v29, _, _ =	vpop (xrf2);
	(v2sf) =	vpush v55, $0xF  }
0x3a6: {  	v56, _, _ =	vpop (xrf2);
	(v2sf) =	vpush v29, $0xF  }
0x3a7: {  	v29, _, _ =	vpop (xrf2);
	(v2sf) =	vpush v56, $0xF  }
0x3a8: {  	v57, _, _ =	vpop (xrf2);
	(v2sf) =	vpush v29, $0xF  }
0x3a9: {  	(v2sf) =	vpush v57, $0xF  }
0x3aa: {  	v29, _, _ =	vpop (xrf2)  }
0x3ab: {  	(v2sf) =	vpush v29, $0xF  }
0x3ac: {  	v29, _, _ =	vpop (xrf2)  }
0x3ad: {  	(v2sf) =	vpush v29, $0xF;
	v29, _, _ =	vpop (xrf2)  }
0x3ae: {  	(v2sf) =	vpush v29, $0xF;
	_ =	sdelay $0x1  }
0x3af: {  	s26 =	sadd.f32 $9.999999680e-21, s26  }
0x3b0: {  	v9 =	vmul.f32 v30, v9;
	s29 =	sadd.f32 $9.999999680e-21, s29  }
0x3b1: {  	s28 =	sadd.f32 $9.999999680e-21, s28;
	v12 =	vmul.f32 v52, v12;
	s31 =	spop (v2sf)  }
0x3b2: {  	[tilespmem:s23+$0xFFFFFF80] =	vst v9;
	v9 =	vmul.f32 v53, v11;
	v11 =	vmov s29;
	v29 =	vmov s26;
	s26 =	sadd.f32 $9.999999680e-21, s31;
	s30 =	spop (v2sf)  }
0x3b3: {  	[tilespmem:s23+$0x80] =	vst v12;
	v12 =	vmul.f32 v54, v15;
	v15 =	vmov s28;
	(erf) = vrcp.f32 v29;
	s28 =	spop (v2sf);
	s29 =	sadd.f32 $9.999999680e-21, s30  }
0x3b4: {  	(erf) = vrcp.f32 v11;
	s31 =	spop (v2sf);
	s30 =	sadd.f32 $9.999999680e-21, s28  }
0x3b5: {  	v10 =	vmul.f32 v51, v10;
	[tilespmem:s23+$0x100] =	vst v9;
	v9 =	vmov s26;
	(erf) = vrcp.f32 v15;
	s28 =	spop (v2sf);
	s31 =	sadd.f32 $9.999999680e-21, s31  }
0x3b6: {  	s25 =	sadd.s32 $0x400, s25;
	(erf) = vrcp.f32 v9;
	v11 =	vmov s29;
	v9 =	vmov s30;
	s30 =	sadd.f32 $9.999999680e-21, s28;
	s28 =	spop (v2sf)  }
0x3b7: {  	[tilespmem:s25+$0x180] =	vst v8;
	(erf) = vrcp.f32 v11;
	v8 =	vmov s31;
	s28 =	sadd.f32 $9.999999680e-21, s28;
	s31 =	spop (v2sf)  }
0x3b8: {  	[tilespmem:s23+$0x0] =	vst v10;
	v10 =	vmul.f32 $2.500000000e+00, v21;
	(erf) = vrcp.f32 v9;
	s26 =	sadd.f32 $9.999999680e-21, s31  }
0x3b9: {  	[tilespmem:s25+$0xFFFFFE00] =	vst v20;
	(erf) = vrcp.f32 v8;
	v8 =	vmov s30;
	s30 =	spop (v2sf);
	v9 =	vmov s28  }
0x3ba: {  	[tilespmem:s25+$0xFFFFFE80] =	vst v13;
	v10 =	vmul.f32 v36, v10;
	s28 =	sadd.f32 $9.999999680e-21, s30;
	(erf) = vrcp.f32 v8;
	v8 =	vmov s26  }
0x3bb: {  	[tilespmem:s25+$0xFFFFFF00] =	vst v14;
	s23 =	sadd.s32 $0x400, s24;
	s31 =	spop (v2sf)  }
0x3bc: {  	[tilespmem:s23+$0x180] =	vst v10;
	s30 =	sadd.f32 $9.999999680e-21, s31;
	(erf) = vrcp.f32 v9;
	v10 =	vmov s28;
	s28 =	spop (v2sf);
	v9 =	vpop (erf)  }
0x3bd: {  	[tilespmem:s25+$0xFFFFFF80] =	vst v16;
	(erf) = vrcp.f32 v8;
	s31 =	sadd.f32 $9.999999680e-21, s28;
	v8 =	vpop (erf);
	v5 =	vmul.f32 v9, v5  }
0x3be: {  	[tilespmem:s25+$0x0] =	vst v17;
	v11 =	vmov s30;
	(erf) = vrcp.f32 v10;
	v9 =	vpop (erf)  }
0x3bf: {  	v4 =	vmul.f32 v8, v4;
	v8 =	vmov s31;
	v10 =	vpop (erf);
	[tilespmem:s24+$0xFFFFFE80] =	vst v5;
	v5 =	vmul.f32 v9, v6  }
0x3c0: {  	[tilespmem:s25+$0x80] =	vst v18;
	(erf) = vrcp.f32 v11;
	v6 =	vpop (erf)  }
0x3c1: {  	[tilespmem:s24+$0xFFFFFF00] =	vst v4;
	v4 =	vmul.f32 v6, v19;
	v6 =	vmul.f32 $2.500000000e+00, v31  }
0x3c2: {  	(erf) = vrcp.f32 v8;
	v7 =	vmul.f32 v10, v7;
	v8 =	vpop (erf);
	[tilespmem:s24+$0xFFFFFF80] =	vst v5  }
0x3c3: {  	v9 =	vmul.f32 $2.500000000e+00, v26;
	v5 =	vpop (erf);
	[tilespmem:s24+$0x80] =	vst v4;
	v4 =	vmul.f32 v8, v22  }
0x3c4: {  	[tilespmem:s24+$0x0] =	vst v7;
	v7 =	vmul.f32 $2.500000000e+00, v24;
	v8 =	vpop (erf)  }
0x3c5: {  	v5 =	vmul.f32 v5, v6;
	v6 =	vpop (erf);
	[tilespmem:s24+$0x100] =	vst v4;
	v4 =	vmul.f32 v8, v9  }
0x3c6: {  	[tilespmem:s25+$0x100] =	vst v25;
	v10 =	vmul.f32 $2.500000000e+00, v27;
	v8 =	vpop (erf)  }
0x3c7: {  	[tilespmem:s23+$0xFFFFFE80] =	vst v4;
	v4 =	vmul.f32 v8, v7  }
0x3c8: {  	[tilespmem:s23+$0xFFFFFE00] =	vst v5;
	v5 =	vmul.f32 v6, v10;
	v10 =	vmul.f32 $2.500000000e+00, v23  }
0x3c9: {  	[tilespmem:s24+$0xFFFFFE00] =	vst v12;
	v9 =	vmul.f32 $2.500000000e+00, v37;
	v6 =	vpop (erf)  }
0x3ca: {  	v8 =	vmul.f32 $2.500000000e+00, v28;
	v7 =	vpop (erf);
	[tilespmem:s23+$0xFFFFFF00] =	vst v5;
	v6 =	vmul.f32 v6, v10  }
0x3cb: {  	v5 =	vmul.f32 v7, v9;
	[tilespmem:s23+$0xFFFFFF80] =	vst v4;
	v4 =	vpop (erf)  }
0x3cc: {  	[tilespmem:s23+$0x0] =	vst v6;
	v4 =	vmul.f32 v4, v8  }
0x3cd: {  	[tilespmem:s23+$0x80] =	vst v5  }
0x3ce: {  	[tilespmem:s23+$0x100] =	vst v4  }
0x3cf: {  	[hbm4b:s8+s1] =	stream.linear.scatter [tilespmem:s18], [sflag:$0x3], $0x4000, $0x38;
	[tilespmem:$0x10000] =	vst v63  }
0x3d0: {  	_ =	swait.ge [sflag:s19], $0x4000  }
0x3d1: {  	[sflag:s19] =	ssyncset.done $0x0  }
0x3d2: {  	[sflag:s19] =	ssyncadd.s32 $0xFFFFC000  }
0x3d3: {  	[hbm4b:s9+s1] =	stream.linear.scatter [tilespmem:s20], [sflag:$0x3], $0x4000, $0x38;
	[tilespmem:$0x10000] =	vst v63  }
0x3d4: {  	_ =	swait.ge [sflag:s19], $0x4000  }
0x3d5: {  	[sflag:s19] =	ssyncset.done $0x0  }
0x3d6: {  	[sflag:s19] =	ssyncadd.s32 $0xFFFFC000  }
0x3d7: {  	[tilespmem:s16], [sflag:$0x2] =	stream.linear.gather [hbm4b:s10+s1], $0x4000, $0x38;
	[tilespmem:$0x10000] =	vst v63  }
0x3d8: {  	_ =	swait.ge [sflag:s17], $0x4000  }
0x3d9: {  	[sflag:s17] =	ssyncset.done $0x0  }
0x3da: {  	s26 =	simm.s32 $0x200;
	[sflag:s17] =	ssyncadd.s32 $0xFFFFC000  }
0x3db: {  	v4 =	vld [tilespmem:s26+$0x180]  }
0x3dc: {  	v5 =	vld [tilespmem:s26+$0x190]  }
0x3dd: {  	v6 =	vld [tilespmem:s26+$0x1A0]  }
0x3de: {  	v7 =	vld [tilespmem:s26+$0x1B0];
	_ =	sdelay $0x1  }
0x3df: {  	v8 =	vld [tilespmem:s26+$0xFFFFFE10];
	(xrf1) =	vsort.dscd.msk.f32 $0xffff, v4, v0  }
0x3e0: {  	v4 =	vld [tilespmem:s26+$0xFFFFFE20];
	(xrf1) =	vsort.ascd.msk.f32 $0xffff, v5, v1  }
0x3e1: {  	v5 =	vld [tilespmem:s26+$0xFFFFFE30];
	(xrf1) =	vsort.dscd.msk.f32 $0xffff, v6, v2  }
0x3e2: {  	v6 =	vld [tilespmem:s26+$0xFFFFFE80];
	(xrf1) =	vsort.ascd.msk.f32 $0xffff, v7, v3  }
0x3e3: {  	v7 =	vld [tilespmem:s26+$0xFFFFFE90]  }
0x3e4: {  	v9 =	vld [tilespmem:s26+$0xFFFFFEA0];
	(xrf1) =	vsort.ascd.msk.f32 $0xffff, v8, v1  }
0x3e5: {  	v8 =	vld [tilespmem:s26+$0xFFFFFEB0];
	(xrf1) =	vsort.dscd.msk.f32 $0xffff, v4, v2  }
0x3e6: {  	v4 =	vld [tilespmem:s26+$0xFFFFFF00];
	(xrf1) =	vsort.ascd.msk.f32 $0xffff, v5, v3  }
0x3e7: {  	v5 =	vld [tilespmem:s26+$0xFFFFFF10];
	(xrf1) =	vsort.dscd.msk.f32 $0xffff, v6, v0  }
0x3e8: {  	v6 =	vld [tilespmem:s26+$0xFFFFFF20];
	(xrf1) =	vsort.ascd.msk.f32 $0xffff, v7, v1  }
0x3e9: {  	v7 =	vld [tilespmem:s26+$0xFFFFFF30];
	(xrf1) =	vsort.dscd.msk.f32 $0xffff, v9, v2  }
0x3ea: {  	v9 =	vld [tilespmem:s26+$0xFFFFFF80];
	(xrf1) =	vsort.ascd.msk.f32 $0xffff, v8, v3  }
0x3eb: {  	v8 =	vld [tilespmem:s26+$0xFFFFFF90];
	(xrf1) =	vsort.dscd.msk.f32 $0xffff, v4, v0  }
0x3ec: {  	(xrf1) =	vsort.ascd.msk.f32 $0xffff, v5, v1  }
0x3ed: {  	(xrf1) =	vsort.dscd.msk.f32 $0xffff, v6, v2;
	v4, v5, _ =	vpop (xrf1)  }
0x3ee: {  	(xrf1) =	vsort.ascd.msk.f32 $0xffff, v7, v3;
	v6, v7, _ =	vpop (xrf1)  }
0x3ef: {  	(xrf1) =	vsort.dscd.msk.f32 $0xffff, v9, v0;
	v9, v11, _ =	vpop (xrf1)  }
0x3f0: {  	v10 =	vld [tilespmem:s26+$0xFFFFFFA0];
	vm1 =	vge.f32 v4, v6;
	(xrf1) =	vsort.ascd.msk.f32 $0xffff, v8, v1;
	v8, v13, _ =	vpop (xrf1)  }
0x3f1: {  	v12 =	vld [tilespmem:s26+$0xFFFFFFB0];
	v5 =	vsel vm1, v5, v7;
	vm1 =	vge.f32 v9, v8  }
0x3f2: {  	v14 =	vld [tilespmem:s26+$0x0];
	v4 =	vmax.f32 v4, v6;
	v7 =	vmax.f32 v9, v8;
	v8 =	vsel vm1, v11, v13  }
0x3f3: {  	v6 =	vld [tilespmem:s26+$0x10];
	(xrf1) =	vsort.dscd.msk.f32 $0xffff, v4, v5  }
0x3f4: {  	v4 =	vld [tilespmem:s26+$0x20];
	v5, v9, _ =	vpop (xrf1);
	(xrf1) =	vsort.ascd.msk.f32 $0xffff, v7, v8  }
0x3f5: {  	v7 =	vld [tilespmem:s26+$0x30];
	(xrf1) =	vsort.dscd.msk.f32 $0xffff, v10, v2;
	v8, v11, _ =	vpop (xrf1)  }
0x3f6: {  	v10 =	vld [tilespmem:s26+$0x80];
	v13, v15, _ =	vpop (xrf1);
	(xrf1) =	vsort.ascd.msk.f32 $0xffff, v12, v3  }
0x3f7: {  	v12 =	vld [tilespmem:s26+$0x90];
	v16, v17, _ =	vpop (xrf1);
	(xrf1) =	vsort.dscd.msk.f32 $0xffff, v14, v0  }
0x3f8: {  	v14 =	vld [tilespmem:s26+$0xA0];
	v18, v19, _ =	vpop (xrf1);
	(xrf1) =	vsort.ascd.msk.f32 $0xffff, v6, v1  }
0x3f9: {  	v6 =	vld [tilespmem:s26+$0xB0];
	v20, v21, _ =	vpop (xrf1);
	(xrf1) =	vsort.dscd.msk.f32 $0xffff, v4, v2  }
0x3fa: {  	v23 =	vld [tilespmem:s26+$0xFFFFFE00];
	v4, v22, _ =	vpop (xrf1);
	(xrf1) =	vsort.ascd.msk.f32 $0xffff, v7, v3  }
0x3fb: {  	v7 =	vld [tilespmem:s26+$0x100];
	v24, v25, _ =	vpop (xrf1);
	(xrf1) =	vsort.dscd.msk.f32 $0xffff, v10, v0  }
0x3fc: {  	v10 =	vld [tilespmem:s26+$0x110];
	v26, v27, _ =	vpop (xrf1);
	(xrf1) =	vsort.ascd.msk.f32 $0xffff, v12, v1  }
0x3fd: {  	v12 =	vld [tilespmem:s26+$0x120];
	v28, v29, _ =	vpop (xrf1);
	(xrf1) =	vsort.dscd.msk.f32 $0xffff, v14, v2  }
0x3fe: {  	v30, v31, _ =	vpop (xrf1);
	(xrf1) =	vsort.ascd.msk.f32 $0xffff, v6, v3  }
0x3ff: {  	v14 =	vld [tilespmem:s26+$0x130];
	v6, v58, _ =	vpop (xrf1);
	(xrf1) =	vsort.dscd.msk.f32 $0xffff, v23, v0  }
0x400: {  	v23, v59, _ =	vpop (xrf1);
	(xrf1) =	vsort.dscd.msk.f32 $0xffff, v7, v0  }
0x401: {  	(xrf1) =	vsort.ascd.msk.f32 $0xffff, v10, v1;
	v7, v10, _ =	vpop (xrf1)  }
0x402: {  	vm1 =	vge.f32 v8, v13;
	v8 =	vmax.f32 v8, v13;
	(xrf1) =	vsort.dscd.msk.f32 $0xffff, v12, v2;
	v12, v13, _ =	vpop (xrf1)  }
0x403: {  	v11 =	vsel vm1, v11, v15;
	vm2 =	vge.f32 v7, v12  }
0x404: {  	vm1 =	vge.f32 v16, v18;
	(xrf1) =	vsort.ascd.msk.f32 $0xffff, v14, v3;
	v10 =	vsel vm2, v10, v13  }
0x405: {  	v14, v15, _ =	vpop (xrf1);
	v7 =	vmax.f32 v7, v12;
	(xrf1) =	vsort.ascd.msk.f32 $0xffff, v8, v11;
	v11 =	vsel vm1, v17, v19  }
0x406: {  	v8 =	vmax.f32 v16, v18;
	vm1 =	vge.f32 v20, v4  }
0x407: {  	v12, v13, _ =	vpop (xrf1);
	v4 =	vmax.f32 v20, v4;
	vm2 =	vge.f32 v24, v26;
	v16 =	vsel vm1, v21, v22  }
0x408: {  	(xrf1) =	vsort.dscd.msk.f32 $0xffff, v7, v10;
	v18 =	vsel vm2, v25, v27;
	vm1 =	vge.f32 v28, v30;
	v7, v10, _ =	vpop (xrf1)  }
0x409: {  	v17 =	vmax.f32 v24, v26;
	v22 =	vsel vm1, v29, v31;
	(xrf1) =	vsort.dscd.msk.f32 $0xffff, v8, v11;
	v8, v11, _ =	vpop (xrf1)  }
0x40a: {  	v21 =	vmax.f32 v28, v30;
	vm1 =	vge.f32 v6, v23;
	v19, v20, _ =	vpop (xrf1)  }
0x40b: {  	v6 =	vmax.f32 v6, v23;
	v23 =	vsel vm1, v58, v59;
	(xrf1) =	vsort.ascd.msk.f32 $0xffff, v4, v16;
	v4, v16, _ =	vpop (xrf1)  }
0x40c: {  	vm1 =	vge.f32 v14, v12;
	v12 =	vmax.f32 v14, v12;
	(xrf1) =	vsort.dscd.msk.f32 $0xffff, v17, v18;
	v17, v18, _ =	vpop (xrf1)  }
0x40d: {  	(xrf1) =	vsort.ascd.msk.f32 $0xffff, v21, v22;
	v21, v22, _ =	vpop (xrf1)  }
0x40e: {  	v13 =	vsel vm1, v15, v13;
	vm1 =	vge.f32 v7, v8;
	(xrf1) =	vsort.dscd.msk.f32 $0xffff, v6, v23;
	v6, v14, _ =	vpop (xrf1)  }
0x40f: {  	v7 =	vmax.f32 v7, v8;
	v10 =	vsel vm1, v10, v11;
	v8, v15, _ =	vpop (xrf1)  }
0x410: {  	vm1 =	vge.f32 v19, v4;
	(xrf1) =	vsort.ascd.msk.f32 $0xffff, v12, v13;
	v11, v12, _ =	vpop (xrf1)  }
0x411: {  	v13 =	vsel vm1, v20, v16;
	vm2 =	vge.f32 v11, v5  }
0x412: {  	(xrf1) =	vsort.dscd.msk.f32 $0xffff, v7, v10;
	v9 =	vsel vm2, v12, v9  }
0x413: {  	v4 =	vmax.f32 v19, v4;
	v7, v10, _ =	vpop (xrf1);
	v5 =	vmax.f32 v11, v5  }
0x414: {  	vm1 =	vge.f32 v17, v21;
	(xrf1) =	vsort.ascd.msk.f32 $0xffff, v4, v13;
	v13, v16, _ =	vpop (xrf1);
	v4 =	vmax.f32 v17, v21  }
0x415: {  	v17 =	vsel vm1, v18, v22;
	vm1 =	vge.f32 v6, v8;
	v6 =	vmax.f32 v6, v8;
	v11, v12, _ =	vpop (xrf1)  }
0x416: {  	(xrf1) =	vsort.dscd.msk.f32 $0xffff, v5, v9;
	v8 =	vsel vm1, v14, v15;
	vm1 =	vge.f32 v7, v13;
	v5, v9, _ =	vpop (xrf1)  }
0x417: {  	v10 =	vsel vm1, v10, v16;
	(xrf1) =	vsort.dscd.msk.f32 $0xffff, v4, v17;
	v14, v15, _ =	vpop (xrf1);
	vm1 =	vge.f32 v11, v5  }
0x418: {  	v7 =	vmax.f32 v7, v13;
	(xrf1) =	vsort.ascd.msk.f32 $0xffff, v6, v8;
	v6, v4, _ =	vpop (xrf1);
	v9 =	vsel vm1, v12, v9  }
0x419: {  	v5 =	vmax.f32 v11, v5;
	(xrf0) =	vmax.scan.msk.f32 $0xffff, v6;
	v8, v17, _ =	vpop (xrf1)  }
0x41a: {  	v13, v16, _ =	vpop (xrf1)  }
0x41b: {  	(xrf1) =	vsort.dscd.msk.f32 $0xffff, v7, v10;
	v7, v10, _ =	vpop (xrf1)  }
0x41c: {  	(xrf1) =	vsort.ascd.msk.f32 $0xffff, v5, v9;
	vm1 =	vge.f32 v8, v13;
	v8 =	vmax.f32 v8, v13;
	v5, v9, _ =	vpop (xrf1)  }
0x41d: {  	v11 =	vsel vm1, v17, v16;
	vm1 =	vge.f32 v7, v5  }
0x41e: {  	v12, v13, _ =	vpop (xrf1);
	v5 =	vmax.f32 v7, v5;
	v7 =	vsel vm1, v10, v9  }
0x41f: {  	(xrf1) =	vsort.dscd.msk.f32 $0xffff, v8, v11;
	v8, _, _ =	vpop (xrf0)  }
0x420: {  	v9, v10, _ =	vpop (xrf1);
	(xrf1) =	vsort.dscd.msk.f32 $0xffff, v5, v7;
	v5 =	vbroadcast v8, $0xF  }
0x421: {  	v7, v8, _ =	vpop (xrf1)  }
0x422: {  	vm1 =	vge.f32 v12, v9;
	v5 =	vsub.f32 v6, v5;
	v6, v11, _ =	vpop (xrf1)  }
0x423: {  	v9 =	vmax.f32 v12, v9;
	v10 =	vsel vm1, v13, v10;
	vm1 =	vge.f32 v7, v6  }
0x424: {  	v6 =	vmax.f32 v7, v6;
	v7 =	vsel vm1, v8, v11;
	_ =	sdelay $0x2  }
0x425: {  	(xrf1) =	vsort.dscd.msk.f32 $0xffff, v9, v10;
	v5 =	vmul.f32 $1.442695020e+00, v5;
	v8, v9, _ =	vpop (xrf1)  }
0x426: {  	(xrf1) =	vsort.dscd.msk.f32 $0xffff, v6, v7;
	vm1 =	vge.f32 v8, v14;
	v6, v7, _ =	vpop (xrf1)  }
0x427: {  	(erf) = vpow2.f32 v5;
	v5 =	vmax.f32 v8, v14;
	v8 =	vsel vm1, v9, v15;
	v9, v10, _ =	vpop (xrf1)  }
0x428: {  	vm1 =	vge.f32 v6, v9  }
0x429: {  	(xrf1) =	vsort.dscd.msk.f32 $0xffff, v5, v8;
	v5 =	vmax.f32 v6, v9;
	v6 =	vsel vm1, v7, v10;
	_ =	sdelay $0x2  }
0x42a: {  	v7, v8, _ =	vpop (xrf1)  }
0x42b: {  	(xrf1) =	vsort.dscd.msk.f32 $0xffff, v5, v6;
	v5, v6, _ =	vpop (xrf1)  }
0x42c: {  	vm1 =	vge.f32 v7, v5  }
0x42d: {  	v5 =	vmax.f32 v7, v5;
	v6 =	vsel vm1, v8, v6  }
0x42e: {  	(xrf1) =	vsort.dscd.msk.f32 $0xffff, v5, v6;
	_ =	sdelay $0x1  }
0x42f: {  	[tilespmem:$0x1FEB0] =	vst v4;
	v11, v4, _ =	vpop (xrf1)  }
0x430: {  	v8 =	vpop (erf)  }
0x431: {  	(xrf0) =	vmax.scan.msk.f32 $0xffff, v11;
	v6 =	vnsel vm0, $0x0, v8  }
0x432: {  	[tilespmem:$0x1FEC0] =	vst v4;
	v5, v4, _ =	vpop (xrf1);
	(xrf2) =	vadd.scan.msk.f32 $0xffff, v6  }
0x433: {  	[tilespmem:$0x1FED0] =	vst v4;
	(xrf0) =	vmax.scan.msk.f32 $0xffff, v5;
	v13, v4, _ =	vpop (xrf1)  }
0x434: {  	(xrf0) =	vmax.scan.msk.f32 $0xffff, v13  }
0x435: {  	[tilespmem:$0x1FEE0] =	vst v4;
	v14, v4, _ =	vpop (xrf1)  }
0x436: {  	(xrf0) =	vmax.scan.msk.f32 $0xffff, v14;
	v17, v16, _ =	vpop (xrf1)  }
0x437: {  	v15, _, _ =	vpop (xrf0)  }
0x438: {  	[tilespmem:$0x1FEF0] =	vst v4;
	v19, v4, _ =	vpop (xrf1)  }
0x439: {  	s29 =	simm.s32 $0x600;
	v15 =	vbroadcast v15, $0xF;
	v18, _, _ =	vpop (xrf0);
	[tilespmem:$0x1FF00] =	vst v4  }
0x43a: {  	v20, _, _ =	vpop (xrf0);
	v21 =	vld [tilespmem:s29+$0x180]  }
0x43b: {  	v11 =	vsub.f32 v11, v15;
	v22 =	vld [tilespmem:s29+$0x190];
	v15 =	vbroadcast v20, $0xF;
	v20, v4, _ =	vpop (xrf1)  }
0x43c: {  	v18 =	vbroadcast v18, $0xF;
	v23, _, _ =	vpop (xrf0);
	v24 =	vld [tilespmem:s29+$0x1A0];
	[tilespmem:$0x1FF10] =	vst v4  }
0x43d: {  	v25, _, _ =	vpop (xrf2);
	v26 =	vld [tilespmem:s29+$0x1B0]  }
0x43e: {  	v18 =	vsub.f32 v5, v18;
	v23 =	vbroadcast v23, $0xF;
	(v2sf) =	vpush v25, $0xF  }
0x43f: {  	v11 =	vmul.f32 $1.442695020e+00, v11;
	v13 =	vsub.f32 v13, v15;
	(xrf1) =	vsort.dscd.msk.f32 $0xffff, v21, v0;
	v15 =	vld [tilespmem:s29+$0xFFFFFE10]  }
0x440: {  	v18 =	vmul.f32 $1.442695020e+00, v18;
	v14 =	vsub.f32 v14, v23;
	v23 =	vld [tilespmem:s29+$0xFFFFFE20];
	(xrf1) =	vsort.ascd.msk.f32 $0xffff, v22, v1  }
0x441: {  	(erf) = vpow2.f32 v11;
	v11 =	vmul.f32 $1.442695020e+00, v13;
	v13 =	vld [tilespmem:s29+$0xFFFFFE30];
	(xrf1) =	vsort.dscd.msk.f32 $0xffff, v24, v2  }
0x442: {  	(erf) = vpow2.f32 v18;
	v18 =	vld [tilespmem:s29+$0xFFFFFE80];
	(xrf1) =	vsort.ascd.msk.f32 $0xffff, v26, v3  }
0x443: {  	(xrf0) =	vmax.scan.msk.f32 $0xffff, v17;
	v14 =	vmul.f32 $1.442695020e+00, v14;
	(erf) = vpow2.f32 v11;
	v11 =	vld [tilespmem:s29+$0xFFFFFE90]  }
0x444: {  	v24 =	vld [tilespmem:s29+$0xFFFFFEA0];
	(xrf1) =	vsort.ascd.msk.f32 $0xffff, v15, v1  }
0x445: {  	(erf) = vpow2.f32 v14;
	v14 =	vld [tilespmem:s29+$0xFFFFFEB0];
	(xrf1) =	vsort.dscd.msk.f32 $0xffff, v23, v2  }
0x446: {  	v15 =	vld [tilespmem:s29+$0xFFFFFF00];
	(xrf1) =	vsort.ascd.msk.f32 $0xffff, v13, v3  }
0x447: {  	(xrf1) =	vsort.dscd.msk.f32 $0xffff, v18, v0;
	v18 =	vld [tilespmem:s29+$0xFFFFFF10]  }
0x448: {  	v25 =	vld [tilespmem:s29+$0xFFFFFF20];
	(xrf1) =	vsort.ascd.msk.f32 $0xffff, v11, v1  }
0x449: {  	(xrf1) =	vsort.dscd.msk.f32 $0xffff, v24, v2;
	v24 =	vld [tilespmem:s29+$0xFFFFFF30]  }
0x44a: {  	v12 =	vpop (erf);
	v26 =	vld [tilespmem:s29+$0xFFFFFF80];
	(xrf1) =	vsort.ascd.msk.f32 $0xffff, v14, v3  }
0x44b: {  	v27 =	vld [tilespmem:s29+$0xFFFFFF90];
	v23, _, _ =	vpop (xrf0);
	(xrf1) =	vsort.dscd.msk.f32 $0xffff, v15, v0  }
0x44c: {  	v13 =	vpop (erf);
	(xrf1) =	vsort.ascd.msk.f32 $0xffff, v18, v1  }
0x44d: {  	s30 =	spop (v2sf);
	(xrf1) =	vsort.dscd.msk.f32 $0xffff, v25, v2;
	v18, v25, _ =	vpop (xrf1)  }
0x44e: {  	v23 =	vbroadcast v23, $0xF;
	s24 =	sadd.f32 $9.999999680e-21, s30;
	(xrf1) =	vsort.ascd.msk.f32 $0xffff, v24, v3;
	v24, v28, _ =	vpop (xrf1)  }
0x44f: {  	(xrf1) =	vsort.dscd.msk.f32 $0xffff, v26, v0;
	v26, v30, _ =	vpop (xrf1)  }
0x450: {  	v29 =	vld [tilespmem:s29+$0xFFFFFFA0];
	v17 =	vsub.f32 v17, v23;
	v31 =	vmov s24;
	vm1 =	vge.f32 v18, v24;
	(xrf1) =	vsort.ascd.msk.f32 $0xffff, v27, v1;
	v27, v60, _ =	vpop (xrf1)  }
0x451: {  	v23 =	vld [tilespmem:s29+$0xFFFFFFB0];
	v14 =	vpop (erf);
	v18 =	vmax.f32 v18, v24;
	v24 =	vsel vm1, v25, v28;
	vm1 =	vge.f32 v26, v27  }
0x452: {  	(erf) = vrcp.f32 v31;
	v31 =	vld [tilespmem:s29+$0x0];
	v25, v33, _ =	vpop (xrf1);
	v26 =	vmax.f32 v26, v27;
	v27 =	vsel vm1, v30, v60  }
0x453: {  	v28 =	vld [tilespmem:s29+$0x10];
	(xrf1) =	vsort.dscd.msk.f32 $0xffff, v18, v24;
	v30, v32, _ =	vpop (xrf1)  }
0x454: {  	v18 =	vld [tilespmem:s29+$0x20];
	v24, v61, _ =	vpop (xrf1);
	(xrf1) =	vsort.ascd.msk.f32 $0xffff, v26, v27  }
0x455: {  	v26 =	vld [tilespmem:s29+$0x30];
	v27, v62, _ =	vpop (xrf1);
	(xrf1) =	vsort.dscd.msk.f32 $0xffff, v29, v2  }
0x456: {  	v17 =	vmul.f32 $1.442695020e+00, v17;
	v15 =	vpop (erf);
	v29 =	vld [tilespmem:s29+$0x80];
	(xrf1) =	vsort.ascd.msk.f32 $0xffff, v23, v3  }
0x457: {  	v63, v56, _ =	vpop (xrf1);
	v23 =	vld [tilespmem:s29+$0x90];
	(xrf1) =	vsort.dscd.msk.f32 $0xffff, v31, v0  }
0x458: {  	(erf) = vpow2.f32 v17;
	v17 =	vld [tilespmem:s29+$0xA0];
	v57, v39, _ =	vpop (xrf1);
	(xrf1) =	vsort.ascd.msk.f32 $0xffff, v28, v1  }
0x459: {  	v41 =	vld [tilespmem:s29+$0xB0];
	v31, v40, _ =	vpop (xrf1);
	(xrf1) =	vsort.dscd.msk.f32 $0xffff, v18, v2  }
0x45a: {  	v42, v43, _ =	vpop (xrf1);
	v18 =	vld [tilespmem:s29+$0xFFFFFE00];
	(xrf1) =	vsort.ascd.msk.f32 $0xffff, v26, v3  }
0x45b: {  	v26 =	vld [tilespmem:s29+$0x100];
	v44, v45, _ =	vpop (xrf1);
	(xrf1) =	vsort.dscd.msk.f32 $0xffff, v29, v0  }
0x45c: {  	v29 =	vld [tilespmem:s29+$0x110];
	v46, v47, _ =	vpop (xrf1);
	(xrf1) =	vsort.ascd.msk.f32 $0xffff, v23, v1  }
0x45d: {  	v23 =	vld [tilespmem:s29+$0x120];
	v48, v49, _ =	vpop (xrf1);
	(xrf1) =	vsort.dscd.msk.f32 $0xffff, v17, v2  }
0x45e: {  	v50 =	vld [tilespmem:s29+$0x130];
	vm1 =	vge.f32 v30, v24;
	v24 =	vmax.f32 v30, v24;
	v51, v52, _ =	vpop (xrf1);
	(xrf1) =	vsort.ascd.msk.f32 $0xffff, v41, v3  }
0x45f: {  	v32 =	vsel vm1, v32, v61;
	vm1 =	vge.f32 v27, v63;
	(xrf1) =	vsort.dscd.msk.f32 $0xffff, v18, v0  }
0x460: {  	v18, v30, _ =	vpop (xrf1);
	(xrf1) =	vsort.dscd.msk.f32 $0xffff, v26, v0;
	v26 =	vmax.f32 v27, v63;
	v27 =	vsel vm1, v62, v56  }
0x461: {  	vm1 =	vge.f32 v57, v31;
	v31 =	vmax.f32 v57, v31;
	(xrf1) =	vsort.ascd.msk.f32 $0xffff, v29, v1;
	v29, v58, _ =	vpop (xrf1)  }
0x462: {  	v63 =	vmax.f32 v42, v44;
	v60 =	vsel vm1, v39, v40;
	(xrf1) =	vsort.dscd.msk.f32 $0xffff, v23, v2;
	v23, v59, _ =	vpop (xrf1)  }
0x463: {  	vm1 =	vge.f32 v29, v23;
	(xrf1) =	vsort.ascd.msk.f32 $0xffff, v50, v3;
	v23 =	vmax.f32 v29, v23  }
0x464: {  	v61, v62, _ =	vpop (xrf1);
	v29 =	vsel vm1, v58, v59;
	(xrf1) =	vsort.ascd.msk.f32 $0xffff, v24, v32;
	vm1 =	vge.f32 v42, v44  }
0x465: {  	v24, v32, _ =	vpop (xrf1);
	(xrf1) =	vsort.dscd.msk.f32 $0xffff, v23, v29;
	v23 =	vsel vm1, v43, v45;
	vm1 =	vge.f32 v46, v48  }
0x466: {  	(xrf0) =	vmax.scan.msk.f32 $0xffff, v19;
	v50, v44, _ =	vpop (xrf1);
	v29 =	vmax.f32 v46, v48;
	v53 =	vsel vm1, v47, v49;
	vm1 =	vge.f32 v51, v18  }
0x467: {  	(xrf1) =	vsort.dscd.msk.f32 $0xffff, v26, v27;
	v26, v27, _ =	vpop (xrf1);
	v30 =	vsel vm1, v52, v30;
	vm1 =	vge.f32 v61, v24  }
0x468: {  	v18 =	vmax.f32 v51, v18;
	(xrf1) =	vsort.ascd.msk.f32 $0xffff, v31, v60;
	v31, v36, _ =	vpop (xrf1);
	v32 =	vsel vm1, v62, v32  }
0x469: {  	v24 =	vmax.f32 v61, v24;
	(xrf1) =	vsort.dscd.msk.f32 $0xffff, v63, v23;
	v23, v34, _ =	vpop (xrf1)  }
0x46a: {  	(xrf1) =	vsort.ascd.msk.f32 $0xffff, v29, v53;
	v29, v40, _ =	vpop (xrf1)  }
0x46b: {  	(xrf1) =	vsort.dscd.msk.f32 $0xffff, v18, v30;
	v18, v30, _ =	vpop (xrf1)  }
0x46c: {  	vm1 =	vge.f32 v50, v26;
	v26 =	vmax.f32 v50, v26;
	(xrf1) =	vsort.ascd.msk.f32 $0xffff, v24, v32;
	v24, v32, _ =	vpop (xrf1)  }
0x46d: {  	(xrf0) =	vmax.scan.msk.f32 $0xffff, v20;
	v27 =	vsel vm1, v44, v27;
	vm1 =	vge.f32 v31, v23;
	v23 =	vmax.f32 v31, v23;
	v31, v54, _ =	vpop (xrf1)  }
0x46e: {  	v34 =	vsel vm1, v36, v34;
	vm1 =	vge.f32 v29, v18;
	v18 =	vmax.f32 v29, v18;
	v29, v55, _ =	vpop (xrf1)  }
0x46f: {  	v30 =	vsel vm1, v40, v30;
	vm1 =	vge.f32 v29, v25  }
0x470: {  	v21, _, _ =	vpop (xrf0);
	(xrf1) =	vsort.dscd.msk.f32 $0xffff, v26, v27;
	v25 =	vmax.f32 v29, v25;
	v29 =	vsel vm1, v55, v33  }
0x471: {  	v26, v27, _ =	vpop (xrf1);
	(xrf1) =	vsort.ascd.msk.f32 $0xffff, v23, v34;
	vm1 =	vge.f32 v24, v31  }
0x472: {  	v23, v56, _ =	vpop (xrf1);
	v24 =	vmax.f32 v24, v31;
	(xrf1) =	vsort.dscd.msk.f32 $0xffff, v25, v29;
	v31 =	vsel vm1, v32, v54  }
0x473: {  	v22, _, _ =	vpop (xrf0);
	vm1 =	vge.f32 v26, v23;
	(xrf1) =	vsort.dscd.msk.f32 $0xffff, v18, v30;
	v18 =	vmax.f32 v26, v23  }
0x474: {  	v23 =	vsel vm1, v27, v56;
	v25, v29, _ =	vpop (xrf1)  }
0x475: {  	v30, v57, _ =	vpop (xrf1)  }
0x476: {  	(xrf1) =	vsort.ascd.msk.f32 $0xffff, v24, v31;
	v26, v27, _ =	vpop (xrf1);
	vm1 =	vge.f32 v25, v30  }
0x477: {  	(xrf1) =	vsort.dscd.msk.f32 $0xffff, v18, v23;
	v24 =	vmax.f32 v25, v30;
	v23, v18, _ =	vpop (xrf1);
	v25 =	vsel vm1, v29, v57  }
0x478: {  	v21 =	vbroadcast v21, $0xF;
	v22 =	vbroadcast v22, $0xF;
	v29, v30, _ =	vpop (xrf1)  }
0x479: {  	v31, v58, _ =	vpop (xrf1)  }
0x47a: {  	v19 =	vsub.f32 v19, v21;
	(xrf0) =	vmax.scan.msk.f32 $0xffff, v23;
	vm1 =	vge.f32 v29, v31;
	v21 =	vmax.f32 v29, v31  }
0x47b: {  	(xrf1) =	vsort.ascd.msk.f32 $0xffff, v24, v25;
	v24, v25, _ =	vpop (xrf1);
	v29 =	vsel vm1, v30, v58  }
0x47c: {  	v20 =	vsub.f32 v20, v22;
	v30, v31, _ =	vpop (xrf1)  }
0x47d: {  	v19 =	vmul.f32 $1.442695020e+00, v19;
	(xrf1) =	vsort.dscd.msk.f32 $0xffff, v21, v29;
	v21, v22, _ =	vpop (xrf1)  }
0x47e: {  	v20 =	vmul.f32 $1.442695020e+00, v20;
	vm1 =	vge.f32 v24, v30;
	v24 =	vmax.f32 v24, v30;
	v29, v30, _ =	vpop (xrf1)  }
0x47f: {  	(erf) = vpow2.f32 v19;
	v25 =	vsel vm1, v25, v31;
	vm1 =	vge.f32 v21, v29  }
0x480: {  	v28 =	vpop (erf);
	(erf) = vpow2.f32 v20;
	v20 =	vmax.f32 v21, v29;
	v21 =	vsel vm1, v22, v30  }
0x481: {  	(xrf1) =	vsort.dscd.msk.f32 $0xffff, v24, v25;
	v24, _, _ =	vpop (xrf0);
	_ =	sdelay $0x1  }
0x482: {  	v19 =	vbroadcast v24, $0xF;
	v22, v24, _ =	vpop (xrf1)  }
0x483: {  	(xrf1) =	vsort.dscd.msk.f32 $0xffff, v20, v21;
	v20, v21, _ =	vpop (xrf1)  }
0x484: {  	v19 =	vsub.f32 v23, v19;
	vm1 =	vge.f32 v22, v20  }
0x485: {  	v17 =	vpop (erf);
	v21 =	vsel vm1, v24, v21  }
0x486: {  	v31 =	vnsel vm0, $0x0, v17;
	v20 =	vmax.f32 v22, v20;
	v19 =	vmul.f32 $1.442695020e+00, v19  }
0x487: {  	(xrf2) =	vadd.scan.msk.f32 $0xffff, v31;
	v23 =	vnsel vm0, $0x0, v12;
	v22, v25, _ =	vpop (xrf1)  }
0x488: {  	(xrf2) =	vadd.scan.msk.f32 $0xffff, v23;
	vm2 =	vge.f32 v22, v26;
	v24, v29, _ =	vpop (xrf1);
	(erf) = vpow2.f32 v19  }
0x489: {  	v22 =	vmax.f32 v22, v26;
	v23 =	vsel vm2, v25, v27;
	(xrf1) =	vsort.dscd.msk.f32 $0xffff, v20, v21;
	v20, v21, _ =	vpop (xrf1)  }
0x48a: {  	vm1 =	vge.f32 v24, v20  }
0x48b: {  	v25 =	vnsel vm0, $0x0, v13;
	v21 =	vsel vm1, v29, v21  }
0x48c: {  	(xrf1) =	vsort.dscd.msk.f32 $0xffff, v22, v23;
	v23 =	vpop (erf)  }
0x48d: {  	v19 =	vmax.f32 v24, v20;
	v20, v22, _ =	vpop (xrf1)  }
0x48e: {  	(xrf1) =	vsort.dscd.msk.f32 $0xffff, v19, v21;
	v21, v24, _ =	vpop (xrf1)  }
0x48f: {  	(xrf2) =	vadd.scan.msk.f32 $0xffff, v25;
	vm1 =	vge.f32 v20, v21;
	v26, v25, _ =	vpop (xrf1)  }
0x490: {  	v19 =	vpop (erf);
	v20 =	vmax.f32 v20, v21;
	v21 =	vsel vm1, v22, v24;
	(xrf0) =	vmax.scan.msk.f32 $0xffff, v26  }
0x491: {  	v29 =	vpop (erf);
	(xrf1) =	vsort.dscd.msk.f32 $0xffff, v20, v21;
	v21 =	vnsel vm0, $0x0, v14  }
0x492: {  	v22, _, _ =	vpop (xrf2)  }
0x493: {  	(v2sf) =	vpush v22, $0xF;
	v31, _, _ =	vpop (xrf2);
	v22 =	vnsel vm0, $0x0, v29  }
0x494: {  	s31 =	simm.s32 $0xA00;
	(xrf2) =	vadd.scan.msk.f32 $0xffff, v21;
	v30, v20, _ =	vpop (xrf1)  }
0x495: {  	v49 =	vld [tilespmem:s31+$0x180];
	(xrf0) =	vmax.scan.msk.f32 $0xffff, v30;
	v59, v21, _ =	vpop (xrf1)  }
0x496: {  	v52 =	vld [tilespmem:s31+$0x190];
	(xrf2) =	vadd.scan.msk.f32 $0xffff, v22;
	v22, _, _ =	vpop (xrf0)  }
0x497: {  	(xrf0) =	vmax.scan.msk.f32 $0xffff, v59;
	v62 =	vbroadcast v22, $0xF;
	_ =	sdelay $0x1  }
0x498: {  	v61, v24, _ =	vpop (xrf1);
	v26 =	vsub.f32 v26, v62  }
0x499: {  	(xrf1) =	vsort.dscd.msk.f32 $0xffff, v49, v0;
	v39, v27, _ =	vpop (xrf1)  }
0x49a: {  	(v2sf) =	vpush v31, $0xF;
	(xrf1) =	vsort.ascd.msk.f32 $0xffff, v52, v1;
	v63, _, _ =	vpop (xrf0);
	v31 =	vmul.f32 $1.442695020e+00, v26  }
0x49b: {  	(xrf0) =	vmax.scan.msk.f32 $0xffff, v61;
	v41, v22, _ =	vpop (xrf1)  }
0x49c: {  	(xrf0) =	vmax.scan.msk.f32 $0xffff, v39;
	v48, _, _ =	vpop (xrf0);
	(erf) = vpow2.f32 v31;
	v31 =	vld [tilespmem:s31+$0x1A0]  }
0x49d: {  	v44 =	vnsel vm0, $0x0, v15;
	v56 =	vld [tilespmem:s31+$0x1B0];
	v60, _, _ =	vpop (xrf2);
	(xrf0) =	vmax.scan.msk.f32 $0xffff, v41;
	v51 =	vbroadcast v48, $0xF  }
0x49e: {  	v57 =	vld [tilespmem:s31+$0xFFFFFE10];
	v47 =	vnsel vm0, $0x0, v23;
	v46, _, _ =	vpop (xrf2);
	(xrf2) =	vadd.scan.msk.f32 $0xffff, v44  }
0x49f: {  	v50 =	vnsel vm0, $0x0, v19;
	(xrf2) =	vadd.scan.msk.f32 $0xffff, v47;
	v32 =	vsub.f32 v59, v51;
	v59 =	vld [tilespmem:s31+$0xFFFFFE20]  }
0x4a0: {  	(v2sf) =	vpush v60, $0xF;
	v60 =	vld [tilespmem:s31+$0xFFFFFE30];
	v54, _, _ =	vpop (xrf2);
	(xrf2) =	vadd.scan.msk.f32 $0xffff, v50  }
0x4a1: {  	v62 =	vld [tilespmem:s31+$0xFFFFFE80];
	(xrf1) =	vsort.dscd.msk.f32 $0xffff, v31, v2  }
0x4a2: {  	(v2sf) =	vpush v46, $0xF;
	v31 =	vld [tilespmem:s31+$0xFFFFFE90];
	(xrf1) =	vsort.ascd.msk.f32 $0xffff, v56, v3  }
0x4a3: {  	(v2sf) =	vpush v54, $0xF;
	(xrf1) =	vsort.ascd.msk.f32 $0xffff, v57, v1  }
0x4a4: {  	v49 =	vld [tilespmem:s31+$0xFFFFFEA0];
	(xrf1) =	vsort.dscd.msk.f32 $0xffff, v59, v2  }
0x4a5: {  	v50 =	vld [tilespmem:s31+$0xFFFFFEB0];
	(xrf1) =	vsort.ascd.msk.f32 $0xffff, v60, v3  }
0x4a6: {  	v45 =	vbroadcast v63, $0xF;
	v53, _, _ =	vpop (xrf0);
	v51 =	vld [tilespmem:s31+$0xFFFFFF00];
	(xrf1) =	vsort.dscd.msk.f32 $0xffff, v62, v0  }
0x4a7: {  	v52 =	vld [tilespmem:s31+$0xFFFFFF10];
	v34, v26, _ =	vpop (xrf1);
	(xrf1) =	vsort.ascd.msk.f32 $0xffff, v31, v1  }
0x4a8: {  	v30 =	vsub.f32 v30, v45;
	v55 =	vbroadcast v53, $0xF;
	v53 =	vld [tilespmem:s31+$0xFFFFFF20]  }
0x4a9: {  	v54 =	vld [tilespmem:s31+$0xFFFFFF30];
	s25 =	spop (v2sf);
	(xrf1) =	vsort.dscd.msk.f32 $0xffff, v49, v2  }
0x4aa: {  	v30 =	vmul.f32 $1.442695020e+00, v30;
	v58 =	vsub.f32 v61, v55;
	v55 =	vld [tilespmem:s31+$0xFFFFFF80];
	s24 =	sadd.f32 $9.999999680e-21, s25;
	(xrf1) =	vsort.ascd.msk.f32 $0xffff, v50, v3  }
0x4ab: {  	v63, _, _ =	vpop (xrf0);
	v59 =	vld [tilespmem:s31+$0xFFFFFF90];
	(xrf1) =	vsort.dscd.msk.f32 $0xffff, v51, v0  }
0x4ac: {  	(erf) = vpow2.f32 v30;
	v30 =	vmul.f32 $1.442695020e+00, v32;
	v44, _, _ =	vpop (xrf0);
	v61 =	vmov s24;
	(xrf1) =	vsort.ascd.msk.f32 $0xffff, v52, v1  }
0x4ad: {  	v42, v56, _ =	vpop (xrf1);
	(xrf1) =	vsort.dscd.msk.f32 $0xffff, v53, v2  }
0x4ae: {  	v32 =	vmul.f32 $1.442695020e+00, v58;
	(erf) = vpow2.f32 v30;
	v58, v57, _ =	vpop (xrf1);
	(xrf1) =	vsort.ascd.msk.f32 $0xffff, v54, v3  }
0x4af: {  	s26 =	spop (v2sf);
	(erf) = vrcp.f32 v61;
	vm1 =	vge.f32 v42, v58;
	v50 =	vld [tilespmem:s31+$0xFFFFFFA0];
	(xrf1) =	vsort.dscd.msk.f32 $0xffff, v55, v0;
	v61, v60, _ =	vpop (xrf1)  }
0x4b0: {  	v43 =	vbroadcast v63, $0xF;
	v63 =	vld [tilespmem:s31+$0xFFFFFFB0];
	s29 =	spop (v2sf);
	v45 =	vsel vm1, v56, v57;
	(xrf1) =	vsort.ascd.msk.f32 $0xffff, v59, v1;
	v59, v53, _ =	vpop (xrf1)  }
0x4b1: {  	v42 =	vmax.f32 v42, v58;
	s30 =	spop (v2sf);
	v52 =	vld [tilespmem:s31+$0x0];
	vm1 =	vge.f32 v61, v59;
	v46, v49, _ =	vpop (xrf1)  }
0x4b2: {  	s28 =	spop (v2sf);
	v54 =	vld [tilespmem:s31+$0x10];
	(xrf1) =	vsort.dscd.msk.f32 $0xffff, v42, v45;
	v47 =	vmax.f32 v61, v59;
	v60 =	vsel vm1, v60, v53;
	v51, v53, _ =	vpop (xrf1)  }
0x4b3: {  	s28 =	sadd.f32 $9.999999680e-21, s28;
	v42 =	vld [tilespmem:s31+$0x20];
	v45, v55, _ =	vpop (xrf1);
	(xrf1) =	vsort.ascd.msk.f32 $0xffff, v47, v60  }
0x4b4: {  	v47 =	vld [tilespmem:s31+$0x30];
	v48, v56, _ =	vpop (xrf1);
	(xrf1) =	vsort.dscd.msk.f32 $0xffff, v50, v2  }
0x4b5: {  	v62 =	vmov s28;
	v50 =	vld [tilespmem:s31+$0x80];
	v57, v58, _ =	vpop (xrf1);
	(xrf1) =	vsort.ascd.msk.f32 $0xffff, v63, v3  }
0x4b6: {  	v39 =	vsub.f32 v39, v43;
	v43 =	vld [tilespmem:s31+$0x90];
	v30 =	vpop (erf);
	(xrf1) =	vsort.dscd.msk.f32 $0xffff, v52, v0  }
0x4b7: {  	v31 =	vpop (erf);
	v52 =	vld [tilespmem:s31+$0xA0];
	(xrf1) =	vsort.ascd.msk.f32 $0xffff, v54, v1  }
0x4b8: {  	(erf) = vpow2.f32 v32;
	v59, v60, _ =	vpop (xrf1);
	v54 =	vld [tilespmem:s31+$0xB0];
	(xrf1) =	vsort.dscd.msk.f32 $0xffff, v42, v2  }
0x4b9: {  	(erf) = vrcp.f32 v62;
	v61, v62, _ =	vpop (xrf1);
	v42 =	vld [tilespmem:s31+$0xFFFFFE00];
	(xrf1) =	vsort.ascd.msk.f32 $0xffff, v47, v3  }
0x4ba: {  	v8 =	vmul.f32 $2.500000000e+00, v8;
	v44 =	vbroadcast v44, $0xF;
	v63, v10, _ =	vpop (xrf1);
	v47 =	vld [tilespmem:s31+$0x100];
	(xrf1) =	vsort.dscd.msk.f32 $0xffff, v50, v0  }
0x4bb: {  	v5, v9, _ =	vpop (xrf1);
	v50 =	vld [tilespmem:s31+$0x110];
	(xrf1) =	vsort.ascd.msk.f32 $0xffff, v43, v1  }
0x4bc: {  	v11 =	vmul.f32 v28, v8;
	v43, v7, _ =	vpop (xrf1);
	(xrf1) =	vsort.dscd.msk.f32 $0xffff, v52, v2  }
0x4bd: {  	v8 =	vsub.f32 v41, v44;
	vm1 =	vge.f32 v51, v45;
	v52 =	vld [tilespmem:s31+$0x120];
	v4, v6, _ =	vpop (xrf1);
	(xrf1) =	vsort.ascd.msk.f32 $0xffff, v54, v3  }
0x4be: {  	v41 =	vld [tilespmem:s31+$0x130];
	v45 =	vmax.f32 v51, v45;
	v53 =	vsel vm1, v53, v55;
	v44, v54, _ =	vpop (xrf1);
	(xrf1) =	vsort.dscd.msk.f32 $0xffff, v42, v0  }
0x4bf: {  	vm1 =	vge.f32 v48, v57;
	v42, v51, _ =	vpop (xrf1);
	(xrf1) =	vsort.dscd.msk.f32 $0xffff, v47, v0;
	v47 =	vmax.f32 v48, v57  }
0x4c0: {  	v48 =	vsel vm1, v56, v58;
	vm1 =	vge.f32 v59, v61;
	(xrf1) =	vsort.ascd.msk.f32 $0xffff, v50, v1;
	v50, v55, _ =	vpop (xrf1)  }
0x4c1: {  	v56 =	vmax.f32 v59, v61;
	v58 =	vsel vm1, v60, v62;
	v61, v57, _ =	vpop (xrf1)  }
0x4c2: {  	(xrf1) =	vsort.dscd.msk.f32 $0xffff, v52, v2;
	vm1 =	vge.f32 v50, v61;
	v50 =	vmax.f32 v50, v61  }
0x4c3: {  	(xrf1) =	vsort.ascd.msk.f32 $0xffff, v41, v3;
	v60, v59, _ =	vpop (xrf1);
	v61 =	vsel vm1, v55, v57;
	vm1 =	vge.f32 v63, v5  }
0x4c4: {  	(xrf1) =	vsort.ascd.msk.f32 $0xffff, v45, v53;
	v45, v53, _ =	vpop (xrf1);
	v9 =	vsel vm1, v10, v9;
	vm1 =	vge.f32 v43, v4  }
0x4c5: {  	v5 =	vmax.f32 v63, v5;
	(xrf1) =	vsort.dscd.msk.f32 $0xffff, v50, v61;
	v50, v52, _ =	vpop (xrf1);
	v6 =	vsel vm1, v7, v6  }
0x4c6: {  	v4 =	vmax.f32 v43, v4;
	v41 =	vmax.f32 v60, v45;
	(xrf1) =	vsort.dscd.msk.f32 $0xffff, v47, v48;
	v10, v62, _ =	vpop (xrf1)  }
0x4c7: {  	vm1 =	vge.f32 v44, v42;
	v42 =	vmax.f32 v44, v42;
	(xrf1) =	vsort.ascd.msk.f32 $0xffff, v56, v58;
	v7, v63, _ =	vpop (xrf1)  }
0x4c8: {  	v54 =	vsel vm1, v54, v51;
	vm1 =	vge.f32 v60, v45;
	(xrf1) =	vsort.dscd.msk.f32 $0xffff, v5, v9;
	v5, v9, _ =	vpop (xrf1)  }
0x4c9: {  	v55 =	vsel vm1, v59, v53;
	(xrf1) =	vsort.ascd.msk.f32 $0xffff, v4, v6;
	v4, v6, _ =	vpop (xrf1)  }
0x4ca: {  	vm1 =	vge.f32 v50, v10;
	v10 =	vmax.f32 v50, v10;
	(xrf1) =	vsort.dscd.msk.f32 $0xffff, v42, v54;
	v42, v44, _ =	vpop (xrf1)  }
0x4cb: {  	v47 =	vsel vm1, v52, v62;
	vm1 =	vge.f32 v7, v5;
	(xrf1) =	vsort.ascd.msk.f32 $0xffff, v41, v55;
	v41, v45, _ =	vpop (xrf1)  }
0x4cc: {  	v5 =	vmax.f32 v7, v5;
	v9 =	vsel vm1, v63, v9;
	v7, v56, _ =	vpop (xrf1)  }
0x4cd: {  	vm1 =	vge.f32 v4, v42;
	(xrf1) =	vsort.dscd.msk.f32 $0xffff, v10, v47;
	v10, v57, _ =	vpop (xrf1)  }
0x4ce: {  	v4 =	vmax.f32 v4, v42;
	v6 =	vsel vm1, v6, v44;
	vm1 =	vge.f32 v10, v46  }
0x4cf: {  	v58, v59, _ =	vpop (xrf1);
	v10 =	vmax.f32 v10, v46;
	(xrf1) =	vsort.ascd.msk.f32 $0xffff, v5, v9;
	v43 =	vsel vm1, v57, v49  }
0x4d0: {  	v5, v9, _ =	vpop (xrf1);
	vm1 =	vge.f32 v41, v7;
	v7 =	vmax.f32 v41, v7;
	(xrf1) =	vsort.dscd.msk.f32 $0xffff, v10, v43  }
0x4d1: {  	v61 =	vmul.f32 $1.442695020e+00, v8;
	v8 =	vsel vm1, v45, v56;
	vm1 =	vge.f32 v58, v5;
	(xrf1) =	vsort.dscd.msk.f32 $0xffff, v4, v6  }
0x4d2: {  	v5 =	vmax.f32 v58, v5;
	v9 =	vsel vm1, v59, v9;
	(xrf1) =	vsort.ascd.msk.f32 $0xffff, v7, v8  }
0x4d3: {  	v10, v60, _ =	vpop (xrf1);
	(xrf1) =	vsort.dscd.msk.f32 $0xffff, v5, v9;
	v9 =	vld [tilespmem:$0x1FEB0];
	_ =	sdelay $0x2  }
0x4d4: {  	s28 =	simm.s32 $0x8200  }
0x4d5: {  	[tilespmem:s28+$0xFFFFFE00] =	vst v16  }
0x4d6: {  	s23 =	simm.s32 $0xC200;
	[tilespmem:s28+$0x180] =	vst v9  }
0x4d7: {  	(xrf0) =	vmax.scan.msk.f32 $0xffff, v34;
	[tilespmem:s23+$0x180] =	vst v11  }
0x4d8: {  	v16 =	vld [tilespmem:$0x1FEC0];
	_ =	sdelay $0x4  }
0x4d9: {  	v39 =	vmul.f32 $1.442695020e+00, v39;
	v40, _, _ =	vpop (xrf0);
	[tilespmem:s28+$0xFFFFFE80] =	vst v16  }
0x4da: {  	v32 =	vpop (erf);
	v7 =	vbroadcast v40, $0xF;
	v47 =	vld [tilespmem:$0x1FED0]  }
0x4db: {  	v35 =	vpop (erf)  }
0x4dc: {  	v33 =	vpop (erf);
	(erf) = vpow2.f32 v39;
	v7 =	vsub.f32 v34, v7  }
0x4dd: {  	v39 =	vpop (erf)  }
0x4de: {  	v4, v6, _ =	vpop (xrf1);
	v7 =	vmul.f32 $1.442695020e+00, v7  }
0x4df: {  	(erf) = vpow2.f32 v61;
	v62, v63, _ =	vpop (xrf1);
	[tilespmem:s28+$0xFFFFFF00] =	vst v47  }
0x4e0: {  	v5, v8, _ =	vpop (xrf1);
	(erf) = vpow2.f32 v7;
	v7 =	vld [tilespmem:$0x1FEE0]  }
0x4e1: {  	vm1 =	vge.f32 v10, v4;
	v4 =	vmax.f32 v10, v4;
	v9, v10, _ =	vpop (xrf1)  }
0x4e2: {  	v6 =	vsel vm1, v60, v6;
	v11, v46, _ =	vpop (xrf1)  }
0x4e3: {  	s25 =	sadd.f32 $9.999999680e-21, s26;
	v36, _, _ =	vpop (xrf2);
	vm1 =	vge.f32 v9, v11  }
0x4e4: {  	v38, _, _ =	vpop (xrf2);
	v10 =	vsel vm1, v10, v46  }
0x4e5: {  	v28 =	vpop (erf);
	(xrf0) =	vmax.scan.msk.f32 $0xffff, v5;
	v9 =	vmax.f32 v9, v11;
	[tilespmem:s28+$0xFFFFFF80] =	vst v7;
	v7 =	vmov s25  }
0x4e6: {  	v48 =	vnsel vm0, $0x0, v28;
	(xrf1) =	vsort.ascd.msk.f32 $0xffff, v4, v6;
	v4, v6, _ =	vpop (xrf1);
	(erf) = vrcp.f32 v7;
	v7 =	vld [tilespmem:$0x1FEF0]  }
0x4e7: {  	(xrf2) =	vadd.scan.msk.f32 $0xffff, v48;
	v11, v16, _ =	vpop (xrf1)  }
0x4e8: {  	(xrf1) =	vsort.dscd.msk.f32 $0xffff, v9, v10;
	vm1 =	vge.f32 v4, v11;
	v9, v10, _ =	vpop (xrf1);
	v4 =	vmax.f32 v4, v11  }
0x4e9: {  	v6 =	vsel vm1, v6, v16;
	v11, v16, _ =	vpop (xrf1)  }
0x4ea: {  	(v2sf) =	vpush v36, $0xF;
	vm1 =	vge.f32 v9, v11  }
0x4eb: {  	(xrf1) =	vsort.dscd.msk.f32 $0xffff, v4, v6;
	v9 =	vmax.f32 v9, v11;
	v4, _, _ =	vpop (xrf0);
	v10 =	vsel vm1, v10, v16;
	[tilespmem:s28+$0x0] =	vst v7  }
0x4ec: {  	(v2sf) =	vpush v38, $0xF;
	v4 =	vbroadcast v4, $0xF;
	v6, v49, _ =	vpop (xrf1);
	(xrf1) =	vsort.dscd.msk.f32 $0xffff, v9, v10;
	v10 =	vld [tilespmem:$0x1FF00];
	_ =	sdelay $0x1  }
0x4ed: {  	s24 =	sadd.f32 $9.999999680e-21, s29;
	v37, _, _ =	vpop (xrf2);
	v4 =	vsub.f32 v5, v4  }
0x4ee: {  	v17 =	vmul.f32 $2.500000000e+00, v17;
	(v2sf) =	vpush v37, $0xF;
	v5, v9, _ =	vpop (xrf1)  }
0x4ef: {  	v11 =	vmov s24;
	vm1 =	vge.f32 v6, v5;
	v4 =	vmul.f32 $1.442695020e+00, v4  }
0x4f0: {  	v50 =	vpop (erf);
	v9 =	vsel vm1, v49, v9;
	(erf) = vrcp.f32 v11;
	[tilespmem:s28+$0x80] =	vst v10  }
0x4f1: {  	v56, _, _ =	vpop (xrf2);
	v5 =	vmax.f32 v6, v5;
	(erf) = vpow2.f32 v4;
	v4 =	vld [tilespmem:$0x1FF10]  }
0x4f2: {  	v29 =	vmul.f32 $2.500000000e+00, v29;
	(xrf1) =	vsort.dscd.msk.f32 $0xffff, v5, v9;
	v7 =	vnsel vm0, $0x0, v30;
	v6, v10, _ =	vpop (xrf1)  }
0x4f3: {  	v16 =	vmul.f32 v35, v17;
	(xrf2) =	vadd.scan.msk.f32 $0xffff, v7;
	v7 =	vnsel vm0, $0x0, v31;
	v11, v17, _ =	vpop (xrf1)  }
0x4f4: {  	(xrf2) =	vadd.scan.msk.f32 $0xffff, v7;
	vm2 =	vge.f32 v6, v62;
	v5, v9, _ =	vpop (xrf1)  }
0x4f5: {  	v53 =	vpop (erf);
	v6 =	vmax.f32 v6, v62;
	[tilespmem:s23+$0xFFFFFE00] =	vst v16;
	v10 =	vsel vm2, v10, v63;
	vm1 =	vge.f32 v11, v5  }
0x4f6: {  	s25 =	simm.s32 $0x8600;
	(xrf1) =	vsort.dscd.msk.f32 $0xffff, v6, v10;
	v51, v52, _ =	vpop (xrf1);
	[tilespmem:s28+$0x100] =	vst v4;
	v4 =	vmax.f32 v11, v5;
	v5 =	vsel vm1, v17, v9  }
0x4f7: {  	[tilespmem:s25+$0xFFFFFE00] =	vst v27;
	v6 =	vmul.f32 v39, v29;
	v17, v29, _ =	vpop (xrf1);
	(xrf1) =	vsort.dscd.msk.f32 $0xffff, v4, v5  }
0x4f8: {  	v61 =	vnsel vm0, $0x0, v33;
	v55 =	vmul.f32 $2.500000000e+00, v13;
	[tilespmem:s25+$0xFFFFFF00] =	vst v20;
	v27, v13, _ =	vpop (xrf1);
	vm1 =	vge.f32 v51, v17  }
0x4f9: {  	v9 =	vmul.f32 $2.500000000e+00, v14;
	s28 =	spop (v2sf);
	v17 =	vmax.f32 v51, v17;
	(xrf0) =	vmax.scan.msk.f32 $0xffff, v27;
	v58, v14, _ =	vpop (xrf1);
	v20 =	vsel vm1, v52, v29  }
0x4fa: {  	v7 =	vmul.f32 $2.500000000e+00, v33;
	[tilespmem:s25+$0x180] =	vst v18;
	s31 =	spop (v2sf);
	(v2sf) =	vpush v56, $0xF;
	v33, v16, _ =	vpop (xrf1);
	(xrf1) =	vsort.dscd.msk.f32 $0xffff, v17, v20  }
0x4fb: {  	v18 =	vpop (erf);
	[tilespmem:s25+$0xFFFFFE80] =	vst v25;
	v4 =	vnsel vm0, $0x0, v32  }
0x4fc: {  	s26 =	sadd.f32 $9.999999680e-21, s30;
	v54 =	vmul.f32 $2.500000000e+00, v12;
	[tilespmem:s25+$0xFFFFFF80] =	vst v21;
	v25 =	vpop (erf);
	(xrf2) =	vadd.scan.msk.f32 $0xffff, v4  }
0x4fd: {  	v12 =	vmul.f32 $2.500000000e+00, v23;
	[tilespmem:s25+$0x0] =	vst v24;
	v60, _, _ =	vpop (xrf2);
	(xrf0) =	vmax.scan.msk.f32 $0xffff, v58  }
0x4fe: {  	v57 =	vmov s26;
	[tilespmem:s25+$0x80] =	vst v22;
	v18 =	vmul.f32 v18, v54;
	v21 =	vpop (erf);
	s30 =	sadd.f32 $9.999999680e-21, s31;
	s31 =	spop (v2sf);
	(v2sf) =	vpush v60, $0xF  }
0x4ff: {  	s24 =	simm.s32 $0xC600;
	[tilespmem:s25+$0x100] =	vst v26;
	v10 =	vmul.f32 $2.500000000e+00, v15;
	v15 =	vmul.f32 $2.500000000e+00, v28;
	v28, _, _ =	vpop (xrf2);
	v20 =	vnsel vm0, $0x0, v21  }
0x500: {  	(erf) = vrcp.f32 v57;
	v25 =	vmul.f32 v25, v55;
	[tilespmem:s24+$0x180] =	vst v6;
	(xrf2) =	vadd.scan.msk.f32 $0xffff, v20;
	v22, _, _ =	vpop (xrf0)  }
0x501: {  	v6 =	vmul.f32 $2.500000000e+00, v32;
	(v2sf) =	vpush v28, $0xF;
	(xrf0) =	vmax.scan.msk.f32 $0xffff, v33;
	v26 =	vbroadcast v22, $0xF  }
0x502: {  	[tilespmem:s23+$0xFFFFFE80] =	vst v18;
	v11 =	vmul.f32 $2.500000000e+00, v19;
	v19 =	vmul.f32 $2.500000000e+00, v50;
	s28 =	sadd.f32 $9.999999680e-21, s28;
	v32, v17, _ =	vpop (xrf1)  }
0x503: {  	[tilespmem:s23+$0xFFFFFF00] =	vst v25;
	v5 =	vmul.f32 $2.500000000e+00, v30;
	v4 =	vmul.f32 $2.500000000e+00, v31;
	(xrf0) =	vmax.scan.msk.f32 $0xffff, v32;
	v18, _, _ =	vpop (xrf0)  }
0x504: {  	v31 =	vnsel vm0, $0x0, v50;
	v59 =	vmov s28;
	s28 =	sadd.f32 $9.999999680e-21, s31;
	(xrf2) =	vadd.scan.msk.f32 $0xffff, v61;
	v30, v20, _ =	vpop (xrf1);
	v27 =	vsub.f32 v27, v26  }
0x505: {  	v29 =	vnsel vm0, $0x0, v53;
	v24 =	vmov s30;
	v62 =	vbroadcast v18, $0xF;
	(xrf0) =	vmax.scan.msk.f32 $0xffff, v30;
	v26, v18, _ =	vpop (xrf1)  }
0x506: {  	(erf) = vrcp.f32 v59;
	v23 =	vmov s28;
	v63, _, _ =	vpop (xrf2);
	v25 =	vmul.f32 $1.442695020e+00, v27;
	(xrf0) =	vmax.scan.msk.f32 $0xffff, v26  }
0x507: {  	s26 =	simm.s32 $0x10;
	s28 =	simm.s32 $0xE00;
	v22 =	vmul.f32 $2.500000000e+00, v53;
	v27 =	vsub.f32 v58, v62;
	(v2sf) =	vpush v63, $0xF;
	v28, _, _ =	vpop (xrf0)  }
.LBB2_6:
0x508: {  	v34 =	vld [tilespmem:s28+$0x180];
	v28 =	vbroadcast v28, $0xF;
	(erf) = vpow2.f32 v25;
	v35, v37, _ =	vpop (xrf1);
	(xrf2) =	vadd.scan.msk.f32 $0xffff, v31  }
0x509: {  	v25 =	vld [tilespmem:s28+$0x190];
	v27 =	vmul.f32 $1.442695020e+00, v27;
	v31, _, _ =	vpop (xrf0);
	(xrf0) =	vmax.scan.msk.f32 $0xffff, v35;
	s29 =	spop (v2sf)  }
0x50a: {  	v36 =	vld [tilespmem:s28+$0x1A0];
	v28 =	vsub.f32 v33, v28;
	v31 =	vbroadcast v31, $0xF;
	v33, _, _ =	vpop (xrf2);
	s29 =	sadd.f32 $9.999999680e-21, s29;
	(erf) = vrcp.f32 v24  }
0x50b: {  	s26 =	sadd.s32 $0x8, s26;
	v24 =	vld [tilespmem:s28+$0x1B0];
	v38, _, _ =	vpop (xrf0);
	(erf) = vpow2.f32 v27;
	(v2sf) =	vpush v33, $0xF;
	(xrf2) =	vadd.scan.msk.f32 $0xffff, v29  }
0x50c: {  	p0 =	slt.u32 s26, $0x78;
	v27 =	vld [tilespmem:s28+$0xFFFFFE10];
	v41 =	vbroadcast v38, $0xF;
	v40 =	vmul.f32 $1.442695020e+00, v28;
	v31 =	vsub.f32 v32, v31;
	v32, _, _ =	vpop (xrf0)  }
0x50d: {  	v33 =	vld [tilespmem:s28+$0xFFFFFE20];
	(xrf1) =	vsort.dscd.msk.f32 $0xffff, v34, v0;
	v42 =	vbroadcast v32, $0xF;
	v34 =	vmov s29;
	s29 =	spop (v2sf);
	v38 =	vpop (erf);
	(erf) = vrcp.f32 v23  }
0x50e: {  	v39 =	vld [tilespmem:s28+$0xFFFFFE30];
	(xrf1) =	vsort.ascd.msk.f32 $0xffff, v25, v1;
	v23 =	vsub.f32 v30, v41;
	v25 =	vmul.f32 $1.442695020e+00, v31;
	(erf) = vpow2.f32 v40;
	s29 =	sadd.f32 $9.999999680e-21, s29;
	v28, _, _ =	vpop (xrf2)  }
0x50f: {  	v30 =	vld [tilespmem:s28+$0xFFFFFE80];
	(xrf1) =	vsort.dscd.msk.f32 $0xffff, v36, v2;
	v40 =	vsub.f32 v26, v42;
	v29, _, _ =	vpop (xrf0);
	(erf) = vrcp.f32 v34;
	(v2sf) =	vpush v28, $0xF  }
0x510: {  	v28 =	vld [tilespmem:s28+$0xFFFFFE90];
	(xrf1) =	vsort.ascd.msk.f32 $0xffff, v24, v3;
	v23 =	vmul.f32 $1.442695020e+00, v23;
	v24 =	vbroadcast v29, $0xF;
	v31 =	vmov s29;
	s29 =	spop (v2sf);
	v32 =	vpop (erf)  }
0x511: {  	v34 =	vld [tilespmem:s28+$0xFFFFFEA0];
	(xrf1) =	vsort.ascd.msk.f32 $0xffff, v27, v1;
	v36 =	vmul.f32 $1.442695020e+00, v40;
	v26 =	vpop (erf);
	(erf) = vpow2.f32 v25;
	s29 =	sadd.f32 $9.999999680e-21, s29  }
0x512: {  	v27 =	vld [tilespmem:s28+$0xFFFFFEB0];
	(xrf1) =	vsort.dscd.msk.f32 $0xffff, v33, v2;
	v29 =	vnsel vm0, $0x0, v26;
	v25 =	vmul.f32 $2.500000000e+00, v26;
	v42 =	vsub.f32 v35, v24;
	v26, _, _ =	vpop (xrf2)  }
0x513: {  	v38 =	vmul.f32 v38, v9;
	v40 =	vld [tilespmem:s28+$0xFFFFFF00];
	(xrf1) =	vsort.ascd.msk.f32 $0xffff, v39, v3;
	v33 =	vmov s29;
	(v2sf) =	vpush v26, $0xF;
	v39 =	vpop (erf)  }
0x514: {  	v9 =	vmov v6;
	v41 =	vld [tilespmem:s28+$0xFFFFFF10];
	(xrf1) =	vsort.dscd.msk.f32 $0xffff, v30, v0;
	v35 =	vmul.f32 $1.442695020e+00, v42;
	v24 =	vpop (erf);
	v42 =	vmul.f32 v32, v10  }
0x515: {  	v43 =	vld [tilespmem:s28+$0xFFFFFF20];
	(xrf1) =	vsort.ascd.msk.f32 $0xffff, v28, v1;
	v32 =	vnsel vm0, $0x0, v24;
	v26 =	vmul.f32 $2.500000000e+00, v24;
	v6, _, _ =	vpop (xrf2);
	v28 =	vmul.f32 v39, v12  }
0x516: {  	v10 =	vmov v7;
	v24 =	vld [tilespmem:s28+$0xFFFFFF30];
	(xrf1) =	vsort.dscd.msk.f32 $0xffff, v34, v2;
	s29 =	spop (v2sf);
	(v2sf) =	vpush v6, $0xF;
	[tilespmem:s23+$0xFFFFFF80] =	vst v38;
	v6 =	vpop (erf)  }
0x517: {  	v12 =	vmov v19;
	v34 =	vld [tilespmem:s28+$0xFFFFFF80];
	(xrf1) =	vsort.ascd.msk.f32 $0xffff, v27, v3;
	v7 =	vpop (erf);
	s29 =	sadd.f32 $9.999999680e-21, s29;
	[tilespmem:s23+$0x80] =	vst v28;
	v28 =	vmul.f32 v6, v11  }
0x518: {  	v19 =	vld [tilespmem:s28+$0xFFFFFF90];
	(xrf1) =	vsort.dscd.msk.f32 $0xffff, v40, v0;
	v30 =	vnsel vm0, $0x0, v7;
	v6 =	vmul.f32 $2.500000000e+00, v7;
	v7 =	vpop (erf);
	[tilespmem:s23+$0x0] =	vst v42  }
0x519: {  	v11 =	vmov v22;
	v38 =	vld [tilespmem:s28+$0xFFFFFFA0];
	v15 =	vmul.f32 v7, v15;
	v27 =	vmov s29;
	[tilespmem:s23+$0x100] =	vst v28;
	s23 =	smov.u32 s24  }
0x51a: {  	v39 =	vld [tilespmem:s28+$0xFFFFFFB0];
	(xrf1) =	vsort.ascd.msk.f32 $0xffff, v41, v1;
	v7 =	vpop (erf);
	s29 =	spop (v2sf)  }
0x51b: {  	v40 =	vld [tilespmem:s28+$0x0];
	(xrf1) =	vsort.dscd.msk.f32 $0xffff, v43, v2;
	v22, v41, _ =	vpop (xrf1);
	v28 =	vnsel vm0, $0x0, v7;
	v7 =	vmul.f32 $2.500000000e+00, v7;
	s29 =	sadd.f32 $9.999999680e-21, s29;
	[tilespmem:s24+$0xFFFFFE00] =	vst v15  }
0x51c: {  	v15 =	vld [tilespmem:s28+$0x10];
	(xrf1) =	vsort.ascd.msk.f32 $0xffff, v24, v3;
	v24, v42, _ =	vpop (xrf1)  }
0x51d: {  	v43 =	vld [tilespmem:s28+$0x20];
	(xrf1) =	vsort.dscd.msk.f32 $0xffff, v34, v0;
	v34, v44, _ =	vpop (xrf1);
	v45 =	vmov s29  }
0x51e: {  	vm1 =	vge.f32 v22, v24;
	v46 =	vld [tilespmem:s28+$0x30];
	(xrf1) =	vsort.ascd.msk.f32 $0xffff, v19, v1;
	v47, v48, _ =	vpop (xrf1);
	(erf) = vrcp.f32 v45;
	s29 =	spop (v2sf)  }
0x51f: {  	v51 =	vmax.f32 v22, v24;
	v41 =	vsel vm1, v41, v42;
	v45 =	vld [tilespmem:s28+$0x80];
	vm1 =	vge.f32 v34, v47;
	v22, v19, _ =	vpop (xrf1);
	s29 =	sadd.f32 $9.999999680e-21, s29  }
0x520: {  	v34 =	vmax.f32 v34, v47;
	v42 =	vld [tilespmem:s28+$0x90];
	v44 =	vsel vm1, v44, v48;
	v47, v48, _ =	vpop (xrf1);
	(xrf1) =	vsort.dscd.msk.f32 $0xffff, v51, v41  }
0x521: {  	v41 =	vld [tilespmem:s28+$0xA0];
	v24, v49, _ =	vpop (xrf1);
	(xrf1) =	vsort.ascd.msk.f32 $0xffff, v34, v44;
	v34 =	vmov s29  }
0x522: {  	vm1 =	vge.f32 v47, v24;
	v44 =	vmax.f32 v47, v24;
	v47 =	vld [tilespmem:s28+$0xB0];
	v24, v50, _ =	vpop (xrf1);
	(xrf1) =	vsort.dscd.msk.f32 $0xffff, v38, v2;
	s29 =	spop (v2sf)  }
0x523: {  	v38 =	vsel vm1, v48, v49;
	v48 =	vld [tilespmem:s28+$0x100];
	v49, v51, _ =	vpop (xrf1);
	(xrf1) =	vsort.ascd.msk.f32 $0xffff, v39, v3;
	s29 =	sadd.f32 $9.999999680e-21, s29  }
0x524: {  	vm1 =	vge.f32 v24, v49;
	v39 =	vmax.f32 v24, v49;
	v49 =	vld [tilespmem:s28+$0x110];
	v52, v53, _ =	vpop (xrf1);
	(xrf1) =	vsort.dscd.msk.f32 $0xffff, v40, v0;
	(erf) = vpow2.f32 v23  }
0x525: {  	v40 =	vsel vm1, v50, v51;
	v50 =	vld [tilespmem:s28+$0x120];
	v23, v51, _ =	vpop (xrf1);
	(xrf1) =	vsort.ascd.msk.f32 $0xffff, v15, v1;
	v24 =	vmov s29;
	s29 =	spop (v2sf)  }
0x526: {  	v21 =	vmul.f32 $2.500000000e+00, v21;
	vm1 =	vge.f32 v52, v23;
	v52 =	vmax.f32 v52, v23;
	v54 =	vld [tilespmem:s28+$0x130];
	v15, v55, _ =	vpop (xrf1);
	(xrf1) =	vsort.dscd.msk.f32 $0xffff, v43, v2;
	s29 =	sadd.f32 $9.999999680e-21, s29  }
0x527: {  	v43 =	vld [tilespmem:s28+$0xFFFFFE00];
	v51 =	vsel vm1, v53, v51;
	(xrf1) =	vsort.ascd.msk.f32 $0xffff, v46, v3;
	v23 =	vpop (erf)  }
0x528: {  	s25 =	sadd.s32 $0x400, s25;
	v56, v53, _ =	vpop (xrf1);
	(xrf1) =	vsort.dscd.msk.f32 $0xffff, v45, v0;
	v21 =	vmul.f32 v23, v21;
	v23 =	vmov s29  }
0x529: {  	s24 =	sadd.s32 $0x400, s24;
	vm1 =	vge.f32 v15, v56;
	v45 =	vmax.f32 v15, v56;
	v15, v46, _ =	vpop (xrf1);
	(xrf1) =	vsort.ascd.msk.f32 $0xffff, v42, v1;
	[tilespmem:s25+$0x180] =	vst v8  }
0x52a: {  	v8 =	vsel vm1, v55, v53;
	v42, v53, _ =	vpop (xrf1);
	(xrf1) =	vsort.dscd.msk.f32 $0xffff, v41, v2;
	[tilespmem:s24+$0x180] =	vst v21  }
0x52b: {  	vm1 =	vge.f32 v15, v42;
	v21 =	vmax.f32 v15, v42;
	v15, v41, _ =	vpop (xrf1);
	(xrf1) =	vsort.ascd.msk.f32 $0xffff, v47, v3;
	[tilespmem:s25+$0xFFFFFE00] =	vst v20  }
0x52c: {  	v20 =	vsel vm1, v46, v53;
	(xrf1) =	vsort.dscd.msk.f32 $0xffff, v43, v0;
	v42, v43, _ =	vpop (xrf1);
	[tilespmem:s25+$0xFFFFFE80] =	vst v13  }
0x52d: {  	vm1 =	vge.f32 v15, v42;
	v13 =	vmax.f32 v15, v42;
	(xrf1) =	vsort.dscd.msk.f32 $0xffff, v48, v0;
	[tilespmem:s25+$0xFFFFFF00] =	vst v14;
	v14 =	vpop (erf)  }
0x52e: {  	v41 =	vsel vm1, v41, v43;
	(xrf1) =	vsort.ascd.msk.f32 $0xffff, v49, v1;
	v42, v43, _ =	vpop (xrf1);
	v46 =	vnsel vm0, $0x0, v14;
	v15 =	vmul.f32 $2.500000000e+00, v14  }
0x52f: {  	(xrf1) =	vsort.dscd.msk.f32 $0xffff, v50, v2;
	v14, v47, _ =	vpop (xrf1);
	[tilespmem:s25+$0xFFFFFF80] =	vst v16  }
0x530: {  	vm1 =	vge.f32 v42, v14;
	v16, v48, _ =	vpop (xrf1);
	(xrf1) =	vsort.ascd.msk.f32 $0xffff, v54, v3;
	[tilespmem:s25+$0x0] =	vst v17  }
0x531: {  	v14 =	vmax.f32 v42, v14;
	v47 =	vsel vm1, v43, v47;
	(xrf1) =	vsort.ascd.msk.f32 $0xffff, v44, v38;
	v43, v42, _ =	vpop (xrf1);
	[tilespmem:s25+$0x80] =	vst v18  }
0x532: {  	vm1 =	vge.f32 v16, v43;
	v16 =	vmax.f32 v16, v43;
	v18, v38, _ =	vpop (xrf1);
	(xrf1) =	vsort.dscd.msk.f32 $0xffff, v14, v47;
	[tilespmem:s25+$0x100] =	vst v37  }
0x533: {  	v14 =	vsel vm1, v48, v42;
	(xrf1) =	vsort.dscd.msk.f32 $0xffff, v39, v40;
	v17, v37, _ =	vpop (xrf1)  }
0x534: {  	vm1 =	vge.f32 v18, v17;
	v17 =	vmax.f32 v18, v17;
	(xrf1) =	vsort.ascd.msk.f32 $0xffff, v52, v51;
	v18, v39, _ =	vpop (xrf1)  }
0x535: {  	v37 =	vsel vm1, v38, v37;
	(xrf1) =	vsort.dscd.msk.f32 $0xffff, v45, v8;
	v8, v38, _ =	vpop (xrf1)  }
0x536: {  	vm1 =	vge.f32 v18, v8;
	v8 =	vmax.f32 v18, v8;
	(xrf1) =	vsort.ascd.msk.f32 $0xffff, v21, v20;
	v18, v20, _ =	vpop (xrf1)  }
0x537: {  	v21 =	vsel vm1, v39, v38;
	(xrf1) =	vsort.dscd.msk.f32 $0xffff, v13, v41;
	v13, v38, _ =	vpop (xrf1)  }
0x538: {  	vm1 =	vge.f32 v18, v13;
	v13 =	vmax.f32 v18, v13;
	(xrf1) =	vsort.ascd.msk.f32 $0xffff, v16, v14;
	v14, v16, _ =	vpop (xrf1)  }
0x539: {  	v18 =	vsel vm1, v20, v38;
	v20, v38, _ =	vpop (xrf1)  }
0x53a: {  	vm1 =	vge.f32 v14, v20;
	v14 =	vmax.f32 v14, v20;
	v20, v39, _ =	vpop (xrf1);
	(xrf1) =	vsort.dscd.msk.f32 $0xffff, v17, v37  }
0x53b: {  	vm2 =	vge.f32 v20, v22;
	v40 =	vmax.f32 v20, v22;
	v16 =	vsel vm1, v16, v38;
	v20, v22, _ =	vpop (xrf1)  }
0x53c: {  	(xrf1) =	vsort.ascd.msk.f32 $0xffff, v8, v21;
	v8, v21, _ =	vpop (xrf1)  }
0x53d: {  	v37 =	vsel vm2, v39, v19;
	vm1 =	vge.f32 v20, v8;
	v8 =	vmax.f32 v20, v8  }
0x53e: {  	(xrf1) =	vsort.dscd.msk.f32 $0xffff, v40, v37;
	v17, v19, _ =	vpop (xrf1)  }
0x53f: {  	v20 =	vsel vm1, v22, v21;
	(xrf1) =	vsort.dscd.msk.f32 $0xffff, v13, v18;
	v13, v18, _ =	vpop (xrf1)  }
0x540: {  	vm1 =	vge.f32 v17, v13;
	v13 =	vmax.f32 v17, v13;
	v17, v21, _ =	vpop (xrf1);
	(xrf1) =	vsort.ascd.msk.f32 $0xffff, v14, v16  }
0x541: {  	v14 =	vsel vm1, v19, v18;
	(xrf1) =	vsort.dscd.msk.f32 $0xffff, v8, v20;
	(erf) = vpow2.f32 v36;
	v16, v8, _ =	vpop (xrf1)  }
0x542: {  	v18, v19, _ =	vpop (xrf1);
	(xrf0) =	vmax.scan.msk.f32 $0xffff, v16  }
0x543: {  	v20, v22, _ =	vpop (xrf1);
	(xrf1) =	vsort.ascd.msk.f32 $0xffff, v13, v14  }
0x544: {  	vm1 =	vge.f32 v18, v20;
	v38 =	vmax.f32 v18, v20;
	v14, v18, _ =	vpop (xrf1)  }
0x545: {  	v36 =	vsel vm1, v19, v22;
	v20, v22, _ =	vpop (xrf1)  }
0x546: {  	vm1 =	vge.f32 v14, v20;
	v37 =	vmax.f32 v14, v20;
	(xrf1) =	vsort.dscd.msk.f32 $0xffff, v38, v36;
	v13, v19, _ =	vpop (xrf1)  }
0x547: {  	v18 =	vsel vm1, v18, v22;
	v20, v22, _ =	vpop (xrf1);
	(erf) = vpow2.f32 v35  }
0x548: {  	vm1 =	vge.f32 v13, v20;
	v13 =	vmax.f32 v13, v20;
	(xrf1) =	vsort.dscd.msk.f32 $0xffff, v37, v18;
	v14, _, _ =	vpop (xrf0)  }
0x549: {  	v18 =	vsel vm1, v19, v22;
	v14 =	vbroadcast v14, $0xF;
	v20, v22, _ =	vpop (xrf1);
	(xrf2) =	vadd.scan.msk.f32 $0xffff, v46;
	(erf) = vrcp.f32 v31  }
0x54a: {  	v19 =	vpop (erf)  }
0x54b: {  	v14 =	vsub.f32 v16, v14;
	(xrf1) =	vsort.dscd.msk.f32 $0xffff, v13, v18;
	v13, v16, _ =	vpop (xrf1);
	v31 =	vnsel vm0, $0x0, v19;
	v19 =	vmul.f32 $2.500000000e+00, v19  }
0x54c: {  	vm1 =	vge.f32 v20, v13;
	v36 =	vmax.f32 v20, v13;
	v18, v20, _ =	vpop (xrf1);
	(erf) = vrcp.f32 v33  }
0x54d: {  	vm2 =	vge.f32 v18, v17;
	v35 =	vsel vm1, v22, v16;
	v37 =	vmul.f32 $1.442695020e+00, v14;
	v22, v33, _ =	vpop (xrf1);
	(xrf2) =	vadd.scan.msk.f32 $0xffff, v29  }
0x54e: {  	v29 =	vmax.f32 v18, v17;
	v20 =	vsel vm2, v20, v21;
	(xrf1) =	vsort.dscd.msk.f32 $0xffff, v36, v35;
	v13, v16, _ =	vpop (xrf1)  }
0x54f: {  	vm1 =	vge.f32 v22, v13;
	v21 =	vmax.f32 v22, v13;
	(xrf1) =	vsort.dscd.msk.f32 $0xffff, v29, v20;
	v17, v18, _ =	vpop (xrf1);
	(erf) = vpow2.f32 v37  }
0x550: {  	v20 =	vsel vm1, v33, v16;
	(xrf2) =	vadd.scan.msk.f32 $0xffff, v32;
	v16 =	vpop (erf)  }
0x551: {  	(xrf1) =	vsort.dscd.msk.f32 $0xffff, v21, v20;
	v13, v14, _ =	vpop (xrf1);
	v29 =	vnsel vm0, $0x0, v16;
	v22 =	vmul.f32 $2.500000000e+00, v16  }
0x552: {  	vm1 =	vge.f32 v17, v13;
	v16 =	vmax.f32 v17, v13;
	v13 =	vpop (erf)  }
0x553: {  	v20 =	vsel vm1, v18, v14;
	v17, _, _ =	vpop (xrf2);
	v18 =	vmul.f32 v13, v5;
	v5 =	vmov v25  }
0x554: {  	v25, v13, _ =	vpop (xrf1);
	(xrf1) =	vsort.dscd.msk.f32 $0xffff, v16, v20;
	(v2sf) =	vpush v17, $0xF  }
0x555: {  	(xrf0) =	vmax.scan.msk.f32 $0xffff, v25;
	[tilespmem:s23+$0xFFFFFE80] =	vst v18;
	v16 =	vpop (erf)  }
0x556: {  	v35, v14, _ =	vpop (xrf1);
	(xrf2) =	vadd.scan.msk.f32 $0xffff, v30;
	v18 =	vmul.f32 v16, v4;
	v4 =	vmov v26  }
0x557: {  	v17, _, _ =	vpop (xrf2)  }
0x558: {  	v21 =	vpop (erf)  }
0x559: {  	(v2sf) =	vpush v17, $0xF;
	v17 =	vnsel vm0, $0x0, v21  }
0x55a: {  	(xrf0) =	vmax.scan.msk.f32 $0xffff, v35;
	[tilespmem:s23+$0xFFFFFF00] =	vst v18  }
0x55b: {  	v33, v16, _ =	vpop (xrf1)  }
0x55c: {  	(xrf2) =	vadd.scan.msk.f32 $0xffff, v17;
	v17, _, _ =	vpop (xrf2)  }
0x55d: {  	v18, _, _ =	vpop (xrf0);
	(xrf0) =	vmax.scan.msk.f32 $0xffff, v33;
	(v2sf) =	vpush v17, $0xF  }
0x55e: {  	v37 =	vbroadcast v18, $0xF;
	v32, v17, _ =	vpop (xrf1)  }
.Ltmp2:
0x55f: {  	v30, v20, _ =	vpop (xrf1);
	(xrf0) =	vmax.scan.msk.f32 $0xffff, v32;
	(pc) =	sbr.rel @p0 .LBB2_6-.Ltmp2, $4  }
0x560: {  	v25 =	vsub.f32 v25, v37;
	v36, _, _ =	vpop (xrf0);
	(xrf2) =	vadd.scan.msk.f32 $0xffff, v28;
	(erf) = vrcp.f32 v27  }
0x561: {  	v27 =	vbroadcast v36, $0xF;
	(xrf0) =	vmax.scan.msk.f32 $0xffff, v30;
	v26, v18, _ =	vpop (xrf1)  }
0x562: {  	v25 =	vmul.f32 $1.442695020e+00, v25;
	(xrf0) =	vmax.scan.msk.f32 $0xffff, v26;
	v36, _, _ =	vpop (xrf2)  }
0x563: {  	s28 =	sadd.s32 $0x400, s28;
	v27 =	vsub.f32 v35, v27;
	v28, _, _ =	vpop (xrf0);
	(v2sf) =	vpush v36, $0xF;
	(erf) = vrcp.f32 v34  }
0x564: {  	_ =	sdelay $0x1  }
0x565: {  	v34, _, _ =	vpop (xrf2)  }
0x566: {  	(v2sf) =	vpush v34, $0xF;
	_ =	sdelay $0x8  }
0x567: {  	v28 =	vbroadcast v28, $0xF  }
0x568: {  	(erf) = vpow2.f32 v25;
	v35, v25, _ =	vpop (xrf1);
	v27 =	vmul.f32 $1.442695020e+00, v27  }
0x569: {  	s28 =	spop (v2sf);
	v48, _, _ =	vpop (xrf0);
	(erf) = vrcp.f32 v24;
	v28 =	vsub.f32 v33, v28  }
0x56a: {  	v49 =	vbroadcast v48, $0xF;
	v24, _, _ =	vpop (xrf0);
	(erf) = vpow2.f32 v27;
	s26 =	spop (v2sf)  }
0x56b: {  	(xrf0) =	vmax.scan.msk.f32 $0xffff, v35;
	v24 =	vbroadcast v24, $0xF;
	v27 =	vmul.f32 $1.442695020e+00, v28;
	s29 =	spop (v2sf)  }
0x56c: {  	s30 =	sadd.f32 $9.999999680e-21, s28;
	v28 =	vsub.f32 v32, v49;
	s28 =	spop (v2sf)  }
0x56d: {  	(erf) = vrcp.f32 v23;
	v23 =	vsub.f32 v30, v24;
	s31 =	spop (v2sf)  }
0x56e: {  	v50 =	vmov s30;
	v24 =	vmul.f32 $1.442695020e+00, v28;
	(erf) = vpow2.f32 v27;
	s30 =	sadd.f32 $9.999999680e-21, s31  }
0x56f: {  	(erf) = vrcp.f32 v50;
	v27, _, _ =	vpop (xrf0);
	v23 =	vmul.f32 $1.442695020e+00, v23  }
0x570: {  	v30 =	vpop (erf);
	(erf) = vpow2.f32 v24;
	v24 =	vbroadcast v27, $0xF;
	v28 =	vmov s30  }
0x571: {  	v27, _, _ =	vpop (xrf0);
	(erf) = vrcp.f32 v28  }
0x572: {  	v51 =	vpop (erf);
	(erf) = vpow2.f32 v23;
	v23 =	vsub.f32 v26, v24;
	v24 =	vbroadcast v27, $0xF;
	_ =	sdelay $0x1  }
0x573: {  	v26 =	vpop (erf);
	v24 =	vsub.f32 v35, v24  }
0x574: {  	v52 =	vpop (erf)  }
0x575: {  	v23 =	vmul.f32 $1.442695020e+00, v23;
	v27 =	vpop (erf)  }
0x576: {  	v53 =	vpop (erf)  }
0x577: {  	v28 =	vmul.f32 $1.442695020e+00, v24;
	v24 =	vpop (erf)  }
0x578: {  	(erf) = vpow2.f32 v23;
	v54 =	vpop (erf)  }
0x579: {  	(erf) = vpow2.f32 v28;
	v23 =	vpop (erf)  }
0x57a: {  	v36 =	vpop (erf)  }
0x57b: {  	(xrf2) =	vadd.scan.msk.f32 $0xffff, v31;
	v31 =	vpop (erf)  }
0x57c: {  	(xrf2) =	vadd.scan.msk.f32 $0xffff, v29;
	v28 =	vnsel vm0, $0x0, v31  }
0x57d: {  	v29 =	vnsel vm0, $0x0, v26;
	(xrf2) =	vadd.scan.msk.f32 $0xffff, v28  }
0x57e: {  	v28 =	vnsel vm0, $0x0, v27;
	(xrf2) =	vadd.scan.msk.f32 $0xffff, v29  }
0x57f: {  	(xrf2) =	vadd.scan.msk.f32 $0xffff, v28;
	v28 =	vnsel vm0, $0x0, v23  }
0x580: {  	v29 =	vnsel vm0, $0x0, v24  }
0x581: {  	v37 =	vpop (erf);
	(xrf2) =	vadd.scan.msk.f32 $0xffff, v29  }
0x582: {  	v29 =	vnsel vm0, $0x0, v37;
	(xrf2) =	vadd.scan.msk.f32 $0xffff, v28;
	v28 =	vpop (erf)  }
0x583: {  	(xrf2) =	vadd.scan.msk.f32 $0xffff, v29;
	v29 =	vnsel vm0, $0x0, v28;
	_ =	sdelay $0x1  }
0x584: {  	v38, _, _ =	vpop (xrf2)  }
0x585: {  	(v2sf) =	vpush v38, $0xF;
	(xrf2) =	vadd.scan.msk.f32 $0xffff, v29;
	v29, _, _ =	vpop (xrf2)  }
0x586: {  	v55, _, _ =	vpop (xrf2);
	(v2sf) =	vpush v29, $0xF  }
0x587: {  	v29, _, _ =	vpop (xrf2);
	(v2sf) =	vpush v55, $0xF  }
0x588: {  	v56, _, _ =	vpop (xrf2);
	(v2sf) =	vpush v29, $0xF  }
0x589: {  	v29, _, _ =	vpop (xrf2);
	(v2sf) =	vpush v56, $0xF  }
0x58a: {  	v57, _, _ =	vpop (xrf2);
	(v2sf) =	vpush v29, $0xF  }
0x58b: {  	(v2sf) =	vpush v57, $0xF  }
0x58c: {  	v29, _, _ =	vpop (xrf2)  }
0x58d: {  	(v2sf) =	vpush v29, $0xF  }
0x58e: {  	v29, _, _ =	vpop (xrf2)  }
0x58f: {  	(v2sf) =	vpush v29, $0xF;
	v29, _, _ =	vpop (xrf2)  }
0x590: {  	(v2sf) =	vpush v29, $0xF;
	_ =	sdelay $0x1  }
0x591: {  	s26 =	sadd.f32 $9.999999680e-21, s26  }
0x592: {  	v9 =	vmul.f32 v30, v9;
	s29 =	sadd.f32 $9.999999680e-21, s29  }
0x593: {  	s28 =	sadd.f32 $9.999999680e-21, s28;
	v12 =	vmul.f32 v52, v12;
	s31 =	spop (v2sf)  }
0x594: {  	[tilespmem:s23+$0xFFFFFF80] =	vst v9;
	v9 =	vmul.f32 v53, v11;
	v11 =	vmov s29;
	v29 =	vmov s26;
	s26 =	sadd.f32 $9.999999680e-21, s31;
	s30 =	spop (v2sf)  }
0x595: {  	[tilespmem:s23+$0x80] =	vst v12;
	v12 =	vmul.f32 v54, v15;
	v15 =	vmov s28;
	(erf) = vrcp.f32 v29;
	s28 =	spop (v2sf);
	s29 =	sadd.f32 $9.999999680e-21, s30  }
0x596: {  	(erf) = vrcp.f32 v11;
	s31 =	spop (v2sf);
	s30 =	sadd.f32 $9.999999680e-21, s28  }
0x597: {  	v10 =	vmul.f32 v51, v10;
	[tilespmem:s23+$0x100] =	vst v9;
	v9 =	vmov s26;
	(erf) = vrcp.f32 v15;
	s28 =	spop (v2sf);
	s31 =	sadd.f32 $9.999999680e-21, s31  }
0x598: {  	s25 =	sadd.s32 $0x400, s25;
	(erf) = vrcp.f32 v9;
	v11 =	vmov s29;
	v9 =	vmov s30;
	s30 =	sadd.f32 $9.999999680e-21, s28;
	s28 =	spop (v2sf)  }
0x599: {  	[tilespmem:s25+$0x180] =	vst v8;
	(erf) = vrcp.f32 v11;
	v8 =	vmov s31;
	s28 =	sadd.f32 $9.999999680e-21, s28;
	s31 =	spop (v2sf)  }
0x59a: {  	[tilespmem:s23+$0x0] =	vst v10;
	v10 =	vmul.f32 $2.500000000e+00, v21;
	(erf) = vrcp.f32 v9;
	s26 =	sadd.f32 $9.999999680e-21, s31  }
0x59b: {  	[tilespmem:s25+$0xFFFFFE00] =	vst v20;
	(erf) = vrcp.f32 v8;
	v8 =	vmov s30;
	s30 =	spop (v2sf);
	v9 =	vmov s28  }
0x59c: {  	[tilespmem:s25+$0xFFFFFE80] =	vst v13;
	v10 =	vmul.f32 v36, v10;
	s28 =	sadd.f32 $9.999999680e-21, s30;
	(erf) = vrcp.f32 v8;
	v8 =	vmov s26  }
0x59d: {  	[tilespmem:s25+$0xFFFFFF00] =	vst v14;
	s23 =	sadd.s32 $0x400, s24;
	s31 =	spop (v2sf)  }
0x59e: {  	[tilespmem:s23+$0x180] =	vst v10;
	s30 =	sadd.f32 $9.999999680e-21, s31;
	(erf) = vrcp.f32 v9;
	v10 =	vmov s28;
	s28 =	spop (v2sf);
	v9 =	vpop (erf)  }
0x59f: {  	[tilespmem:s25+$0xFFFFFF80] =	vst v16;
	(erf) = vrcp.f32 v8;
	s31 =	sadd.f32 $9.999999680e-21, s28;
	v8 =	vpop (erf);
	v5 =	vmul.f32 v9, v5  }
0x5a0: {  	[tilespmem:s25+$0x0] =	vst v17;
	v11 =	vmov s30;
	(erf) = vrcp.f32 v10;
	v9 =	vpop (erf)  }
0x5a1: {  	v4 =	vmul.f32 v8, v4;
	v8 =	vmov s31;
	v10 =	vpop (erf);
	[tilespmem:s24+$0xFFFFFE80] =	vst v5;
	v5 =	vmul.f32 v9, v6  }
0x5a2: {  	[tilespmem:s25+$0x80] =	vst v18;
	(erf) = vrcp.f32 v11;
	v6 =	vpop (erf)  }
0x5a3: {  	[tilespmem:s24+$0xFFFFFF00] =	vst v4;
	v4 =	vmul.f32 v6, v19;
	v6 =	vmul.f32 $2.500000000e+00, v31  }
0x5a4: {  	(erf) = vrcp.f32 v8;
	v7 =	vmul.f32 v10, v7;
	v8 =	vpop (erf);
	[tilespmem:s24+$0xFFFFFF80] =	vst v5  }
0x5a5: {  	v9 =	vmul.f32 $2.500000000e+00, v26;
	v5 =	vpop (erf);
	[tilespmem:s24+$0x80] =	vst v4;
	v4 =	vmul.f32 v8, v22  }
0x5a6: {  	[tilespmem:s24+$0x0] =	vst v7;
	v7 =	vmul.f32 $2.500000000e+00, v24;
	v8 =	vpop (erf)  }
0x5a7: {  	v5 =	vmul.f32 v5, v6;
	v6 =	vpop (erf);
	[tilespmem:s24+$0x100] =	vst v4;
	v4 =	vmul.f32 v8, v9  }
0x5a8: {  	[tilespmem:s25+$0x100] =	vst v25;
	v10 =	vmul.f32 $2.500000000e+00, v27;
	v8 =	vpop (erf)  }
0x5a9: {  	[tilespmem:s23+$0xFFFFFE80] =	vst v4;
	v4 =	vmul.f32 v8, v7  }
0x5aa: {  	[tilespmem:s23+$0xFFFFFE00] =	vst v5;
	v5 =	vmul.f32 v6, v10;
	v10 =	vmul.f32 $2.500000000e+00, v23  }
0x5ab: {  	[tilespmem:s24+$0xFFFFFE00] =	vst v12;
	v9 =	vmul.f32 $2.500000000e+00, v37;
	v6 =	vpop (erf)  }
0x5ac: {  	v8 =	vmul.f32 $2.500000000e+00, v28;
	v7 =	vpop (erf);
	[tilespmem:s23+$0xFFFFFF00] =	vst v5;
	v6 =	vmul.f32 v6, v10  }
0x5ad: {  	v5 =	vmul.f32 v7, v9;
	[tilespmem:s23+$0xFFFFFF80] =	vst v4;
	v4 =	vpop (erf)  }
0x5ae: {  	[tilespmem:s23+$0x0] =	vst v6;
	v4 =	vmul.f32 v4, v8  }
0x5af: {  	[tilespmem:s23+$0x80] =	vst v5  }
0x5b0: {  	[tilespmem:s23+$0x100] =	vst v4  }
0x5b1: {  	[hbm4b:s11+s1] =	stream.linear.scatter [tilespmem:s18], [sflag:$0x3], $0x4000, $0x38;
	[tilespmem:$0x10000] =	vst v63  }
0x5b2: {  	_ =	swait.ge [sflag:s19], $0x4000  }
0x5b3: {  	[sflag:s19] =	ssyncset.done $0x0  }
0x5b4: {  	[sflag:s19] =	ssyncadd.s32 $0xFFFFC000  }
0x5b5: {  	[hbm4b:s12+s1] =	stream.linear.scatter [tilespmem:s20], [sflag:$0x3], $0x4000, $0x38;
	[tilespmem:$0x10000] =	vst v63  }
0x5b6: {  	_ =	swait.ge [sflag:s19], $0x4000  }
0x5b7: {  	[sflag:s19] =	ssyncset.done $0x0  }
0x5b8: {  	[sflag:s19] =	ssyncadd.s32 $0xFFFFC000  }
0x5b9: {  	_ =	swait.ge [sflag:s21], $0x4000  }
0x5ba: {  	[sflag:s21] =	ssyncset.done $0x0  }
0x5bb: {  	s26 =	simm.s32 $0x4200;
	[sflag:s21] =	ssyncadd.s32 $0xFFFFC000  }
0x5bc: {  	v4 =	vld [tilespmem:s26+$0x180]  }
0x5bd: {  	v5 =	vld [tilespmem:s26+$0x190]  }
0x5be: {  	v6 =	vld [tilespmem:s26+$0x1A0]  }
0x5bf: {  	v7 =	vld [tilespmem:s26+$0x1B0];
	_ =	sdelay $0x1  }
0x5c0: {  	v8 =	vld [tilespmem:s26+$0xFFFFFE10];
	(xrf1) =	vsort.dscd.msk.f32 $0xffff, v4, v0  }
0x5c1: {  	v4 =	vld [tilespmem:s26+$0xFFFFFE20];
	(xrf1) =	vsort.ascd.msk.f32 $0xffff, v5, v1  }
0x5c2: {  	v5 =	vld [tilespmem:s26+$0xFFFFFE30];
	(xrf1) =	vsort.dscd.msk.f32 $0xffff, v6, v2  }
0x5c3: {  	v6 =	vld [tilespmem:s26+$0xFFFFFE80];
	(xrf1) =	vsort.ascd.msk.f32 $0xffff, v7, v3  }
0x5c4: {  	v7 =	vld [tilespmem:s26+$0xFFFFFE90]  }
0x5c5: {  	v9 =	vld [tilespmem:s26+$0xFFFFFEA0];
	(xrf1) =	vsort.ascd.msk.f32 $0xffff, v8, v1  }
0x5c6: {  	v8 =	vld [tilespmem:s26+$0xFFFFFEB0];
	(xrf1) =	vsort.dscd.msk.f32 $0xffff, v4, v2  }
0x5c7: {  	v4 =	vld [tilespmem:s26+$0xFFFFFF00];
	(xrf1) =	vsort.ascd.msk.f32 $0xffff, v5, v3  }
0x5c8: {  	v5 =	vld [tilespmem:s26+$0xFFFFFF10];
	(xrf1) =	vsort.dscd.msk.f32 $0xffff, v6, v0  }
0x5c9: {  	v6 =	vld [tilespmem:s26+$0xFFFFFF20];
	(xrf1) =	vsort.ascd.msk.f32 $0xffff, v7, v1  }
0x5ca: {  	v7 =	vld [tilespmem:s26+$0xFFFFFF30];
	(xrf1) =	vsort.dscd.msk.f32 $0xffff, v9, v2  }
0x5cb: {  	v9 =	vld [tilespmem:s26+$0xFFFFFF80];
	(xrf1) =	vsort.ascd.msk.f32 $0xffff, v8, v3  }
0x5cc: {  	v8 =	vld [tilespmem:s26+$0xFFFFFF90];
	(xrf1) =	vsort.dscd.msk.f32 $0xffff, v4, v0  }
0x5cd: {  	(xrf1) =	vsort.ascd.msk.f32 $0xffff, v5, v1  }
0x5ce: {  	(xrf1) =	vsort.dscd.msk.f32 $0xffff, v6, v2;
	v4, v5, _ =	vpop (xrf1)  }
0x5cf: {  	(xrf1) =	vsort.ascd.msk.f32 $0xffff, v7, v3;
	v6, v7, _ =	vpop (xrf1)  }
0x5d0: {  	(xrf1) =	vsort.dscd.msk.f32 $0xffff, v9, v0;
	v9, v11, _ =	vpop (xrf1)  }
0x5d1: {  	v10 =	vld [tilespmem:s26+$0xFFFFFFA0];
	vm1 =	vge.f32 v4, v6;
	(xrf1) =	vsort.ascd.msk.f32 $0xffff, v8, v1;
	v8, v13, _ =	vpop (xrf1)  }
0x5d2: {  	v12 =	vld [tilespmem:s26+$0xFFFFFFB0];
	v5 =	vsel vm1, v5, v7;
	vm1 =	vge.f32 v9, v8  }
0x5d3: {  	v14 =	vld [tilespmem:s26+$0x0];
	v4 =	vmax.f32 v4, v6;
	v7 =	vmax.f32 v9, v8;
	v8 =	vsel vm1, v11, v13  }
0x5d4: {  	v6 =	vld [tilespmem:s26+$0x10];
	(xrf1) =	vsort.dscd.msk.f32 $0xffff, v4, v5  }
0x5d5: {  	v4 =	vld [tilespmem:s26+$0x20];
	v5, v9, _ =	vpop (xrf1);
	(xrf1) =	vsort.ascd.msk.f32 $0xffff, v7, v8  }
0x5d6: {  	v7 =	vld [tilespmem:s26+$0x30];
	(xrf1) =	vsort.dscd.msk.f32 $0xffff, v10, v2;
	v8, v11, _ =	vpop (xrf1)  }
0x5d7: {  	v10 =	vld [tilespmem:s26+$0x80];
	v13, v15, _ =	vpop (xrf1);
	(xrf1) =	vsort.ascd.msk.f32 $0xffff, v12, v3  }
0x5d8: {  	v12 =	vld [tilespmem:s26+$0x90];
	v16, v17, _ =	vpop (xrf1);
	(xrf1) =	vsort.dscd.msk.f32 $0xffff, v14, v0  }
0x5d9: {  	v14 =	vld [tilespmem:s26+$0xA0];
	v18, v19, _ =	vpop (xrf1);
	(xrf1) =	vsort.ascd.msk.f32 $0xffff, v6, v1  }
0x5da: {  	v6 =	vld [tilespmem:s26+$0xB0];
	v20, v21, _ =	vpop (xrf1);
	(xrf1) =	vsort.dscd.msk.f32 $0xffff, v4, v2  }
0x5db: {  	v23 =	vld [tilespmem:s26+$0xFFFFFE00];
	v4, v22, _ =	vpop (xrf1);
	(xrf1) =	vsort.ascd.msk.f32 $0xffff, v7, v3  }
0x5dc: {  	v7 =	vld [tilespmem:s26+$0x100];
	v24, v25, _ =	vpop (xrf1);
	(xrf1) =	vsort.dscd.msk.f32 $0xffff, v10, v0  }
0x5dd: {  	v10 =	vld [tilespmem:s26+$0x110];
	v26, v27, _ =	vpop (xrf1);
	(xrf1) =	vsort.ascd.msk.f32 $0xffff, v12, v1  }
0x5de: {  	v12 =	vld [tilespmem:s26+$0x120];
	v28, v29, _ =	vpop (xrf1);
	(xrf1) =	vsort.dscd.msk.f32 $0xffff, v14, v2  }
0x5df: {  	v30, v31, _ =	vpop (xrf1);
	(xrf1) =	vsort.ascd.msk.f32 $0xffff, v6, v3  }
0x5e0: {  	v14 =	vld [tilespmem:s26+$0x130];
	v6, v58, _ =	vpop (xrf1);
	(xrf1) =	vsort.dscd.msk.f32 $0xffff, v23, v0  }
0x5e1: {  	v23, v59, _ =	vpop (xrf1);
	(xrf1) =	vsort.dscd.msk.f32 $0xffff, v7, v0  }
0x5e2: {  	(xrf1) =	vsort.ascd.msk.f32 $0xffff, v10, v1;
	v7, v10, _ =	vpop (xrf1)  }
0x5e3: {  	vm1 =	vge.f32 v8, v13;
	v8 =	vmax.f32 v8, v13;
	(xrf1) =	vsort.dscd.msk.f32 $0xffff, v12, v2;
	v12, v13, _ =	vpop (xrf1)  }
0x5e4: {  	v11 =	vsel vm1, v11, v15;
	vm2 =	vge.f32 v7, v12  }
0x5e5: {  	vm1 =	vge.f32 v16, v18;
	(xrf1) =	vsort.ascd.msk.f32 $0xffff, v14, v3;
	v10 =	vsel vm2, v10, v13  }
0x5e6: {  	v14, v15, _ =	vpop (xrf1);
	v7 =	vmax.f32 v7, v12;
	(xrf1) =	vsort.ascd.msk.f32 $0xffff, v8, v11;
	v11 =	vsel vm1, v17, v19  }
0x5e7: {  	v8 =	vmax.f32 v16, v18;
	vm1 =	vge.f32 v20, v4  }
0x5e8: {  	v12, v13, _ =	vpop (xrf1);
	v4 =	vmax.f32 v20, v4;
	vm2 =	vge.f32 v24, v26;
	v16 =	vsel vm1, v21, v22  }
0x5e9: {  	(xrf1) =	vsort.dscd.msk.f32 $0xffff, v7, v10;
	v18 =	vsel vm2, v25, v27;
	vm1 =	vge.f32 v28, v30;
	v7, v10, _ =	vpop (xrf1)  }
0x5ea: {  	v17 =	vmax.f32 v24, v26;
	v22 =	vsel vm1, v29, v31;
	(xrf1) =	vsort.dscd.msk.f32 $0xffff, v8, v11;
	v8, v11, _ =	vpop (xrf1)  }
0x5eb: {  	v21 =	vmax.f32 v28, v30;
	vm1 =	vge.f32 v6, v23;
	v19, v20, _ =	vpop (xrf1)  }
0x5ec: {  	v6 =	vmax.f32 v6, v23;
	v23 =	vsel vm1, v58, v59;
	(xrf1) =	vsort.ascd.msk.f32 $0xffff, v4, v16;
	v4, v16, _ =	vpop (xrf1)  }
0x5ed: {  	vm1 =	vge.f32 v14, v12;
	v12 =	vmax.f32 v14, v12;
	(xrf1) =	vsort.dscd.msk.f32 $0xffff, v17, v18;
	v17, v18, _ =	vpop (xrf1)  }
0x5ee: {  	(xrf1) =	vsort.ascd.msk.f32 $0xffff, v21, v22;
	v21, v22, _ =	vpop (xrf1)  }
0x5ef: {  	v13 =	vsel vm1, v15, v13;
	vm1 =	vge.f32 v7, v8;
	(xrf1) =	vsort.dscd.msk.f32 $0xffff, v6, v23;
	v6, v14, _ =	vpop (xrf1)  }
0x5f0: {  	v7 =	vmax.f32 v7, v8;
	v10 =	vsel vm1, v10, v11;
	v8, v15, _ =	vpop (xrf1)  }
0x5f1: {  	vm1 =	vge.f32 v19, v4;
	(xrf1) =	vsort.ascd.msk.f32 $0xffff, v12, v13;
	v11, v12, _ =	vpop (xrf1)  }
0x5f2: {  	v13 =	vsel vm1, v20, v16;
	vm2 =	vge.f32 v11, v5  }
0x5f3: {  	(xrf1) =	vsort.dscd.msk.f32 $0xffff, v7, v10;
	v9 =	vsel vm2, v12, v9  }
0x5f4: {  	v4 =	vmax.f32 v19, v4;
	v7, v10, _ =	vpop (xrf1);
	v5 =	vmax.f32 v11, v5  }
0x5f5: {  	vm1 =	vge.f32 v17, v21;
	(xrf1) =	vsort.ascd.msk.f32 $0xffff, v4, v13;
	v13, v16, _ =	vpop (xrf1);
	v4 =	vmax.f32 v17, v21  }
0x5f6: {  	v17 =	vsel vm1, v18, v22;
	vm1 =	vge.f32 v6, v8;
	v6 =	vmax.f32 v6, v8;
	v11, v12, _ =	vpop (xrf1)  }
0x5f7: {  	(xrf1) =	vsort.dscd.msk.f32 $0xffff, v5, v9;
	v8 =	vsel vm1, v14, v15;
	vm1 =	vge.f32 v7, v13;
	v5, v9, _ =	vpop (xrf1)  }
0x5f8: {  	v10 =	vsel vm1, v10, v16;
	(xrf1) =	vsort.dscd.msk.f32 $0xffff, v4, v17;
	v14, v15, _ =	vpop (xrf1);
	vm1 =	vge.f32 v11, v5  }
0x5f9: {  	v7 =	vmax.f32 v7, v13;
	(xrf1) =	vsort.ascd.msk.f32 $0xffff, v6, v8;
	v6, v4, _ =	vpop (xrf1);
	v9 =	vsel vm1, v12, v9  }
0x5fa: {  	v5 =	vmax.f32 v11, v5;
	(xrf0) =	vmax.scan.msk.f32 $0xffff, v6;
	v8, v17, _ =	vpop (xrf1)  }
0x5fb: {  	v13, v16, _ =	vpop (xrf1)  }
0x5fc: {  	(xrf1) =	vsort.dscd.msk.f32 $0xffff, v7, v10;
	v7, v10, _ =	vpop (xrf1)  }
0x5fd: {  	(xrf1) =	vsort.ascd.msk.f32 $0xffff, v5, v9;
	vm1 =	vge.f32 v8, v13;
	v8 =	vmax.f32 v8, v13;
	v5, v9, _ =	vpop (xrf1)  }
0x5fe: {  	v11 =	vsel vm1, v17, v16;
	vm1 =	vge.f32 v7, v5  }
0x5ff: {  	v12, v13, _ =	vpop (xrf1);
	v5 =	vmax.f32 v7, v5;
	v7 =	vsel vm1, v10, v9  }
0x600: {  	(xrf1) =	vsort.dscd.msk.f32 $0xffff, v8, v11;
	v8, _, _ =	vpop (xrf0)  }
0x601: {  	v9, v10, _ =	vpop (xrf1);
	(xrf1) =	vsort.dscd.msk.f32 $0xffff, v5, v7;
	v5 =	vbroadcast v8, $0xF  }
0x602: {  	v7, v8, _ =	vpop (xrf1)  }
0x603: {  	vm1 =	vge.f32 v12, v9;
	v5 =	vsub.f32 v6, v5;
	v6, v11, _ =	vpop (xrf1)  }
0x604: {  	v9 =	vmax.f32 v12, v9;
	v10 =	vsel vm1, v13, v10;
	vm1 =	vge.f32 v7, v6  }
0x605: {  	v6 =	vmax.f32 v7, v6;
	v7 =	vsel vm1, v8, v11;
	_ =	sdelay $0x2  }
0x606: {  	(xrf1) =	vsort.dscd.msk.f32 $0xffff, v9, v10;
	v5 =	vmul.f32 $1.442695020e+00, v5;
	v8, v9, _ =	vpop (xrf1)  }
0x607: {  	(xrf1) =	vsort.dscd.msk.f32 $0xffff, v6, v7;
	vm1 =	vge.f32 v8, v14;
	v6, v7, _ =	vpop (xrf1)  }
0x608: {  	(erf) = vpow2.f32 v5;
	v5 =	vmax.f32 v8, v14;
	v8 =	vsel vm1, v9, v15;
	v9, v10, _ =	vpop (xrf1)  }
0x609: {  	vm1 =	vge.f32 v6, v9  }
0x60a: {  	(xrf1) =	vsort.dscd.msk.f32 $0xffff, v5, v8;
	v5 =	vmax.f32 v6, v9;
	v6 =	vsel vm1, v7, v10;
	_ =	sdelay $0x2  }
0x60b: {  	v7, v8, _ =	vpop (xrf1)  }
0x60c: {  	(xrf1) =	vsort.dscd.msk.f32 $0xffff, v5, v6;
	v5, v6, _ =	vpop (xrf1)  }
0x60d: {  	vm1 =	vge.f32 v7, v5  }
0x60e: {  	v5 =	vmax.f32 v7, v5;
	v6 =	vsel vm1, v8, v6  }
0x60f: {  	(xrf1) =	vsort.dscd.msk.f32 $0xffff, v5, v6;
	_ =	sdelay $0x1  }
0x610: {  	[tilespmem:$0x1FE40] =	vst v4;
	v11, v4, _ =	vpop (xrf1)  }
0x611: {  	v8 =	vpop (erf)  }
0x612: {  	(xrf0) =	vmax.scan.msk.f32 $0xffff, v11;
	v6 =	vnsel vm0, $0x0, v8  }
0x613: {  	[tilespmem:$0x1FE50] =	vst v4;
	v5, v4, _ =	vpop (xrf1);
	(xrf2) =	vadd.scan.msk.f32 $0xffff, v6  }
0x614: {  	[tilespmem:$0x1FE60] =	vst v4;
	(xrf0) =	vmax.scan.msk.f32 $0xffff, v5;
	v13, v4, _ =	vpop (xrf1)  }
0x615: {  	(xrf0) =	vmax.scan.msk.f32 $0xffff, v13  }
0x616: {  	[tilespmem:$0x1FE70] =	vst v4;
	v14, v4, _ =	vpop (xrf1)  }
0x617: {  	(xrf0) =	vmax.scan.msk.f32 $0xffff, v14;
	v17, v16, _ =	vpop (xrf1)  }
0x618: {  	v15, _, _ =	vpop (xrf0)  }
0x619: {  	[tilespmem:$0x1FE80] =	vst v4;
	v19, v4, _ =	vpop (xrf1)  }
0x61a: {  	s29 =	simm.s32 $0x4600;
	v15 =	vbroadcast v15, $0xF;
	v18, _, _ =	vpop (xrf0);
	[tilespmem:$0x1FE90] =	vst v4  }
0x61b: {  	v20, _, _ =	vpop (xrf0);
	v21 =	vld [tilespmem:s29+$0x180]  }
0x61c: {  	v11 =	vsub.f32 v11, v15;
	v22 =	vld [tilespmem:s29+$0x190];
	v15 =	vbroadcast v20, $0xF;
	v20, v4, _ =	vpop (xrf1)  }
0x61d: {  	v18 =	vbroadcast v18, $0xF;
	v23, _, _ =	vpop (xrf0);
	v24 =	vld [tilespmem:s29+$0x1A0];
	[tilespmem:$0x1FEA0] =	vst v4  }
0x61e: {  	v25, _, _ =	vpop (xrf2);
	v26 =	vld [tilespmem:s29+$0x1B0]  }
0x61f: {  	v18 =	vsub.f32 v5, v18;
	v23 =	vbroadcast v23, $0xF;
	(v2sf) =	vpush v25, $0xF  }
0x620: {  	v11 =	vmul.f32 $1.442695020e+00, v11;
	v13 =	vsub.f32 v13, v15;
	(xrf1) =	vsort.dscd.msk.f32 $0xffff, v21, v0;
	v15 =	vld [tilespmem:s29+$0xFFFFFE10]  }
0x621: {  	v18 =	vmul.f32 $1.442695020e+00, v18;
	v14 =	vsub.f32 v14, v23;
	v23 =	vld [tilespmem:s29+$0xFFFFFE20];
	(xrf1) =	vsort.ascd.msk.f32 $0xffff, v22, v1  }
0x622: {  	(erf) = vpow2.f32 v11;
	v11 =	vmul.f32 $1.442695020e+00, v13;
	v13 =	vld [tilespmem:s29+$0xFFFFFE30];
	(xrf1) =	vsort.dscd.msk.f32 $0xffff, v24, v2  }
0x623: {  	(erf) = vpow2.f32 v18;
	v18 =	vld [tilespmem:s29+$0xFFFFFE80];
	(xrf1) =	vsort.ascd.msk.f32 $0xffff, v26, v3  }
0x624: {  	(xrf0) =	vmax.scan.msk.f32 $0xffff, v17;
	v14 =	vmul.f32 $1.442695020e+00, v14;
	(erf) = vpow2.f32 v11;
	v11 =	vld [tilespmem:s29+$0xFFFFFE90]  }
0x625: {  	v24 =	vld [tilespmem:s29+$0xFFFFFEA0];
	(xrf1) =	vsort.ascd.msk.f32 $0xffff, v15, v1  }
0x626: {  	(erf) = vpow2.f32 v14;
	v14 =	vld [tilespmem:s29+$0xFFFFFEB0];
	(xrf1) =	vsort.dscd.msk.f32 $0xffff, v23, v2  }
0x627: {  	v15 =	vld [tilespmem:s29+$0xFFFFFF00];
	(xrf1) =	vsort.ascd.msk.f32 $0xffff, v13, v3  }
0x628: {  	(xrf1) =	vsort.dscd.msk.f32 $0xffff, v18, v0;
	v18 =	vld [tilespmem:s29+$0xFFFFFF10]  }
0x629: {  	v25 =	vld [tilespmem:s29+$0xFFFFFF20];
	(xrf1) =	vsort.ascd.msk.f32 $0xffff, v11, v1  }
0x62a: {  	(xrf1) =	vsort.dscd.msk.f32 $0xffff, v24, v2;
	v24 =	vld [tilespmem:s29+$0xFFFFFF30]  }
0x62b: {  	v12 =	vpop (erf);
	v26 =	vld [tilespmem:s29+$0xFFFFFF80];
	(xrf1) =	vsort.ascd.msk.f32 $0xffff, v14, v3  }
0x62c: {  	v27 =	vld [tilespmem:s29+$0xFFFFFF90];
	v23, _, _ =	vpop (xrf0);
	(xrf1) =	vsort.dscd.msk.f32 $0xffff, v15, v0  }
0x62d: {  	v13 =	vpop (erf);
	(xrf1) =	vsort.ascd.msk.f32 $0xffff, v18, v1  }
0x62e: {  	s30 =	spop (v2sf);
	(xrf1) =	vsort.dscd.msk.f32 $0xffff, v25, v2;
	v18, v25, _ =	vpop (xrf1)  }
0x62f: {  	v23 =	vbroadcast v23, $0xF;
	s24 =	sadd.f32 $9.999999680e-21, s30;
	(xrf1) =	vsort.ascd.msk.f32 $0xffff, v24, v3;
	v24, v28, _ =	vpop (xrf1)  }
0x630: {  	(xrf1) =	vsort.dscd.msk.f32 $0xffff, v26, v0;
	v26, v30, _ =	vpop (xrf1)  }
0x631: {  	v29 =	vld [tilespmem:s29+$0xFFFFFFA0];
	v17 =	vsub.f32 v17, v23;
	v31 =	vmov s24;
	vm1 =	vge.f32 v18, v24;
	(xrf1) =	vsort.ascd.msk.f32 $0xffff, v27, v1;
	v27, v60, _ =	vpop (xrf1)  }
0x632: {  	v23 =	vld [tilespmem:s29+$0xFFFFFFB0];
	v14 =	vpop (erf);
	v18 =	vmax.f32 v18, v24;
	v24 =	vsel vm1, v25, v28;
	vm1 =	vge.f32 v26, v27  }
0x633: {  	(erf) = vrcp.f32 v31;
	v31 =	vld [tilespmem:s29+$0x0];
	v25, v33, _ =	vpop (xrf1);
	v26 =	vmax.f32 v26, v27;
	v27 =	vsel vm1, v30, v60  }
0x634: {  	v28 =	vld [tilespmem:s29+$0x10];
	(xrf1) =	vsort.dscd.msk.f32 $0xffff, v18, v24;
	v30, v32, _ =	vpop (xrf1)  }
0x635: {  	v18 =	vld [tilespmem:s29+$0x20];
	v24, v61, _ =	vpop (xrf1);
	(xrf1) =	vsort.ascd.msk.f32 $0xffff, v26, v27  }
0x636: {  	v26 =	vld [tilespmem:s29+$0x30];
	v27, v62, _ =	vpop (xrf1);
	(xrf1) =	vsort.dscd.msk.f32 $0xffff, v29, v2  }
0x637: {  	v17 =	vmul.f32 $1.442695020e+00, v17;
	v15 =	vpop (erf);
	v29 =	vld [tilespmem:s29+$0x80];
	(xrf1) =	vsort.ascd.msk.f32 $0xffff, v23, v3  }
0x638: {  	v63, v56, _ =	vpop (xrf1);
	v23 =	vld [tilespmem:s29+$0x90];
	(xrf1) =	vsort.dscd.msk.f32 $0xffff, v31, v0  }
0x639: {  	(erf) = vpow2.f32 v17;
	v17 =	vld [tilespmem:s29+$0xA0];
	v57, v39, _ =	vpop (xrf1);
	(xrf1) =	vsort.ascd.msk.f32 $0xffff, v28, v1  }
0x63a: {  	v41 =	vld [tilespmem:s29+$0xB0];
	v31, v40, _ =	vpop (xrf1);
	(xrf1) =	vsort.dscd.msk.f32 $0xffff, v18, v2  }
0x63b: {  	v42, v43, _ =	vpop (xrf1);
	v18 =	vld [tilespmem:s29+$0xFFFFFE00];
	(xrf1) =	vsort.ascd.msk.f32 $0xffff, v26, v3  }
0x63c: {  	v26 =	vld [tilespmem:s29+$0x100];
	v44, v45, _ =	vpop (xrf1);
	(xrf1) =	vsort.dscd.msk.f32 $0xffff, v29, v0  }
0x63d: {  	v29 =	vld [tilespmem:s29+$0x110];
	v46, v47, _ =	vpop (xrf1);
	(xrf1) =	vsort.ascd.msk.f32 $0xffff, v23, v1  }
0x63e: {  	v23 =	vld [tilespmem:s29+$0x120];
	v48, v49, _ =	vpop (xrf1);
	(xrf1) =	vsort.dscd.msk.f32 $0xffff, v17, v2  }
0x63f: {  	v50 =	vld [tilespmem:s29+$0x130];
	vm1 =	vge.f32 v30, v24;
	v24 =	vmax.f32 v30, v24;
	v51, v52, _ =	vpop (xrf1);
	(xrf1) =	vsort.ascd.msk.f32 $0xffff, v41, v3  }
0x640: {  	v32 =	vsel vm1, v32, v61;
	vm1 =	vge.f32 v27, v63;
	(xrf1) =	vsort.dscd.msk.f32 $0xffff, v18, v0  }
0x641: {  	v18, v30, _ =	vpop (xrf1);
	(xrf1) =	vsort.dscd.msk.f32 $0xffff, v26, v0;
	v26 =	vmax.f32 v27, v63;
	v27 =	vsel vm1, v62, v56  }
0x642: {  	vm1 =	vge.f32 v57, v31;
	v31 =	vmax.f32 v57, v31;
	(xrf1) =	vsort.ascd.msk.f32 $0xffff, v29, v1;
	v29, v58, _ =	vpop (xrf1)  }
0x643: {  	v63 =	vmax.f32 v42, v44;
	v60 =	vsel vm1, v39, v40;
	(xrf1) =	vsort.dscd.msk.f32 $0xffff, v23, v2;
	v23, v59, _ =	vpop (xrf1)  }
0x644: {  	vm1 =	vge.f32 v29, v23;
	(xrf1) =	vsort.ascd.msk.f32 $0xffff, v50, v3;
	v23 =	vmax.f32 v29, v23  }
0x645: {  	v61, v62, _ =	vpop (xrf1);
	v29 =	vsel vm1, v58, v59;
	(xrf1) =	vsort.ascd.msk.f32 $0xffff, v24, v32;
	vm1 =	vge.f32 v42, v44  }
0x646: {  	v24, v32, _ =	vpop (xrf1);
	(xrf1) =	vsort.dscd.msk.f32 $0xffff, v23, v29;
	v23 =	vsel vm1, v43, v45;
	vm1 =	vge.f32 v46, v48  }
0x647: {  	(xrf0) =	vmax.scan.msk.f32 $0xffff, v19;
	v50, v44, _ =	vpop (xrf1);
	v29 =	vmax.f32 v46, v48;
	v53 =	vsel vm1, v47, v49;
	vm1 =	vge.f32 v51, v18  }
0x648: {  	(xrf1) =	vsort.dscd.msk.f32 $0xffff, v26, v27;
	v26, v27, _ =	vpop (xrf1);
	v30 =	vsel vm1, v52, v30;
	vm1 =	vge.f32 v61, v24  }
0x649: {  	v18 =	vmax.f32 v51, v18;
	(xrf1) =	vsort.ascd.msk.f32 $0xffff, v31, v60;
	v31, v36, _ =	vpop (xrf1);
	v32 =	vsel vm1, v62, v32  }
0x64a: {  	v24 =	vmax.f32 v61, v24;
	(xrf1) =	vsort.dscd.msk.f32 $0xffff, v63, v23;
	v23, v34, _ =	vpop (xrf1)  }
0x64b: {  	(xrf1) =	vsort.ascd.msk.f32 $0xffff, v29, v53;
	v29, v40, _ =	vpop (xrf1)  }
0x64c: {  	(xrf1) =	vsort.dscd.msk.f32 $0xffff, v18, v30;
	v18, v30, _ =	vpop (xrf1)  }
0x64d: {  	vm1 =	vge.f32 v50, v26;
	v26 =	vmax.f32 v50, v26;
	(xrf1) =	vsort.ascd.msk.f32 $0xffff, v24, v32;
	v24, v32, _ =	vpop (xrf1)  }
0x64e: {  	(xrf0) =	vmax.scan.msk.f32 $0xffff, v20;
	v27 =	vsel vm1, v44, v27;
	vm1 =	vge.f32 v31, v23;
	v23 =	vmax.f32 v31, v23;
	v31, v54, _ =	vpop (xrf1)  }
0x64f: {  	v34 =	vsel vm1, v36, v34;
	vm1 =	vge.f32 v29, v18;
	v18 =	vmax.f32 v29, v18;
	v29, v55, _ =	vpop (xrf1)  }
0x650: {  	v30 =	vsel vm1, v40, v30;
	vm1 =	vge.f32 v29, v25  }
0x651: {  	v21, _, _ =	vpop (xrf0);
	(xrf1) =	vsort.dscd.msk.f32 $0xffff, v26, v27;
	v25 =	vmax.f32 v29, v25;
	v29 =	vsel vm1, v55, v33  }
0x652: {  	v26, v27, _ =	vpop (xrf1);
	(xrf1) =	vsort.ascd.msk.f32 $0xffff, v23, v34;
	vm1 =	vge.f32 v24, v31  }
0x653: {  	v23, v56, _ =	vpop (xrf1);
	v24 =	vmax.f32 v24, v31;
	(xrf1) =	vsort.dscd.msk.f32 $0xffff, v25, v29;
	v31 =	vsel vm1, v32, v54  }
0x654: {  	v22, _, _ =	vpop (xrf0);
	vm1 =	vge.f32 v26, v23;
	(xrf1) =	vsort.dscd.msk.f32 $0xffff, v18, v30;
	v18 =	vmax.f32 v26, v23  }
0x655: {  	v23 =	vsel vm1, v27, v56;
	v25, v29, _ =	vpop (xrf1)  }
0x656: {  	v30, v57, _ =	vpop (xrf1)  }
0x657: {  	(xrf1) =	vsort.ascd.msk.f32 $0xffff, v24, v31;
	v26, v27, _ =	vpop (xrf1);
	vm1 =	vge.f32 v25, v30  }
0x658: {  	(xrf1) =	vsort.dscd.msk.f32 $0xffff, v18, v23;
	v24 =	vmax.f32 v25, v30;
	v23, v18, _ =	vpop (xrf1);
	v25 =	vsel vm1, v29, v57  }
0x659: {  	v21 =	vbroadcast v21, $0xF;
	v22 =	vbroadcast v22, $0xF;
	v29, v30, _ =	vpop (xrf1)  }
0x65a: {  	v31, v58, _ =	vpop (xrf1)  }
0x65b: {  	v19 =	vsub.f32 v19, v21;
	(xrf0) =	vmax.scan.msk.f32 $0xffff, v23;
	vm1 =	vge.f32 v29, v31;
	v21 =	vmax.f32 v29, v31  }
0x65c: {  	(xrf1) =	vsort.ascd.msk.f32 $0xffff, v24, v25;
	v24, v25, _ =	vpop (xrf1);
	v29 =	vsel vm1, v30, v58  }
0x65d: {  	v20 =	vsub.f32 v20, v22;
	v30, v31, _ =	vpop (xrf1)  }
0x65e: {  	v19 =	vmul.f32 $1.442695020e+00, v19;
	(xrf1) =	vsort.dscd.msk.f32 $0xffff, v21, v29;
	v21, v22, _ =	vpop (xrf1)  }
0x65f: {  	v20 =	vmul.f32 $1.442695020e+00, v20;
	vm1 =	vge.f32 v24, v30;
	v24 =	vmax.f32 v24, v30;
	v29, v30, _ =	vpop (xrf1)  }
0x660: {  	(erf) = vpow2.f32 v19;
	v25 =	vsel vm1, v25, v31;
	vm1 =	vge.f32 v21, v29  }
0x661: {  	v28 =	vpop (erf);
	(erf) = vpow2.f32 v20;
	v20 =	vmax.f32 v21, v29;
	v21 =	vsel vm1, v22, v30  }
0x662: {  	(xrf1) =	vsort.dscd.msk.f32 $0xffff, v24, v25;
	v24, _, _ =	vpop (xrf0);
	_ =	sdelay $0x1  }
0x663: {  	v19 =	vbroadcast v24, $0xF;
	v22, v24, _ =	vpop (xrf1)  }
0x664: {  	(xrf1) =	vsort.dscd.msk.f32 $0xffff, v20, v21;
	v20, v21, _ =	vpop (xrf1)  }
0x665: {  	v19 =	vsub.f32 v23, v19;
	vm1 =	vge.f32 v22, v20  }
0x666: {  	v17 =	vpop (erf);
	v21 =	vsel vm1, v24, v21  }
0x667: {  	v31 =	vnsel vm0, $0x0, v17;
	v20 =	vmax.f32 v22, v20;
	v19 =	vmul.f32 $1.442695020e+00, v19  }
0x668: {  	(xrf2) =	vadd.scan.msk.f32 $0xffff, v31;
	v23 =	vnsel vm0, $0x0, v12;
	v22, v25, _ =	vpop (xrf1)  }
0x669: {  	(xrf2) =	vadd.scan.msk.f32 $0xffff, v23;
	vm2 =	vge.f32 v22, v26;
	v24, v29, _ =	vpop (xrf1);
	(erf) = vpow2.f32 v19  }
0x66a: {  	v22 =	vmax.f32 v22, v26;
	v23 =	vsel vm2, v25, v27;
	(xrf1) =	vsort.dscd.msk.f32 $0xffff, v20, v21;
	v20, v21, _ =	vpop (xrf1)  }
0x66b: {  	vm1 =	vge.f32 v24, v20  }
0x66c: {  	v25 =	vnsel vm0, $0x0, v13;
	v21 =	vsel vm1, v29, v21  }
0x66d: {  	(xrf1) =	vsort.dscd.msk.f32 $0xffff, v22, v23;
	v23 =	vpop (erf)  }
0x66e: {  	v19 =	vmax.f32 v24, v20;
	v20, v22, _ =	vpop (xrf1)  }
0x66f: {  	(xrf1) =	vsort.dscd.msk.f32 $0xffff, v19, v21;
	v21, v24, _ =	vpop (xrf1)  }
0x670: {  	(xrf2) =	vadd.scan.msk.f32 $0xffff, v25;
	vm1 =	vge.f32 v20, v21;
	v26, v25, _ =	vpop (xrf1)  }
0x671: {  	v19 =	vpop (erf);
	v20 =	vmax.f32 v20, v21;
	v21 =	vsel vm1, v22, v24;
	(xrf0) =	vmax.scan.msk.f32 $0xffff, v26  }
0x672: {  	v29 =	vpop (erf);
	(xrf1) =	vsort.dscd.msk.f32 $0xffff, v20, v21;
	v21 =	vnsel vm0, $0x0, v14  }
0x673: {  	v22, _, _ =	vpop (xrf2)  }
0x674: {  	(v2sf) =	vpush v22, $0xF;
	v31, _, _ =	vpop (xrf2);
	v22 =	vnsel vm0, $0x0, v29  }
0x675: {  	s31 =	simm.s32 $0x4A00;
	(xrf2) =	vadd.scan.msk.f32 $0xffff, v21;
	v30, v20, _ =	vpop (xrf1)  }
0x676: {  	v49 =	vld [tilespmem:s31+$0x180];
	(xrf0) =	vmax.scan.msk.f32 $0xffff, v30;
	v59, v21, _ =	vpop (xrf1)  }
0x677: {  	v52 =	vld [tilespmem:s31+$0x190];
	(xrf2) =	vadd.scan.msk.f32 $0xffff, v22;
	v22, _, _ =	vpop (xrf0)  }
0x678: {  	(xrf0) =	vmax.scan.msk.f32 $0xffff, v59;
	v62 =	vbroadcast v22, $0xF;
	_ =	sdelay $0x1  }
0x679: {  	v61, v24, _ =	vpop (xrf1);
	v26 =	vsub.f32 v26, v62  }
0x67a: {  	(xrf1) =	vsort.dscd.msk.f32 $0xffff, v49, v0;
	v39, v27, _ =	vpop (xrf1)  }
0x67b: {  	(v2sf) =	vpush v31, $0xF;
	(xrf1) =	vsort.ascd.msk.f32 $0xffff, v52, v1;
	v63, _, _ =	vpop (xrf0);
	v31 =	vmul.f32 $1.442695020e+00, v26  }
0x67c: {  	(xrf0) =	vmax.scan.msk.f32 $0xffff, v61;
	v41, v22, _ =	vpop (xrf1)  }
0x67d: {  	(xrf0) =	vmax.scan.msk.f32 $0xffff, v39;
	v48, _, _ =	vpop (xrf0);
	(erf) = vpow2.f32 v31;
	v31 =	vld [tilespmem:s31+$0x1A0]  }
0x67e: {  	v44 =	vnsel vm0, $0x0, v15;
	v56 =	vld [tilespmem:s31+$0x1B0];
	v60, _, _ =	vpop (xrf2);
	(xrf0) =	vmax.scan.msk.f32 $0xffff, v41;
	v51 =	vbroadcast v48, $0xF  }
0x67f: {  	v57 =	vld [tilespmem:s31+$0xFFFFFE10];
	v47 =	vnsel vm0, $0x0, v23;
	v46, _, _ =	vpop (xrf2);
	(xrf2) =	vadd.scan.msk.f32 $0xffff, v44  }
0x680: {  	v50 =	vnsel vm0, $0x0, v19;
	(xrf2) =	vadd.scan.msk.f32 $0xffff, v47;
	v32 =	vsub.f32 v59, v51;
	v59 =	vld [tilespmem:s31+$0xFFFFFE20]  }
0x681: {  	(v2sf) =	vpush v60, $0xF;
	v60 =	vld [tilespmem:s31+$0xFFFFFE30];
	v54, _, _ =	vpop (xrf2);
	(xrf2) =	vadd.scan.msk.f32 $0xffff, v50  }
0x682: {  	v62 =	vld [tilespmem:s31+$0xFFFFFE80];
	(xrf1) =	vsort.dscd.msk.f32 $0xffff, v31, v2  }
0x683: {  	(v2sf) =	vpush v46, $0xF;
	v31 =	vld [tilespmem:s31+$0xFFFFFE90];
	(xrf1) =	vsort.ascd.msk.f32 $0xffff, v56, v3  }
0x684: {  	(v2sf) =	vpush v54, $0xF;
	(xrf1) =	vsort.ascd.msk.f32 $0xffff, v57, v1  }
0x685: {  	v49 =	vld [tilespmem:s31+$0xFFFFFEA0];
	(xrf1) =	vsort.dscd.msk.f32 $0xffff, v59, v2  }
0x686: {  	v50 =	vld [tilespmem:s31+$0xFFFFFEB0];
	(xrf1) =	vsort.ascd.msk.f32 $0xffff, v60, v3  }
0x687: {  	v45 =	vbroadcast v63, $0xF;
	v53, _, _ =	vpop (xrf0);
	v51 =	vld [tilespmem:s31+$0xFFFFFF00];
	(xrf1) =	vsort.dscd.msk.f32 $0xffff, v62, v0  }
0x688: {  	v52 =	vld [tilespmem:s31+$0xFFFFFF10];
	v34, v26, _ =	vpop (xrf1);
	(xrf1) =	vsort.ascd.msk.f32 $0xffff, v31, v1  }
0x689: {  	v30 =	vsub.f32 v30, v45;
	v55 =	vbroadcast v53, $0xF;
	v53 =	vld [tilespmem:s31+$0xFFFFFF20]  }
0x68a: {  	v54 =	vld [tilespmem:s31+$0xFFFFFF30];
	s25 =	spop (v2sf);
	(xrf1) =	vsort.dscd.msk.f32 $0xffff, v49, v2  }
0x68b: {  	v30 =	vmul.f32 $1.442695020e+00, v30;
	v58 =	vsub.f32 v61, v55;
	v55 =	vld [tilespmem:s31+$0xFFFFFF80];
	s24 =	sadd.f32 $9.999999680e-21, s25;
	(xrf1) =	vsort.ascd.msk.f32 $0xffff, v50, v3  }
0x68c: {  	v63, _, _ =	vpop (xrf0);
	v59 =	vld [tilespmem:s31+$0xFFFFFF90];
	(xrf1) =	vsort.dscd.msk.f32 $0xffff, v51, v0  }
0x68d: {  	(erf) = vpow2.f32 v30;
	v30 =	vmul.f32 $1.442695020e+00, v32;
	v44, _, _ =	vpop (xrf0);
	v61 =	vmov s24;
	(xrf1) =	vsort.ascd.msk.f32 $0xffff, v52, v1  }
0x68e: {  	v42, v56, _ =	vpop (xrf1);
	(xrf1) =	vsort.dscd.msk.f32 $0xffff, v53, v2  }
0x68f: {  	v32 =	vmul.f32 $1.442695020e+00, v58;
	(erf) = vpow2.f32 v30;
	v58, v57, _ =	vpop (xrf1);
	(xrf1) =	vsort.ascd.msk.f32 $0xffff, v54, v3  }
0x690: {  	s26 =	spop (v2sf);
	(erf) = vrcp.f32 v61;
	vm1 =	vge.f32 v42, v58;
	v50 =	vld [tilespmem:s31+$0xFFFFFFA0];
	(xrf1) =	vsort.dscd.msk.f32 $0xffff, v55, v0;
	v61, v60, _ =	vpop (xrf1)  }
0x691: {  	v43 =	vbroadcast v63, $0xF;
	v63 =	vld [tilespmem:s31+$0xFFFFFFB0];
	s29 =	spop (v2sf);
	v45 =	vsel vm1, v56, v57;
	(xrf1) =	vsort.ascd.msk.f32 $0xffff, v59, v1;
	v59, v53, _ =	vpop (xrf1)  }
0x692: {  	v42 =	vmax.f32 v42, v58;
	s30 =	spop (v2sf);
	v52 =	vld [tilespmem:s31+$0x0];
	vm1 =	vge.f32 v61, v59;
	v46, v49, _ =	vpop (xrf1)  }
0x693: {  	s28 =	spop (v2sf);
	v54 =	vld [tilespmem:s31+$0x10];
	(xrf1) =	vsort.dscd.msk.f32 $0xffff, v42, v45;
	v47 =	vmax.f32 v61, v59;
	v60 =	vsel vm1, v60, v53;
	v51, v53, _ =	vpop (xrf1)  }
0x694: {  	s28 =	sadd.f32 $9.999999680e-21, s28;
	v42 =	vld [tilespmem:s31+$0x20];
	v45, v55, _ =	vpop (xrf1);
	(xrf1) =	vsort.ascd.msk.f32 $0xffff, v47, v60  }
0x695: {  	v47 =	vld [tilespmem:s31+$0x30];
	v48, v56, _ =	vpop (xrf1);
	(xrf1) =	vsort.dscd.msk.f32 $0xffff, v50, v2  }
0x696: {  	v62 =	vmov s28;
	v50 =	vld [tilespmem:s31+$0x80];
	v57, v58, _ =	vpop (xrf1);
	(xrf1) =	vsort.ascd.msk.f32 $0xffff, v63, v3  }
0x697: {  	v39 =	vsub.f32 v39, v43;
	v43 =	vld [tilespmem:s31+$0x90];
	v30 =	vpop (erf);
	(xrf1) =	vsort.dscd.msk.f32 $0xffff, v52, v0  }
0x698: {  	v31 =	vpop (erf);
	v52 =	vld [tilespmem:s31+$0xA0];
	(xrf1) =	vsort.ascd.msk.f32 $0xffff, v54, v1  }
0x699: {  	(erf) = vpow2.f32 v32;
	v59, v60, _ =	vpop (xrf1);
	v54 =	vld [tilespmem:s31+$0xB0];
	(xrf1) =	vsort.dscd.msk.f32 $0xffff, v42, v2  }
0x69a: {  	(erf) = vrcp.f32 v62;
	v61, v62, _ =	vpop (xrf1);
	v42 =	vld [tilespmem:s31+$0xFFFFFE00];
	(xrf1) =	vsort.ascd.msk.f32 $0xffff, v47, v3  }
0x69b: {  	v8 =	vmul.f32 $2.500000000e+00, v8;
	v44 =	vbroadcast v44, $0xF;
	v63, v10, _ =	vpop (xrf1);
	v47 =	vld [tilespmem:s31+$0x100];
	(xrf1) =	vsort.dscd.msk.f32 $0xffff, v50, v0  }
0x69c: {  	v5, v9, _ =	vpop (xrf1);
	v50 =	vld [tilespmem:s31+$0x110];
	(xrf1) =	vsort.ascd.msk.f32 $0xffff, v43, v1  }
0x69d: {  	v11 =	vmul.f32 v28, v8;
	v43, v7, _ =	vpop (xrf1);
	(xrf1) =	vsort.dscd.msk.f32 $0xffff, v52, v2  }
0x69e: {  	v8 =	vsub.f32 v41, v44;
	vm1 =	vge.f32 v51, v45;
	v52 =	vld [tilespmem:s31+$0x120];
	v4, v6, _ =	vpop (xrf1);
	(xrf1) =	vsort.ascd.msk.f32 $0xffff, v54, v3  }
0x69f: {  	v41 =	vld [tilespmem:s31+$0x130];
	v45 =	vmax.f32 v51, v45;
	v53 =	vsel vm1, v53, v55;
	v44, v54, _ =	vpop (xrf1);
	(xrf1) =	vsort.dscd.msk.f32 $0xffff, v42, v0  }
0x6a0: {  	vm1 =	vge.f32 v48, v57;
	v42, v51, _ =	vpop (xrf1);
	(xrf1) =	vsort.dscd.msk.f32 $0xffff, v47, v0;
	v47 =	vmax.f32 v48, v57  }
0x6a1: {  	v48 =	vsel vm1, v56, v58;
	vm1 =	vge.f32 v59, v61;
	(xrf1) =	vsort.ascd.msk.f32 $0xffff, v50, v1;
	v50, v55, _ =	vpop (xrf1)  }
0x6a2: {  	v56 =	vmax.f32 v59, v61;
	v58 =	vsel vm1, v60, v62;
	v61, v57, _ =	vpop (xrf1)  }
0x6a3: {  	(xrf1) =	vsort.dscd.msk.f32 $0xffff, v52, v2;
	vm1 =	vge.f32 v50, v61;
	v50 =	vmax.f32 v50, v61  }
0x6a4: {  	(xrf1) =	vsort.ascd.msk.f32 $0xffff, v41, v3;
	v60, v59, _ =	vpop (xrf1);
	v61 =	vsel vm1, v55, v57;
	vm1 =	vge.f32 v63, v5  }
0x6a5: {  	(xrf1) =	vsort.ascd.msk.f32 $0xffff, v45, v53;
	v45, v53, _ =	vpop (xrf1);
	v9 =	vsel vm1, v10, v9;
	vm1 =	vge.f32 v43, v4  }
0x6a6: {  	v5 =	vmax.f32 v63, v5;
	(xrf1) =	vsort.dscd.msk.f32 $0xffff, v50, v61;
	v50, v52, _ =	vpop (xrf1);
	v6 =	vsel vm1, v7, v6  }
0x6a7: {  	v4 =	vmax.f32 v43, v4;
	v41 =	vmax.f32 v60, v45;
	(xrf1) =	vsort.dscd.msk.f32 $0xffff, v47, v48;
	v10, v62, _ =	vpop (xrf1)  }
0x6a8: {  	vm1 =	vge.f32 v44, v42;
	v42 =	vmax.f32 v44, v42;
	(xrf1) =	vsort.ascd.msk.f32 $0xffff, v56, v58;
	v7, v63, _ =	vpop (xrf1)  }
0x6a9: {  	v54 =	vsel vm1, v54, v51;
	vm1 =	vge.f32 v60, v45;
	(xrf1) =	vsort.dscd.msk.f32 $0xffff, v5, v9;
	v5, v9, _ =	vpop (xrf1)  }
0x6aa: {  	v55 =	vsel vm1, v59, v53;
	(xrf1) =	vsort.ascd.msk.f32 $0xffff, v4, v6;
	v4, v6, _ =	vpop (xrf1)  }
0x6ab: {  	vm1 =	vge.f32 v50, v10;
	v10 =	vmax.f32 v50, v10;
	(xrf1) =	vsort.dscd.msk.f32 $0xffff, v42, v54;
	v42, v44, _ =	vpop (xrf1)  }
0x6ac: {  	v47 =	vsel vm1, v52, v62;
	vm1 =	vge.f32 v7, v5;
	(xrf1) =	vsort.ascd.msk.f32 $0xffff, v41, v55;
	v41, v45, _ =	vpop (xrf1)  }
0x6ad: {  	v5 =	vmax.f32 v7, v5;
	v9 =	vsel vm1, v63, v9;
	v7, v56, _ =	vpop (xrf1)  }
0x6ae: {  	vm1 =	vge.f32 v4, v42;
	(xrf1) =	vsort.dscd.msk.f32 $0xffff, v10, v47;
	v10, v57, _ =	vpop (xrf1)  }
0x6af: {  	v4 =	vmax.f32 v4, v42;
	v6 =	vsel vm1, v6, v44;
	vm1 =	vge.f32 v10, v46  }
0x6b0: {  	v58, v59, _ =	vpop (xrf1);
	v10 =	vmax.f32 v10, v46;
	(xrf1) =	vsort.ascd.msk.f32 $0xffff, v5, v9;
	v43 =	vsel vm1, v57, v49  }
0x6b1: {  	v5, v9, _ =	vpop (xrf1);
	vm1 =	vge.f32 v41, v7;
	v7 =	vmax.f32 v41, v7;
	(xrf1) =	vsort.dscd.msk.f32 $0xffff, v10, v43  }
0x6b2: {  	v61 =	vmul.f32 $1.442695020e+00, v8;
	v8 =	vsel vm1, v45, v56;
	vm1 =	vge.f32 v58, v5;
	(xrf1) =	vsort.dscd.msk.f32 $0xffff, v4, v6  }
0x6b3: {  	v5 =	vmax.f32 v58, v5;
	v9 =	vsel vm1, v59, v9;
	(xrf1) =	vsort.ascd.msk.f32 $0xffff, v7, v8  }
0x6b4: {  	v10, v60, _ =	vpop (xrf1);
	(xrf1) =	vsort.dscd.msk.f32 $0xffff, v5, v9;
	v9 =	vld [tilespmem:$0x1FE40];
	_ =	sdelay $0x2  }
0x6b5: {  	s28 =	simm.s32 $0x8200  }
0x6b6: {  	[tilespmem:s28+$0xFFFFFE00] =	vst v16  }
0x6b7: {  	s23 =	simm.s32 $0xC200;
	[tilespmem:s28+$0x180] =	vst v9  }
0x6b8: {  	(xrf0) =	vmax.scan.msk.f32 $0xffff, v34;
	[tilespmem:s23+$0x180] =	vst v11  }
0x6b9: {  	v16 =	vld [tilespmem:$0x1FE50];
	_ =	sdelay $0x4  }
0x6ba: {  	v39 =	vmul.f32 $1.442695020e+00, v39;
	v40, _, _ =	vpop (xrf0);
	[tilespmem:s28+$0xFFFFFE80] =	vst v16  }
0x6bb: {  	v32 =	vpop (erf);
	v7 =	vbroadcast v40, $0xF;
	v47 =	vld [tilespmem:$0x1FE60]  }
0x6bc: {  	v35 =	vpop (erf)  }
0x6bd: {  	v33 =	vpop (erf);
	(erf) = vpow2.f32 v39;
	v7 =	vsub.f32 v34, v7  }
0x6be: {  	v39 =	vpop (erf)  }
0x6bf: {  	v4, v6, _ =	vpop (xrf1);
	v7 =	vmul.f32 $1.442695020e+00, v7  }
0x6c0: {  	(erf) = vpow2.f32 v61;
	v62, v63, _ =	vpop (xrf1);
	[tilespmem:s28+$0xFFFFFF00] =	vst v47  }
0x6c1: {  	v5, v8, _ =	vpop (xrf1);
	(erf) = vpow2.f32 v7;
	v7 =	vld [tilespmem:$0x1FE70]  }
0x6c2: {  	vm1 =	vge.f32 v10, v4;
	v4 =	vmax.f32 v10, v4;
	v9, v10, _ =	vpop (xrf1)  }
0x6c3: {  	v6 =	vsel vm1, v60, v6;
	v11, v46, _ =	vpop (xrf1)  }
0x6c4: {  	s25 =	sadd.f32 $9.999999680e-21, s26;
	v36, _, _ =	vpop (xrf2);
	vm1 =	vge.f32 v9, v11  }
0x6c5: {  	v38, _, _ =	vpop (xrf2);
	v10 =	vsel vm1, v10, v46  }
0x6c6: {  	v28 =	vpop (erf);
	(xrf0) =	vmax.scan.msk.f32 $0xffff, v5;
	v9 =	vmax.f32 v9, v11;
	[tilespmem:s28+$0xFFFFFF80] =	vst v7;
	v7 =	vmov s25  }
0x6c7: {  	v48 =	vnsel vm0, $0x0, v28;
	(xrf1) =	vsort.ascd.msk.f32 $0xffff, v4, v6;
	v4, v6, _ =	vpop (xrf1);
	(erf) = vrcp.f32 v7;
	v7 =	vld [tilespmem:$0x1FE80]  }
0x6c8: {  	(xrf2) =	vadd.scan.msk.f32 $0xffff, v48;
	v11, v16, _ =	vpop (xrf1)  }
0x6c9: {  	(xrf1) =	vsort.dscd.msk.f32 $0xffff, v9, v10;
	vm1 =	vge.f32 v4, v11;
	v9, v10, _ =	vpop (xrf1);
	v4 =	vmax.f32 v4, v11  }
0x6ca: {  	v6 =	vsel vm1, v6, v16;
	v11, v16, _ =	vpop (xrf1)  }
0x6cb: {  	(v2sf) =	vpush v36, $0xF;
	vm1 =	vge.f32 v9, v11  }
0x6cc: {  	(xrf1) =	vsort.dscd.msk.f32 $0xffff, v4, v6;
	v9 =	vmax.f32 v9, v11;
	v4, _, _ =	vpop (xrf0);
	v10 =	vsel vm1, v10, v16;
	[tilespmem:s28+$0x0] =	vst v7  }
0x6cd: {  	(v2sf) =	vpush v38, $0xF;
	v4 =	vbroadcast v4, $0xF;
	v6, v49, _ =	vpop (xrf1);
	(xrf1) =	vsort.dscd.msk.f32 $0xffff, v9, v10;
	v10 =	vld [tilespmem:$0x1FE90];
	_ =	sdelay $0x1  }
0x6ce: {  	s24 =	sadd.f32 $9.999999680e-21, s29;
	v37, _, _ =	vpop (xrf2);
	v4 =	vsub.f32 v5, v4  }
0x6cf: {  	v17 =	vmul.f32 $2.500000000e+00, v17;
	(v2sf) =	vpush v37, $0xF;
	v5, v9, _ =	vpop (xrf1)  }
0x6d0: {  	v11 =	vmov s24;
	vm1 =	vge.f32 v6, v5;
	v4 =	vmul.f32 $1.442695020e+00, v4  }
0x6d1: {  	v50 =	vpop (erf);
	v9 =	vsel vm1, v49, v9;
	(erf) = vrcp.f32 v11;
	[tilespmem:s28+$0x80] =	vst v10  }
0x6d2: {  	v56, _, _ =	vpop (xrf2);
	v5 =	vmax.f32 v6, v5;
	(erf) = vpow2.f32 v4;
	v4 =	vld [tilespmem:$0x1FEA0]  }
0x6d3: {  	v29 =	vmul.f32 $2.500000000e+00, v29;
	(xrf1) =	vsort.dscd.msk.f32 $0xffff, v5, v9;
	v7 =	vnsel vm0, $0x0, v30;
	v6, v10, _ =	vpop (xrf1)  }
0x6d4: {  	v16 =	vmul.f32 v35, v17;
	(xrf2) =	vadd.scan.msk.f32 $0xffff, v7;
	v7 =	vnsel vm0, $0x0, v31;
	v11, v17, _ =	vpop (xrf1)  }
0x6d5: {  	(xrf2) =	vadd.scan.msk.f32 $0xffff, v7;
	vm2 =	vge.f32 v6, v62;
	v5, v9, _ =	vpop (xrf1)  }
0x6d6: {  	v53 =	vpop (erf);
	v6 =	vmax.f32 v6, v62;
	[tilespmem:s23+$0xFFFFFE00] =	vst v16;
	v10 =	vsel vm2, v10, v63;
	vm1 =	vge.f32 v11, v5  }
0x6d7: {  	s25 =	simm.s32 $0x8600;
	(xrf1) =	vsort.dscd.msk.f32 $0xffff, v6, v10;
	v51, v52, _ =	vpop (xrf1);
	[tilespmem:s28+$0x100] =	vst v4;
	v4 =	vmax.f32 v11, v5;
	v5 =	vsel vm1, v17, v9  }
0x6d8: {  	[tilespmem:s25+$0xFFFFFE00] =	vst v27;
	v6 =	vmul.f32 v39, v29;
	v17, v29, _ =	vpop (xrf1);
	(xrf1) =	vsort.dscd.msk.f32 $0xffff, v4, v5  }
0x6d9: {  	v61 =	vnsel vm0, $0x0, v33;
	v55 =	vmul.f32 $2.500000000e+00, v13;
	[tilespmem:s25+$0xFFFFFF00] =	vst v20;
	v27, v13, _ =	vpop (xrf1);
	vm1 =	vge.f32 v51, v17  }
0x6da: {  	v9 =	vmul.f32 $2.500000000e+00, v14;
	s28 =	spop (v2sf);
	v17 =	vmax.f32 v51, v17;
	(xrf0) =	vmax.scan.msk.f32 $0xffff, v27;
	v58, v14, _ =	vpop (xrf1);
	v20 =	vsel vm1, v52, v29  }
0x6db: {  	v7 =	vmul.f32 $2.500000000e+00, v33;
	[tilespmem:s25+$0x180] =	vst v18;
	s31 =	spop (v2sf);
	(v2sf) =	vpush v56, $0xF;
	v33, v16, _ =	vpop (xrf1);
	(xrf1) =	vsort.dscd.msk.f32 $0xffff, v17, v20  }
0x6dc: {  	v18 =	vpop (erf);
	[tilespmem:s25+$0xFFFFFE80] =	vst v25;
	v4 =	vnsel vm0, $0x0, v32  }
0x6dd: {  	s26 =	sadd.f32 $9.999999680e-21, s30;
	v54 =	vmul.f32 $2.500000000e+00, v12;
	[tilespmem:s25+$0xFFFFFF80] =	vst v21;
	v25 =	vpop (erf);
	(xrf2) =	vadd.scan.msk.f32 $0xffff, v4  }
0x6de: {  	v12 =	vmul.f32 $2.500000000e+00, v23;
	[tilespmem:s25+$0x0] =	vst v24;
	v60, _, _ =	vpop (xrf2);
	(xrf0) =	vmax.scan.msk.f32 $0xffff, v58  }
0x6df: {  	v57 =	vmov s26;
	[tilespmem:s25+$0x80] =	vst v22;
	v18 =	vmul.f32 v18, v54;
	v21 =	vpop (erf);
	s30 =	sadd.f32 $9.999999680e-21, s31;
	s31 =	spop (v2sf);
	(v2sf) =	vpush v60, $0xF  }
0x6e0: {  	s24 =	simm.s32 $0xC600;
	[tilespmem:s25+$0x100] =	vst v26;
	v10 =	vmul.f32 $2.500000000e+00, v15;
	v15 =	vmul.f32 $2.500000000e+00, v28;
	v28, _, _ =	vpop (xrf2);
	v20 =	vnsel vm0, $0x0, v21  }
0x6e1: {  	(erf) = vrcp.f32 v57;
	v25 =	vmul.f32 v25, v55;
	[tilespmem:s24+$0x180] =	vst v6;
	(xrf2) =	vadd.scan.msk.f32 $0xffff, v20;
	v22, _, _ =	vpop (xrf0)  }
0x6e2: {  	v6 =	vmul.f32 $2.500000000e+00, v32;
	(v2sf) =	vpush v28, $0xF;
	(xrf0) =	vmax.scan.msk.f32 $0xffff, v33;
	v26 =	vbroadcast v22, $0xF  }
0x6e3: {  	[tilespmem:s23+$0xFFFFFE80] =	vst v18;
	v11 =	vmul.f32 $2.500000000e+00, v19;
	v19 =	vmul.f32 $2.500000000e+00, v50;
	s28 =	sadd.f32 $9.999999680e-21, s28;
	v32, v17, _ =	vpop (xrf1)  }
0x6e4: {  	[tilespmem:s23+$0xFFFFFF00] =	vst v25;
	v5 =	vmul.f32 $2.500000000e+00, v30;
	v4 =	vmul.f32 $2.500000000e+00, v31;
	(xrf0) =	vmax.scan.msk.f32 $0xffff, v32;
	v18, _, _ =	vpop (xrf0)  }
0x6e5: {  	v31 =	vnsel vm0, $0x0, v50;
	v59 =	vmov s28;
	s28 =	sadd.f32 $9.999999680e-21, s31;
	(xrf2) =	vadd.scan.msk.f32 $0xffff, v61;
	v30, v20, _ =	vpop (xrf1);
	v27 =	vsub.f32 v27, v26  }
0x6e6: {  	v29 =	vnsel vm0, $0x0, v53;
	v24 =	vmov s30;
	v62 =	vbroadcast v18, $0xF;
	(xrf0) =	vmax.scan.msk.f32 $0xffff, v30;
	v26, v18, _ =	vpop (xrf1)  }
0x6e7: {  	(erf) = vrcp.f32 v59;
	v23 =	vmov s28;
	v63, _, _ =	vpop (xrf2);
	v25 =	vmul.f32 $1.442695020e+00, v27;
	(xrf0) =	vmax.scan.msk.f32 $0xffff, v26  }
0x6e8: {  	s26 =	simm.s32 $0x10;
	s28 =	simm.s32 $0x4E00;
	v22 =	vmul.f32 $2.500000000e+00, v53;
	v27 =	vsub.f32 v58, v62;
	(v2sf) =	vpush v63, $0xF;
	v28, _, _ =	vpop (xrf0)  }
.LBB2_8:
0x6e9: {  	v34 =	vld [tilespmem:s28+$0x180];
	v28 =	vbroadcast v28, $0xF;
	(erf) = vpow2.f32 v25;
	v35, v37, _ =	vpop (xrf1);
	(xrf2) =	vadd.scan.msk.f32 $0xffff, v31  }
0x6ea: {  	v25 =	vld [tilespmem:s28+$0x190];
	v27 =	vmul.f32 $1.442695020e+00, v27;
	v31, _, _ =	vpop (xrf0);
	(xrf0) =	vmax.scan.msk.f32 $0xffff, v35;
	s29 =	spop (v2sf)  }
0x6eb: {  	v36 =	vld [tilespmem:s28+$0x1A0];
	v28 =	vsub.f32 v33, v28;
	v31 =	vbroadcast v31, $0xF;
	v33, _, _ =	vpop (xrf2);
	s29 =	sadd.f32 $9.999999680e-21, s29;
	(erf) = vrcp.f32 v24  }
0x6ec: {  	s26 =	sadd.s32 $0x8, s26;
	v24 =	vld [tilespmem:s28+$0x1B0];
	v38, _, _ =	vpop (xrf0);
	(erf) = vpow2.f32 v27;
	(v2sf) =	vpush v33, $0xF;
	(xrf2) =	vadd.scan.msk.f32 $0xffff, v29  }
0x6ed: {  	p0 =	slt.u32 s26, $0x78;
	v27 =	vld [tilespmem:s28+$0xFFFFFE10];
	v41 =	vbroadcast v38, $0xF;
	v40 =	vmul.f32 $1.442695020e+00, v28;
	v31 =	vsub.f32 v32, v31;
	v32, _, _ =	vpop (xrf0)  }
0x6ee: {  	v33 =	vld [tilespmem:s28+$0xFFFFFE20];
	(xrf1) =	vsort.dscd.msk.f32 $0xffff, v34, v0;
	v42 =	vbroadcast v32, $0xF;
	v34 =	vmov s29;
	s29 =	spop (v2sf);
	v38 =	vpop (erf);
	(erf) = vrcp.f32 v23  }
0x6ef: {  	v39 =	vld [tilespmem:s28+$0xFFFFFE30];
	(xrf1) =	vsort.ascd.msk.f32 $0xffff, v25, v1;
	v23 =	vsub.f32 v30, v41;
	v25 =	vmul.f32 $1.442695020e+00, v31;
	(erf) = vpow2.f32 v40;
	s29 =	sadd.f32 $9.999999680e-21, s29;
	v28, _, _ =	vpop (xrf2)  }
0x6f0: {  	v30 =	vld [tilespmem:s28+$0xFFFFFE80];
	(xrf1) =	vsort.dscd.msk.f32 $0xffff, v36, v2;
	v40 =	vsub.f32 v26, v42;
	v29, _, _ =	vpop (xrf0);
	(erf) = vrcp.f32 v34;
	(v2sf) =	vpush v28, $0xF  }
0x6f1: {  	v28 =	vld [tilespmem:s28+$0xFFFFFE90];
	(xrf1) =	vsort.ascd.msk.f32 $0xffff, v24, v3;
	v23 =	vmul.f32 $1.442695020e+00, v23;
	v24 =	vbroadcast v29, $0xF;
	v31 =	vmov s29;
	s29 =	spop (v2sf);
	v32 =	vpop (erf)  }
0x6f2: {  	v34 =	vld [tilespmem:s28+$0xFFFFFEA0];
	(xrf1) =	vsort.ascd.msk.f32 $0xffff, v27, v1;
	v36 =	vmul.f32 $1.442695020e+00, v40;
	v26 =	vpop (erf);
	(erf) = vpow2.f32 v25;
	s29 =	sadd.f32 $9.999999680e-21, s29  }
0x6f3: {  	v27 =	vld [tilespmem:s28+$0xFFFFFEB0];
	(xrf1) =	vsort.dscd.msk.f32 $0xffff, v33, v2;
	v29 =	vnsel vm0, $0x0, v26;
	v25 =	vmul.f32 $2.500000000e+00, v26;
	v42 =	vsub.f32 v35, v24;
	v26, _, _ =	vpop (xrf2)  }
0x6f4: {  	v38 =	vmul.f32 v38, v9;
	v40 =	vld [tilespmem:s28+$0xFFFFFF00];
	(xrf1) =	vsort.ascd.msk.f32 $0xffff, v39, v3;
	v33 =	vmov s29;
	(v2sf) =	vpush v26, $0xF;
	v39 =	vpop (erf)  }
0x6f5: {  	v9 =	vmov v6;
	v41 =	vld [tilespmem:s28+$0xFFFFFF10];
	(xrf1) =	vsort.dscd.msk.f32 $0xffff, v30, v0;
	v35 =	vmul.f32 $1.442695020e+00, v42;
	v24 =	vpop (erf);
	v42 =	vmul.f32 v32, v10  }
0x6f6: {  	v43 =	vld [tilespmem:s28+$0xFFFFFF20];
	(xrf1) =	vsort.ascd.msk.f32 $0xffff, v28, v1;
	v32 =	vnsel vm0, $0x0, v24;
	v26 =	vmul.f32 $2.500000000e+00, v24;
	v6, _, _ =	vpop (xrf2);
	v28 =	vmul.f32 v39, v12  }
0x6f7: {  	v10 =	vmov v7;
	v24 =	vld [tilespmem:s28+$0xFFFFFF30];
	(xrf1) =	vsort.dscd.msk.f32 $0xffff, v34, v2;
	s29 =	spop (v2sf);
	(v2sf) =	vpush v6, $0xF;
	[tilespmem:s23+$0xFFFFFF80] =	vst v38;
	v6 =	vpop (erf)  }
0x6f8: {  	v12 =	vmov v19;
	v34 =	vld [tilespmem:s28+$0xFFFFFF80];
	(xrf1) =	vsort.ascd.msk.f32 $0xffff, v27, v3;
	v7 =	vpop (erf);
	s29 =	sadd.f32 $9.999999680e-21, s29;
	[tilespmem:s23+$0x80] =	vst v28;
	v28 =	vmul.f32 v6, v11  }
0x6f9: {  	v19 =	vld [tilespmem:s28+$0xFFFFFF90];
	(xrf1) =	vsort.dscd.msk.f32 $0xffff, v40, v0;
	v30 =	vnsel vm0, $0x0, v7;
	v6 =	vmul.f32 $2.500000000e+00, v7;
	v7 =	vpop (erf);
	[tilespmem:s23+$0x0] =	vst v42  }
0x6fa: {  	v11 =	vmov v22;
	v38 =	vld [tilespmem:s28+$0xFFFFFFA0];
	v15 =	vmul.f32 v7, v15;
	v27 =	vmov s29;
	[tilespmem:s23+$0x100] =	vst v28;
	s23 =	smov.u32 s24  }
0x6fb: {  	v39 =	vld [tilespmem:s28+$0xFFFFFFB0];
	(xrf1) =	vsort.ascd.msk.f32 $0xffff, v41, v1;
	v7 =	vpop (erf);
	s29 =	spop (v2sf)  }
0x6fc: {  	v40 =	vld [tilespmem:s28+$0x0];
	(xrf1) =	vsort.dscd.msk.f32 $0xffff, v43, v2;
	v22, v41, _ =	vpop (xrf1);
	v28 =	vnsel vm0, $0x0, v7;
	v7 =	vmul.f32 $2.500000000e+00, v7;
	s29 =	sadd.f32 $9.999999680e-21, s29;
	[tilespmem:s24+$0xFFFFFE00] =	vst v15  }
0x6fd: {  	v15 =	vld [tilespmem:s28+$0x10];
	(xrf1) =	vsort.ascd.msk.f32 $0xffff, v24, v3;
	v24, v42, _ =	vpop (xrf1)  }
0x6fe: {  	v43 =	vld [tilespmem:s28+$0x20];
	(xrf1) =	vsort.dscd.msk.f32 $0xffff, v34, v0;
	v34, v44, _ =	vpop (xrf1);
	v45 =	vmov s29  }
0x6ff: {  	vm1 =	vge.f32 v22, v24;
	v46 =	vld [tilespmem:s28+$0x30];
	(xrf1) =	vsort.ascd.msk.f32 $0xffff, v19, v1;
	v47, v48, _ =	vpop (xrf1);
	(erf) = vrcp.f32 v45;
	s29 =	spop (v2sf)  }
0x700: {  	v51 =	vmax.f32 v22, v24;
	v41 =	vsel vm1, v41, v42;
	v45 =	vld [tilespmem:s28+$0x80];
	vm1 =	vge.f32 v34, v47;
	v22, v19, _ =	vpop (xrf1);
	s29 =	sadd.f32 $9.999999680e-21, s29  }
0x701: {  	v34 =	vmax.f32 v34, v47;
	v42 =	vld [tilespmem:s28+$0x90];
	v44 =	vsel vm1, v44, v48;
	v47, v48, _ =	vpop (xrf1);
	(xrf1) =	vsort.dscd.msk.f32 $0xffff, v51, v41  }
0x702: {  	v41 =	vld [tilespmem:s28+$0xA0];
	v24, v49, _ =	vpop (xrf1);
	(xrf1) =	vsort.ascd.msk.f32 $0xffff, v34, v44;
	v34 =	vmov s29  }
0x703: {  	vm1 =	vge.f32 v47, v24;
	v44 =	vmax.f32 v47, v24;
	v47 =	vld [tilespmem:s28+$0xB0];
	v24, v50, _ =	vpop (xrf1);
	(xrf1) =	vsort.dscd.msk.f32 $0xffff, v38, v2;
	s29 =	spop (v2sf)  }
0x704: {  	v38 =	vsel vm1, v48, v49;
	v48 =	vld [tilespmem:s28+$0x100];
	v49, v51, _ =	vpop (xrf1);
	(xrf1) =	vsort.ascd.msk.f32 $0xffff, v39, v3;
	s29 =	sadd.f32 $9.999999680e-21, s29  }
0x705: {  	vm1 =	vge.f32 v24, v49;
	v39 =	vmax.f32 v24, v49;
	v49 =	vld [tilespmem:s28+$0x110];
	v52, v53, _ =	vpop (xrf1);
	(xrf1) =	vsort.dscd.msk.f32 $0xffff, v40, v0;
	(erf) = vpow2.f32 v23  }
0x706: {  	v40 =	vsel vm1, v50, v51;
	v50 =	vld [tilespmem:s28+$0x120];
	v23, v51, _ =	vpop (xrf1);
	(xrf1) =	vsort.ascd.msk.f32 $0xffff, v15, v1;
	v24 =	vmov s29;
	s29 =	spop (v2sf)  }
0x707: {  	v21 =	vmul.f32 $2.500000000e+00, v21;
	vm1 =	vge.f32 v52, v23;
	v52 =	vmax.f32 v52, v23;
	v54 =	vld [tilespmem:s28+$0x130];
	v15, v55, _ =	vpop (xrf1);
	(xrf1) =	vsort.dscd.msk.f32 $0xffff, v43, v2;
	s29 =	sadd.f32 $9.999999680e-21, s29  }
0x708: {  	v43 =	vld [tilespmem:s28+$0xFFFFFE00];
	v51 =	vsel vm1, v53, v51;
	(xrf1) =	vsort.ascd.msk.f32 $0xffff, v46, v3;
	v23 =	vpop (erf)  }
0x709: {  	s25 =	sadd.s32 $0x400, s25;
	v56, v53, _ =	vpop (xrf1);
	(xrf1) =	vsort.dscd.msk.f32 $0xffff, v45, v0;
	v21 =	vmul.f32 v23, v21;
	v23 =	vmov s29  }
0x70a: {  	s24 =	sadd.s32 $0x400, s24;
	vm1 =	vge.f32 v15, v56;
	v45 =	vmax.f32 v15, v56;
	v15, v46, _ =	vpop (xrf1);
	(xrf1) =	vsort.ascd.msk.f32 $0xffff, v42, v1;
	[tilespmem:s25+$0x180] =	vst v8  }
0x70b: {  	v8 =	vsel vm1, v55, v53;
	v42, v53, _ =	vpop (xrf1);
	(xrf1) =	vsort.dscd.msk.f32 $0xffff, v41, v2;
	[tilespmem:s24+$0x180] =	vst v21  }
0x70c: {  	vm1 =	vge.f32 v15, v42;
	v21 =	vmax.f32 v15, v42;
	v15, v41, _ =	vpop (xrf1);
	(xrf1) =	vsort.ascd.msk.f32 $0xffff, v47, v3;
	[tilespmem:s25+$0xFFFFFE00] =	vst v20  }
0x70d: {  	v20 =	vsel vm1, v46, v53;
	(xrf1) =	vsort.dscd.msk.f32 $0xffff, v43, v0;
	v42, v43, _ =	vpop (xrf1);
	[tilespmem:s25+$0xFFFFFE80] =	vst v13  }
0x70e: {  	vm1 =	vge.f32 v15, v42;
	v13 =	vmax.f32 v15, v42;
	(xrf1) =	vsort.dscd.msk.f32 $0xffff, v48, v0;
	[tilespmem:s25+$0xFFFFFF00] =	vst v14;
	v14 =	vpop (erf)  }
0x70f: {  	v41 =	vsel vm1, v41, v43;
	(xrf1) =	vsort.ascd.msk.f32 $0xffff, v49, v1;
	v42, v43, _ =	vpop (xrf1);
	v46 =	vnsel vm0, $0x0, v14;
	v15 =	vmul.f32 $2.500000000e+00, v14  }
0x710: {  	(xrf1) =	vsort.dscd.msk.f32 $0xffff, v50, v2;
	v14, v47, _ =	vpop (xrf1);
	[tilespmem:s25+$0xFFFFFF80] =	vst v16  }
0x711: {  	vm1 =	vge.f32 v42, v14;
	v16, v48, _ =	vpop (xrf1);
	(xrf1) =	vsort.ascd.msk.f32 $0xffff, v54, v3;
	[tilespmem:s25+$0x0] =	vst v17  }
0x712: {  	v14 =	vmax.f32 v42, v14;
	v47 =	vsel vm1, v43, v47;
	(xrf1) =	vsort.ascd.msk.f32 $0xffff, v44, v38;
	v43, v42, _ =	vpop (xrf1);
	[tilespmem:s25+$0x80] =	vst v18  }
0x713: {  	vm1 =	vge.f32 v16, v43;
	v16 =	vmax.f32 v16, v43;
	v18, v38, _ =	vpop (xrf1);
	(xrf1) =	vsort.dscd.msk.f32 $0xffff, v14, v47;
	[tilespmem:s25+$0x100] =	vst v37  }
0x714: {  	v14 =	vsel vm1, v48, v42;
	(xrf1) =	vsort.dscd.msk.f32 $0xffff, v39, v40;
	v17, v37, _ =	vpop (xrf1)  }
0x715: {  	vm1 =	vge.f32 v18, v17;
	v17 =	vmax.f32 v18, v17;
	(xrf1) =	vsort.ascd.msk.f32 $0xffff, v52, v51;
	v18, v39, _ =	vpop (xrf1)  }
0x716: {  	v37 =	vsel vm1, v38, v37;
	(xrf1) =	vsort.dscd.msk.f32 $0xffff, v45, v8;
	v8, v38, _ =	vpop (xrf1)  }
0x717: {  	vm1 =	vge.f32 v18, v8;
	v8 =	vmax.f32 v18, v8;
	(xrf1) =	vsort.ascd.msk.f32 $0xffff, v21, v20;
	v18, v20, _ =	vpop (xrf1)  }
0x718: {  	v21 =	vsel vm1, v39, v38;
	(xrf1) =	vsort.dscd.msk.f32 $0xffff, v13, v41;
	v13, v38, _ =	vpop (xrf1)  }
0x719: {  	vm1 =	vge.f32 v18, v13;
	v13 =	vmax.f32 v18, v13;
	(xrf1) =	vsort.ascd.msk.f32 $0xffff, v16, v14;
	v14, v16, _ =	vpop (xrf1)  }
0x71a: {  	v18 =	vsel vm1, v20, v38;
	v20, v38, _ =	vpop (xrf1)  }
0x71b: {  	vm1 =	vge.f32 v14, v20;
	v14 =	vmax.f32 v14, v20;
	v20, v39, _ =	vpop (xrf1);
	(xrf1) =	vsort.dscd.msk.f32 $0xffff, v17, v37  }
0x71c: {  	vm2 =	vge.f32 v20, v22;
	v40 =	vmax.f32 v20, v22;
	v16 =	vsel vm1, v16, v38;
	v20, v22, _ =	vpop (xrf1)  }
0x71d: {  	(xrf1) =	vsort.ascd.msk.f32 $0xffff, v8, v21;
	v8, v21, _ =	vpop (xrf1)  }
0x71e: {  	v37 =	vsel vm2, v39, v19;
	vm1 =	vge.f32 v20, v8;
	v8 =	vmax.f32 v20, v8  }
0x71f: {  	(xrf1) =	vsort.dscd.msk.f32 $0xffff, v40, v37;
	v17, v19, _ =	vpop (xrf1)  }
0x720: {  	v20 =	vsel vm1, v22, v21;
	(xrf1) =	vsort.dscd.msk.f32 $0xffff, v13, v18;
	v13, v18, _ =	vpop (xrf1)  }
0x721: {  	vm1 =	vge.f32 v17, v13;
	v13 =	vmax.f32 v17, v13;
	v17, v21, _ =	vpop (xrf1);
	(xrf1) =	vsort.ascd.msk.f32 $0xffff, v14, v16  }
0x722: {  	v14 =	vsel vm1, v19, v18;
	(xrf1) =	vsort.dscd.msk.f32 $0xffff, v8, v20;
	(erf) = vpow2.f32 v36;
	v16, v8, _ =	vpop (xrf1)  }
0x723: {  	v18, v19, _ =	vpop (xrf1);
	(xrf0) =	vmax.scan.msk.f32 $0xffff, v16  }
0x724: {  	v20, v22, _ =	vpop (xrf1);
	(xrf1) =	vsort.ascd.msk.f32 $0xffff, v13, v14  }
0x725: {  	vm1 =	vge.f32 v18, v20;
	v38 =	vmax.f32 v18, v20;
	v14, v18, _ =	vpop (xrf1)  }
0x726: {  	v36 =	vsel vm1, v19, v22;
	v20, v22, _ =	vpop (xrf1)  }
0x727: {  	vm1 =	vge.f32 v14, v20;
	v37 =	vmax.f32 v14, v20;
	(xrf1) =	vsort.dscd.msk.f32 $0xffff, v38, v36;
	v13, v19, _ =	vpop (xrf1)  }
0x728: {  	v18 =	vsel vm1, v18, v22;
	v20, v22, _ =	vpop (xrf1);
	(erf) = vpow2.f32 v35  }
0x729: {  	vm1 =	vge.f32 v13, v20;
	v13 =	vmax.f32 v13, v20;
	(xrf1) =	vsort.dscd.msk.f32 $0xffff, v37, v18;
	v14, _, _ =	vpop (xrf0)  }
0x72a: {  	v18 =	vsel vm1, v19, v22;
	v14 =	vbroadcast v14, $0xF;
	v20, v22, _ =	vpop (xrf1);
	(xrf2) =	vadd.scan.msk.f32 $0xffff, v46;
	(erf) = vrcp.f32 v31  }
0x72b: {  	v19 =	vpop (erf)  }
0x72c: {  	v14 =	vsub.f32 v16, v14;
	(xrf1) =	vsort.dscd.msk.f32 $0xffff, v13, v18;
	v13, v16, _ =	vpop (xrf1);
	v31 =	vnsel vm0, $0x0, v19;
	v19 =	vmul.f32 $2.500000000e+00, v19  }
0x72d: {  	vm1 =	vge.f32 v20, v13;
	v36 =	vmax.f32 v20, v13;
	v18, v20, _ =	vpop (xrf1);
	(erf) = vrcp.f32 v33  }
0x72e: {  	vm2 =	vge.f32 v18, v17;
	v35 =	vsel vm1, v22, v16;
	v37 =	vmul.f32 $1.442695020e+00, v14;
	v22, v33, _ =	vpop (xrf1);
	(xrf2) =	vadd.scan.msk.f32 $0xffff, v29  }
0x72f: {  	v29 =	vmax.f32 v18, v17;
	v20 =	vsel vm2, v20, v21;
	(xrf1) =	vsort.dscd.msk.f32 $0xffff, v36, v35;
	v13, v16, _ =	vpop (xrf1)  }
0x730: {  	vm1 =	vge.f32 v22, v13;
	v21 =	vmax.f32 v22, v13;
	(xrf1) =	vsort.dscd.msk.f32 $0xffff, v29, v20;
	v17, v18, _ =	vpop (xrf1);
	(erf) = vpow2.f32 v37  }
0x731: {  	v20 =	vsel vm1, v33, v16;
	(xrf2) =	vadd.scan.msk.f32 $0xffff, v32;
	v16 =	vpop (erf)  }
0x732: {  	(xrf1) =	vsort.dscd.msk.f32 $0xffff, v21, v20;
	v13, v14, _ =	vpop (xrf1);
	v29 =	vnsel vm0, $0x0, v16;
	v22 =	vmul.f32 $2.500000000e+00, v16  }
0x733: {  	vm1 =	vge.f32 v17, v13;
	v16 =	vmax.f32 v17, v13;
	v13 =	vpop (erf)  }
0x734: {  	v20 =	vsel vm1, v18, v14;
	v17, _, _ =	vpop (xrf2);
	v18 =	vmul.f32 v13, v5;
	v5 =	vmov v25  }
0x735: {  	v25, v13, _ =	vpop (xrf1);
	(xrf1) =	vsort.dscd.msk.f32 $0xffff, v16, v20;
	(v2sf) =	vpush v17, $0xF  }
0x736: {  	(xrf0) =	vmax.scan.msk.f32 $0xffff, v25;
	[tilespmem:s23+$0xFFFFFE80] =	vst v18;
	v16 =	vpop (erf)  }
0x737: {  	v35, v14, _ =	vpop (xrf1);
	(xrf2) =	vadd.scan.msk.f32 $0xffff, v30;
	v18 =	vmul.f32 v16, v4;
	v4 =	vmov v26  }
0x738: {  	v17, _, _ =	vpop (xrf2)  }
0x739: {  	v21 =	vpop (erf)  }
0x73a: {  	(v2sf) =	vpush v17, $0xF;
	v17 =	vnsel vm0, $0x0, v21  }
0x73b: {  	(xrf0) =	vmax.scan.msk.f32 $0xffff, v35;
	[tilespmem:s23+$0xFFFFFF00] =	vst v18  }
0x73c: {  	v33, v16, _ =	vpop (xrf1)  }
0x73d: {  	(xrf2) =	vadd.scan.msk.f32 $0xffff, v17;
	v17, _, _ =	vpop (xrf2)  }
0x73e: {  	v18, _, _ =	vpop (xrf0);
	(xrf0) =	vmax.scan.msk.f32 $0xffff, v33;
	(v2sf) =	vpush v17, $0xF  }
0x73f: {  	v37 =	vbroadcast v18, $0xF;
	v32, v17, _ =	vpop (xrf1)  }
.Ltmp3:
0x740: {  	v30, v20, _ =	vpop (xrf1);
	(xrf0) =	vmax.scan.msk.f32 $0xffff, v32;
	(pc) =	sbr.rel @p0 .LBB2_8-.Ltmp3, $4  }
0x741: {  	v25 =	vsub.f32 v25, v37;
	v36, _, _ =	vpop (xrf0);
	(xrf2) =	vadd.scan.msk.f32 $0xffff, v28;
	(erf) = vrcp.f32 v27  }
0x742: {  	v27 =	vbroadcast v36, $0xF;
	(xrf0) =	vmax.scan.msk.f32 $0xffff, v30;
	v26, v18, _ =	vpop (xrf1)  }
0x743: {  	v25 =	vmul.f32 $1.442695020e+00, v25;
	(xrf0) =	vmax.scan.msk.f32 $0xffff, v26;
	v36, _, _ =	vpop (xrf2)  }
0x744: {  	s28 =	sadd.s32 $0x400, s28;
	v27 =	vsub.f32 v35, v27;
	v28, _, _ =	vpop (xrf0);
	(v2sf) =	vpush v36, $0xF;
	(erf) = vrcp.f32 v34  }
0x745: {  	_ =	sdelay $0x1  }
0x746: {  	v34, _, _ =	vpop (xrf2)  }
0x747: {  	(v2sf) =	vpush v34, $0xF;
	_ =	sdelay $0x9  }
0x748: {  	v28 =	vbroadcast v28, $0xF;
	(erf) = vpow2.f32 v25;
	v35, v25, _ =	vpop (xrf1)  }
0x749: {  	s28 =	spop (v2sf);
	v27 =	vmul.f32 $1.442695020e+00, v27;
	v51, _, _ =	vpop (xrf0)  }
0x74a: {  	(erf) = vrcp.f32 v24;
	(xrf0) =	vmax.scan.msk.f32 $0xffff, v35;
	v28 =	vsub.f32 v33, v28;
	v52 =	vbroadcast v51, $0xF;
	s26 =	spop (v2sf)  }
0x74b: {  	s30 =	sadd.f32 $9.999999680e-21, s28;
	v53, _, _ =	vpop (xrf0);
	(erf) = vpow2.f32 v27;
	s29 =	spop (v2sf)  }
0x74c: {  	v24 =	vbroadcast v53, $0xF;
	v54 =	vmul.f32 $1.442695020e+00, v28;
	v55 =	vsub.f32 v32, v52;
	s28 =	spop (v2sf)  }
0x74d: {  	v56 =	vmov s30;
	(erf) = vrcp.f32 v23;
	s31 =	spop (v2sf)  }
0x74e: {  	v59, _, _ =	vpop (xrf0);
	v57 =	vsub.f32 v30, v24;
	v58 =	vmul.f32 $1.442695020e+00, v55;
	(erf) = vpow2.f32 v54;
	s30 =	sadd.f32 $9.999999680e-21, s31  }
0x74f: {  	v61 =	vbroadcast v59, $0xF;
	v30 =	vpop (erf);
	(erf) = vrcp.f32 v56  }
0x750: {  	v62, _, _ =	vpop (xrf0);
	v23 =	vmul.f32 $1.442695020e+00, v57;
	(erf) = vpow2.f32 v58;
	v60 =	vmov s30  }
0x751: {  	v40 =	vbroadcast v62, $0xF;
	(erf) = vrcp.f32 v60  }
0x752: {  	v63 =	vpop (erf);
	(erf) = vpow2.f32 v23  }
0x753: {  	v39 =	vsub.f32 v26, v61;
	v26 =	vpop (erf);
	v24 =	vsub.f32 v35, v40  }
0x754: {  	v41 =	vpop (erf)  }
0x755: {  	v27 =	vpop (erf);
	v23 =	vmul.f32 $1.442695020e+00, v39  }
0x756: {  	v42 =	vpop (erf)  }
0x757: {  	v43 =	vmul.f32 $1.442695020e+00, v24;
	v24 =	vpop (erf)  }
0x758: {  	v44 =	vpop (erf)  }
0x759: {  	(erf) = vpow2.f32 v23;
	v23 =	vpop (erf)  }
0x75a: {  	(xrf2) =	vadd.scan.msk.f32 $0xffff, v31;
	(erf) = vpow2.f32 v43;
	v36 =	vpop (erf)  }
0x75b: {  	v31 =	vpop (erf)  }
0x75c: {  	(xrf2) =	vadd.scan.msk.f32 $0xffff, v29;
	v45 =	vnsel vm0, $0x0, v31  }
0x75d: {  	v46 =	vnsel vm0, $0x0, v26;
	(xrf2) =	vadd.scan.msk.f32 $0xffff, v45  }
0x75e: {  	v47 =	vnsel vm0, $0x0, v27;
	(xrf2) =	vadd.scan.msk.f32 $0xffff, v46  }
0x75f: {  	v48 =	vnsel vm0, $0x0, v24;
	(xrf2) =	vadd.scan.msk.f32 $0xffff, v47  }
0x760: {  	(xrf2) =	vadd.scan.msk.f32 $0xffff, v48  }
0x761: {  	v38, _, _ =	vpop (xrf2);
	v49 =	vnsel vm0, $0x0, v23  }
0x762: {  	v37 =	vpop (erf);
	(xrf2) =	vadd.scan.msk.f32 $0xffff, v49  }
0x763: {  	v50 =	vnsel vm0, $0x0, v37;
	v28 =	vpop (erf)  }
0x764: {  	v52, _, _ =	vpop (xrf2);
	(v2sf) =	vpush v38, $0xF;
	v51 =	vnsel vm0, $0x0, v28;
	(xrf2) =	vadd.scan.msk.f32 $0xffff, v50  }
0x765: {  	(v2sf) =	vpush v52, $0xF;
	(xrf2) =	vadd.scan.msk.f32 $0xffff, v51  }
0x766: {  	v53, _, _ =	vpop (xrf2)  }
0x767: {  	(v2sf) =	vpush v53, $0xF;
	v54, _, _ =	vpop (xrf2)  }
0x768: {  	v55, _, _ =	vpop (xrf2);
	(v2sf) =	vpush v54, $0xF  }
0x769: {  	v56, _, _ =	vpop (xrf2);
	(v2sf) =	vpush v55, $0xF  }
0x76a: {  	v57, _, _ =	vpop (xrf2);
	(v2sf) =	vpush v56, $0xF  }
0x76b: {  	(v2sf) =	vpush v57, $0xF  }
0x76c: {  	v58, _, _ =	vpop (xrf2)  }
0x76d: {  	(v2sf) =	vpush v58, $0xF  }
0x76e: {  	v59, _, _ =	vpop (xrf2)  }
0x76f: {  	(v2sf) =	vpush v59, $0xF;
	v60, _, _ =	vpop (xrf2)  }
0x770: {  	(v2sf) =	vpush v60, $0xF  }
0x771: {  	s26 =	sadd.f32 $9.999999680e-21, s26  }
0x772: {  	s29 =	sadd.f32 $9.999999680e-21, s29  }
0x773: {  	v61 =	vmov s26;
	s28 =	sadd.f32 $9.999999680e-21, s28;
	s31 =	spop (v2sf)  }
0x774: {  	s25 =	sadd.s32 $0x400, s25;
	v10 =	vmul.f32 v63, v10;
	v63 =	vmov s29;
	s30 =	spop (v2sf);
	s26 =	sadd.f32 $9.999999680e-21, s31;
	(erf) = vrcp.f32 v61  }
0x775: {  	[tilespmem:s25+$0x180] =	vst v8;
	v32 =	vmov s28;
	s29 =	sadd.f32 $9.999999680e-21, s30;
	(erf) = vrcp.f32 v63  }
0x776: {  	[tilespmem:s25+$0xFFFFFE00] =	vst v20;
	s31 =	spop (v2sf);
	v34 =	vmov s26;
	(erf) = vrcp.f32 v32  }
0x777: {  	[tilespmem:s25+$0xFFFFFE80] =	vst v13;
	s26 =	sadd.f32 $9.999999680e-21, s31;
	v35 =	vmov s29;
	(erf) = vrcp.f32 v34;
	s30 =	spop (v2sf)  }
0x778: {  	[tilespmem:s25+$0xFFFFFF00] =	vst v14;
	(erf) = vrcp.f32 v35;
	s31 =	spop (v2sf);
	s29 =	sadd.f32 $9.999999680e-21, s30  }
0x779: {  	[tilespmem:s25+$0xFFFFFF80] =	vst v16;
	v38 =	vmov s26;
	s30 =	spop (v2sf);
	s31 =	sadd.f32 $9.999999680e-21, s31  }
0x77a: {  	[tilespmem:s25+$0x0] =	vst v17;
	(erf) = vrcp.f32 v38;
	v39 =	vmov s29;
	s28 =	sadd.f32 $9.999999680e-21, s30;
	s30 =	spop (v2sf)  }
0x77b: {  	[tilespmem:s25+$0x80] =	vst v18;
	v9 =	vmul.f32 v30, v9;
	(erf) = vrcp.f32 v39;
	v40 =	vmov s31;
	s26 =	sadd.f32 $9.999999680e-21, s30  }
0x77c: {  	[tilespmem:s25+$0x100] =	vst v25;
	v12 =	vmul.f32 v41, v12;
	s31 =	spop (v2sf);
	v41 =	vmov s28;
	(erf) = vrcp.f32 v40  }
0x77d: {  	[tilespmem:s23+$0xFFFFFF80] =	vst v9;
	v62 =	vmul.f32 v42, v11;
	v43 =	vpop (erf);
	s30 =	sadd.f32 $9.999999680e-21, s31;
	v42 =	vmov s26;
	(erf) = vrcp.f32 v41  }
0x77e: {  	[tilespmem:s23+$0x0] =	vst v10;
	v46 =	vpop (erf);
	v5 =	vmul.f32 v43, v5;
	s31 =	spop (v2sf);
	(erf) = vrcp.f32 v42  }
0x77f: {  	[tilespmem:s23+$0x80] =	vst v12;
	v30 =	vmul.f32 v44, v15;
	v47 =	vpop (erf);
	s29 =	sadd.f32 $9.999999680e-21, s31;
	v44 =	vmov s30;
	s30 =	spop (v2sf)  }
0x780: {  	v4 =	vmul.f32 v46, v4;
	v48 =	vpop (erf);
	[tilespmem:s24+$0xFFFFFE80] =	vst v5;
	v5 =	vmul.f32 v47, v6;
	s31 =	sadd.f32 $9.999999680e-21, s30  }
0x781: {  	[tilespmem:s23+$0x100] =	vst v62;
	v50 =	vpop (erf);
	v45 =	vmov s29;
	(erf) = vrcp.f32 v44  }
0x782: {  	[tilespmem:s24+$0xFFFFFF00] =	vst v4;
	v4 =	vmul.f32 v50, v19;
	(erf) = vrcp.f32 v45;
	v49 =	vmov s31  }
0x783: {  	v33 =	vmul.f32 $2.500000000e+00, v21;
	v51 =	vpop (erf);
	[tilespmem:s24+$0xFFFFFF80] =	vst v5;
	(erf) = vrcp.f32 v49  }
0x784: {  	v53 =	vmul.f32 $2.500000000e+00, v26;
	[tilespmem:s24+$0x80] =	vst v4;
	v4 =	vmul.f32 v51, v22;
	v5 =	vpop (erf)  }
0x785: {  	[tilespmem:s24+$0xFFFFFE00] =	vst v30;
	v10 =	vmul.f32 v36, v33;
	v52 =	vmul.f32 $2.500000000e+00, v31;
	v54 =	vpop (erf)  }
0x786: {  	s23 =	sadd.s32 $0x400, s24;
	v57 =	vmul.f32 $2.500000000e+00, v24;
	[tilespmem:s24+$0x100] =	vst v4;
	v56 =	vpop (erf);
	v4 =	vmul.f32 v54, v53  }
0x787: {  	[tilespmem:s23+$0x180] =	vst v10;
	v55 =	vmul.f32 $2.500000000e+00, v27;
	v5 =	vmul.f32 v5, v52;
	v58 =	vpop (erf)  }
0x788: {  	v7 =	vmul.f32 v48, v7;
	[tilespmem:s23+$0xFFFFFE80] =	vst v4;
	v4 =	vmul.f32 v58, v57  }
0x789: {  	v61 =	vmul.f32 $2.500000000e+00, v23;
	[tilespmem:s23+$0xFFFFFE00] =	vst v5;
	v5 =	vmul.f32 v56, v55  }
0x78a: {  	[tilespmem:s24+$0x0] =	vst v7;
	v59 =	vmul.f32 $2.500000000e+00, v37;
	v60 =	vpop (erf)  }
0x78b: {  	v63 =	vmul.f32 $2.500000000e+00, v28;
	v62 =	vpop (erf);
	[tilespmem:s23+$0xFFFFFF00] =	vst v5;
	v6 =	vmul.f32 v60, v61  }
0x78c: {  	v5 =	vmul.f32 v62, v59;
	[tilespmem:s23+$0xFFFFFF80] =	vst v4;
	v4 =	vpop (erf)  }
0x78d: {  	[tilespmem:s23+$0x0] =	vst v6;
	v4 =	vmul.f32 v4, v63  }
0x78e: {  	[tilespmem:s23+$0x80] =	vst v5  }
0x78f: {  	[tilespmem:s23+$0x100] =	vst v4  }
0x790: {  	[hbm4b:s13+s1] =	stream.linear.scatter [tilespmem:s18], [sflag:$0x3], $0x4000, $0x38;
	[tilespmem:$0x10000] =	vst v63  }
0x791: {  	s22 =	sadd.s32 $0x1, s22;
	_ =	swait.ge [sflag:s19], $0x4000  }
0x792: {  	p0 =	sne.s32 s22, s15;
	[sflag:s19] =	ssyncset.done $0x0  }
.Ltmp4:
0x793: {  	[sflag:s19] =	ssyncadd.s32 $0xFFFFC000;
	(pc) =	sbr.rel @p0 .LBB2_1-.Ltmp4, $4  }
0x794: {  	[hbm4b:s14+s1] =	stream.linear.scatter [tilespmem:s20], [sflag:$0x3], $0x4000, $0x38;
	[tilespmem:$0x10000] =	vst v63  }
0x795: {  	_ =	swait.ge [sflag:s19], $0x4000  }
0x796: {  	[sflag:s19] =	ssyncset.done $0x0  }
0x797: {  	[sflag:s19] =	ssyncadd.s32 $0xFFFFC000  }
0x798: {  	_ =	sfence.sel $0x180000  }
0x799: {  	[bflag:$0x0] =	sbarrier.arrive $0xFFFF  }
0x79a: {  	p0 =	sne.s32 s2, $0x0;
	_ =	strace $0x90000047  }
0x79b: {  	s0 =	sadd.s32 @!p0 $0x100000, s0;
	[bflag:$0x2] =	sbarrier.arrive $0xFFFF  }
0x79c: {  	[sflag:s0] =	ssyncadd.tile.s32 @!p0 $0x1;
	_ =	shalt  }
.Lfunc_end2:
_tile_overlayer_lowered:
.L_overlay_start_2:
0x79d: {  	(tag) =	ssettag $0x2  }
0x79e: {  	s0 =	rddreg [dreg:$0x0];
	s2 =	stileid.u32  }
0x79f: {  	s1 =	rddreg [dreg:$0x1];
	p0 =	sne.s32 s2, $0x0  }
0x7a0: {  	s3 =	rddreg [dreg:$0x2];
	[bflag:$0x3] =	sbarrier.arrive $0xFFFF;
	s2 =	simm.s32 @!p0 $0x1C03  }
0x7a1: {  	[timem:s3], [sflag:s2] =	dma.local @!p0 [hbm:s0], s1  }
0x7a2: {  	s0 =	simm.s32 @!p0 $0x3  }
0x7a3: {  	_ =	swait.ge @!p0 [sflag:s0], s1  }
0x7a4: {  	s1 =	ssub.s32 @!p0 $0x0, s1;
	[sflag:s0] =	ssyncset.done @!p0 $0x0  }
0x7a5: {  	[sflag:s0] =	ssyncadd.s32 @!p0 s1  }
0x7a6: {  	[bflag:$0x3] =	sbarrier.arrive $0xFFFF  }
0x7a7: {  	_ =	shalt  }

</sc_bundles>
